<compile_context>
chip_gen: v7x
topology: tpu7x:2x2x1
jax: 0.10.2.dev20260603
libtpu: 0.0.44.dev20260713+nightly
codegen_flags: <defaults>
</compile_context>

<pallas_src>
import functools
import jax
import jax.numpy as jnp
from jax import lax
from jax.experimental import pallas as pl
from jax.experimental.pallas import tpu as pltpu
from jax.experimental.pallas import tpu_sc as plsc

N = 10000
E = 320000
D = 128
H = 128
C = 40

NC, NS, L = 2, 16, 16
NW = NC * NS
FPW = H // NW
EC = 4096
NCH = 79
EPAD = NCH * EC
EPW = EPAD // NW

_mesh = plsc.VectorSubcoreMesh(core_axis_name="c", subcore_axis_name="s")
_sc_params = pltpu.CompilerParams(needs_layout_passes=False)


@functools.partial(
    pl.kernel,
    out_type=jax.ShapeDtypeStruct((NW * N,), jnp.float32),
    mesh=_mesh,
    compiler_params=_sc_params,
    scratch_types=[
        pltpu.VMEM((EPW,), jnp.int32),
        pltpu.VMEM((EPW,), jnp.float32),
        pltpu.VMEM((N,), jnp.float32),
    ],
)
def _deg_sc(dst_hbm, ew_hbm, out_hbm, dst_v, ew_v, deg_v):
    cid = lax.axis_index("c")
    sid = lax.axis_index("s")
    wid = sid * NC + cid
    zeros16 = jnp.zeros((L,), jnp.float32)

    @pl.loop(0, N // L)
    def _zero(i):
        deg_v[pl.ds(i * L, L)] = zeros16

    pltpu.sync_copy(dst_hbm.at[pl.ds(wid * EPW, EPW)], dst_v)
    pltpu.sync_copy(ew_hbm.at[pl.ds(wid * EPW, EPW)], ew_v)

    @pl.loop(0, EPW // L)
    def _grp(g):
        sl = pl.ds(g * L, L)
        plsc.addupdate_scatter(deg_v, [dst_v[sl]], ew_v[sl])

    pltpu.sync_copy(deg_v, out_hbm.at[pl.ds(wid * N, N)])


@functools.partial(
    pl.kernel,
    out_type=jax.ShapeDtypeStruct((H * N,), jnp.float32),
    mesh=_mesh,
    compiler_params=_sc_params,
    scratch_types=(
        [pltpu.VMEM((N,), jnp.float32) for _ in range(FPW)]
        + [pltpu.VMEM((N,), jnp.float32) for _ in range(FPW)]
        + [pltpu.VMEM((EC,), jnp.int32),
           pltpu.VMEM((EC,), jnp.int32),
           pltpu.VMEM((EC,), jnp.float32),
           pltpu.VMEM((EC,), jnp.int32),
           pltpu.VMEM((EC,), jnp.int32),
           pltpu.VMEM((EC,), jnp.float32),
           pltpu.SemaphoreType.DMA,
           pltpu.SemaphoreType.DMA]
    ),
)
def _agg_sc(gt_hbm, src_hbm, dst_hbm, ew_hbm, out_hbm, *scratch):
    feat = scratch[:FPW]
    acc = scratch[FPW:2 * FPW]
    buf_a = scratch[2 * FPW:2 * FPW + 3]
    buf_b = scratch[2 * FPW + 3:2 * FPW + 6]
    sem_a, sem_b = scratch[2 * FPW + 6:]
    cid = lax.axis_index("c")
    sid = lax.axis_index("s")
    wid = sid * NC + cid
    zeros16 = jnp.zeros((L,), jnp.float32)
    hbm3 = (src_hbm, dst_hbm, ew_hbm)

    def start(c, bufs, sem):
        for h, b in zip(hbm3, bufs):
            pltpu.async_copy(h.at[pl.ds(c * EC, EC)], b, sem)

    def drain(bufs, sem):
        for h, b in zip(hbm3, bufs):
            pltpu.make_async_copy(h.at[pl.ds(0, EC)], b, sem).wait()

    def compute(bufs):
        src_v, dst_v, ew_v = bufs

        @pl.loop(0, EC // L, unroll=16)
        def _grp(g):
            sl = pl.ds(g * L, L)
            si = src_v[sl]
            di = dst_v[sl]
            w = ew_v[sl]
            for f in range(FPW):
                vals = plsc.load_gather(feat[f], [si]) * w
                plsc.addupdate_scatter(acc[f], [di], vals)

    @pl.loop(0, N // L)
    def _zero(i):
        sl = pl.ds(i * L, L)
        for f in range(FPW):
            acc[f][sl] = zeros16

    start(0, buf_a, sem_a)
    for f in range(FPW):
        pltpu.sync_copy(gt_hbm.at[pl.ds((wid * FPW + f) * N, N)], feat[f])

    @pl.loop(0, NCH // 2)
    def _pair(p):
        c0 = 2 * p
        drain(buf_a, sem_a)
        start(c0 + 1, buf_b, sem_b)
        compute(buf_a)
        drain(buf_b, sem_b)

        @pl.when(c0 + 2 < NCH)
        def _prefetch():
            start(c0 + 2, buf_a, sem_a)

        compute(buf_b)

    drain(buf_a, sem_a)
    compute(buf_a)

    for f in range(FPW):
        pltpu.sync_copy(acc[f], out_hbm.at[pl.ds((wid * FPW + f) * N, N)])


BN = 1000


def _dinv_from(degp):
    deg = jnp.sum(degp, axis=0) + 1.0
    return (1.0 / jnp.sqrt(deg))[:, None]


def _tc_a_body(x_ref, win_ref, bin_ref, w1_ref, degp_ref, g1t_ref):
    dinv = _dinv_from(degp_ref[...])
    h = jax.nn.relu(
        jnp.dot(x_ref[...], win_ref[...], preferred_element_type=jnp.float32)
        + bin_ref[...])
    z = jnp.dot(h, w1_ref[...], preferred_element_type=jnp.float32)
    g1t_ref[...] = (z * dinv).T


def _tc_b_body(aggt_ref, gt_ref, degp_ref, b_ref, w_ref, gout_ref):
    dinv = _dinv_from(degp_ref[...])
    s = (aggt_ref[...] + gt_ref[...]).T
    h = jax.nn.relu(s * dinv + b_ref[...])
    gout_ref[...] = (
        jnp.dot(h, w_ref[...], preferred_element_type=jnp.float32) * dinv).T


def _tc_c_body(aggt_ref, gt_ref, degp_ref, b_ref, wout_ref, bout_ref, out_ref):
    dinv = _dinv_from(degp_ref[...])
    s = (aggt_ref[...] + gt_ref[...]).T
    h = jax.nn.relu(s * dinv + b_ref[...])
    out_ref[...] = (
        jnp.dot(h, wout_ref[...], preferred_element_type=jnp.float32)
        + bout_ref[...])


_tc_a = pl.pallas_call(
    _tc_a_body, out_shape=jax.ShapeDtypeStruct((H, N), jnp.float32))

_tc_b = pl.pallas_call(
    _tc_b_body, out_shape=jax.ShapeDtypeStruct((H, N), jnp.float32))

_tc_c = pl.pallas_call(
    _tc_c_body, out_shape=jax.ShapeDtypeStruct((N, C), jnp.float32))


@jax.jit
def kernel(x, edge_index, edge_weight, W_in, b_in, W1, b1, W2, b2, W_out, b_out):
    pad = EPAD - E
    zi = jnp.zeros((pad,), edge_index.dtype)
    src_p = jnp.concatenate([edge_index[0], zi])
    dst_p = jnp.concatenate([edge_index[1], zi])
    ew_p = jnp.concatenate([edge_weight, jnp.zeros((pad,), edge_weight.dtype)])

    degp = _deg_sc(dst_p, ew_p).reshape(NW, N)
    g1t = _tc_a(x, W_in, b_in.reshape(1, H), W1, degp)
    agg1t = _agg_sc(g1t.reshape(H * N), src_p, dst_p, ew_p).reshape(H, N)
    g2t = _tc_b(agg1t, g1t, degp, b1.reshape(1, H), W2)
    agg2t = _agg_sc(g2t.reshape(H * N), src_p, dst_p, ew_p).reshape(H, N)
    return _tc_c(agg2t, g2t, degp, b2.reshape(1, H), W_out, b_out.reshape(1, C))

# --- scband reference (transcript-rebuilt; emitter-appended) ---
"""Pipeline reference for scband-gcn-26989574488548 (READ-ONLY COPY).

The authoritative reference and input builder live on the scoring server;
editing this copy changes nothing except your own understanding.
"""

import jax, jax.numpy as jnp
import numpy as np

N = 10000
E = 320000
D = 128
H = 128
C = 40


def setup_inputs(seed: int = 0) -> dict:
    key = jax.random.key(seed)
    ks = jax.random.split(key, 12)
    x = jax.random.normal(ks[0], (N, D), dtype=jnp.float32)
    edge_index = jax.random.randint(ks[1], (2, E), 0, N, dtype=jnp.int32)
    edge_weight = jax.random.uniform(ks[2], (E,), dtype=jnp.float32)
    def lin(k, fan_in, fan_out):
        return jax.random.normal(k, (fan_in, fan_out), dtype=jnp.float32) * (1.0 / np.sqrt(fan_in))
    W_in = lin(ks[3], D, H)
    b_in = jnp.zeros((H,), dtype=jnp.float32)
    W1 = lin(ks[4], H, H)
    b1 = jnp.zeros((H,), dtype=jnp.float32)
    W2 = lin(ks[5], H, H)
    b2 = jnp.zeros((H,), dtype=jnp.float32)
    W_out = lin(ks[6], H, C)
    b_out = jnp.zeros((C,), dtype=jnp.float32)
    return {"x": x, "edge_index": edge_index, "edge_weight": edge_weight,
            "W_in": W_in, "b_in": b_in, "W1": W1, "b1": b1,
            "W2": W2, "b2": b2, "W_out": W_out, "b_out": b_out}


def gcn_conv(x, src, dst, ew, W, b):
    n = x.shape[0]
    # add self-loops with weight 1 (PyG GCNConv default)
    loop = jnp.arange(n, dtype=src.dtype)
    src2 = jnp.concatenate([src, loop])
    dst2 = jnp.concatenate([dst, loop])
    ew2 = jnp.concatenate([ew, jnp.ones((n,), dtype=x.dtype)])
    # symmetric normalization D^{-1/2} (A+I) D^{-1/2}
    deg = jnp.zeros((n,), dtype=x.dtype).at[dst2].add(ew2)
    dinv = jnp.where(deg > 0, 1.0 / jnp.sqrt(deg), 0.0)
    norm = dinv[src2] * ew2 * dinv[dst2]
    h = x @ W
    msg = h[src2] * norm[:, None]
    out = jnp.zeros_like(h).at[dst2].add(msg)
    return out + b


def reference(x, edge_index, edge_weight, W_in, b_in, W1, b1, W2, b2, W_out, b_out):
    src, dst = edge_index[0], edge_index[1]
    h = jax.nn.relu(x @ W_in + b_in)
    h = jax.nn.relu(gcn_conv(h, src, dst, edge_weight, W1, b1))
    h = jax.nn.relu(gcn_conv(h, src, dst, edge_weight, W2, b2))
    out = h @ W_out + b_out
    return out

if __name__ == "__main__":
    import jax
    _d = setup_inputs()
    print(jax.jit(kernel)(*tuple(_d.values())))

</pallas_src>

<mosaic_0001>
#map = affine_map<(d0, d1) -> (0)>
module attributes {stable_mosaic.version = 14 : i64} {
  func.func @_deg_sc(%arg0: i32, %arg1: i32, %arg2: memref<323584xi32, #tpu.memory_space<hbm>>, %arg3: memref<323584xf32, #tpu.memory_space<hbm>>, %arg4: memref<320000xf32, #tpu.memory_space<hbm>>, %arg5: memref<10112xi32, #tpu.memory_space<vmem>>, %arg6: memref<10112xf32, #tpu.memory_space<vmem>>, %arg7: memref<10000xf32, #tpu.memory_space<vmem>>) attributes {dimension_semantics = [#tpu.dimension_semantics<core_parallel>, #tpu.dimension_semantics<subcore_parallel>], iteration_bounds = array<i64: 2, 16>, scalar_prefetch = 0 : i64, scratch_operands = 3 : i64, tpu.core_type = #tpu.core_type<sc_vector_subcore>, window_params = [{transform_indices = #map}, {transform_indices = #map}, {transform_indices = #map}]} {
    %mul3A = arith.constant 2 : i32
    %mul3A_0 = arith.muli %arg1, %mul3A : i32
    %add3A = arith.addi %mul3A_0, %arg0 : i32
    %broadcast_in_dim3A = arith.constant 0.000000e+00 : f32
    %broadcast_in_dim3A_1 = vector.broadcast %broadcast_in_dim3A : f32 to vector<16xf32>
    %scan3A = arith.constant 0 : i32
    %scan3A_2 = arith.constant 625 : i32
    %scan3A_3 = arith.addi %scan3A, %scan3A_2 : i32
    %scan3A_4 = arith.constant 1 : i32
    scf.for %scan3A_17 = %scan3A to %scan3A_3 step %scan3A_4  : i32 {
      %mul3A_18 = arith.constant 1 : i32
      %mul3A_19 = arith.muli %scan3A_17, %mul3A_18 : i32
      %add3A_20 = arith.constant 0 : i32
      %add3A_21 = arith.addi %add3A_20, %mul3A_19 : i32
      %mul3A_22 = arith.constant 16 : i32
      %mul3A_23 = arith.muli %add3A_21, %mul3A_22 : i32
      %swap3A = arith.index_cast %mul3A_23 : i32 to index
      %swap3A_24 = tpu.vector_load %arg7[%swap3A] {strides = array<i32>} : memref<10000xf32, #tpu.memory_space<vmem>>, vector<16xf32>,
      tpu.vector_store %arg7[%swap3A], %broadcast_in_dim3A_1 {strides = array<i32>} : memref<10000xf32, #tpu.memory_space<vmem>>, vector<16xf32>,
    }
    %scan3A_5 = arith.constant 625 : i32
    %mul3A_6 = arith.constant 10112 : i32
    %mul3A_7 = arith.muli %add3A, %mul3A_6 : i32
    "tpu.region"() ({
      %run_scoped3A = tpu.sem_alloc : memref<!tpu.dma_semaphore, #tpu.memory_space<semaphore_mem>>
      %dma_start3A = tpu.memref_slice %arg2[%mul3A_7] : memref<323584xi32, #tpu.memory_space<hbm>> -> memref<10112xi32, #tpu.memory_space<hbm>>
      %dma_start3A_17 = tpu.memref_slice %arg2[%mul3A_7] : memref<323584xi32, #tpu.memory_space<hbm>> -> memref<10112xi32, #tpu.memory_space<hbm>>
      tpu.enqueue_dma source(%dma_start3A_17 : memref<10112xi32, #tpu.memory_space<hbm>>) target(%arg5 : memref<10112xi32, #tpu.memory_space<vmem>>) target_semaphore(%run_scoped3A : memref<!tpu.dma_semaphore, #tpu.memory_space<semaphore_mem>>)
      %dma_wait3A = tpu.memref_slice %arg2[%mul3A_7] : memref<323584xi32, #tpu.memory_space<hbm>> -> memref<10112xi32, #tpu.memory_space<hbm>>
      %dma_wait3A_18 = tpu.memref_slice %arg2[%mul3A_7] : memref<323584xi32, #tpu.memory_space<hbm>> -> memref<10112xi32, #tpu.memory_space<hbm>>
      tpu.wait_dma2 semaphore(%run_scoped3A : memref<!tpu.dma_semaphore, #tpu.memory_space<semaphore_mem>>) src(%dma_wait3A_18 : memref<10112xi32, #tpu.memory_space<hbm>>) dst(%arg5 : memref<10112xi32, #tpu.memory_space<vmem>>)
      tpu.yield
    }) : () -> ()
    %mul3A_8 = arith.constant 10112 : i32
    %mul3A_9 = arith.muli %add3A, %mul3A_8 : i32
    "tpu.region"() ({
      %run_scoped3A = tpu.sem_alloc : memref<!tpu.dma_semaphore, #tpu.memory_space<semaphore_mem>>
      %dma_start3A = tpu.memref_slice %arg3[%mul3A_9] : memref<323584xf32, #tpu.memory_space<hbm>> -> memref<10112xf32, #tpu.memory_space<hbm>>
      %dma_start3A_17 = tpu.memref_slice %arg3[%mul3A_9] : memref<323584xf32, #tpu.memory_space<hbm>> -> memref<10112xf32, #tpu.memory_space<hbm>>
      tpu.enqueue_dma source(%dma_start3A_17 : memref<10112xf32, #tpu.memory_space<hbm>>) target(%arg6 : memref<10112xf32, #tpu.memory_space<vmem>>) target_semaphore(%run_scoped3A : memref<!tpu.dma_semaphore, #tpu.memory_space<semaphore_mem>>)
      %dma_wait3A = tpu.memref_slice %arg3[%mul3A_9] : memref<323584xf32, #tpu.memory_space<hbm>> -> memref<10112xf32, #tpu.memory_space<hbm>>
      %dma_wait3A_18 = tpu.memref_slice %arg3[%mul3A_9] : memref<323584xf32, #tpu.memory_space<hbm>> -> memref<10112xf32, #tpu.memory_space<hbm>>
      tpu.wait_dma2 semaphore(%run_scoped3A : memref<!tpu.dma_semaphore, #tpu.memory_space<semaphore_mem>>) src(%dma_wait3A_18 : memref<10112xf32, #tpu.memory_space<hbm>>) dst(%arg6 : memref<10112xf32, #tpu.memory_space<vmem>>)
      tpu.yield
    }) : () -> ()
    %scan3A_10 = arith.constant 0 : i32
    %scan3A_11 = arith.constant 632 : i32
    %scan3A_12 = arith.addi %scan3A_10, %scan3A_11 : i32
    %scan3A_13 = arith.constant 1 : i32
    scf.for %scan3A_17 = %scan3A_10 to %scan3A_12 step %scan3A_13  : i32 {
      %mul3A_18 = arith.constant 1 : i32
      %mul3A_19 = arith.muli %scan3A_17, %mul3A_18 : i32
      %add3A_20 = arith.constant 0 : i32
      %add3A_21 = arith.addi %add3A_20, %mul3A_19 : i32
      %mul3A_22 = arith.constant 16 : i32
      %mul3A_23 = arith.muli %add3A_21, %mul3A_22 : i32
      %get3A = arith.index_cast %mul3A_23 : i32 to index
      %get3A_24 = tpu.vector_load %arg5[%get3A] {strides = array<i32>} : memref<10112xi32, #tpu.memory_space<vmem>>, vector<16xi32>,
      %get3A_25 = arith.index_cast %mul3A_23 : i32 to index
      %get3A_26 = tpu.vector_load %arg6[%get3A_25] {strides = array<i32>} : memref<10112xf32, #tpu.memory_space<vmem>>, vector<16xf32>,
      tpu.vector_store_idx %arg7[%get3A_24], %get3A_26 {add = true} : memref<10000xf32, #tpu.memory_space<vmem>>[vector<16xi32>], vector<16xf32>,
    }
    %scan3A_14 = arith.constant 632 : i32
    %mul3A_15 = arith.constant 10000 : i32
    %mul3A_16 = arith.muli %add3A, %mul3A_15 : i32
    "tpu.region"() ({
      %run_scoped3A = tpu.sem_alloc : memref<!tpu.dma_semaphore, #tpu.memory_space<semaphore_mem>>
      %dma_start3A = tpu.memref_slice %arg4[%mul3A_16] : memref<320000xf32, #tpu.memory_space<hbm>> -> memref<10000xf32, #tpu.memory_space<hbm>>
      %dma_start3A_17 = tpu.memref_slice %arg4[%mul3A_16] : memref<320000xf32, #tpu.memory_space<hbm>> -> memref<10000xf32, #tpu.memory_space<hbm>>
      tpu.enqueue_dma source(%arg7 : memref<10000xf32, #tpu.memory_space<vmem>>) target(%dma_start3A_17 : memref<10000xf32, #tpu.memory_space<hbm>>) target_semaphore(%run_scoped3A : memref<!tpu.dma_semaphore, #tpu.memory_space<semaphore_mem>>)
      %dma_wait3A = tpu.memref_slice %arg4[%mul3A_16] : memref<320000xf32, #tpu.memory_space<hbm>> -> memref<10000xf32, #tpu.memory_space<hbm>>
      %dma_wait3A_18 = tpu.memref_slice %arg4[%mul3A_16] : memref<320000xf32, #tpu.memory_space<hbm>> -> memref<10000xf32, #tpu.memory_space<hbm>>
      tpu.wait_dma2 semaphore(%run_scoped3A : memref<!tpu.dma_semaphore, #tpu.memory_space<semaphore_mem>>) src(%arg7 : memref<10000xf32, #tpu.memory_space<vmem>>) dst(%dma_wait3A_18 : memref<10000xf32, #tpu.memory_space<hbm>>)
      tpu.yield
    }) : () -> ()
    return
  }
}

#map = affine_map<(d0, d1) -> (0)>
module attributes {stable_mosaic.version = 14 : i64} {
  func.func @_agg_sc(%arg0: i32, %arg1: i32, %arg2: memref<1280000xf32, #tpu.memory_space<hbm>>, %arg3: memref<323584xi32, #tpu.memory_space<hbm>>, %arg4: memref<323584xi32, #tpu.memory_space<hbm>>, %arg5: memref<323584xf32, #tpu.memory_space<hbm>>, %arg6: memref<1280000xf32, #tpu.memory_space<hbm>>, %arg7: memref<10000xf32, #tpu.memory_space<vmem>>, %arg8: memref<10000xf32, #tpu.memory_space<vmem>>, %arg9: memref<10000xf32, #tpu.memory_space<vmem>>, %arg10: memref<10000xf32, #tpu.memory_space<vmem>>, %arg11: memref<10000xf32, #tpu.memory_space<vmem>>, %arg12: memref<10000xf32, #tpu.memory_space<vmem>>, %arg13: memref<10000xf32, #tpu.memory_space<vmem>>, %arg14: memref<10000xf32, #tpu.memory_space<vmem>>, %arg15: memref<4096xi32, #tpu.memory_space<vmem>>, %arg16: memref<4096xi32, #tpu.memory_space<vmem>>, %arg17: memref<4096xf32, #tpu.memory_space<vmem>>, %arg18: memref<4096xi32, #tpu.memory_space<vmem>>, %arg19: memref<4096xi32, #tpu.memory_space<vmem>>, %arg20: memref<4096xf32, #tpu.memory_space<vmem>>, %arg21: memref<!tpu.dma_semaphore, #tpu.memory_space<semaphore_mem>>, %arg22: memref<!tpu.dma_semaphore, #tpu.memory_space<semaphore_mem>>) attributes {dimension_semantics = [#tpu.dimension_semantics<core_parallel>, #tpu.dimension_semantics<subcore_parallel>], iteration_bounds = array<i64: 2, 16>, scalar_prefetch = 0 : i64, scratch_operands = 16 : i64, tpu.core_type = #tpu.core_type<sc_vector_subcore>, window_params = [{transform_indices = #map}, {transform_indices = #map}, {transform_indices = #map}, {transform_indices = #map}, {transform_indices = #map}]} {
    %mul3A = arith.constant 2 : i32
    %mul3A_0 = arith.muli %arg1, %mul3A : i32
    %add3A = arith.addi %mul3A_0, %arg0 : i32
    %broadcast_in_dim3A = arith.constant 0.000000e+00 : f32
    %broadcast_in_dim3A_1 = vector.broadcast %broadcast_in_dim3A : f32 to vector<16xf32>
    %scan3A = arith.constant 0 : i32
    %scan3A_2 = arith.constant 625 : i32
    %scan3A_3 = arith.addi %scan3A, %scan3A_2 : i32
    %scan3A_4 = arith.constant 1 : i32
    scf.for %scan3A_86 = %scan3A to %scan3A_3 step %scan3A_4  : i32 {
      %mul3A_87 = arith.constant 1 : i32
      %mul3A_88 = arith.muli %scan3A_86, %mul3A_87 : i32
      %add3A_89 = arith.constant 0 : i32
      %add3A_90 = arith.addi %add3A_89, %mul3A_88 : i32
      %mul3A_91 = arith.constant 16 : i32
      %mul3A_92 = arith.muli %add3A_90, %mul3A_91 : i32
      %swap3A = arith.index_cast %mul3A_92 : i32 to index
      %swap3A_93 = tpu.vector_load %arg11[%swap3A] {strides = array<i32>} : memref<10000xf32, #tpu.memory_space<vmem>>, vector<16xf32>,
      tpu.vector_store %arg11[%swap3A], %broadcast_in_dim3A_1 {strides = array<i32>} : memref<10000xf32, #tpu.memory_space<vmem>>, vector<16xf32>,
      %swap3A_94 = arith.index_cast %mul3A_92 : i32 to index
      %swap3A_95 = tpu.vector_load %arg12[%swap3A_94] {strides = array<i32>} : memref<10000xf32, #tpu.memory_space<vmem>>, vector<16xf32>,
      tpu.vector_store %arg12[%swap3A_94], %broadcast_in_dim3A_1 {strides = array<i32>} : memref<10000xf32, #tpu.memory_space<vmem>>, vector<16xf32>,
      %swap3A_96 = arith.index_cast %mul3A_92 : i32 to index
      %swap3A_97 = tpu.vector_load %arg13[%swap3A_96] {strides = array<i32>} : memref<10000xf32, #tpu.memory_space<vmem>>, vector<16xf32>,
      tpu.vector_store %arg13[%swap3A_96], %broadcast_in_dim3A_1 {strides = array<i32>} : memref<10000xf32, #tpu.memory_space<vmem>>, vector<16xf32>,
      %swap3A_98 = arith.index_cast %mul3A_92 : i32 to index
      %swap3A_99 = tpu.vector_load %arg14[%swap3A_98] {strides = array<i32>} : memref<10000xf32, #tpu.memory_space<vmem>>, vector<16xf32>,
      tpu.vector_store %arg14[%swap3A_98], %broadcast_in_dim3A_1 {strides = array<i32>} : memref<10000xf32, #tpu.memory_space<vmem>>, vector<16xf32>,
    }
    %scan3A_5 = arith.constant 625 : i32
    %dma_start3A = arith.constant 0 : i32
    %dma_start3A_6 = tpu.memref_slice %arg3[%dma_start3A] : memref<323584xi32, #tpu.memory_space<hbm>> -> memref<4096xi32, #tpu.memory_space<hbm>>
    %dma_start3A_7 = arith.constant 0 : i32
    %dma_start3A_8 = tpu.memref_slice %arg3[%dma_start3A_7] : memref<323584xi32, #tpu.memory_space<hbm>> -> memref<4096xi32, #tpu.memory_space<hbm>>
    tpu.enqueue_dma source(%dma_start3A_8 : memref<4096xi32, #tpu.memory_space<hbm>>) target(%arg15 : memref<4096xi32, #tpu.memory_space<vmem>>) target_semaphore(%arg21 : memref<!tpu.dma_semaphore, #tpu.memory_space<semaphore_mem>>)
    %dma_start3A_9 = arith.constant 0 : i32
    %dma_start3A_10 = tpu.memref_slice %arg4[%dma_start3A_9] : memref<323584xi32, #tpu.memory_space<hbm>> -> memref<4096xi32, #tpu.memory_space<hbm>>
    %dma_start3A_11 = arith.constant 0 : i32
    %dma_start3A_12 = tpu.memref_slice %arg4[%dma_start3A_11] : memref<323584xi32, #tpu.memory_space<hbm>> -> memref<4096xi32, #tpu.memory_space<hbm>>
    tpu.enqueue_dma source(%dma_start3A_12 : memref<4096xi32, #tpu.memory_space<hbm>>) target(%arg16 : memref<4096xi32, #tpu.memory_space<vmem>>) target_semaphore(%arg21 : memref<!tpu.dma_semaphore, #tpu.memory_space<semaphore_mem>>)
    %dma_start3A_13 = arith.constant 0 : i32
    %dma_start3A_14 = tpu.memref_slice %arg5[%dma_start3A_13] : memref<323584xf32, #tpu.memory_space<hbm>> -> memref<4096xf32, #tpu.memory_space<hbm>>
    %dma_start3A_15 = arith.constant 0 : i32
    %dma_start3A_16 = tpu.memref_slice %arg5[%dma_start3A_15] : memref<323584xf32, #tpu.memory_space<hbm>> -> memref<4096xf32, #tpu.memory_space<hbm>>
    tpu.enqueue_dma source(%dma_start3A_16 : memref<4096xf32, #tpu.memory_space<hbm>>) target(%arg17 : memref<4096xf32, #tpu.memory_space<vmem>>) target_semaphore(%arg21 : memref<!tpu.dma_semaphore, #tpu.memory_space<semaphore_mem>>)
    %mul3A_17 = arith.constant 4 : i32
    %mul3A_18 = arith.muli %add3A, %mul3A_17 : i32
    %add3A_19 = arith.constant 0 : i32
    %add3A_20 = arith.addi %mul3A_18, %add3A_19 : i32
    %mul3A_21 = arith.constant 10000 : i32
    %mul3A_22 = arith.muli %add3A_20, %mul3A_21 : i32
    "tpu.region"() ({
      %run_scoped3A = tpu.sem_alloc : memref<!tpu.dma_semaphore, #tpu.memory_space<semaphore_mem>>
      %dma_start3A_86 = tpu.memref_slice %arg2[%mul3A_22] : memref<1280000xf32, #tpu.memory_space<hbm>> -> memref<10000xf32, #tpu.memory_space<hbm>>
      %dma_start3A_87 = tpu.memref_slice %arg2[%mul3A_22] : memref<1280000xf32, #tpu.memory_space<hbm>> -> memref<10000xf32, #tpu.memory_space<hbm>>
      tpu.enqueue_dma source(%dma_start3A_87 : memref<10000xf32, #tpu.memory_space<hbm>>) target(%arg7 : memref<10000xf32, #tpu.memory_space<vmem>>) target_semaphore(%run_scoped3A : memref<!tpu.dma_semaphore, #tpu.memory_space<semaphore_mem>>)
      %dma_wait3A_88 = tpu.memref_slice %arg2[%mul3A_22] : memref<1280000xf32, #tpu.memory_space<hbm>> -> memref<10000xf32, #tpu.memory_space<hbm>>
      %dma_wait3A_89 = tpu.memref_slice %arg2[%mul3A_22] : memref<1280000xf32, #tpu.memory_space<hbm>> -> memref<10000xf32, #tpu.memory_space<hbm>>
      tpu.wait_dma2 semaphore(%run_scoped3A : memref<!tpu.dma_semaphore, #tpu.memory_space<semaphore_mem>>) src(%dma_wait3A_89 : memref<10000xf32, #tpu.memory_space<hbm>>) dst(%arg7 : memref<10000xf32, #tpu.memory_space<vmem>>)
      tpu.yield
    }) : () -> ()
    %mul3A_23 = arith.constant 4 : i32
    %mul3A_24 = arith.muli %add3A, %mul3A_23 : i32
    %add3A_25 = arith.constant 1 : i32
    %add3A_26 = arith.addi %mul3A_24, %add3A_25 : i32
    %mul3A_27 = arith.constant 10000 : i32
    %mul3A_28 = arith.muli %add3A_26, %mul3A_27 : i32
    "tpu.region"() ({
      %run_scoped3A = tpu.sem_alloc : memref<!tpu.dma_semaphore, #tpu.memory_space<semaphore_mem>>
      %dma_start3A_86 = tpu.memref_slice %arg2[%mul3A_28] : memref<1280000xf32, #tpu.memory_space<hbm>> -> memref<10000xf32, #tpu.memory_space<hbm>>
      %dma_start3A_87 = tpu.memref_slice %arg2[%mul3A_28] : memref<1280000xf32, #tpu.memory_space<hbm>> -> memref<10000xf32, #tpu.memory_space<hbm>>
      tpu.enqueue_dma source(%dma_start3A_87 : memref<10000xf32, #tpu.memory_space<hbm>>) target(%arg8 : memref<10000xf32, #tpu.memory_space<vmem>>) target_semaphore(%run_scoped3A : memref<!tpu.dma_semaphore, #tpu.memory_space<semaphore_mem>>)
      %dma_wait3A_88 = tpu.memref_slice %arg2[%mul3A_28] : memref<1280000xf32, #tpu.memory_space<hbm>> -> memref<10000xf32, #tpu.memory_space<hbm>>
      %dma_wait3A_89 = tpu.memref_slice %arg2[%mul3A_28] : memref<1280000xf32, #tpu.memory_space<hbm>> -> memref<10000xf32, #tpu.memory_space<hbm>>
      tpu.wait_dma2 semaphore(%run_scoped3A : memref<!tpu.dma_semaphore, #tpu.memory_space<semaphore_mem>>) src(%dma_wait3A_89 : memref<10000xf32, #tpu.memory_space<hbm>>) dst(%arg8 : memref<10000xf32, #tpu.memory_space<vmem>>)
      tpu.yield
    }) : () -> ()
    %mul3A_29 = arith.constant 4 : i32
    %mul3A_30 = arith.muli %add3A, %mul3A_29 : i32
    %add3A_31 = arith.constant 2 : i32
    %add3A_32 = arith.addi %mul3A_30, %add3A_31 : i32
    %mul3A_33 = arith.constant 10000 : i32
    %mul3A_34 = arith.muli %add3A_32, %mul3A_33 : i32
    "tpu.region"() ({
      %run_scoped3A = tpu.sem_alloc : memref<!tpu.dma_semaphore, #tpu.memory_space<semaphore_mem>>
      %dma_start3A_86 = tpu.memref_slice %arg2[%mul3A_34] : memref<1280000xf32, #tpu.memory_space<hbm>> -> memref<10000xf32, #tpu.memory_space<hbm>>
      %dma_start3A_87 = tpu.memref_slice %arg2[%mul3A_34] : memref<1280000xf32, #tpu.memory_space<hbm>> -> memref<10000xf32, #tpu.memory_space<hbm>>
      tpu.enqueue_dma source(%dma_start3A_87 : memref<10000xf32, #tpu.memory_space<hbm>>) target(%arg9 : memref<10000xf32, #tpu.memory_space<vmem>>) target_semaphore(%run_scoped3A : memref<!tpu.dma_semaphore, #tpu.memory_space<semaphore_mem>>)
      %dma_wait3A_88 = tpu.memref_slice %arg2[%mul3A_34] : memref<1280000xf32, #tpu.memory_space<hbm>> -> memref<10000xf32, #tpu.memory_space<hbm>>
      %dma_wait3A_89 = tpu.memref_slice %arg2[%mul3A_34] : memref<1280000xf32, #tpu.memory_space<hbm>> -> memref<10000xf32, #tpu.memory_space<hbm>>
      tpu.wait_dma2 semaphore(%run_scoped3A : memref<!tpu.dma_semaphore, #tpu.memory_space<semaphore_mem>>) src(%dma_wait3A_89 : memref<10000xf32, #tpu.memory_space<hbm>>) dst(%arg9 : memref<10000xf32, #tpu.memory_space<vmem>>)
      tpu.yield
    }) : () -> ()
    %mul3A_35 = arith.constant 4 : i32
    %mul3A_36 = arith.muli %add3A, %mul3A_35 : i32
    %add3A_37 = arith.constant 3 : i32
    %add3A_38 = arith.addi %mul3A_36, %add3A_37 : i32
    %mul3A_39 = arith.constant 10000 : i32
    %mul3A_40 = arith.muli %add3A_38, %mul3A_39 : i32
    "tpu.region"() ({
      %run_scoped3A = tpu.sem_alloc : memref<!tpu.dma_semaphore, #tpu.memory_space<semaphore_mem>>
      %dma_start3A_86 = tpu.memref_slice %arg2[%mul3A_40] : memref<1280000xf32, #tpu.memory_space<hbm>> -> memref<10000xf32, #tpu.memory_space<hbm>>
      %dma_start3A_87 = tpu.memref_slice %arg2[%mul3A_40] : memref<1280000xf32, #tpu.memory_space<hbm>> -> memref<10000xf32, #tpu.memory_space<hbm>>
      tpu.enqueue_dma source(%dma_start3A_87 : memref<10000xf32, #tpu.memory_space<hbm>>) target(%arg10 : memref<10000xf32, #tpu.memory_space<vmem>>) target_semaphore(%run_scoped3A : memref<!tpu.dma_semaphore, #tpu.memory_space<semaphore_mem>>)
      %dma_wait3A_88 = tpu.memref_slice %arg2[%mul3A_40] : memref<1280000xf32, #tpu.memory_space<hbm>> -> memref<10000xf32, #tpu.memory_space<hbm>>
      %dma_wait3A_89 = tpu.memref_slice %arg2[%mul3A_40] : memref<1280000xf32, #tpu.memory_space<hbm>> -> memref<10000xf32, #tpu.memory_space<hbm>>
      tpu.wait_dma2 semaphore(%run_scoped3A : memref<!tpu.dma_semaphore, #tpu.memory_space<semaphore_mem>>) src(%dma_wait3A_89 : memref<10000xf32, #tpu.memory_space<hbm>>) dst(%arg10 : memref<10000xf32, #tpu.memory_space<vmem>>)
      tpu.yield
    }) : () -> ()
    %scan3A_41 = arith.constant 0 : i32
    %scan3A_42 = arith.constant 39 : i32
    %scan3A_43 = arith.addi %scan3A_41, %scan3A_42 : i32
    %scan3A_44 = arith.constant 1 : i32
    scf.for %scan3A_86 = %scan3A_41 to %scan3A_43 step %scan3A_44  : i32 {
      %mul3A_87 = arith.constant 1 : i32
      %mul3A_88 = arith.muli %scan3A_86, %mul3A_87 : i32
      %add3A_89 = arith.constant 0 : i32
      %add3A_90 = arith.addi %add3A_89, %mul3A_88 : i32
      %mul3A_91 = arith.constant 2 : i32
      %mul3A_92 = arith.muli %mul3A_91, %add3A_90 : i32
      %dma_wait3A_93 = arith.constant 0 : i32
      %dma_wait3A_94 = tpu.memref_slice %arg3[%dma_wait3A_93] : memref<323584xi32, #tpu.memory_space<hbm>> -> memref<4096xi32, #tpu.memory_space<hbm>>
      %dma_wait3A_95 = arith.constant 0 : i32
      %dma_wait3A_96 = tpu.memref_slice %arg3[%dma_wait3A_95] : memref<323584xi32, #tpu.memory_space<hbm>> -> memref<4096xi32, #tpu.memory_space<hbm>>
      tpu.wait_dma2 semaphore(%arg21 : memref<!tpu.dma_semaphore, #tpu.memory_space<semaphore_mem>>) src(%dma_wait3A_96 : memref<4096xi32, #tpu.memory_space<hbm>>) dst(%arg15 : memref<4096xi32, #tpu.memory_space<vmem>>)
      %dma_wait3A_97 = arith.constant 0 : i32
      %dma_wait3A_98 = tpu.memref_slice %arg4[%dma_wait3A_97] : memref<323584xi32, #tpu.memory_space<hbm>> -> memref<4096xi32, #tpu.memory_space<hbm>>
      %dma_wait3A_99 = arith.constant 0 : i32
      %dma_wait3A_100 = tpu.memref_slice %arg4[%dma_wait3A_99] : memref<323584xi32, #tpu.memory_space<hbm>> -> memref<4096xi32, #tpu.memory_space<hbm>>
      tpu.wait_dma2 semaphore(%arg21 : memref<!tpu.dma_semaphore, #tpu.memory_space<semaphore_mem>>) src(%dma_wait3A_100 : memref<4096xi32, #tpu.memory_space<hbm>>) dst(%arg16 : memref<4096xi32, #tpu.memory_space<vmem>>)
      %dma_wait3A_101 = arith.constant 0 : i32
      %dma_wait3A_102 = tpu.memref_slice %arg5[%dma_wait3A_101] : memref<323584xf32, #tpu.memory_space<hbm>> -> memref<4096xf32, #tpu.memory_space<hbm>>
      %dma_wait3A_103 = arith.constant 0 : i32
      %dma_wait3A_104 = tpu.memref_slice %arg5[%dma_wait3A_103] : memref<323584xf32, #tpu.memory_space<hbm>> -> memref<4096xf32, #tpu.memory_space<hbm>>
      tpu.wait_dma2 semaphore(%arg21 : memref<!tpu.dma_semaphore, #tpu.memory_space<semaphore_mem>>) src(%dma_wait3A_104 : memref<4096xf32, #tpu.memory_space<hbm>>) dst(%arg17 : memref<4096xf32, #tpu.memory_space<vmem>>)
      %add3A_105 = arith.constant 1 : i32
      %add3A_106 = arith.addi %mul3A_92, %add3A_105 : i32
      %mul3A_107 = arith.constant 4096 : i32
      %mul3A_108 = arith.muli %add3A_106, %mul3A_107 : i32
      %dma_start3A_109 = tpu.memref_slice %arg3[%mul3A_108] : memref<323584xi32, #tpu.memory_space<hbm>> -> memref<4096xi32, #tpu.memory_space<hbm>>
      %dma_start3A_110 = tpu.memref_slice %arg3[%mul3A_108] : memref<323584xi32, #tpu.memory_space<hbm>> -> memref<4096xi32, #tpu.memory_space<hbm>>
      tpu.enqueue_dma source(%dma_start3A_110 : memref<4096xi32, #tpu.memory_space<hbm>>) target(%arg18 : memref<4096xi32, #tpu.memory_space<vmem>>) target_semaphore(%arg22 : memref<!tpu.dma_semaphore, #tpu.memory_space<semaphore_mem>>)
      %mul3A_111 = arith.constant 4096 : i32
      %mul3A_112 = arith.muli %add3A_106, %mul3A_111 : i32
      %dma_start3A_113 = tpu.memref_slice %arg4[%mul3A_112] : memref<323584xi32, #tpu.memory_space<hbm>> -> memref<4096xi32, #tpu.memory_space<hbm>>
      %dma_start3A_114 = tpu.memref_slice %arg4[%mul3A_112] : memref<323584xi32, #tpu.memory_space<hbm>> -> memref<4096xi32, #tpu.memory_space<hbm>>
      tpu.enqueue_dma source(%dma_start3A_114 : memref<4096xi32, #tpu.memory_space<hbm>>) target(%arg19 : memref<4096xi32, #tpu.memory_space<vmem>>) target_semaphore(%arg22 : memref<!tpu.dma_semaphore, #tpu.memory_space<semaphore_mem>>)
      %mul3A_115 = arith.constant 4096 : i32
      %mul3A_116 = arith.muli %add3A_106, %mul3A_115 : i32
      %dma_start3A_117 = tpu.memref_slice %arg5[%mul3A_116] : memref<323584xf32, #tpu.memory_space<hbm>> -> memref<4096xf32, #tpu.memory_space<hbm>>
      %dma_start3A_118 = tpu.memref_slice %arg5[%mul3A_116] : memref<323584xf32, #tpu.memory_space<hbm>> -> memref<4096xf32, #tpu.memory_space<hbm>>
      tpu.enqueue_dma source(%dma_start3A_118 : memref<4096xf32, #tpu.memory_space<hbm>>) target(%arg20 : memref<4096xf32, #tpu.memory_space<vmem>>) target_semaphore(%arg22 : memref<!tpu.dma_semaphore, #tpu.memory_space<semaphore_mem>>)
      %scan3A_119 = arith.constant 0 : i32
      %scan3A_120 = arith.constant 256 : i32
      %scan3A_121 = arith.addi %scan3A_119, %scan3A_120 : i32
      %scan3A_122 = arith.constant 16 : i32
      scf.for %scan3A_145 = %scan3A_119 to %scan3A_121 step %scan3A_122  : i32 {
        %mul3A_146 = arith.constant 1 : i32
        %mul3A_147 = arith.muli %scan3A_145, %mul3A_146 : i32
        %add3A_148 = arith.constant 0 : i32
        %add3A_149 = arith.addi %add3A_148, %mul3A_147 : i32
        %mul3A_150 = arith.constant 16 : i32
        %mul3A_151 = arith.muli %add3A_149, %mul3A_150 : i32
        %get3A = arith.index_cast %mul3A_151 : i32 to index
        %get3A_152 = tpu.vector_load %arg15[%get3A] {strides = array<i32>} : memref<4096xi32, #tpu.memory_space<vmem>>, vector<16xi32>,
        %get3A_153 = arith.index_cast %mul3A_151 : i32 to index
        %get3A_154 = tpu.vector_load %arg16[%get3A_153] {strides = array<i32>} : memref<4096xi32, #tpu.memory_space<vmem>>, vector<16xi32>,
        %get3A_155 = arith.index_cast %mul3A_151 : i32 to index
        %get3A_156 = tpu.vector_load %arg17[%get3A_155] {strides = array<i32>} : memref<4096xf32, #tpu.memory_space<vmem>>, vector<16xf32>,
        %gather3A = tpu.vector_load_idx %arg7[%get3A_152] : memref<10000xf32, #tpu.memory_space<vmem>>[vector<16xi32>], vector<16xf32>,
        %mul3A_157 = arith.mulf %gather3A, %get3A_156 : vector<16xf32>
        tpu.vector_store_idx %arg11[%get3A_154], %mul3A_157 {add = true} : memref<10000xf32, #tpu.memory_space<vmem>>[vector<16xi32>], vector<16xf32>,
        %gather3A_158 = tpu.vector_load_idx %arg8[%get3A_152] : memref<10000xf32, #tpu.memory_space<vmem>>[vector<16xi32>], vector<16xf32>,
        %mul3A_159 = arith.mulf %gather3A_158, %get3A_156 : vector<16xf32>
        tpu.vector_store_idx %arg12[%get3A_154], %mul3A_159 {add = true} : memref<10000xf32, #tpu.memory_space<vmem>>[vector<16xi32>], vector<16xf32>,
        %gather3A_160 = tpu.vector_load_idx %arg9[%get3A_152] : memref<10000xf32, #tpu.memory_space<vmem>>[vector<16xi32>], vector<16xf32>,
        %mul3A_161 = arith.mulf %gather3A_160, %get3A_156 : vector<16xf32>
        tpu.vector_store_idx %arg13[%get3A_154], %mul3A_161 {add = true} : memref<10000xf32, #tpu.memory_space<vmem>>[vector<16xi32>], vector<16xf32>,
        %gather3A_162 = tpu.vector_load_idx %arg10[%get3A_152] : memref<10000xf32, #tpu.memory_space<vmem>>[vector<16xi32>], vector<16xf32>,
        %mul3A_163 = arith.mulf %gather3A_162, %get3A_156 : vector<16xf32>
        tpu.vector_store_idx %arg14[%get3A_154], %mul3A_163 {add = true} : memref<10000xf32, #tpu.memory_space<vmem>>[vector<16xi32>], vector<16xf32>,
        %scan3A_164 = arith.constant 1 : i32
        %scan3A_165 = arith.addi %scan3A_145, %scan3A_164 : i32
        %mul3A_166 = arith.constant 1 : i32
        %mul3A_167 = arith.muli %scan3A_165, %mul3A_166 : i32
        %add3A_168 = arith.constant 0 : i32
        %add3A_169 = arith.addi %add3A_168, %mul3A_167 : i32
        %mul3A_170 = arith.constant 16 : i32
        %mul3A_171 = arith.muli %add3A_169, %mul3A_170 : i32
        %get3A_172 = arith.index_cast %mul3A_171 : i32 to index
        %get3A_173 = tpu.vector_load %arg15[%get3A_172] {strides = array<i32>} : memref<4096xi32, #tpu.memory_space<vmem>>, vector<16xi32>,
        %get3A_174 = arith.index_cast %mul3A_171 : i32 to index
        %get3A_175 = tpu.vector_load %arg16[%get3A_174] {strides = array<i32>} : memref<4096xi32, #tpu.memory_space<vmem>>, vector<16xi32>,
        %get3A_176 = arith.index_cast %mul3A_171 : i32 to index
        %get3A_177 = tpu.vector_load %arg17[%get3A_176] {strides = array<i32>} : memref<4096xf32, #tpu.memory_space<vmem>>, vector<16xf32>,
        %gather3A_178 = tpu.vector_load_idx %arg7[%get3A_173] : memref<10000xf32, #tpu.memory_space<vmem>>[vector<16xi32>], vector<16xf32>,
        %mul3A_179 = arith.mulf %gather3A_178, %get3A_177 : vector<16xf32>
        tpu.vector_store_idx %arg11[%get3A_175], %mul3A_179 {add = true} : memref<10000xf32, #tpu.memory_space<vmem>>[vector<16xi32>], vector<16xf32>,
        %gather3A_180 = tpu.vector_load_idx %arg8[%get3A_173] : memref<10000xf32, #tpu.memory_space<vmem>>[vector<16xi32>], vector<16xf32>,
        %mul3A_181 = arith.mulf %gather3A_180, %get3A_177 : vector<16xf32>
        tpu.vector_store_idx %arg12[%get3A_175], %mul3A_181 {add = true} : memref<10000xf32, #tpu.memory_space<vmem>>[vector<16xi32>], vector<16xf32>,
        %gather3A_182 = tpu.vector_load_idx %arg9[%get3A_173] : memref<10000xf32, #tpu.memory_space<vmem>>[vector<16xi32>], vector<16xf32>,
        %mul3A_183 = arith.mulf %gather3A_182, %get3A_177 : vector<16xf32>
        tpu.vector_store_idx %arg13[%get3A_175], %mul3A_183 {add = true} : memref<10000xf32, #tpu.memory_space<vmem>>[vector<16xi32>], vector<16xf32>,
        %gather3A_184 = tpu.vector_load_idx %arg10[%get3A_173] : memref<10000xf32, #tpu.memory_space<vmem>>[vector<16xi32>], vector<16xf32>,
        %mul3A_185 = arith.mulf %gather3A_184, %get3A_177 : vector<16xf32>
        tpu.vector_store_idx %arg14[%get3A_175], %mul3A_185 {add = true} : memref<10000xf32, #tpu.memory_space<vmem>>[vector<16xi32>], vector<16xf32>,
        %scan3A_186 = arith.constant 2 : i32
        %scan3A_187 = arith.addi %scan3A_145, %scan3A_186 : i32
        %mul3A_188 = arith.constant 1 : i32
        %mul3A_189 = arith.muli %scan3A_187, %mul3A_188 : i32
        %add3A_190 = arith.constant 0 : i32
        %add3A_191 = arith.addi %add3A_190, %mul3A_189 : i32
        %mul3A_192 = arith.constant 16 : i32
        %mul3A_193 = arith.muli %add3A_191, %mul3A_192 : i32
        %get3A_194 = arith.index_cast %mul3A_193 : i32 to index
        %get3A_195 = tpu.vector_load %arg15[%get3A_194] {strides = array<i32>} : memref<4096xi32, #tpu.memory_space<vmem>>, vector<16xi32>,
        %get3A_196 = arith.index_cast %mul3A_193 : i32 to index
        %get3A_197 = tpu.vector_load %arg16[%get3A_196] {strides = array<i32>} : memref<4096xi32, #tpu.memory_space<vmem>>, vector<16xi32>,
        %get3A_198 = arith.index_cast %mul3A_193 : i32 to index
        %get3A_199 = tpu.vector_load %arg17[%get3A_198] {strides = array<i32>} : memref<4096xf32, #tpu.memory_space<vmem>>, vector<16xf32>,
        %gather3A_200 = tpu.vector_load_idx %arg7[%get3A_195] : memref<10000xf32, #tpu.memory_space<vmem>>[vector<16xi32>], vector<16xf32>,
        %mul3A_201 = arith.mulf %gather3A_200, %get3A_199 : vector<16xf32>
        tpu.vector_store_idx %arg11[%get3A_197], %mul3A_201 {add = true} : memref<10000xf32, #tpu.memory_space<vmem>>[vector<16xi32>], vector<16xf32>,
        %gather3A_202 = tpu.vector_load_idx %arg8[%get3A_195] : memref<10000xf32, #tpu.memory_space<vmem>>[vector<16xi32>], vector<16xf32>,
        %mul3A_203 = arith.mulf %gather3A_202, %get3A_199 : vector<16xf32>
        tpu.vector_store_idx %arg12[%get3A_197], %mul3A_203 {add = true} : memref<10000xf32, #tpu.memory_space<vmem>>[vector<16xi32>], vector<16xf32>,
        %gather3A_204 = tpu.vector_load_idx %arg9[%get3A_195] : memref<10000xf32, #tpu.memory_space<vmem>>[vector<16xi32>], vector<16xf32>,
        %mul3A_205 = arith.mulf %gather3A_204, %get3A_199 : vector<16xf32>
        tpu.vector_store_idx %arg13[%get3A_197], %mul3A_205 {add = true} : memref<10000xf32, #tpu.memory_space<vmem>>[vector<16xi32>], vector<16xf32>,
        %gather3A_206 = tpu.vector_load_idx %arg10[%get3A_195] : memref<10000xf32, #tpu.memory_space<vmem>>[vector<16xi32>], vector<16xf32>,
        %mul3A_207 = arith.mulf %gather3A_206, %get3A_199 : vector<16xf32>
        tpu.vector_store_idx %arg14[%get3A_197], %mul3A_207 {add = true} : memref<10000xf32, #tpu.memory_space<vmem>>[vector<16xi32>], vector<16xf32>,
        %scan3A_208 = arith.constant 3 : i32
        %scan3A_209 = arith.addi %scan3A_145, %scan3A_208 : i32
        %mul3A_210 = arith.constant 1 : i32
        %mul3A_211 = arith.muli %scan3A_209, %mul3A_210 : i32
        %add3A_212 = arith.constant 0 : i32
        %add3A_213 = arith.addi %add3A_212, %mul3A_211 : i32
        %mul3A_214 = arith.constant 16 : i32
        %mul3A_215 = arith.muli %add3A_213, %mul3A_214 : i32
        %get3A_216 = arith.index_cast %mul3A_215 : i32 to index
        %get3A_217 = tpu.vector_load %arg15[%get3A_216] {strides = array<i32>} : memref<4096xi32, #tpu.memory_space<vmem>>, vector<16xi32>,
        %get3A_218 = arith.index_cast %mul3A_215 : i32 to index
        %get3A_219 = tpu.vector_load %arg16[%get3A_218] {strides = array<i32>} : memref<4096xi32, #tpu.memory_space<vmem>>, vector<16xi32>,
        %get3A_220 = arith.index_cast %mul3A_215 : i32 to index
        %get3A_221 = tpu.vector_load %arg17[%get3A_220] {strides = array<i32>} : memref<4096xf32, #tpu.memory_space<vmem>>, vector<16xf32>,
        %gather3A_222 = tpu.vector_load_idx %arg7[%get3A_217] : memref<10000xf32, #tpu.memory_space<vmem>>[vector<16xi32>], vector<16xf32>,
        %mul3A_223 = arith.mulf %gather3A_222, %get3A_221 : vector<16xf32>
        tpu.vector_store_idx %arg11[%get3A_219], %mul3A_223 {add = true} : memref<10000xf32, #tpu.memory_space<vmem>>[vector<16xi32>], vector<16xf32>,
        %gather3A_224 = tpu.vector_load_idx %arg8[%get3A_217] : memref<10000xf32, #tpu.memory_space<vmem>>[vector<16xi32>], vector<16xf32>,
        %mul3A_225 = arith.mulf %gather3A_224, %get3A_221 : vector<16xf32>
        tpu.vector_store_idx %arg12[%get3A_219], %mul3A_225 {add = true} : memref<10000xf32, #tpu.memory_space<vmem>>[vector<16xi32>], vector<16xf32>,
        %gather3A_226 = tpu.vector_load_idx %arg9[%get3A_217] : memref<10000xf32, #tpu.memory_space<vmem>>[vector<16xi32>], vector<16xf32>,
        %mul3A_227 = arith.mulf %gather3A_226, %get3A_221 : vector<16xf32>
        tpu.vector_store_idx %arg13[%get3A_219], %mul3A_227 {add = true} : memref<10000xf32, #tpu.memory_space<vmem>>[vector<16xi32>], vector<16xf32>,
        %gather3A_228 = tpu.vector_load_idx %arg10[%get3A_217] : memref<10000xf32, #tpu.memory_space<vmem>>[vector<16xi32>], vector<16xf32>,
        %mul3A_229 = arith.mulf %gather3A_228, %get3A_221 : vector<16xf32>
        tpu.vector_store_idx %arg14[%get3A_219], %mul3A_229 {add = true} : memref<10000xf32, #tpu.memory_space<vmem>>[vector<16xi32>], vector<16xf32>,
        %scan3A_230 = arith.constant 4 : i32
        %scan3A_231 = arith.addi %scan3A_145, %scan3A_230 : i32
        %mul3A_232 = arith.constant 1 : i32
        %mul3A_233 = arith.muli %scan3A_231, %mul3A_232 : i32
        %add3A_234 = arith.constant 0 : i32
        %add3A_235 = arith.addi %add3A_234, %mul3A_233 : i32
        %mul3A_236 = arith.constant 16 : i32
        %mul3A_237 = arith.muli %add3A_235, %mul3A_236 : i32
        %get3A_238 = arith.index_cast %mul3A_237 : i32 to index
        %get3A_239 = tpu.vector_load %arg15[%get3A_238] {strides = array<i32>} : memref<4096xi32, #tpu.memory_space<vmem>>, vector<16xi32>,
        %get3A_240 = arith.index_cast %mul3A_237 : i32 to index
        %get3A_241 = tpu.vector_load %arg16[%get3A_240] {strides = array<i32>} : memref<4096xi32, #tpu.memory_space<vmem>>, vector<16xi32>,
        %get3A_242 = arith.index_cast %mul3A_237 : i32 to index
        %get3A_243 = tpu.vector_load %arg17[%get3A_242] {strides = array<i32>} : memref<4096xf32, #tpu.memory_space<vmem>>, vector<16xf32>,
        %gather3A_244 = tpu.vector_load_idx %arg7[%get3A_239] : memref<10000xf32, #tpu.memory_space<vmem>>[vector<16xi32>], vector<16xf32>,
        %mul3A_245 = arith.mulf %gather3A_244, %get3A_243 : vector<16xf32>
        tpu.vector_store_idx %arg11[%get3A_241], %mul3A_245 {add = true} : memref<10000xf32, #tpu.memory_space<vmem>>[vector<16xi32>], vector<16xf32>,
        %gather3A_246 = tpu.vector_load_idx %arg8[%get3A_239] : memref<10000xf32, #tpu.memory_space<vmem>>[vector<16xi32>], vector<16xf32>,
        %mul3A_247 = arith.mulf %gather3A_246, %get3A_243 : vector<16xf32>
        tpu.vector_store_idx %arg12[%get3A_241], %mul3A_247 {add = true} : memref<10000xf32, #tpu.memory_space<vmem>>[vector<16xi32>], vector<16xf32>,
        %gather3A_248 = tpu.vector_load_idx %arg9[%get3A_239] : memref<10000xf32, #tpu.memory_space<vmem>>[vector<16xi32>], vector<16xf32>,
        %mul3A_249 = arith.mulf %gather3A_248, %get3A_243 : vector<16xf32>
        tpu.vector_store_idx %arg13[%get3A_241], %mul3A_249 {add = true} : memref<10000xf32, #tpu.memory_space<vmem>>[vector<16xi32>], vector<16xf32>,
        %gather3A_250 = tpu.vector_load_idx %arg10[%get3A_239] : memref<10000xf32, #tpu.memory_space<vmem>>[vector<16xi32>], vector<16xf32>,
        %mul3A_251 = arith.mulf %gather3A_250, %get3A_243 : vector<16xf32>
        tpu.vector_store_idx %arg14[%get3A_241], %mul3A_251 {add = true} : memref<10000xf32, #tpu.memory_space<vmem>>[vector<16xi32>], vector<16xf32>,
        %scan3A_252 = arith.constant 5 : i32
        %scan3A_253 = arith.addi %scan3A_145, %scan3A_252 : i32
        %mul3A_254 = arith.constant 1 : i32
        %mul3A_255 = arith.muli %scan3A_253, %mul3A_254 : i32
        %add3A_256 = arith.constant 0 : i32
        %add3A_257 = arith.addi %add3A_256, %mul3A_255 : i32
        %mul3A_258 = arith.constant 16 : i32
        %mul3A_259 = arith.muli %add3A_257, %mul3A_258 : i32
        %get3A_260 = arith.index_cast %mul3A_259 : i32 to index
        %get3A_261 = tpu.vector_load %arg15[%get3A_260] {strides = array<i32>} : memref<4096xi32, #tpu.memory_space<vmem>>, vector<16xi32>,
        %get3A_262 = arith.index_cast %mul3A_259 : i32 to index
        %get3A_263 = tpu.vector_load %arg16[%get3A_262] {strides = array<i32>} : memref<4096xi32, #tpu.memory_space<vmem>>, vector<16xi32>,
        %get3A_264 = arith.index_cast %mul3A_259 : i32 to index
        %get3A_265 = tpu.vector_load %arg17[%get3A_264] {strides = array<i32>} : memref<4096xf32, #tpu.memory_space<vmem>>, vector<16xf32>,
        %gather3A_266 = tpu.vector_load_idx %arg7[%get3A_261] : memref<10000xf32, #tpu.memory_space<vmem>>[vector<16xi32>], vector<16xf32>,
        %mul3A_267 = arith.mulf %gather3A_266, %get3A_265 : vector<16xf32>
        tpu.vector_store_idx %arg11[%get3A_263], %mul3A_267 {add = true} : memref<10000xf32, #tpu.memory_space<vmem>>[vector<16xi32>], vector<16xf32>,
        %gather3A_268 = tpu.vector_load_idx %arg8[%get3A_261] : memref<10000xf32, #tpu.memory_space<vmem>>[vector<16xi32>], vector<16xf32>,
        %mul3A_269 = arith.mulf %gather3A_268, %get3A_265 : vector<16xf32>
        tpu.vector_store_idx %arg12[%get3A_263], %mul3A_269 {add = true} : memref<10000xf32, #tpu.memory_space<vmem>>[vector<16xi32>], vector<16xf32>,
        %gather3A_270 = tpu.vector_load_idx %arg9[%get3A_261] : memref<10000xf32, #tpu.memory_space<vmem>>[vector<16xi32>], vector<16xf32>,
        %mul3A_271 = arith.mulf %gather3A_270, %get3A_265 : vector<16xf32>
        tpu.vector_store_idx %arg13[%get3A_263], %mul3A_271 {add = true} : memref<10000xf32, #tpu.memory_space<vmem>>[vector<16xi32>], vector<16xf32>,
        %gather3A_272 = tpu.vector_load_idx %arg10[%get3A_261] : memref<10000xf32, #tpu.memory_space<vmem>>[vector<16xi32>], vector<16xf32>,
        %mul3A_273 = arith.mulf %gather3A_272, %get3A_265 : vector<16xf32>
        tpu.vector_store_idx %arg14[%get3A_263], %mul3A_273 {add = true} : memref<10000xf32, #tpu.memory_space<vmem>>[vector<16xi32>], vector<16xf32>,
        %scan3A_274 = arith.constant 6 : i32
        %scan3A_275 = arith.addi %scan3A_145, %scan3A_274 : i32
        %mul3A_276 = arith.constant 1 : i32
        %mul3A_277 = arith.muli %scan3A_275, %mul3A_276 : i32
        %add3A_278 = arith.constant 0 : i32
        %add3A_279 = arith.addi %add3A_278, %mul3A_277 : i32
        %mul3A_280 = arith.constant 16 : i32
        %mul3A_281 = arith.muli %add3A_279, %mul3A_280 : i32
        %get3A_282 = arith.index_cast %mul3A_281 : i32 to index
        %get3A_283 = tpu.vector_load %arg15[%get3A_282] {strides = array<i32>} : memref<4096xi32, #tpu.memory_space<vmem>>, vector<16xi32>,
        %get3A_284 = arith.index_cast %mul3A_281 : i32 to index
        %get3A_285 = tpu.vector_load %arg16[%get3A_284] {strides = array<i32>} : memref<4096xi32, #tpu.memory_space<vmem>>, vector<16xi32>,
        %get3A_286 = arith.index_cast %mul3A_281 : i32 to index
        %get3A_287 = tpu.vector_load %arg17[%get3A_286] {strides = array<i32>} : memref<4096xf32, #tpu.memory_space<vmem>>, vector<16xf32>,
        %gather3A_288 = tpu.vector_load_idx %arg7[%get3A_283] : memref<10000xf32, #tpu.memory_space<vmem>>[vector<16xi32>], vector<16xf32>,
        %mul3A_289 = arith.mulf %gather3A_288, %get3A_287 : vector<16xf32>
        tpu.vector_store_idx %arg11[%get3A_285], %mul3A_289 {add = true} : memref<10000xf32, #tpu.memory_space<vmem>>[vector<16xi32>], vector<16xf32>,
        %gather3A_290 = tpu.vector_load_idx %arg8[%get3A_283] : memref<10000xf32, #tpu.memory_space<vmem>>[vector<16xi32>], vector<16xf32>,
        %mul3A_291 = arith.mulf %gather3A_290, %get3A_287 : vector<16xf32>
        tpu.vector_store_idx %arg12[%get3A_285], %mul3A_291 {add = true} : memref<10000xf32, #tpu.memory_space<vmem>>[vector<16xi32>], vector<16xf32>,
        %gather3A_292 = tpu.vector_load_idx %arg9[%get3A_283] : memref<10000xf32, #tpu.memory_space<vmem>>[vector<16xi32>], vector<16xf32>,
        %mul3A_293 = arith.mulf %gather3A_292, %get3A_287 : vector<16xf32>
        tpu.vector_store_idx %arg13[%get3A_285], %mul3A_293 {add = true} : memref<10000xf32, #tpu.memory_space<vmem>>[vector<16xi32>], vector<16xf32>,
        %gather3A_294 = tpu.vector_load_idx %arg10[%get3A_283] : memref<10000xf32, #tpu.memory_space<vmem>>[vector<16xi32>], vector<16xf32>,
        %mul3A_295 = arith.mulf %gather3A_294, %get3A_287 : vector<16xf32>
        tpu.vector_store_idx %arg14[%get3A_285], %mul3A_295 {add = true} : memref<10000xf32, #tpu.memory_space<vmem>>[vector<16xi32>], vector<16xf32>,
        %scan3A_296 = arith.constant 7 : i32
        %scan3A_297 = arith.addi %scan3A_145, %scan3A_296 : i32
        %mul3A_298 = arith.constant 1 : i32
        %mul3A_299 = arith.muli %scan3A_297, %mul3A_298 : i32
        %add3A_300 = arith.constant 0 : i32
        %add3A_301 = arith.addi %add3A_300, %mul3A_299 : i32
        %mul3A_302 = arith.constant 16 : i32
        %mul3A_303 = arith.muli %add3A_301, %mul3A_302 : i32
        %get3A_304 = arith.index_cast %mul3A_303 : i32 to index
        %get3A_305 = tpu.vector_load %arg15[%get3A_304] {strides = array<i32>} : memref<4096xi32, #tpu.memory_space<vmem>>, vector<16xi32>,
        %get3A_306 = arith.index_cast %mul3A_303 : i32 to index
        %get3A_307 = tpu.vector_load %arg16[%get3A_306] {strides = array<i32>} : memref<4096xi32, #tpu.memory_space<vmem>>, vector<16xi32>,
        %get3A_308 = arith.index_cast %mul3A_303 : i32 to index
        %get3A_309 = tpu.vector_load %arg17[%get3A_308] {strides = array<i32>} : memref<4096xf32, #tpu.memory_space<vmem>>, vector<16xf32>,
        %gather3A_310 = tpu.vector_load_idx %arg7[%get3A_305] : memref<10000xf32, #tpu.memory_space<vmem>>[vector<16xi32>], vector<16xf32>,
        %mul3A_311 = arith.mulf %gather3A_310, %get3A_309 : vector<16xf32>
        tpu.vector_store_idx %arg11[%get3A_307], %mul3A_311 {add = true} : memref<10000xf32, #tpu.memory_space<vmem>>[vector<16xi32>], vector<16xf32>,
        %gather3A_312 = tpu.vector_load_idx %arg8[%get3A_305] : memref<10000xf32, #tpu.memory_space<vmem>>[vector<16xi32>], vector<16xf32>,
        %mul3A_313 = arith.mulf %gather3A_312, %get3A_309 : vector<16xf32>
        tpu.vector_store_idx %arg12[%get3A_307], %mul3A_313 {add = true} : memref<10000xf32, #tpu.memory_space<vmem>>[vector<16xi32>], vector<16xf32>,
        %gather3A_314 = tpu.vector_load_idx %arg9[%get3A_305] : memref<10000xf32, #tpu.memory_space<vmem>>[vector<16xi32>], vector<16xf32>,
        %mul3A_315 = arith.mulf %gather3A_314, %get3A_309 : vector<16xf32>
        tpu.vector_store_idx %arg13[%get3A_307], %mul3A_315 {add = true} : memref<10000xf32, #tpu.memory_space<vmem>>[vector<16xi32>], vector<16xf32>,
        %gather3A_316 = tpu.vector_load_idx %arg10[%get3A_305] : memref<10000xf32, #tpu.memory_space<vmem>>[vector<16xi32>], vector<16xf32>,
        %mul3A_317 = arith.mulf %gather3A_316, %get3A_309 : vector<16xf32>
        tpu.vector_store_idx %arg14[%get3A_307], %mul3A_317 {add = true} : memref<10000xf32, #tpu.memory_space<vmem>>[vector<16xi32>], vector<16xf32>,
        %scan3A_318 = arith.constant 8 : i32
        %scan3A_319 = arith.addi %scan3A_145, %scan3A_318 : i32
        %mul3A_320 = arith.constant 1 : i32
        %mul3A_321 = arith.muli %scan3A_319, %mul3A_320 : i32
        %add3A_322 = arith.constant 0 : i32
        %add3A_323 = arith.addi %add3A_322, %mul3A_321 : i32
        %mul3A_324 = arith.constant 16 : i32
        %mul3A_325 = arith.muli %add3A_323, %mul3A_324 : i32
        %get3A_326 = arith.index_cast %mul3A_325 : i32 to index
        %get3A_327 = tpu.vector_load %arg15[%get3A_326] {strides = array<i32>} : memref<4096xi32, #tpu.memory_space<vmem>>, vector<16xi32>,
        %get3A_328 = arith.index_cast %mul3A_325 : i32 to index
        %get3A_329 = tpu.vector_load %arg16[%get3A_328] {strides = array<i32>} : memref<4096xi32, #tpu.memory_space<vmem>>, vector<16xi32>,
        %get3A_330 = arith.index_cast %mul3A_325 : i32 to index
        %get3A_331 = tpu.vector_load %arg17[%get3A_330] {strides = array<i32>} : memref<4096xf32, #tpu.memory_space<vmem>>, vector<16xf32>,
        %gather3A_332 = tpu.vector_load_idx %arg7[%get3A_327] : memref<10000xf32, #tpu.memory_space<vmem>>[vector<16xi32>], vector<16xf32>,
        %mul3A_333 = arith.mulf %gather3A_332, %get3A_331 : vector<16xf32>
        tpu.vector_store_idx %arg11[%get3A_329], %mul3A_333 {add = true} : memref<10000xf32, #tpu.memory_space<vmem>>[vector<16xi32>], vector<16xf32>,
        %gather3A_334 = tpu.vector_load_idx %arg8[%get3A_327] : memref<10000xf32, #tpu.memory_space<vmem>>[vector<16xi32>], vector<16xf32>,
        %mul3A_335 = arith.mulf %gather3A_334, %get3A_331 : vector<16xf32>
        tpu.vector_store_idx %arg12[%get3A_329], %mul3A_335 {add = true} : memref<10000xf32, #tpu.memory_space<vmem>>[vector<16xi32>], vector<16xf32>,
        %gather3A_336 = tpu.vector_load_idx %arg9[%get3A_327] : memref<10000xf32, #tpu.memory_space<vmem>>[vector<16xi32>], vector<16xf32>,
        %mul3A_337 = arith.mulf %gather3A_336, %get3A_331 : vector<16xf32>
        tpu.vector_store_idx %arg13[%get3A_329], %mul3A_337 {add = true} : memref<10000xf32, #tpu.memory_space<vmem>>[vector<16xi32>], vector<16xf32>,
        %gather3A_338 = tpu.vector_load_idx %arg10[%get3A_327] : memref<10000xf32, #tpu.memory_space<vmem>>[vector<16xi32>], vector<16xf32>,
        %mul3A_339 = arith.mulf %gather3A_338, %get3A_331 : vector<16xf32>
        tpu.vector_store_idx %arg14[%get3A_329], %mul3A_339 {add = true} : memref<10000xf32, #tpu.memory_space<vmem>>[vector<16xi32>], vector<16xf32>,
        %scan3A_340 = arith.constant 9 : i32
        %scan3A_341 = arith.addi %scan3A_145, %scan3A_340 : i32
        %mul3A_342 = arith.constant 1 : i32
        %mul3A_343 = arith.muli %scan3A_341, %mul3A_342 : i32
        %add3A_344 = arith.constant 0 : i32
        %add3A_345 = arith.addi %add3A_344, %mul3A_343 : i32
        %mul3A_346 = arith.constant 16 : i32
        %mul3A_347 = arith.muli %add3A_345, %mul3A_346 : i32
        %get3A_348 = arith.index_cast %mul3A_347 : i32 to index
        %get3A_349 = tpu.vector_load %arg15[%get3A_348] {strides = array<i32>} : memref<4096xi32, #tpu.memory_space<vmem>>, vector<16xi32>,
        %get3A_350 = arith.index_cast %mul3A_347 : i32 to index
        %get3A_351 = tpu.vector_load %arg16[%get3A_350] {strides = array<i32>} : memref<4096xi32, #tpu.memory_space<vmem>>, vector<16xi32>,
        %get3A_352 = arith.index_cast %mul3A_347 : i32 to index
        %get3A_353 = tpu.vector_load %arg17[%get3A_352] {strides = array<i32>} : memref<4096xf32, #tpu.memory_space<vmem>>, vector<16xf32>,
        %gather3A_354 = tpu.vector_load_idx %arg7[%get3A_349] : memref<10000xf32, #tpu.memory_space<vmem>>[vector<16xi32>], vector<16xf32>,
        %mul3A_355 = arith.mulf %gather3A_354, %get3A_353 : vector<16xf32>
        tpu.vector_store_idx %arg11[%get3A_351], %mul3A_355 {add = true} : memref<10000xf32, #tpu.memory_space<vmem>>[vector<16xi32>], vector<16xf32>,
        %gather3A_356 = tpu.vector_load_idx %arg8[%get3A_349] : memref<10000xf32, #tpu.memory_space<vmem>>[vector<16xi32>], vector<16xf32>,
        %mul3A_357 = arith.mulf %gather3A_356, %get3A_353 : vector<16xf32>
        tpu.vector_store_idx %arg12[%get3A_351], %mul3A_357 {add = true} : memref<10000xf32, #tpu.memory_space<vmem>>[vector<16xi32>], vector<16xf32>,
        %gather3A_358 = tpu.vector_load_idx %arg9[%get3A_349] : memref<10000xf32, #tpu.memory_space<vmem>>[vector<16xi32>], vector<16xf32>,
        %mul3A_359 = arith.mulf %gather3A_358, %get3A_353 : vector<16xf32>
        tpu.vector_store_idx %arg13[%get3A_351], %mul3A_359 {add = true} : memref<10000xf32, #tpu.memory_space<vmem>>[vector<16xi32>], vector<16xf32>,
        %gather3A_360 = tpu.vector_load_idx %arg10[%get3A_349] : memref<10000xf32, #tpu.memory_space<vmem>>[vector<16xi32>], vector<16xf32>,
        %mul3A_361 = arith.mulf %gather3A_360, %get3A_353 : vector<16xf32>
        tpu.vector_store_idx %arg14[%get3A_351], %mul3A_361 {add = true} : memref<10000xf32, #tpu.memory_space<vmem>>[vector<16xi32>], vector<16xf32>,
        %scan3A_362 = arith.constant 10 : i32
        %scan3A_363 = arith.addi %scan3A_145, %scan3A_362 : i32
        %mul3A_364 = arith.constant 1 : i32
        %mul3A_365 = arith.muli %scan3A_363, %mul3A_364 : i32
        %add3A_366 = arith.constant 0 : i32
        %add3A_367 = arith.addi %add3A_366, %mul3A_365 : i32
        %mul3A_368 = arith.constant 16 : i32
        %mul3A_369 = arith.muli %add3A_367, %mul3A_368 : i32
        %get3A_370 = arith.index_cast %mul3A_369 : i32 to index
        %get3A_371 = tpu.vector_load %arg15[%get3A_370] {strides = array<i32>} : memref<4096xi32, #tpu.memory_space<vmem>>, vector<16xi32>,
        %get3A_372 = arith.index_cast %mul3A_369 : i32 to index
        %get3A_373 = tpu.vector_load %arg16[%get3A_372] {strides = array<i32>} : memref<4096xi32, #tpu.memory_space<vmem>>, vector<16xi32>,
        %get3A_374 = arith.index_cast %mul3A_369 : i32 to index
        %get3A_375 = tpu.vector_load %arg17[%get3A_374] {strides = array<i32>} : memref<4096xf32, #tpu.memory_space<vmem>>, vector<16xf32>,
        %gather3A_376 = tpu.vector_load_idx %arg7[%get3A_371] : memref<10000xf32, #tpu.memory_space<vmem>>[vector<16xi32>], vector<16xf32>,
        %mul3A_377 = arith.mulf %gather3A_376, %get3A_375 : vector<16xf32>
        tpu.vector_store_idx %arg11[%get3A_373], %mul3A_377 {add = true} : memref<10000xf32, #tpu.memory_space<vmem>>[vector<16xi32>], vector<16xf32>,
        %gather3A_378 = tpu.vector_load_idx %arg8[%get3A_371] : memref<10000xf32, #tpu.memory_space<vmem>>[vector<16xi32>], vector<16xf32>,
        %mul3A_379 = arith.mulf %gather3A_378, %get3A_375 : vector<16xf32>
        tpu.vector_store_idx %arg12[%get3A_373], %mul3A_379 {add = true} : memref<10000xf32, #tpu.memory_space<vmem>>[vector<16xi32>], vector<16xf32>,
        %gather3A_380 = tpu.vector_load_idx %arg9[%get3A_371] : memref<10000xf32, #tpu.memory_space<vmem>>[vector<16xi32>], vector<16xf32>,
        %mul3A_381 = arith.mulf %gather3A_380, %get3A_375 : vector<16xf32>
        tpu.vector_store_idx %arg13[%get3A_373], %mul3A_381 {add = true} : memref<10000xf32, #tpu.memory_space<vmem>>[vector<16xi32>], vector<16xf32>,
        %gather3A_382 = tpu.vector_load_idx %arg10[%get3A_371] : memref<10000xf32, #tpu.memory_space<vmem>>[vector<16xi32>], vector<16xf32>,
        %mul3A_383 = arith.mulf %gather3A_382, %get3A_375 : vector<16xf32>
        tpu.vector_store_idx %arg14[%get3A_373], %mul3A_383 {add = true} : memref<10000xf32, #tpu.memory_space<vmem>>[vector<16xi32>], vector<16xf32>,
        %scan3A_384 = arith.constant 11 : i32
        %scan3A_385 = arith.addi %scan3A_145, %scan3A_384 : i32
        %mul3A_386 = arith.constant 1 : i32
        %mul3A_387 = arith.muli %scan3A_385, %mul3A_386 : i32
        %add3A_388 = arith.constant 0 : i32
        %add3A_389 = arith.addi %add3A_388, %mul3A_387 : i32
        %mul3A_390 = arith.constant 16 : i32
        %mul3A_391 = arith.muli %add3A_389, %mul3A_390 : i32
        %get3A_392 = arith.index_cast %mul3A_391 : i32 to index
        %get3A_393 = tpu.vector_load %arg15[%get3A_392] {strides = array<i32>} : memref<4096xi32, #tpu.memory_space<vmem>>, vector<16xi32>,
        %get3A_394 = arith.index_cast %mul3A_391 : i32 to index
        %get3A_395 = tpu.vector_load %arg16[%get3A_394] {strides = array<i32>} : memref<4096xi32, #tpu.memory_space<vmem>>, vector<16xi32>,
        %get3A_396 = arith.index_cast %mul3A_391 : i32 to index
        %get3A_397 = tpu.vector_load %arg17[%get3A_396] {strides = array<i32>} : memref<4096xf32, #tpu.memory_space<vmem>>, vector<16xf32>,
        %gather3A_398 = tpu.vector_load_idx %arg7[%get3A_393] : memref<10000xf32, #tpu.memory_space<vmem>>[vector<16xi32>], vector<16xf32>,
        %mul3A_399 = arith.mulf %gather3A_398, %get3A_397 : vector<16xf32>
        tpu.vector_store_idx %arg11[%get3A_395], %mul3A_399 {add = true} : memref<10000xf32, #tpu.memory_space<vmem>>[vector<16xi32>], vector<16xf32>,
        %gather3A_400 = tpu.vector_load_idx %arg8[%get3A_393] : memref<10000xf32, #tpu.memory_space<vmem>>[vector<16xi32>], vector<16xf32>,
        %mul3A_401 = arith.mulf %gather3A_400, %get3A_397 : vector<16xf32>
        tpu.vector_store_idx %arg12[%get3A_395], %mul3A_401 {add = true} : memref<10000xf32, #tpu.memory_space<vmem>>[vector<16xi32>], vector<16xf32>,
        %gather3A_402 = tpu.vector_load_idx %arg9[%get3A_393] : memref<10000xf32, #tpu.memory_space<vmem>>[vector<16xi32>], vector<16xf32>,
        %mul3A_403 = arith.mulf %gather3A_402, %get3A_397 : vector<16xf32>
        tpu.vector_store_idx %arg13[%get3A_395], %mul3A_403 {add = true} : memref<10000xf32, #tpu.memory_space<vmem>>[vector<16xi32>], vector<16xf32>,
        %gather3A_404 = tpu.vector_load_idx %arg10[%get3A_393] : memref<10000xf32, #tpu.memory_space<vmem>>[vector<16xi32>], vector<16xf32>,
        %mul3A_405 = arith.mulf %gather3A_404, %get3A_397 : vector<16xf32>
        tpu.vector_store_idx %arg14[%get3A_395], %mul3A_405 {add = true} : memref<10000xf32, #tpu.memory_space<vmem>>[vector<16xi32>], vector<16xf32>,
        %scan3A_406 = arith.constant 12 : i32
        %scan3A_407 = arith.addi %scan3A_145, %scan3A_406 : i32
        %mul3A_408 = arith.constant 1 : i32
        %mul3A_409 = arith.muli %scan3A_407, %mul3A_408 : i32
        %add3A_410 = arith.constant 0 : i32
        %add3A_411 = arith.addi %add3A_410, %mul3A_409 : i32
        %mul3A_412 = arith.constant 16 : i32
        %mul3A_413 = arith.muli %add3A_411, %mul3A_412 : i32
        %get3A_414 = arith.index_cast %mul3A_413 : i32 to index
        %get3A_415 = tpu.vector_load %arg15[%get3A_414] {strides = array<i32>} : memref<4096xi32, #tpu.memory_space<vmem>>, vector<16xi32>,
        %get3A_416 = arith.index_cast %mul3A_413 : i32 to index
        %get3A_417 = tpu.vector_load %arg16[%get3A_416] {strides = array<i32>} : memref<4096xi32, #tpu.memory_space<vmem>>, vector<16xi32>,
        %get3A_418 = arith.index_cast %mul3A_413 : i32 to index
        %get3A_419 = tpu.vector_load %arg17[%get3A_418] {strides = array<i32>} : memref<4096xf32, #tpu.memory_space<vmem>>, vector<16xf32>,
        %gather3A_420 = tpu.vector_load_idx %arg7[%get3A_415] : memref<10000xf32, #tpu.memory_space<vmem>>[vector<16xi32>], vector<16xf32>,
        %mul3A_421 = arith.mulf %gather3A_420, %get3A_419 : vector<16xf32>
        tpu.vector_store_idx %arg11[%get3A_417], %mul3A_421 {add = true} : memref<10000xf32, #tpu.memory_space<vmem>>[vector<16xi32>], vector<16xf32>,
        %gather3A_422 = tpu.vector_load_idx %arg8[%get3A_415] : memref<10000xf32, #tpu.memory_space<vmem>>[vector<16xi32>], vector<16xf32>,
        %mul3A_423 = arith.mulf %gather3A_422, %get3A_419 : vector<16xf32>
        tpu.vector_store_idx %arg12[%get3A_417], %mul3A_423 {add = true} : memref<10000xf32, #tpu.memory_space<vmem>>[vector<16xi32>], vector<16xf32>,
        %gather3A_424 = tpu.vector_load_idx %arg9[%get3A_415] : memref<10000xf32, #tpu.memory_space<vmem>>[vector<16xi32>], vector<16xf32>,
        %mul3A_425 = arith.mulf %gather3A_424, %get3A_419 : vector<16xf32>
        tpu.vector_store_idx %arg13[%get3A_417], %mul3A_425 {add = true} : memref<10000xf32, #tpu.memory_space<vmem>>[vector<16xi32>], vector<16xf32>,
        %gather3A_426 = tpu.vector_load_idx %arg10[%get3A_415] : memref<10000xf32, #tpu.memory_space<vmem>>[vector<16xi32>], vector<16xf32>,
        %mul3A_427 = arith.mulf %gather3A_426, %get3A_419 : vector<16xf32>
        tpu.vector_store_idx %arg14[%get3A_417], %mul3A_427 {add = true} : memref<10000xf32, #tpu.memory_space<vmem>>[vector<16xi32>], vector<16xf32>,
        %scan3A_428 = arith.constant 13 : i32
        %scan3A_429 = arith.addi %scan3A_145, %scan3A_428 : i32
        %mul3A_430 = arith.constant 1 : i32
        %mul3A_431 = arith.muli %scan3A_429, %mul3A_430 : i32
        %add3A_432 = arith.constant 0 : i32
        %add3A_433 = arith.addi %add3A_432, %mul3A_431 : i32
        %mul3A_434 = arith.constant 16 : i32
        %mul3A_435 = arith.muli %add3A_433, %mul3A_434 : i32
        %get3A_436 = arith.index_cast %mul3A_435 : i32 to index
        %get3A_437 = tpu.vector_load %arg15[%get3A_436] {strides = array<i32>} : memref<4096xi32, #tpu.memory_space<vmem>>, vector<16xi32>,
        %get3A_438 = arith.index_cast %mul3A_435 : i32 to index
        %get3A_439 = tpu.vector_load %arg16[%get3A_438] {strides = array<i32>} : memref<4096xi32, #tpu.memory_space<vmem>>, vector<16xi32>,
        %get3A_440 = arith.index_cast %mul3A_435 : i32 to index
        %get3A_441 = tpu.vector_load %arg17[%get3A_440] {strides = array<i32>} : memref<4096xf32, #tpu.memory_space<vmem>>, vector<16xf32>,
        %gather3A_442 = tpu.vector_load_idx %arg7[%get3A_437] : memref<10000xf32, #tpu.memory_space<vmem>>[vector<16xi32>], vector<16xf32>,
        %mul3A_443 = arith.mulf %gather3A_442, %get3A_441 : vector<16xf32>
        tpu.vector_store_idx %arg11[%get3A_439], %mul3A_443 {add = true} : memref<10000xf32, #tpu.memory_space<vmem>>[vector<16xi32>], vector<16xf32>,
        %gather3A_444 = tpu.vector_load_idx %arg8[%get3A_437] : memref<10000xf32, #tpu.memory_space<vmem>>[vector<16xi32>], vector<16xf32>,
        %mul3A_445 = arith.mulf %gather3A_444, %get3A_441 : vector<16xf32>
        tpu.vector_store_idx %arg12[%get3A_439], %mul3A_445 {add = true} : memref<10000xf32, #tpu.memory_space<vmem>>[vector<16xi32>], vector<16xf32>,
        %gather3A_446 = tpu.vector_load_idx %arg9[%get3A_437] : memref<10000xf32, #tpu.memory_space<vmem>>[vector<16xi32>], vector<16xf32>,
        %mul3A_447 = arith.mulf %gather3A_446, %get3A_441 : vector<16xf32>
        tpu.vector_store_idx %arg13[%get3A_439], %mul3A_447 {add = true} : memref<10000xf32, #tpu.memory_space<vmem>>[vector<16xi32>], vector<16xf32>,
        %gather3A_448 = tpu.vector_load_idx %arg10[%get3A_437] : memref<10000xf32, #tpu.memory_space<vmem>>[vector<16xi32>], vector<16xf32>,
        %mul3A_449 = arith.mulf %gather3A_448, %get3A_441 : vector<16xf32>
        tpu.vector_store_idx %arg14[%get3A_439], %mul3A_449 {add = true} : memref<10000xf32, #tpu.memory_space<vmem>>[vector<16xi32>], vector<16xf32>,
        %scan3A_450 = arith.constant 14 : i32
        %scan3A_451 = arith.addi %scan3A_145, %scan3A_450 : i32
        %mul3A_452 = arith.constant 1 : i32
        %mul3A_453 = arith.muli %scan3A_451, %mul3A_452 : i32
        %add3A_454 = arith.constant 0 : i32
        %add3A_455 = arith.addi %add3A_454, %mul3A_453 : i32
        %mul3A_456 = arith.constant 16 : i32
        %mul3A_457 = arith.muli %add3A_455, %mul3A_456 : i32
        %get3A_458 = arith.index_cast %mul3A_457 : i32 to index
        %get3A_459 = tpu.vector_load %arg15[%get3A_458] {strides = array<i32>} : memref<4096xi32, #tpu.memory_space<vmem>>, vector<16xi32>,
        %get3A_460 = arith.index_cast %mul3A_457 : i32 to index
        %get3A_461 = tpu.vector_load %arg16[%get3A_460] {strides = array<i32>} : memref<4096xi32, #tpu.memory_space<vmem>>, vector<16xi32>,
        %get3A_462 = arith.index_cast %mul3A_457 : i32 to index
        %get3A_463 = tpu.vector_load %arg17[%get3A_462] {strides = array<i32>} : memref<4096xf32, #tpu.memory_space<vmem>>, vector<16xf32>,
        %gather3A_464 = tpu.vector_load_idx %arg7[%get3A_459] : memref<10000xf32, #tpu.memory_space<vmem>>[vector<16xi32>], vector<16xf32>,
        %mul3A_465 = arith.mulf %gather3A_464, %get3A_463 : vector<16xf32>
        tpu.vector_store_idx %arg11[%get3A_461], %mul3A_465 {add = true} : memref<10000xf32, #tpu.memory_space<vmem>>[vector<16xi32>], vector<16xf32>,
        %gather3A_466 = tpu.vector_load_idx %arg8[%get3A_459] : memref<10000xf32, #tpu.memory_space<vmem>>[vector<16xi32>], vector<16xf32>,
        %mul3A_467 = arith.mulf %gather3A_466, %get3A_463 : vector<16xf32>
        tpu.vector_store_idx %arg12[%get3A_461], %mul3A_467 {add = true} : memref<10000xf32, #tpu.memory_space<vmem>>[vector<16xi32>], vector<16xf32>,
        %gather3A_468 = tpu.vector_load_idx %arg9[%get3A_459] : memref<10000xf32, #tpu.memory_space<vmem>>[vector<16xi32>], vector<16xf32>,
        %mul3A_469 = arith.mulf %gather3A_468, %get3A_463 : vector<16xf32>
        tpu.vector_store_idx %arg13[%get3A_461], %mul3A_469 {add = true} : memref<10000xf32, #tpu.memory_space<vmem>>[vector<16xi32>], vector<16xf32>,
        %gather3A_470 = tpu.vector_load_idx %arg10[%get3A_459] : memref<10000xf32, #tpu.memory_space<vmem>>[vector<16xi32>], vector<16xf32>,
        %mul3A_471 = arith.mulf %gather3A_470, %get3A_463 : vector<16xf32>
        tpu.vector_store_idx %arg14[%get3A_461], %mul3A_471 {add = true} : memref<10000xf32, #tpu.memory_space<vmem>>[vector<16xi32>], vector<16xf32>,
        %scan3A_472 = arith.constant 15 : i32
        %scan3A_473 = arith.addi %scan3A_145, %scan3A_472 : i32
        %mul3A_474 = arith.constant 1 : i32
        %mul3A_475 = arith.muli %scan3A_473, %mul3A_474 : i32
        %add3A_476 = arith.constant 0 : i32
        %add3A_477 = arith.addi %add3A_476, %mul3A_475 : i32
        %mul3A_478 = arith.constant 16 : i32
        %mul3A_479 = arith.muli %add3A_477, %mul3A_478 : i32
        %get3A_480 = arith.index_cast %mul3A_479 : i32 to index
        %get3A_481 = tpu.vector_load %arg15[%get3A_480] {strides = array<i32>} : memref<4096xi32, #tpu.memory_space<vmem>>, vector<16xi32>,
        %get3A_482 = arith.index_cast %mul3A_479 : i32 to index
        %get3A_483 = tpu.vector_load %arg16[%get3A_482] {strides = array<i32>} : memref<4096xi32, #tpu.memory_space<vmem>>, vector<16xi32>,
        %get3A_484 = arith.index_cast %mul3A_479 : i32 to index
        %get3A_485 = tpu.vector_load %arg17[%get3A_484] {strides = array<i32>} : memref<4096xf32, #tpu.memory_space<vmem>>, vector<16xf32>,
        %gather3A_486 = tpu.vector_load_idx %arg7[%get3A_481] : memref<10000xf32, #tpu.memory_space<vmem>>[vector<16xi32>], vector<16xf32>,
        %mul3A_487 = arith.mulf %gather3A_486, %get3A_485 : vector<16xf32>
        tpu.vector_store_idx %arg11[%get3A_483], %mul3A_487 {add = true} : memref<10000xf32, #tpu.memory_space<vmem>>[vector<16xi32>], vector<16xf32>,
        %gather3A_488 = tpu.vector_load_idx %arg8[%get3A_481] : memref<10000xf32, #tpu.memory_space<vmem>>[vector<16xi32>], vector<16xf32>,
        %mul3A_489 = arith.mulf %gather3A_488, %get3A_485 : vector<16xf32>
        tpu.vector_store_idx %arg12[%get3A_483], %mul3A_489 {add = true} : memref<10000xf32, #tpu.memory_space<vmem>>[vector<16xi32>], vector<16xf32>,
        %gather3A_490 = tpu.vector_load_idx %arg9[%get3A_481] : memref<10000xf32, #tpu.memory_space<vmem>>[vector<16xi32>], vector<16xf32>,
        %mul3A_491 = arith.mulf %gather3A_490, %get3A_485 : vector<16xf32>
        tpu.vector_store_idx %arg13[%get3A_483], %mul3A_491 {add = true} : memref<10000xf32, #tpu.memory_space<vmem>>[vector<16xi32>], vector<16xf32>,
        %gather3A_492 = tpu.vector_load_idx %arg10[%get3A_481] : memref<10000xf32, #tpu.memory_space<vmem>>[vector<16xi32>], vector<16xf32>,
        %mul3A_493 = arith.mulf %gather3A_492, %get3A_485 : vector<16xf32>
        tpu.vector_store_idx %arg14[%get3A_483], %mul3A_493 {add = true} : memref<10000xf32, #tpu.memory_space<vmem>>[vector<16xi32>], vector<16xf32>,
      }
      %scan3A_123 = arith.constant 256 : i32
      %dma_wait3A_124 = arith.constant 0 : i32
      %dma_wait3A_125 = tpu.memref_slice %arg3[%dma_wait3A_124] : memref<323584xi32, #tpu.memory_space<hbm>> -> memref<4096xi32, #tpu.memory_space<hbm>>
      %dma_wait3A_126 = arith.constant 0 : i32
      %dma_wait3A_127 = tpu.memref_slice %arg3[%dma_wait3A_126] : memref<323584xi32, #tpu.memory_space<hbm>> -> memref<4096xi32, #tpu.memory_space<hbm>>
      tpu.wait_dma2 semaphore(%arg22 : memref<!tpu.dma_semaphore, #tpu.memory_space<semaphore_mem>>) src(%dma_wait3A_127 : memref<4096xi32, #tpu.memory_space<hbm>>) dst(%arg18 : memref<4096xi32, #tpu.memory_space<vmem>>)
      %dma_wait3A_128 = arith.constant 0 : i32
      %dma_wait3A_129 = tpu.memref_slice %arg4[%dma_wait3A_128] : memref<323584xi32, #tpu.memory_space<hbm>> -> memref<4096xi32, #tpu.memory_space<hbm>>
      %dma_wait3A_130 = arith.constant 0 : i32
      %dma_wait3A_131 = tpu.memref_slice %arg4[%dma_wait3A_130] : memref<323584xi32, #tpu.memory_space<hbm>> -> memref<4096xi32, #tpu.memory_space<hbm>>
      tpu.wait_dma2 semaphore(%arg22 : memref<!tpu.dma_semaphore, #tpu.memory_space<semaphore_mem>>) src(%dma_wait3A_131 : memref<4096xi32, #tpu.memory_space<hbm>>) dst(%arg19 : memref<4096xi32, #tpu.memory_space<vmem>>)
      %dma_wait3A_132 = arith.constant 0 : i32
      %dma_wait3A_133 = tpu.memref_slice %arg5[%dma_wait3A_132] : memref<323584xf32, #tpu.memory_space<hbm>> -> memref<4096xf32, #tpu.memory_space<hbm>>
      %dma_wait3A_134 = arith.constant 0 : i32
      %dma_wait3A_135 = tpu.memref_slice %arg5[%dma_wait3A_134] : memref<323584xf32, #tpu.memory_space<hbm>> -> memref<4096xf32, #tpu.memory_space<hbm>>
      tpu.wait_dma2 semaphore(%arg22 : memref<!tpu.dma_semaphore, #tpu.memory_space<semaphore_mem>>) src(%dma_wait3A_135 : memref<4096xf32, #tpu.memory_space<hbm>>) dst(%arg20 : memref<4096xf32, #tpu.memory_space<vmem>>)
      %add3A_136 = arith.constant 2 : i32
      %add3A_137 = arith.addi %mul3A_92, %add3A_136 : i32
      %lt3A = arith.constant 79 : i32
      %lt3A_138 = arith.cmpi slt, %add3A_137, %lt3A : i32
      %convert_element_type3A = arith.extui %lt3A_138 : i1 to i32
      %cond3A = arith.constant 0 : i32
      %cond3A_139 = arith.cmpi ne, %convert_element_type3A, %cond3A : i32
      scf.if %cond3A_139 {
        %add3A_145 = arith.constant 2 : i32
        %add3A_146 = arith.addi %mul3A_92, %add3A_145 : i32
        %mul3A_147 = arith.constant 4096 : i32
        %mul3A_148 = arith.muli %add3A_146, %mul3A_147 : i32
        %dma_start3A_149 = tpu.memref_slice %arg3[%mul3A_148] : memref<323584xi32, #tpu.memory_space<hbm>> -> memref<4096xi32, #tpu.memory_space<hbm>>
        %dma_start3A_150 = tpu.memref_slice %arg3[%mul3A_148] : memref<323584xi32, #tpu.memory_space<hbm>> -> memref<4096xi32, #tpu.memory_space<hbm>>
        tpu.enqueue_dma source(%dma_start3A_150 : memref<4096xi32, #tpu.memory_space<hbm>>) target(%arg15 : memref<4096xi32, #tpu.memory_space<vmem>>) target_semaphore(%arg21 : memref<!tpu.dma_semaphore, #tpu.memory_space<semaphore_mem>>)
        %mul3A_151 = arith.constant 4096 : i32
        %mul3A_152 = arith.muli %add3A_146, %mul3A_151 : i32
        %dma_start3A_153 = tpu.memref_slice %arg4[%mul3A_152] : memref<323584xi32, #tpu.memory_space<hbm>> -> memref<4096xi32, #tpu.memory_space<hbm>>
        %dma_start3A_154 = tpu.memref_slice %arg4[%mul3A_152] : memref<323584xi32, #tpu.memory_space<hbm>> -> memref<4096xi32, #tpu.memory_space<hbm>>
        tpu.enqueue_dma source(%dma_start3A_154 : memref<4096xi32, #tpu.memory_space<hbm>>) target(%arg16 : memref<4096xi32, #tpu.memory_space<vmem>>) target_semaphore(%arg21 : memref<!tpu.dma_semaphore, #tpu.memory_space<semaphore_mem>>)
        %mul3A_155 = arith.constant 4096 : i32
        %mul3A_156 = arith.muli %add3A_146, %mul3A_155 : i32
        %dma_start3A_157 = tpu.memref_slice %arg5[%mul3A_156] : memref<323584xf32, #tpu.memory_space<hbm>> -> memref<4096xf32, #tpu.memory_space<hbm>>
        %dma_start3A_158 = tpu.memref_slice %arg5[%mul3A_156] : memref<323584xf32, #tpu.memory_space<hbm>> -> memref<4096xf32, #tpu.memory_space<hbm>>
        tpu.enqueue_dma source(%dma_start3A_158 : memref<4096xf32, #tpu.memory_space<hbm>>) target(%arg17 : memref<4096xf32, #tpu.memory_space<vmem>>) target_semaphore(%arg21 : memref<!tpu.dma_semaphore, #tpu.memory_space<semaphore_mem>>)
      } else {
      }
      %scan3A_140 = arith.constant 0 : i32
      %scan3A_141 = arith.constant 256 : i32
      %scan3A_142 = arith.addi %scan3A_140, %scan3A_141 : i32
      %scan3A_143 = arith.constant 16 : i32
      scf.for %scan3A_145 = %scan3A_140 to %scan3A_142 step %scan3A_143  : i32 {
        %mul3A_146 = arith.constant 1 : i32
        %mul3A_147 = arith.muli %scan3A_145, %mul3A_146 : i32
        %add3A_148 = arith.constant 0 : i32
        %add3A_149 = arith.addi %add3A_148, %mul3A_147 : i32
        %mul3A_150 = arith.constant 16 : i32
        %mul3A_151 = arith.muli %add3A_149, %mul3A_150 : i32
        %get3A = arith.index_cast %mul3A_151 : i32 to index
        %get3A_152 = tpu.vector_load %arg18[%get3A] {strides = array<i32>} : memref<4096xi32, #tpu.memory_space<vmem>>, vector<16xi32>,
        %get3A_153 = arith.index_cast %mul3A_151 : i32 to index
        %get3A_154 = tpu.vector_load %arg19[%get3A_153] {strides = array<i32>} : memref<4096xi32, #tpu.memory_space<vmem>>, vector<16xi32>,
        %get3A_155 = arith.index_cast %mul3A_151 : i32 to index
        %get3A_156 = tpu.vector_load %arg20[%get3A_155] {strides = array<i32>} : memref<4096xf32, #tpu.memory_space<vmem>>, vector<16xf32>,
        %gather3A = tpu.vector_load_idx %arg7[%get3A_152] : memref<10000xf32, #tpu.memory_space<vmem>>[vector<16xi32>], vector<16xf32>,
        %mul3A_157 = arith.mulf %gather3A, %get3A_156 : vector<16xf32>
        tpu.vector_store_idx %arg11[%get3A_154], %mul3A_157 {add = true} : memref<10000xf32, #tpu.memory_space<vmem>>[vector<16xi32>], vector<16xf32>,
        %gather3A_158 = tpu.vector_load_idx %arg8[%get3A_152] : memref<10000xf32, #tpu.memory_space<vmem>>[vector<16xi32>], vector<16xf32>,
        %mul3A_159 = arith.mulf %gather3A_158, %get3A_156 : vector<16xf32>
        tpu.vector_store_idx %arg12[%get3A_154], %mul3A_159 {add = true} : memref<10000xf32, #tpu.memory_space<vmem>>[vector<16xi32>], vector<16xf32>,
        %gather3A_160 = tpu.vector_load_idx %arg9[%get3A_152] : memref<10000xf32, #tpu.memory_space<vmem>>[vector<16xi32>], vector<16xf32>,
        %mul3A_161 = arith.mulf %gather3A_160, %get3A_156 : vector<16xf32>
        tpu.vector_store_idx %arg13[%get3A_154], %mul3A_161 {add = true} : memref<10000xf32, #tpu.memory_space<vmem>>[vector<16xi32>], vector<16xf32>,
        %gather3A_162 = tpu.vector_load_idx %arg10[%get3A_152] : memref<10000xf32, #tpu.memory_space<vmem>>[vector<16xi32>], vector<16xf32>,
        %mul3A_163 = arith.mulf %gather3A_162, %get3A_156 : vector<16xf32>
        tpu.vector_store_idx %arg14[%get3A_154], %mul3A_163 {add = true} : memref<10000xf32, #tpu.memory_space<vmem>>[vector<16xi32>], vector<16xf32>,
        %scan3A_164 = arith.constant 1 : i32
        %scan3A_165 = arith.addi %scan3A_145, %scan3A_164 : i32
        %mul3A_166 = arith.constant 1 : i32
        %mul3A_167 = arith.muli %scan3A_165, %mul3A_166 : i32
        %add3A_168 = arith.constant 0 : i32
        %add3A_169 = arith.addi %add3A_168, %mul3A_167 : i32
        %mul3A_170 = arith.constant 16 : i32
        %mul3A_171 = arith.muli %add3A_169, %mul3A_170 : i32
        %get3A_172 = arith.index_cast %mul3A_171 : i32 to index
        %get3A_173 = tpu.vector_load %arg18[%get3A_172] {strides = array<i32>} : memref<4096xi32, #tpu.memory_space<vmem>>, vector<16xi32>,
        %get3A_174 = arith.index_cast %mul3A_171 : i32 to index
        %get3A_175 = tpu.vector_load %arg19[%get3A_174] {strides = array<i32>} : memref<4096xi32, #tpu.memory_space<vmem>>, vector<16xi32>,
        %get3A_176 = arith.index_cast %mul3A_171 : i32 to index
        %get3A_177 = tpu.vector_load %arg20[%get3A_176] {strides = array<i32>} : memref<4096xf32, #tpu.memory_space<vmem>>, vector<16xf32>,
        %gather3A_178 = tpu.vector_load_idx %arg7[%get3A_173] : memref<10000xf32, #tpu.memory_space<vmem>>[vector<16xi32>], vector<16xf32>,
        %mul3A_179 = arith.mulf %gather3A_178, %get3A_177 : vector<16xf32>
        tpu.vector_store_idx %arg11[%get3A_175], %mul3A_179 {add = true} : memref<10000xf32, #tpu.memory_space<vmem>>[vector<16xi32>], vector<16xf32>,
        %gather3A_180 = tpu.vector_load_idx %arg8[%get3A_173] : memref<10000xf32, #tpu.memory_space<vmem>>[vector<16xi32>], vector<16xf32>,
        %mul3A_181 = arith.mulf %gather3A_180, %get3A_177 : vector<16xf32>
        tpu.vector_store_idx %arg12[%get3A_175], %mul3A_181 {add = true} : memref<10000xf32, #tpu.memory_space<vmem>>[vector<16xi32>], vector<16xf32>,
        %gather3A_182 = tpu.vector_load_idx %arg9[%get3A_173] : memref<10000xf32, #tpu.memory_space<vmem>>[vector<16xi32>], vector<16xf32>,
        %mul3A_183 = arith.mulf %gather3A_182, %get3A_177 : vector<16xf32>
        tpu.vector_store_idx %arg13[%get3A_175], %mul3A_183 {add = true} : memref<10000xf32, #tpu.memory_space<vmem>>[vector<16xi32>], vector<16xf32>,
        %gather3A_184 = tpu.vector_load_idx %arg10[%get3A_173] : memref<10000xf32, #tpu.memory_space<vmem>>[vector<16xi32>], vector<16xf32>,
        %mul3A_185 = arith.mulf %gather3A_184, %get3A_177 : vector<16xf32>
        tpu.vector_store_idx %arg14[%get3A_175], %mul3A_185 {add = true} : memref<10000xf32, #tpu.memory_space<vmem>>[vector<16xi32>], vector<16xf32>,
        %scan3A_186 = arith.constant 2 : i32
        %scan3A_187 = arith.addi %scan3A_145, %scan3A_186 : i32
        %mul3A_188 = arith.constant 1 : i32
        %mul3A_189 = arith.muli %scan3A_187, %mul3A_188 : i32
        %add3A_190 = arith.constant 0 : i32
        %add3A_191 = arith.addi %add3A_190, %mul3A_189 : i32
        %mul3A_192 = arith.constant 16 : i32
        %mul3A_193 = arith.muli %add3A_191, %mul3A_192 : i32
        %get3A_194 = arith.index_cast %mul3A_193 : i32 to index
        %get3A_195 = tpu.vector_load %arg18[%get3A_194] {strides = array<i32>} : memref<4096xi32, #tpu.memory_space<vmem>>, vector<16xi32>,
        %get3A_196 = arith.index_cast %mul3A_193 : i32 to index
        %get3A_197 = tpu.vector_load %arg19[%get3A_196] {strides = array<i32>} : memref<4096xi32, #tpu.memory_space<vmem>>, vector<16xi32>,
        %get3A_198 = arith.index_cast %mul3A_193 : i32 to index
        %get3A_199 = tpu.vector_load %arg20[%get3A_198] {strides = array<i32>} : memref<4096xf32, #tpu.memory_space<vmem>>, vector<16xf32>,
        %gather3A_200 = tpu.vector_load_idx %arg7[%get3A_195] : memref<10000xf32, #tpu.memory_space<vmem>>[vector<16xi32>], vector<16xf32>,
        %mul3A_201 = arith.mulf %gather3A_200, %get3A_199 : vector<16xf32>
        tpu.vector_store_idx %arg11[%get3A_197], %mul3A_201 {add = true} : memref<10000xf32, #tpu.memory_space<vmem>>[vector<16xi32>], vector<16xf32>,
        %gather3A_202 = tpu.vector_load_idx %arg8[%get3A_195] : memref<10000xf32, #tpu.memory_space<vmem>>[vector<16xi32>], vector<16xf32>,
        %mul3A_203 = arith.mulf %gather3A_202, %get3A_199 : vector<16xf32>
        tpu.vector_store_idx %arg12[%get3A_197], %mul3A_203 {add = true} : memref<10000xf32, #tpu.memory_space<vmem>>[vector<16xi32>], vector<16xf32>,
        %gather3A_204 = tpu.vector_load_idx %arg9[%get3A_195] : memref<10000xf32, #tpu.memory_space<vmem>>[vector<16xi32>], vector<16xf32>,
        %mul3A_205 = arith.mulf %gather3A_204, %get3A_199 : vector<16xf32>
        tpu.vector_store_idx %arg13[%get3A_197], %mul3A_205 {add = true} : memref<10000xf32, #tpu.memory_space<vmem>>[vector<16xi32>], vector<16xf32>,
        %gather3A_206 = tpu.vector_load_idx %arg10[%get3A_195] : memref<10000xf32, #tpu.memory_space<vmem>>[vector<16xi32>], vector<16xf32>,
        %mul3A_207 = arith.mulf %gather3A_206, %get3A_199 : vector<16xf32>
        tpu.vector_store_idx %arg14[%get3A_197], %mul3A_207 {add = true} : memref<10000xf32, #tpu.memory_space<vmem>>[vector<16xi32>], vector<16xf32>,
        %scan3A_208 = arith.constant 3 : i32
        %scan3A_209 = arith.addi %scan3A_145, %scan3A_208 : i32
        %mul3A_210 = arith.constant 1 : i32
        %mul3A_211 = arith.muli %scan3A_209, %mul3A_210 : i32
        %add3A_212 = arith.constant 0 : i32
        %add3A_213 = arith.addi %add3A_212, %mul3A_211 : i32
        %mul3A_214 = arith.constant 16 : i32
        %mul3A_215 = arith.muli %add3A_213, %mul3A_214 : i32
        %get3A_216 = arith.index_cast %mul3A_215 : i32 to index
        %get3A_217 = tpu.vector_load %arg18[%get3A_216] {strides = array<i32>} : memref<4096xi32, #tpu.memory_space<vmem>>, vector<16xi32>,
        %get3A_218 = arith.index_cast %mul3A_215 : i32 to index
        %get3A_219 = tpu.vector_load %arg19[%get3A_218] {strides = array<i32>} : memref<4096xi32, #tpu.memory_space<vmem>>, vector<16xi32>,
        %get3A_220 = arith.index_cast %mul3A_215 : i32 to index
        %get3A_221 = tpu.vector_load %arg20[%get3A_220] {strides = array<i32>} : memref<4096xf32, #tpu.memory_space<vmem>>, vector<16xf32>,
        %gather3A_222 = tpu.vector_load_idx %arg7[%get3A_217] : memref<10000xf32, #tpu.memory_space<vmem>>[vector<16xi32>], vector<16xf32>,
        %mul3A_223 = arith.mulf %gather3A_222, %get3A_221 : vector<16xf32>
        tpu.vector_store_idx %arg11[%get3A_219], %mul3A_223 {add = true} : memref<10000xf32, #tpu.memory_space<vmem>>[vector<16xi32>], vector<16xf32>,
        %gather3A_224 = tpu.vector_load_idx %arg8[%get3A_217] : memref<10000xf32, #tpu.memory_space<vmem>>[vector<16xi32>], vector<16xf32>,
        %mul3A_225 = arith.mulf %gather3A_224, %get3A_221 : vector<16xf32>
        tpu.vector_store_idx %arg12[%get3A_219], %mul3A_225 {add = true} : memref<10000xf32, #tpu.memory_space<vmem>>[vector<16xi32>], vector<16xf32>,
        %gather3A_226 = tpu.vector_load_idx %arg9[%get3A_217] : memref<10000xf32, #tpu.memory_space<vmem>>[vector<16xi32>], vector<16xf32>,
        %mul3A_227 = arith.mulf %gather3A_226, %get3A_221 : vector<16xf32>
        tpu.vector_store_idx %arg13[%get3A_219], %mul3A_227 {add = true} : memref<10000xf32, #tpu.memory_space<vmem>>[vector<16xi32>], vector<16xf32>,
        %gather3A_228 = tpu.vector_load_idx %arg10[%get3A_217] : memref<10000xf32, #tpu.memory_space<vmem>>[vector<16xi32>], vector<16xf32>,
        %mul3A_229 = arith.mulf %gather3A_228, %get3A_221 : vector<16xf32>
        tpu.vector_store_idx %arg14[%get3A_219], %mul3A_229 {add = true} : memref<10000xf32, #tpu.memory_space<vmem>>[vector<16xi32>], vector<16xf32>,
        %scan3A_230 = arith.constant 4 : i32
        %scan3A_231 = arith.addi %scan3A_145, %scan3A_230 : i32
        %mul3A_232 = arith.constant 1 : i32
        %mul3A_233 = arith.muli %scan3A_231, %mul3A_232 : i32
        %add3A_234 = arith.constant 0 : i32
        %add3A_235 = arith.addi %add3A_234, %mul3A_233 : i32
        %mul3A_236 = arith.constant 16 : i32
        %mul3A_237 = arith.muli %add3A_235, %mul3A_236 : i32
        %get3A_238 = arith.index_cast %mul3A_237 : i32 to index
        %get3A_239 = tpu.vector_load %arg18[%get3A_238] {strides = array<i32>} : memref<4096xi32, #tpu.memory_space<vmem>>, vector<16xi32>,
        %get3A_240 = arith.index_cast %mul3A_237 : i32 to index
        %get3A_241 = tpu.vector_load %arg19[%get3A_240] {strides = array<i32>} : memref<4096xi32, #tpu.memory_space<vmem>>, vector<16xi32>,
        %get3A_242 = arith.index_cast %mul3A_237 : i32 to index
        %get3A_243 = tpu.vector_load %arg20[%get3A_242] {strides = array<i32>} : memref<4096xf32, #tpu.memory_space<vmem>>, vector<16xf32>,
        %gather3A_244 = tpu.vector_load_idx %arg7[%get3A_239] : memref<10000xf32, #tpu.memory_space<vmem>>[vector<16xi32>], vector<16xf32>,
        %mul3A_245 = arith.mulf %gather3A_244, %get3A_243 : vector<16xf32>
        tpu.vector_store_idx %arg11[%get3A_241], %mul3A_245 {add = true} : memref<10000xf32, #tpu.memory_space<vmem>>[vector<16xi32>], vector<16xf32>,
        %gather3A_246 = tpu.vector_load_idx %arg8[%get3A_239] : memref<10000xf32, #tpu.memory_space<vmem>>[vector<16xi32>], vector<16xf32>,
        %mul3A_247 = arith.mulf %gather3A_246, %get3A_243 : vector<16xf32>
        tpu.vector_store_idx %arg12[%get3A_241], %mul3A_247 {add = true} : memref<10000xf32, #tpu.memory_space<vmem>>[vector<16xi32>], vector<16xf32>,
        %gather3A_248 = tpu.vector_load_idx %arg9[%get3A_239] : memref<10000xf32, #tpu.memory_space<vmem>>[vector<16xi32>], vector<16xf32>,
        %mul3A_249 = arith.mulf %gather3A_248, %get3A_243 : vector<16xf32>
        tpu.vector_store_idx %arg13[%get3A_241], %mul3A_249 {add = true} : memref<10000xf32, #tpu.memory_space<vmem>>[vector<16xi32>], vector<16xf32>,
        %gather3A_250 = tpu.vector_load_idx %arg10[%get3A_239] : memref<10000xf32, #tpu.memory_space<vmem>>[vector<16xi32>], vector<16xf32>,
        %mul3A_251 = arith.mulf %gather3A_250, %get3A_243 : vector<16xf32>
        tpu.vector_store_idx %arg14[%get3A_241], %mul3A_251 {add = true} : memref<10000xf32, #tpu.memory_space<vmem>>[vector<16xi32>], vector<16xf32>,
        %scan3A_252 = arith.constant 5 : i32
        %scan3A_253 = arith.addi %scan3A_145, %scan3A_252 : i32
        %mul3A_254 = arith.constant 1 : i32
        %mul3A_255 = arith.muli %scan3A_253, %mul3A_254 : i32
        %add3A_256 = arith.constant 0 : i32
        %add3A_257 = arith.addi %add3A_256, %mul3A_255 : i32
        %mul3A_258 = arith.constant 16 : i32
        %mul3A_259 = arith.muli %add3A_257, %mul3A_258 : i32
        %get3A_260 = arith.index_cast %mul3A_259 : i32 to index
        %get3A_261 = tpu.vector_load %arg18[%get3A_260] {strides = array<i32>} : memref<4096xi32, #tpu.memory_space<vmem>>, vector<16xi32>,
        %get3A_262 = arith.index_cast %mul3A_259 : i32 to index
        %get3A_263 = tpu.vector_load %arg19[%get3A_262] {strides = array<i32>} : memref<4096xi32, #tpu.memory_space<vmem>>, vector<16xi32>,
        %get3A_264 = arith.index_cast %mul3A_259 : i32 to index
        %get3A_265 = tpu.vector_load %arg20[%get3A_264] {strides = array<i32>} : memref<4096xf32, #tpu.memory_space<vmem>>, vector<16xf32>,
        %gather3A_266 = tpu.vector_load_idx %arg7[%get3A_261] : memref<10000xf32, #tpu.memory_space<vmem>>[vector<16xi32>], vector<16xf32>,
        %mul3A_267 = arith.mulf %gather3A_266, %get3A_265 : vector<16xf32>
        tpu.vector_store_idx %arg11[%get3A_263], %mul3A_267 {add = true} : memref<10000xf32, #tpu.memory_space<vmem>>[vector<16xi32>], vector<16xf32>,
        %gather3A_268 = tpu.vector_load_idx %arg8[%get3A_261] : memref<10000xf32, #tpu.memory_space<vmem>>[vector<16xi32>], vector<16xf32>,
        %mul3A_269 = arith.mulf %gather3A_268, %get3A_265 : vector<16xf32>
        tpu.vector_store_idx %arg12[%get3A_263], %mul3A_269 {add = true} : memref<10000xf32, #tpu.memory_space<vmem>>[vector<16xi32>], vector<16xf32>,
        %gather3A_270 = tpu.vector_load_idx %arg9[%get3A_261] : memref<10000xf32, #tpu.memory_space<vmem>>[vector<16xi32>], vector<16xf32>,
        %mul3A_271 = arith.mulf %gather3A_270, %get3A_265 : vector<16xf32>
        tpu.vector_store_idx %arg13[%get3A_263], %mul3A_271 {add = true} : memref<10000xf32, #tpu.memory_space<vmem>>[vector<16xi32>], vector<16xf32>,
        %gather3A_272 = tpu.vector_load_idx %arg10[%get3A_261] : memref<10000xf32, #tpu.memory_space<vmem>>[vector<16xi32>], vector<16xf32>,
        %mul3A_273 = arith.mulf %gather3A_272, %get3A_265 : vector<16xf32>
        tpu.vector_store_idx %arg14[%get3A_263], %mul3A_273 {add = true} : memref<10000xf32, #tpu.memory_space<vmem>>[vector<16xi32>], vector<16xf32>,
        %scan3A_274 = arith.constant 6 : i32
        %scan3A_275 = arith.addi %scan3A_145, %scan3A_274 : i32
        %mul3A_276 = arith.constant 1 : i32
        %mul3A_277 = arith.muli %scan3A_275, %mul3A_276 : i32
        %add3A_278 = arith.constant 0 : i32
        %add3A_279 = arith.addi %add3A_278, %mul3A_277 : i32
        %mul3A_280 = arith.constant 16 : i32
        %mul3A_281 = arith.muli %add3A_279, %mul3A_280 : i32
        %get3A_282 = arith.index_cast %mul3A_281 : i32 to index
        %get3A_283 = tpu.vector_load %arg18[%get3A_282] {strides = array<i32>} : memref<4096xi32, #tpu.memory_space<vmem>>, vector<16xi32>,
        %get3A_284 = arith.index_cast %mul3A_281 : i32 to index
        %get3A_285 = tpu.vector_load %arg19[%get3A_284] {strides = array<i32>} : memref<4096xi32, #tpu.memory_space<vmem>>, vector<16xi32>,
        %get3A_286 = arith.index_cast %mul3A_281 : i32 to index
        %get3A_287 = tpu.vector_load %arg20[%get3A_286] {strides = array<i32>} : memref<4096xf32, #tpu.memory_space<vmem>>, vector<16xf32>,
        %gather3A_288 = tpu.vector_load_idx %arg7[%get3A_283] : memref<10000xf32, #tpu.memory_space<vmem>>[vector<16xi32>], vector<16xf32>,
        %mul3A_289 = arith.mulf %gather3A_288, %get3A_287 : vector<16xf32>
        tpu.vector_store_idx %arg11[%get3A_285], %mul3A_289 {add = true} : memref<10000xf32, #tpu.memory_space<vmem>>[vector<16xi32>], vector<16xf32>,
        %gather3A_290 = tpu.vector_load_idx %arg8[%get3A_283] : memref<10000xf32, #tpu.memory_space<vmem>>[vector<16xi32>], vector<16xf32>,
        %mul3A_291 = arith.mulf %gather3A_290, %get3A_287 : vector<16xf32>
        tpu.vector_store_idx %arg12[%get3A_285], %mul3A_291 {add = true} : memref<10000xf32, #tpu.memory_space<vmem>>[vector<16xi32>], vector<16xf32>,
        %gather3A_292 = tpu.vector_load_idx %arg9[%get3A_283] : memref<10000xf32, #tpu.memory_space<vmem>>[vector<16xi32>], vector<16xf32>,
        %mul3A_293 = arith.mulf %gather3A_292, %get3A_287 : vector<16xf32>
        tpu.vector_store_idx %arg13[%get3A_285], %mul3A_293 {add = true} : memref<10000xf32, #tpu.memory_space<vmem>>[vector<16xi32>], vector<16xf32>,
        %gather3A_294 = tpu.vector_load_idx %arg10[%get3A_283] : memref<10000xf32, #tpu.memory_space<vmem>>[vector<16xi32>], vector<16xf32>,
        %mul3A_295 = arith.mulf %gather3A_294, %get3A_287 : vector<16xf32>
        tpu.vector_store_idx %arg14[%get3A_285], %mul3A_295 {add = true} : memref<10000xf32, #tpu.memory_space<vmem>>[vector<16xi32>], vector<16xf32>,
        %scan3A_296 = arith.constant 7 : i32
        %scan3A_297 = arith.addi %scan3A_145, %scan3A_296 : i32
        %mul3A_298 = arith.constant 1 : i32
        %mul3A_299 = arith.muli %scan3A_297, %mul3A_298 : i32
        %add3A_300 = arith.constant 0 : i32
        %add3A_301 = arith.addi %add3A_300, %mul3A_299 : i32
        %mul3A_302 = arith.constant 16 : i32
        %mul3A_303 = arith.muli %add3A_301, %mul3A_302 : i32
        %get3A_304 = arith.index_cast %mul3A_303 : i32 to index
        %get3A_305 = tpu.vector_load %arg18[%get3A_304] {strides = array<i32>} : memref<4096xi32, #tpu.memory_space<vmem>>, vector<16xi32>,
        %get3A_306 = arith.index_cast %mul3A_303 : i32 to index
        %get3A_307 = tpu.vector_load %arg19[%get3A_306] {strides = array<i32>} : memref<4096xi32, #tpu.memory_space<vmem>>, vector<16xi32>,
        %get3A_308 = arith.index_cast %mul3A_303 : i32 to index
        %get3A_309 = tpu.vector_load %arg20[%get3A_308] {strides = array<i32>} : memref<4096xf32, #tpu.memory_space<vmem>>, vector<16xf32>,
        %gather3A_310 = tpu.vector_load_idx %arg7[%get3A_305] : memref<10000xf32, #tpu.memory_space<vmem>>[vector<16xi32>], vector<16xf32>,
        %mul3A_311 = arith.mulf %gather3A_310, %get3A_309 : vector<16xf32>
        tpu.vector_store_idx %arg11[%get3A_307], %mul3A_311 {add = true} : memref<10000xf32, #tpu.memory_space<vmem>>[vector<16xi32>], vector<16xf32>,
        %gather3A_312 = tpu.vector_load_idx %arg8[%get3A_305] : memref<10000xf32, #tpu.memory_space<vmem>>[vector<16xi32>], vector<16xf32>,
        %mul3A_313 = arith.mulf %gather3A_312, %get3A_309 : vector<16xf32>
        tpu.vector_store_idx %arg12[%get3A_307], %mul3A_313 {add = true} : memref<10000xf32, #tpu.memory_space<vmem>>[vector<16xi32>], vector<16xf32>,
        %gather3A_314 = tpu.vector_load_idx %arg9[%get3A_305] : memref<10000xf32, #tpu.memory_space<vmem>>[vector<16xi32>], vector<16xf32>,
        %mul3A_315 = arith.mulf %gather3A_314, %get3A_309 : vector<16xf32>
        tpu.vector_store_idx %arg13[%get3A_307], %mul3A_315 {add = true} : memref<10000xf32, #tpu.memory_space<vmem>>[vector<16xi32>], vector<16xf32>,
        %gather3A_316 = tpu.vector_load_idx %arg10[%get3A_305] : memref<10000xf32, #tpu.memory_space<vmem>>[vector<16xi32>], vector<16xf32>,
        %mul3A_317 = arith.mulf %gather3A_316, %get3A_309 : vector<16xf32>
        tpu.vector_store_idx %arg14[%get3A_307], %mul3A_317 {add = true} : memref<10000xf32, #tpu.memory_space<vmem>>[vector<16xi32>], vector<16xf32>,
        %scan3A_318 = arith.constant 8 : i32
        %scan3A_319 = arith.addi %scan3A_145, %scan3A_318 : i32
        %mul3A_320 = arith.constant 1 : i32
        %mul3A_321 = arith.muli %scan3A_319, %mul3A_320 : i32
        %add3A_322 = arith.constant 0 : i32
        %add3A_323 = arith.addi %add3A_322, %mul3A_321 : i32
        %mul3A_324 = arith.constant 16 : i32
        %mul3A_325 = arith.muli %add3A_323, %mul3A_324 : i32
        %get3A_326 = arith.index_cast %mul3A_325 : i32 to index
        %get3A_327 = tpu.vector_load %arg18[%get3A_326] {strides = array<i32>} : memref<4096xi32, #tpu.memory_space<vmem>>, vector<16xi32>,
        %get3A_328 = arith.index_cast %mul3A_325 : i32 to index
        %get3A_329 = tpu.vector_load %arg19[%get3A_328] {strides = array<i32>} : memref<4096xi32, #tpu.memory_space<vmem>>, vector<16xi32>,
        %get3A_330 = arith.index_cast %mul3A_325 : i32 to index
        %get3A_331 = tpu.vector_load %arg20[%get3A_330] {strides = array<i32>} : memref<4096xf32, #tpu.memory_space<vmem>>, vector<16xf32>,
        %gather3A_332 = tpu.vector_load_idx %arg7[%get3A_327] : memref<10000xf32, #tpu.memory_space<vmem>>[vector<16xi32>], vector<16xf32>,
        %mul3A_333 = arith.mulf %gather3A_332, %get3A_331 : vector<16xf32>
        tpu.vector_store_idx %arg11[%get3A_329], %mul3A_333 {add = true} : memref<10000xf32, #tpu.memory_space<vmem>>[vector<16xi32>], vector<16xf32>,
        %gather3A_334 = tpu.vector_load_idx %arg8[%get3A_327] : memref<10000xf32, #tpu.memory_space<vmem>>[vector<16xi32>], vector<16xf32>,
        %mul3A_335 = arith.mulf %gather3A_334, %get3A_331 : vector<16xf32>
        tpu.vector_store_idx %arg12[%get3A_329], %mul3A_335 {add = true} : memref<10000xf32, #tpu.memory_space<vmem>>[vector<16xi32>], vector<16xf32>,
        %gather3A_336 = tpu.vector_load_idx %arg9[%get3A_327] : memref<10000xf32, #tpu.memory_space<vmem>>[vector<16xi32>], vector<16xf32>,
        %mul3A_337 = arith.mulf %gather3A_336, %get3A_331 : vector<16xf32>
        tpu.vector_store_idx %arg13[%get3A_329], %mul3A_337 {add = true} : memref<10000xf32, #tpu.memory_space<vmem>>[vector<16xi32>], vector<16xf32>,
        %gather3A_338 = tpu.vector_load_idx %arg10[%get3A_327] : memref<10000xf32, #tpu.memory_space<vmem>>[vector<16xi32>], vector<16xf32>,
        %mul3A_339 = arith.mulf %gather3A_338, %get3A_331 : vector<16xf32>
        tpu.vector_store_idx %arg14[%get3A_329], %mul3A_339 {add = true} : memref<10000xf32, #tpu.memory_space<vmem>>[vector<16xi32>], vector<16xf32>,
        %scan3A_340 = arith.constant 9 : i32
        %scan3A_341 = arith.addi %scan3A_145, %scan3A_340 : i32
        %mul3A_342 = arith.constant 1 : i32
        %mul3A_343 = arith.muli %scan3A_341, %mul3A_342 : i32
        %add3A_344 = arith.constant 0 : i32
        %add3A_345 = arith.addi %add3A_344, %mul3A_343 : i32
        %mul3A_346 = arith.constant 16 : i32
        %mul3A_347 = arith.muli %add3A_345, %mul3A_346 : i32
        %get3A_348 = arith.index_cast %mul3A_347 : i32 to index
        %get3A_349 = tpu.vector_load %arg18[%get3A_348] {strides = array<i32>} : memref<4096xi32, #tpu.memory_space<vmem>>, vector<16xi32>,
        %get3A_350 = arith.index_cast %mul3A_347 : i32 to index
        %get3A_351 = tpu.vector_load %arg19[%get3A_350] {strides = array<i32>} : memref<4096xi32, #tpu.memory_space<vmem>>, vector<16xi32>,
        %get3A_352 = arith.index_cast %mul3A_347 : i32 to index
        %get3A_353 = tpu.vector_load %arg20[%get3A_352] {strides = array<i32>} : memref<4096xf32, #tpu.memory_space<vmem>>, vector<16xf32>,
        %gather3A_354 = tpu.vector_load_idx %arg7[%get3A_349] : memref<10000xf32, #tpu.memory_space<vmem>>[vector<16xi32>], vector<16xf32>,
        %mul3A_355 = arith.mulf %gather3A_354, %get3A_353 : vector<16xf32>
        tpu.vector_store_idx %arg11[%get3A_351], %mul3A_355 {add = true} : memref<10000xf32, #tpu.memory_space<vmem>>[vector<16xi32>], vector<16xf32>,
        %gather3A_356 = tpu.vector_load_idx %arg8[%get3A_349] : memref<10000xf32, #tpu.memory_space<vmem>>[vector<16xi32>], vector<16xf32>,
        %mul3A_357 = arith.mulf %gather3A_356, %get3A_353 : vector<16xf32>
        tpu.vector_store_idx %arg12[%get3A_351], %mul3A_357 {add = true} : memref<10000xf32, #tpu.memory_space<vmem>>[vector<16xi32>], vector<16xf32>,
        %gather3A_358 = tpu.vector_load_idx %arg9[%get3A_349] : memref<10000xf32, #tpu.memory_space<vmem>>[vector<16xi32>], vector<16xf32>,
        %mul3A_359 = arith.mulf %gather3A_358, %get3A_353 : vector<16xf32>
        tpu.vector_store_idx %arg13[%get3A_351], %mul3A_359 {add = true} : memref<10000xf32, #tpu.memory_space<vmem>>[vector<16xi32>], vector<16xf32>,
        %gather3A_360 = tpu.vector_load_idx %arg10[%get3A_349] : memref<10000xf32, #tpu.memory_space<vmem>>[vector<16xi32>], vector<16xf32>,
        %mul3A_361 = arith.mulf %gather3A_360, %get3A_353 : vector<16xf32>
        tpu.vector_store_idx %arg14[%get3A_351], %mul3A_361 {add = true} : memref<10000xf32, #tpu.memory_space<vmem>>[vector<16xi32>], vector<16xf32>,
        %scan3A_362 = arith.constant 10 : i32
        %scan3A_363 = arith.addi %scan3A_145, %scan3A_362 : i32
        %mul3A_364 = arith.constant 1 : i32
        %mul3A_365 = arith.muli %scan3A_363, %mul3A_364 : i32
        %add3A_366 = arith.constant 0 : i32
        %add3A_367 = arith.addi %add3A_366, %mul3A_365 : i32
        %mul3A_368 = arith.constant 16 : i32
        %mul3A_369 = arith.muli %add3A_367, %mul3A_368 : i32
        %get3A_370 = arith.index_cast %mul3A_369 : i32 to index
        %get3A_371 = tpu.vector_load %arg18[%get3A_370] {strides = array<i32>} : memref<4096xi32, #tpu.memory_space<vmem>>, vector<16xi32>,
        %get3A_372 = arith.index_cast %mul3A_369 : i32 to index
        %get3A_373 = tpu.vector_load %arg19[%get3A_372] {strides = array<i32>} : memref<4096xi32, #tpu.memory_space<vmem>>, vector<16xi32>,
        %get3A_374 = arith.index_cast %mul3A_369 : i32 to index
        %get3A_375 = tpu.vector_load %arg20[%get3A_374] {strides = array<i32>} : memref<4096xf32, #tpu.memory_space<vmem>>, vector<16xf32>,
        %gather3A_376 = tpu.vector_load_idx %arg7[%get3A_371] : memref<10000xf32, #tpu.memory_space<vmem>>[vector<16xi32>], vector<16xf32>,
        %mul3A_377 = arith.mulf %gather3A_376, %get3A_375 : vector<16xf32>
        tpu.vector_store_idx %arg11[%get3A_373], %mul3A_377 {add = true} : memref<10000xf32, #tpu.memory_space<vmem>>[vector<16xi32>], vector<16xf32>,
        %gather3A_378 = tpu.vector_load_idx %arg8[%get3A_371] : memref<10000xf32, #tpu.memory_space<vmem>>[vector<16xi32>], vector<16xf32>,
        %mul3A_379 = arith.mulf %gather3A_378, %get3A_375 : vector<16xf32>
        tpu.vector_store_idx %arg12[%get3A_373], %mul3A_379 {add = true} : memref<10000xf32, #tpu.memory_space<vmem>>[vector<16xi32>], vector<16xf32>,
        %gather3A_380 = tpu.vector_load_idx %arg9[%get3A_371] : memref<10000xf32, #tpu.memory_space<vmem>>[vector<16xi32>], vector<16xf32>,
        %mul3A_381 = arith.mulf %gather3A_380, %get3A_375 : vector<16xf32>
        tpu.vector_store_idx %arg13[%get3A_373], %mul3A_381 {add = true} : memref<10000xf32, #tpu.memory_space<vmem>>[vector<16xi32>], vector<16xf32>,
        %gather3A_382 = tpu.vector_load_idx %arg10[%get3A_371] : memref<10000xf32, #tpu.memory_space<vmem>>[vector<16xi32>], vector<16xf32>,
        %mul3A_383 = arith.mulf %gather3A_382, %get3A_375 : vector<16xf32>
        tpu.vector_store_idx %arg14[%get3A_373], %mul3A_383 {add = true} : memref<10000xf32, #tpu.memory_space<vmem>>[vector<16xi32>], vector<16xf32>,
        %scan3A_384 = arith.constant 11 : i32
        %scan3A_385 = arith.addi %scan3A_145, %scan3A_384 : i32
        %mul3A_386 = arith.constant 1 : i32
        %mul3A_387 = arith.muli %scan3A_385, %mul3A_386 : i32
        %add3A_388 = arith.constant 0 : i32
        %add3A_389 = arith.addi %add3A_388, %mul3A_387 : i32
        %mul3A_390 = arith.constant 16 : i32
        %mul3A_391 = arith.muli %add3A_389, %mul3A_390 : i32
        %get3A_392 = arith.index_cast %mul3A_391 : i32 to index
        %get3A_393 = tpu.vector_load %arg18[%get3A_392] {strides = array<i32>} : memref<4096xi32, #tpu.memory_space<vmem>>, vector<16xi32>,
        %get3A_394 = arith.index_cast %mul3A_391 : i32 to index
        %get3A_395 = tpu.vector_load %arg19[%get3A_394] {strides = array<i32>} : memref<4096xi32, #tpu.memory_space<vmem>>, vector<16xi32>,
        %get3A_396 = arith.index_cast %mul3A_391 : i32 to index
        %get3A_397 = tpu.vector_load %arg20[%get3A_396] {strides = array<i32>} : memref<4096xf32, #tpu.memory_space<vmem>>, vector<16xf32>,
        %gather3A_398 = tpu.vector_load_idx %arg7[%get3A_393] : memref<10000xf32, #tpu.memory_space<vmem>>[vector<16xi32>], vector<16xf32>,
        %mul3A_399 = arith.mulf %gather3A_398, %get3A_397 : vector<16xf32>
        tpu.vector_store_idx %arg11[%get3A_395], %mul3A_399 {add = true} : memref<10000xf32, #tpu.memory_space<vmem>>[vector<16xi32>], vector<16xf32>,
        %gather3A_400 = tpu.vector_load_idx %arg8[%get3A_393] : memref<10000xf32, #tpu.memory_space<vmem>>[vector<16xi32>], vector<16xf32>,
        %mul3A_401 = arith.mulf %gather3A_400, %get3A_397 : vector<16xf32>
        tpu.vector_store_idx %arg12[%get3A_395], %mul3A_401 {add = true} : memref<10000xf32, #tpu.memory_space<vmem>>[vector<16xi32>], vector<16xf32>,
        %gather3A_402 = tpu.vector_load_idx %arg9[%get3A_393] : memref<10000xf32, #tpu.memory_space<vmem>>[vector<16xi32>], vector<16xf32>,
        %mul3A_403 = arith.mulf %gather3A_402, %get3A_397 : vector<16xf32>
        tpu.vector_store_idx %arg13[%get3A_395], %mul3A_403 {add = true} : memref<10000xf32, #tpu.memory_space<vmem>>[vector<16xi32>], vector<16xf32>,
        %gather3A_404 = tpu.vector_load_idx %arg10[%get3A_393] : memref<10000xf32, #tpu.memory_space<vmem>>[vector<16xi32>], vector<16xf32>,
        %mul3A_405 = arith.mulf %gather3A_404, %get3A_397 : vector<16xf32>
        tpu.vector_store_idx %arg14[%get3A_395], %mul3A_405 {add = true} : memref<10000xf32, #tpu.memory_space<vmem>>[vector<16xi32>], vector<16xf32>,
        %scan3A_406 = arith.constant 12 : i32
        %scan3A_407 = arith.addi %scan3A_145, %scan3A_406 : i32
        %mul3A_408 = arith.constant 1 : i32
        %mul3A_409 = arith.muli %scan3A_407, %mul3A_408 : i32
        %add3A_410 = arith.constant 0 : i32
        %add3A_411 = arith.addi %add3A_410, %mul3A_409 : i32
        %mul3A_412 = arith.constant 16 : i32
        %mul3A_413 = arith.muli %add3A_411, %mul3A_412 : i32
        %get3A_414 = arith.index_cast %mul3A_413 : i32 to index
        %get3A_415 = tpu.vector_load %arg18[%get3A_414] {strides = array<i32>} : memref<4096xi32, #tpu.memory_space<vmem>>, vector<16xi32>,
        %get3A_416 = arith.index_cast %mul3A_413 : i32 to index
        %get3A_417 = tpu.vector_load %arg19[%get3A_416] {strides = array<i32>} : memref<4096xi32, #tpu.memory_space<vmem>>, vector<16xi32>,
        %get3A_418 = arith.index_cast %mul3A_413 : i32 to index
        %get3A_419 = tpu.vector_load %arg20[%get3A_418] {strides = array<i32>} : memref<4096xf32, #tpu.memory_space<vmem>>, vector<16xf32>,
        %gather3A_420 = tpu.vector_load_idx %arg7[%get3A_415] : memref<10000xf32, #tpu.memory_space<vmem>>[vector<16xi32>], vector<16xf32>,
        %mul3A_421 = arith.mulf %gather3A_420, %get3A_419 : vector<16xf32>
        tpu.vector_store_idx %arg11[%get3A_417], %mul3A_421 {add = true} : memref<10000xf32, #tpu.memory_space<vmem>>[vector<16xi32>], vector<16xf32>,
        %gather3A_422 = tpu.vector_load_idx %arg8[%get3A_415] : memref<10000xf32, #tpu.memory_space<vmem>>[vector<16xi32>], vector<16xf32>,
        %mul3A_423 = arith.mulf %gather3A_422, %get3A_419 : vector<16xf32>
        tpu.vector_store_idx %arg12[%get3A_417], %mul3A_423 {add = true} : memref<10000xf32, #tpu.memory_space<vmem>>[vector<16xi32>], vector<16xf32>,
        %gather3A_424 = tpu.vector_load_idx %arg9[%get3A_415] : memref<10000xf32, #tpu.memory_space<vmem>>[vector<16xi32>], vector<16xf32>,
        %mul3A_425 = arith.mulf %gather3A_424, %get3A_419 : vector<16xf32>
        tpu.vector_store_idx %arg13[%get3A_417], %mul3A_425 {add = true} : memref<10000xf32, #tpu.memory_space<vmem>>[vector<16xi32>], vector<16xf32>,
        %gather3A_426 = tpu.vector_load_idx %arg10[%get3A_415] : memref<10000xf32, #tpu.memory_space<vmem>>[vector<16xi32>], vector<16xf32>,
        %mul3A_427 = arith.mulf %gather3A_426, %get3A_419 : vector<16xf32>
        tpu.vector_store_idx %arg14[%get3A_417], %mul3A_427 {add = true} : memref<10000xf32, #tpu.memory_space<vmem>>[vector<16xi32>], vector<16xf32>,
        %scan3A_428 = arith.constant 13 : i32
        %scan3A_429 = arith.addi %scan3A_145, %scan3A_428 : i32
        %mul3A_430 = arith.constant 1 : i32
        %mul3A_431 = arith.muli %scan3A_429, %mul3A_430 : i32
        %add3A_432 = arith.constant 0 : i32
        %add3A_433 = arith.addi %add3A_432, %mul3A_431 : i32
        %mul3A_434 = arith.constant 16 : i32
        %mul3A_435 = arith.muli %add3A_433, %mul3A_434 : i32
        %get3A_436 = arith.index_cast %mul3A_435 : i32 to index
        %get3A_437 = tpu.vector_load %arg18[%get3A_436] {strides = array<i32>} : memref<4096xi32, #tpu.memory_space<vmem>>, vector<16xi32>,
        %get3A_438 = arith.index_cast %mul3A_435 : i32 to index
        %get3A_439 = tpu.vector_load %arg19[%get3A_438] {strides = array<i32>} : memref<4096xi32, #tpu.memory_space<vmem>>, vector<16xi32>,
        %get3A_440 = arith.index_cast %mul3A_435 : i32 to index
        %get3A_441 = tpu.vector_load %arg20[%get3A_440] {strides = array<i32>} : memref<4096xf32, #tpu.memory_space<vmem>>, vector<16xf32>,
        %gather3A_442 = tpu.vector_load_idx %arg7[%get3A_437] : memref<10000xf32, #tpu.memory_space<vmem>>[vector<16xi32>], vector<16xf32>,
        %mul3A_443 = arith.mulf %gather3A_442, %get3A_441 : vector<16xf32>
        tpu.vector_store_idx %arg11[%get3A_439], %mul3A_443 {add = true} : memref<10000xf32, #tpu.memory_space<vmem>>[vector<16xi32>], vector<16xf32>,
        %gather3A_444 = tpu.vector_load_idx %arg8[%get3A_437] : memref<10000xf32, #tpu.memory_space<vmem>>[vector<16xi32>], vector<16xf32>,
        %mul3A_445 = arith.mulf %gather3A_444, %get3A_441 : vector<16xf32>
        tpu.vector_store_idx %arg12[%get3A_439], %mul3A_445 {add = true} : memref<10000xf32, #tpu.memory_space<vmem>>[vector<16xi32>], vector<16xf32>,
        %gather3A_446 = tpu.vector_load_idx %arg9[%get3A_437] : memref<10000xf32, #tpu.memory_space<vmem>>[vector<16xi32>], vector<16xf32>,
        %mul3A_447 = arith.mulf %gather3A_446, %get3A_441 : vector<16xf32>
        tpu.vector_store_idx %arg13[%get3A_439], %mul3A_447 {add = true} : memref<10000xf32, #tpu.memory_space<vmem>>[vector<16xi32>], vector<16xf32>,
        %gather3A_448 = tpu.vector_load_idx %arg10[%get3A_437] : memref<10000xf32, #tpu.memory_space<vmem>>[vector<16xi32>], vector<16xf32>,
        %mul3A_449 = arith.mulf %gather3A_448, %get3A_441 : vector<16xf32>
        tpu.vector_store_idx %arg14[%get3A_439], %mul3A_449 {add = true} : memref<10000xf32, #tpu.memory_space<vmem>>[vector<16xi32>], vector<16xf32>,
        %scan3A_450 = arith.constant 14 : i32
        %scan3A_451 = arith.addi %scan3A_145, %scan3A_450 : i32
        %mul3A_452 = arith.constant 1 : i32
        %mul3A_453 = arith.muli %scan3A_451, %mul3A_452 : i32
        %add3A_454 = arith.constant 0 : i32
        %add3A_455 = arith.addi %add3A_454, %mul3A_453 : i32
        %mul3A_456 = arith.constant 16 : i32
        %mul3A_457 = arith.muli %add3A_455, %mul3A_456 : i32
        %get3A_458 = arith.index_cast %mul3A_457 : i32 to index
        %get3A_459 = tpu.vector_load %arg18[%get3A_458] {strides = array<i32>} : memref<4096xi32, #tpu.memory_space<vmem>>, vector<16xi32>,
        %get3A_460 = arith.index_cast %mul3A_457 : i32 to index
        %get3A_461 = tpu.vector_load %arg19[%get3A_460] {strides = array<i32>} : memref<4096xi32, #tpu.memory_space<vmem>>, vector<16xi32>,
        %get3A_462 = arith.index_cast %mul3A_457 : i32 to index
        %get3A_463 = tpu.vector_load %arg20[%get3A_462] {strides = array<i32>} : memref<4096xf32, #tpu.memory_space<vmem>>, vector<16xf32>,
        %gather3A_464 = tpu.vector_load_idx %arg7[%get3A_459] : memref<10000xf32, #tpu.memory_space<vmem>>[vector<16xi32>], vector<16xf32>,
        %mul3A_465 = arith.mulf %gather3A_464, %get3A_463 : vector<16xf32>
        tpu.vector_store_idx %arg11[%get3A_461], %mul3A_465 {add = true} : memref<10000xf32, #tpu.memory_space<vmem>>[vector<16xi32>], vector<16xf32>,
        %gather3A_466 = tpu.vector_load_idx %arg8[%get3A_459] : memref<10000xf32, #tpu.memory_space<vmem>>[vector<16xi32>], vector<16xf32>,
        %mul3A_467 = arith.mulf %gather3A_466, %get3A_463 : vector<16xf32>
        tpu.vector_store_idx %arg12[%get3A_461], %mul3A_467 {add = true} : memref<10000xf32, #tpu.memory_space<vmem>>[vector<16xi32>], vector<16xf32>,
        %gather3A_468 = tpu.vector_load_idx %arg9[%get3A_459] : memref<10000xf32, #tpu.memory_space<vmem>>[vector<16xi32>], vector<16xf32>,
        %mul3A_469 = arith.mulf %gather3A_468, %get3A_463 : vector<16xf32>
        tpu.vector_store_idx %arg13[%get3A_461], %mul3A_469 {add = true} : memref<10000xf32, #tpu.memory_space<vmem>>[vector<16xi32>], vector<16xf32>,
        %gather3A_470 = tpu.vector_load_idx %arg10[%get3A_459] : memref<10000xf32, #tpu.memory_space<vmem>>[vector<16xi32>], vector<16xf32>,
        %mul3A_471 = arith.mulf %gather3A_470, %get3A_463 : vector<16xf32>
        tpu.vector_store_idx %arg14[%get3A_461], %mul3A_471 {add = true} : memref<10000xf32, #tpu.memory_space<vmem>>[vector<16xi32>], vector<16xf32>,
        %scan3A_472 = arith.constant 15 : i32
        %scan3A_473 = arith.addi %scan3A_145, %scan3A_472 : i32
        %mul3A_474 = arith.constant 1 : i32
        %mul3A_475 = arith.muli %scan3A_473, %mul3A_474 : i32
        %add3A_476 = arith.constant 0 : i32
        %add3A_477 = arith.addi %add3A_476, %mul3A_475 : i32
        %mul3A_478 = arith.constant 16 : i32
        %mul3A_479 = arith.muli %add3A_477, %mul3A_478 : i32
        %get3A_480 = arith.index_cast %mul3A_479 : i32 to index
        %get3A_481 = tpu.vector_load %arg18[%get3A_480] {strides = array<i32>} : memref<4096xi32, #tpu.memory_space<vmem>>, vector<16xi32>,
        %get3A_482 = arith.index_cast %mul3A_479 : i32 to index
        %get3A_483 = tpu.vector_load %arg19[%get3A_482] {strides = array<i32>} : memref<4096xi32, #tpu.memory_space<vmem>>, vector<16xi32>,
        %get3A_484 = arith.index_cast %mul3A_479 : i32 to index
        %get3A_485 = tpu.vector_load %arg20[%get3A_484] {strides = array<i32>} : memref<4096xf32, #tpu.memory_space<vmem>>, vector<16xf32>,
        %gather3A_486 = tpu.vector_load_idx %arg7[%get3A_481] : memref<10000xf32, #tpu.memory_space<vmem>>[vector<16xi32>], vector<16xf32>,
        %mul3A_487 = arith.mulf %gather3A_486, %get3A_485 : vector<16xf32>
        tpu.vector_store_idx %arg11[%get3A_483], %mul3A_487 {add = true} : memref<10000xf32, #tpu.memory_space<vmem>>[vector<16xi32>], vector<16xf32>,
        %gather3A_488 = tpu.vector_load_idx %arg8[%get3A_481] : memref<10000xf32, #tpu.memory_space<vmem>>[vector<16xi32>], vector<16xf32>,
        %mul3A_489 = arith.mulf %gather3A_488, %get3A_485 : vector<16xf32>
        tpu.vector_store_idx %arg12[%get3A_483], %mul3A_489 {add = true} : memref<10000xf32, #tpu.memory_space<vmem>>[vector<16xi32>], vector<16xf32>,
        %gather3A_490 = tpu.vector_load_idx %arg9[%get3A_481] : memref<10000xf32, #tpu.memory_space<vmem>>[vector<16xi32>], vector<16xf32>,
        %mul3A_491 = arith.mulf %gather3A_490, %get3A_485 : vector<16xf32>
        tpu.vector_store_idx %arg13[%get3A_483], %mul3A_491 {add = true} : memref<10000xf32, #tpu.memory_space<vmem>>[vector<16xi32>], vector<16xf32>,
        %gather3A_492 = tpu.vector_load_idx %arg10[%get3A_481] : memref<10000xf32, #tpu.memory_space<vmem>>[vector<16xi32>], vector<16xf32>,
        %mul3A_493 = arith.mulf %gather3A_492, %get3A_485 : vector<16xf32>
        tpu.vector_store_idx %arg14[%get3A_483], %mul3A_493 {add = true} : memref<10000xf32, #tpu.memory_space<vmem>>[vector<16xi32>], vector<16xf32>,
      }
      %scan3A_144 = arith.constant 256 : i32
    }
    %scan3A_45 = arith.constant 39 : i32
    %dma_wait3A = arith.constant 0 : i32
    %dma_wait3A_46 = tpu.memref_slice %arg3[%dma_wait3A] : memref<323584xi32, #tpu.memory_space<hbm>> -> memref<4096xi32, #tpu.memory_space<hbm>>
    %dma_wait3A_47 = arith.constant 0 : i32
    %dma_wait3A_48 = tpu.memref_slice %arg3[%dma_wait3A_47] : memref<323584xi32, #tpu.memory_space<hbm>> -> memref<4096xi32, #tpu.memory_space<hbm>>
    tpu.wait_dma2 semaphore(%arg21 : memref<!tpu.dma_semaphore, #tpu.memory_space<semaphore_mem>>) src(%dma_wait3A_48 : memref<4096xi32, #tpu.memory_space<hbm>>) dst(%arg15 : memref<4096xi32, #tpu.memory_space<vmem>>)
    %dma_wait3A_49 = arith.constant 0 : i32
    %dma_wait3A_50 = tpu.memref_slice %arg4[%dma_wait3A_49] : memref<323584xi32, #tpu.memory_space<hbm>> -> memref<4096xi32, #tpu.memory_space<hbm>>
    %dma_wait3A_51 = arith.constant 0 : i32
    %dma_wait3A_52 = tpu.memref_slice %arg4[%dma_wait3A_51] : memref<323584xi32, #tpu.memory_space<hbm>> -> memref<4096xi32, #tpu.memory_space<hbm>>
    tpu.wait_dma2 semaphore(%arg21 : memref<!tpu.dma_semaphore, #tpu.memory_space<semaphore_mem>>) src(%dma_wait3A_52 : memref<4096xi32, #tpu.memory_space<hbm>>) dst(%arg16 : memref<4096xi32, #tpu.memory_space<vmem>>)
    %dma_wait3A_53 = arith.constant 0 : i32
    %dma_wait3A_54 = tpu.memref_slice %arg5[%dma_wait3A_53] : memref<323584xf32, #tpu.memory_space<hbm>> -> memref<4096xf32, #tpu.memory_space<hbm>>
    %dma_wait3A_55 = arith.constant 0 : i32
    %dma_wait3A_56 = tpu.memref_slice %arg5[%dma_wait3A_55] : memref<323584xf32, #tpu.memory_space<hbm>> -> memref<4096xf32, #tpu.memory_space<hbm>>
    tpu.wait_dma2 semaphore(%arg21 : memref<!tpu.dma_semaphore, #tpu.memory_space<semaphore_mem>>) src(%dma_wait3A_56 : memref<4096xf32, #tpu.memory_space<hbm>>) dst(%arg17 : memref<4096xf32, #tpu.memory_space<vmem>>)
    %scan3A_57 = arith.constant 0 : i32
    %scan3A_58 = arith.constant 256 : i32
    %scan3A_59 = arith.addi %scan3A_57, %scan3A_58 : i32
    %scan3A_60 = arith.constant 16 : i32
    scf.for %scan3A_86 = %scan3A_57 to %scan3A_59 step %scan3A_60  : i32 {
      %mul3A_87 = arith.constant 1 : i32
      %mul3A_88 = arith.muli %scan3A_86, %mul3A_87 : i32
      %add3A_89 = arith.constant 0 : i32
      %add3A_90 = arith.addi %add3A_89, %mul3A_88 : i32
      %mul3A_91 = arith.constant 16 : i32
      %mul3A_92 = arith.muli %add3A_90, %mul3A_91 : i32
      %get3A = arith.index_cast %mul3A_92 : i32 to index
      %get3A_93 = tpu.vector_load %arg15[%get3A] {strides = array<i32>} : memref<4096xi32, #tpu.memory_space<vmem>>, vector<16xi32>,
      %get3A_94 = arith.index_cast %mul3A_92 : i32 to index
      %get3A_95 = tpu.vector_load %arg16[%get3A_94] {strides = array<i32>} : memref<4096xi32, #tpu.memory_space<vmem>>, vector<16xi32>,
      %get3A_96 = arith.index_cast %mul3A_92 : i32 to index
      %get3A_97 = tpu.vector_load %arg17[%get3A_96] {strides = array<i32>} : memref<4096xf32, #tpu.memory_space<vmem>>, vector<16xf32>,
      %gather3A = tpu.vector_load_idx %arg7[%get3A_93] : memref<10000xf32, #tpu.memory_space<vmem>>[vector<16xi32>], vector<16xf32>,
      %mul3A_98 = arith.mulf %gather3A, %get3A_97 : vector<16xf32>
      tpu.vector_store_idx %arg11[%get3A_95], %mul3A_98 {add = true} : memref<10000xf32, #tpu.memory_space<vmem>>[vector<16xi32>], vector<16xf32>,
      %gather3A_99 = tpu.vector_load_idx %arg8[%get3A_93] : memref<10000xf32, #tpu.memory_space<vmem>>[vector<16xi32>], vector<16xf32>,
      %mul3A_100 = arith.mulf %gather3A_99, %get3A_97 : vector<16xf32>
      tpu.vector_store_idx %arg12[%get3A_95], %mul3A_100 {add = true} : memref<10000xf32, #tpu.memory_space<vmem>>[vector<16xi32>], vector<16xf32>,
      %gather3A_101 = tpu.vector_load_idx %arg9[%get3A_93] : memref<10000xf32, #tpu.memory_space<vmem>>[vector<16xi32>], vector<16xf32>,
      %mul3A_102 = arith.mulf %gather3A_101, %get3A_97 : vector<16xf32>
      tpu.vector_store_idx %arg13[%get3A_95], %mul3A_102 {add = true} : memref<10000xf32, #tpu.memory_space<vmem>>[vector<16xi32>], vector<16xf32>,
      %gather3A_103 = tpu.vector_load_idx %arg10[%get3A_93] : memref<10000xf32, #tpu.memory_space<vmem>>[vector<16xi32>], vector<16xf32>,
      %mul3A_104 = arith.mulf %gather3A_103, %get3A_97 : vector<16xf32>
      tpu.vector_store_idx %arg14[%get3A_95], %mul3A_104 {add = true} : memref<10000xf32, #tpu.memory_space<vmem>>[vector<16xi32>], vector<16xf32>,
      %scan3A_105 = arith.constant 1 : i32
      %scan3A_106 = arith.addi %scan3A_86, %scan3A_105 : i32
      %mul3A_107 = arith.constant 1 : i32
      %mul3A_108 = arith.muli %scan3A_106, %mul3A_107 : i32
      %add3A_109 = arith.constant 0 : i32
      %add3A_110 = arith.addi %add3A_109, %mul3A_108 : i32
      %mul3A_111 = arith.constant 16 : i32
      %mul3A_112 = arith.muli %add3A_110, %mul3A_111 : i32
      %get3A_113 = arith.index_cast %mul3A_112 : i32 to index
      %get3A_114 = tpu.vector_load %arg15[%get3A_113] {strides = array<i32>} : memref<4096xi32, #tpu.memory_space<vmem>>, vector<16xi32>,
      %get3A_115 = arith.index_cast %mul3A_112 : i32 to index
      %get3A_116 = tpu.vector_load %arg16[%get3A_115] {strides = array<i32>} : memref<4096xi32, #tpu.memory_space<vmem>>, vector<16xi32>,
      %get3A_117 = arith.index_cast %mul3A_112 : i32 to index
      %get3A_118 = tpu.vector_load %arg17[%get3A_117] {strides = array<i32>} : memref<4096xf32, #tpu.memory_space<vmem>>, vector<16xf32>,
      %gather3A_119 = tpu.vector_load_idx %arg7[%get3A_114] : memref<10000xf32, #tpu.memory_space<vmem>>[vector<16xi32>], vector<16xf32>,
      %mul3A_120 = arith.mulf %gather3A_119, %get3A_118 : vector<16xf32>
      tpu.vector_store_idx %arg11[%get3A_116], %mul3A_120 {add = true} : memref<10000xf32, #tpu.memory_space<vmem>>[vector<16xi32>], vector<16xf32>,
      %gather3A_121 = tpu.vector_load_idx %arg8[%get3A_114] : memref<10000xf32, #tpu.memory_space<vmem>>[vector<16xi32>], vector<16xf32>,
      %mul3A_122 = arith.mulf %gather3A_121, %get3A_118 : vector<16xf32>
      tpu.vector_store_idx %arg12[%get3A_116], %mul3A_122 {add = true} : memref<10000xf32, #tpu.memory_space<vmem>>[vector<16xi32>], vector<16xf32>,
      %gather3A_123 = tpu.vector_load_idx %arg9[%get3A_114] : memref<10000xf32, #tpu.memory_space<vmem>>[vector<16xi32>], vector<16xf32>,
      %mul3A_124 = arith.mulf %gather3A_123, %get3A_118 : vector<16xf32>
      tpu.vector_store_idx %arg13[%get3A_116], %mul3A_124 {add = true} : memref<10000xf32, #tpu.memory_space<vmem>>[vector<16xi32>], vector<16xf32>,
      %gather3A_125 = tpu.vector_load_idx %arg10[%get3A_114] : memref<10000xf32, #tpu.memory_space<vmem>>[vector<16xi32>], vector<16xf32>,
      %mul3A_126 = arith.mulf %gather3A_125, %get3A_118 : vector<16xf32>
      tpu.vector_store_idx %arg14[%get3A_116], %mul3A_126 {add = true} : memref<10000xf32, #tpu.memory_space<vmem>>[vector<16xi32>], vector<16xf32>,
      %scan3A_127 = arith.constant 2 : i32
      %scan3A_128 = arith.addi %scan3A_86, %scan3A_127 : i32
      %mul3A_129 = arith.constant 1 : i32
      %mul3A_130 = arith.muli %scan3A_128, %mul3A_129 : i32
      %add3A_131 = arith.constant 0 : i32
      %add3A_132 = arith.addi %add3A_131, %mul3A_130 : i32
      %mul3A_133 = arith.constant 16 : i32
      %mul3A_134 = arith.muli %add3A_132, %mul3A_133 : i32
      %get3A_135 = arith.index_cast %mul3A_134 : i32 to index
      %get3A_136 = tpu.vector_load %arg15[%get3A_135] {strides = array<i32>} : memref<4096xi32, #tpu.memory_space<vmem>>, vector<16xi32>,
      %get3A_137 = arith.index_cast %mul3A_134 : i32 to index
      %get3A_138 = tpu.vector_load %arg16[%get3A_137] {strides = array<i32>} : memref<4096xi32, #tpu.memory_space<vmem>>, vector<16xi32>,
      %get3A_139 = arith.index_cast %mul3A_134 : i32 to index
      %get3A_140 = tpu.vector_load %arg17[%get3A_139] {strides = array<i32>} : memref<4096xf32, #tpu.memory_space<vmem>>, vector<16xf32>,
      %gather3A_141 = tpu.vector_load_idx %arg7[%get3A_136] : memref<10000xf32, #tpu.memory_space<vmem>>[vector<16xi32>], vector<16xf32>,
      %mul3A_142 = arith.mulf %gather3A_141, %get3A_140 : vector<16xf32>
      tpu.vector_store_idx %arg11[%get3A_138], %mul3A_142 {add = true} : memref<10000xf32, #tpu.memory_space<vmem>>[vector<16xi32>], vector<16xf32>,
      %gather3A_143 = tpu.vector_load_idx %arg8[%get3A_136] : memref<10000xf32, #tpu.memory_space<vmem>>[vector<16xi32>], vector<16xf32>,
      %mul3A_144 = arith.mulf %gather3A_143, %get3A_140 : vector<16xf32>
      tpu.vector_store_idx %arg12[%get3A_138], %mul3A_144 {add = true} : memref<10000xf32, #tpu.memory_space<vmem>>[vector<16xi32>], vector<16xf32>,
      %gather3A_145 = tpu.vector_load_idx %arg9[%get3A_136] : memref<10000xf32, #tpu.memory_space<vmem>>[vector<16xi32>], vector<16xf32>,
      %mul3A_146 = arith.mulf %gather3A_145, %get3A_140 : vector<16xf32>
      tpu.vector_store_idx %arg13[%get3A_138], %mul3A_146 {add = true} : memref<10000xf32, #tpu.memory_space<vmem>>[vector<16xi32>], vector<16xf32>,
      %gather3A_147 = tpu.vector_load_idx %arg10[%get3A_136] : memref<10000xf32, #tpu.memory_space<vmem>>[vector<16xi32>], vector<16xf32>,
      %mul3A_148 = arith.mulf %gather3A_147, %get3A_140 : vector<16xf32>
      tpu.vector_store_idx %arg14[%get3A_138], %mul3A_148 {add = true} : memref<10000xf32, #tpu.memory_space<vmem>>[vector<16xi32>], vector<16xf32>,
      %scan3A_149 = arith.constant 3 : i32
      %scan3A_150 = arith.addi %scan3A_86, %scan3A_149 : i32
      %mul3A_151 = arith.constant 1 : i32
      %mul3A_152 = arith.muli %scan3A_150, %mul3A_151 : i32
      %add3A_153 = arith.constant 0 : i32
      %add3A_154 = arith.addi %add3A_153, %mul3A_152 : i32
      %mul3A_155 = arith.constant 16 : i32
      %mul3A_156 = arith.muli %add3A_154, %mul3A_155 : i32
      %get3A_157 = arith.index_cast %mul3A_156 : i32 to index
      %get3A_158 = tpu.vector_load %arg15[%get3A_157] {strides = array<i32>} : memref<4096xi32, #tpu.memory_space<vmem>>, vector<16xi32>,
      %get3A_159 = arith.index_cast %mul3A_156 : i32 to index
      %get3A_160 = tpu.vector_load %arg16[%get3A_159] {strides = array<i32>} : memref<4096xi32, #tpu.memory_space<vmem>>, vector<16xi32>,
      %get3A_161 = arith.index_cast %mul3A_156 : i32 to index
      %get3A_162 = tpu.vector_load %arg17[%get3A_161] {strides = array<i32>} : memref<4096xf32, #tpu.memory_space<vmem>>, vector<16xf32>,
      %gather3A_163 = tpu.vector_load_idx %arg7[%get3A_158] : memref<10000xf32, #tpu.memory_space<vmem>>[vector<16xi32>], vector<16xf32>,
      %mul3A_164 = arith.mulf %gather3A_163, %get3A_162 : vector<16xf32>
      tpu.vector_store_idx %arg11[%get3A_160], %mul3A_164 {add = true} : memref<10000xf32, #tpu.memory_space<vmem>>[vector<16xi32>], vector<16xf32>,
      %gather3A_165 = tpu.vector_load_idx %arg8[%get3A_158] : memref<10000xf32, #tpu.memory_space<vmem>>[vector<16xi32>], vector<16xf32>,
      %mul3A_166 = arith.mulf %gather3A_165, %get3A_162 : vector<16xf32>
      tpu.vector_store_idx %arg12[%get3A_160], %mul3A_166 {add = true} : memref<10000xf32, #tpu.memory_space<vmem>>[vector<16xi32>], vector<16xf32>,
      %gather3A_167 = tpu.vector_load_idx %arg9[%get3A_158] : memref<10000xf32, #tpu.memory_space<vmem>>[vector<16xi32>], vector<16xf32>,
      %mul3A_168 = arith.mulf %gather3A_167, %get3A_162 : vector<16xf32>
      tpu.vector_store_idx %arg13[%get3A_160], %mul3A_168 {add = true} : memref<10000xf32, #tpu.memory_space<vmem>>[vector<16xi32>], vector<16xf32>,
      %gather3A_169 = tpu.vector_load_idx %arg10[%get3A_158] : memref<10000xf32, #tpu.memory_space<vmem>>[vector<16xi32>], vector<16xf32>,
      %mul3A_170 = arith.mulf %gather3A_169, %get3A_162 : vector<16xf32>
      tpu.vector_store_idx %arg14[%get3A_160], %mul3A_170 {add = true} : memref<10000xf32, #tpu.memory_space<vmem>>[vector<16xi32>], vector<16xf32>,
      %scan3A_171 = arith.constant 4 : i32
      %scan3A_172 = arith.addi %scan3A_86, %scan3A_171 : i32
      %mul3A_173 = arith.constant 1 : i32
      %mul3A_174 = arith.muli %scan3A_172, %mul3A_173 : i32
      %add3A_175 = arith.constant 0 : i32
      %add3A_176 = arith.addi %add3A_175, %mul3A_174 : i32
      %mul3A_177 = arith.constant 16 : i32
      %mul3A_178 = arith.muli %add3A_176, %mul3A_177 : i32
      %get3A_179 = arith.index_cast %mul3A_178 : i32 to index
      %get3A_180 = tpu.vector_load %arg15[%get3A_179] {strides = array<i32>} : memref<4096xi32, #tpu.memory_space<vmem>>, vector<16xi32>,
      %get3A_181 = arith.index_cast %mul3A_178 : i32 to index
      %get3A_182 = tpu.vector_load %arg16[%get3A_181] {strides = array<i32>} : memref<4096xi32, #tpu.memory_space<vmem>>, vector<16xi32>,
      %get3A_183 = arith.index_cast %mul3A_178 : i32 to index
      %get3A_184 = tpu.vector_load %arg17[%get3A_183] {strides = array<i32>} : memref<4096xf32, #tpu.memory_space<vmem>>, vector<16xf32>,
      %gather3A_185 = tpu.vector_load_idx %arg7[%get3A_180] : memref<10000xf32, #tpu.memory_space<vmem>>[vector<16xi32>], vector<16xf32>,
      %mul3A_186 = arith.mulf %gather3A_185, %get3A_184 : vector<16xf32>
      tpu.vector_store_idx %arg11[%get3A_182], %mul3A_186 {add = true} : memref<10000xf32, #tpu.memory_space<vmem>>[vector<16xi32>], vector<16xf32>,
      %gather3A_187 = tpu.vector_load_idx %arg8[%get3A_180] : memref<10000xf32, #tpu.memory_space<vmem>>[vector<16xi32>], vector<16xf32>,
      %mul3A_188 = arith.mulf %gather3A_187, %get3A_184 : vector<16xf32>
      tpu.vector_store_idx %arg12[%get3A_182], %mul3A_188 {add = true} : memref<10000xf32, #tpu.memory_space<vmem>>[vector<16xi32>], vector<16xf32>,
      %gather3A_189 = tpu.vector_load_idx %arg9[%get3A_180] : memref<10000xf32, #tpu.memory_space<vmem>>[vector<16xi32>], vector<16xf32>,
      %mul3A_190 = arith.mulf %gather3A_189, %get3A_184 : vector<16xf32>
      tpu.vector_store_idx %arg13[%get3A_182], %mul3A_190 {add = true} : memref<10000xf32, #tpu.memory_space<vmem>>[vector<16xi32>], vector<16xf32>,
      %gather3A_191 = tpu.vector_load_idx %arg10[%get3A_180] : memref<10000xf32, #tpu.memory_space<vmem>>[vector<16xi32>], vector<16xf32>,
      %mul3A_192 = arith.mulf %gather3A_191, %get3A_184 : vector<16xf32>
      tpu.vector_store_idx %arg14[%get3A_182], %mul3A_192 {add = true} : memref<10000xf32, #tpu.memory_space<vmem>>[vector<16xi32>], vector<16xf32>,
      %scan3A_193 = arith.constant 5 : i32
      %scan3A_194 = arith.addi %scan3A_86, %scan3A_193 : i32
      %mul3A_195 = arith.constant 1 : i32
      %mul3A_196 = arith.muli %scan3A_194, %mul3A_195 : i32
      %add3A_197 = arith.constant 0 : i32
      %add3A_198 = arith.addi %add3A_197, %mul3A_196 : i32
      %mul3A_199 = arith.constant 16 : i32
      %mul3A_200 = arith.muli %add3A_198, %mul3A_199 : i32
      %get3A_201 = arith.index_cast %mul3A_200 : i32 to index
      %get3A_202 = tpu.vector_load %arg15[%get3A_201] {strides = array<i32>} : memref<4096xi32, #tpu.memory_space<vmem>>, vector<16xi32>,
      %get3A_203 = arith.index_cast %mul3A_200 : i32 to index
      %get3A_204 = tpu.vector_load %arg16[%get3A_203] {strides = array<i32>} : memref<4096xi32, #tpu.memory_space<vmem>>, vector<16xi32>,
      %get3A_205 = arith.index_cast %mul3A_200 : i32 to index
      %get3A_206 = tpu.vector_load %arg17[%get3A_205] {strides = array<i32>} : memref<4096xf32, #tpu.memory_space<vmem>>, vector<16xf32>,
      %gather3A_207 = tpu.vector_load_idx %arg7[%get3A_202] : memref<10000xf32, #tpu.memory_space<vmem>>[vector<16xi32>], vector<16xf32>,
      %mul3A_208 = arith.mulf %gather3A_207, %get3A_206 : vector<16xf32>
      tpu.vector_store_idx %arg11[%get3A_204], %mul3A_208 {add = true} : memref<10000xf32, #tpu.memory_space<vmem>>[vector<16xi32>], vector<16xf32>,
      %gather3A_209 = tpu.vector_load_idx %arg8[%get3A_202] : memref<10000xf32, #tpu.memory_space<vmem>>[vector<16xi32>], vector<16xf32>,
      %mul3A_210 = arith.mulf %gather3A_209, %get3A_206 : vector<16xf32>
      tpu.vector_store_idx %arg12[%get3A_204], %mul3A_210 {add = true} : memref<10000xf32, #tpu.memory_space<vmem>>[vector<16xi32>], vector<16xf32>,
      %gather3A_211 = tpu.vector_load_idx %arg9[%get3A_202] : memref<10000xf32, #tpu.memory_space<vmem>>[vector<16xi32>], vector<16xf32>,
      %mul3A_212 = arith.mulf %gather3A_211, %get3A_206 : vector<16xf32>
      tpu.vector_store_idx %arg13[%get3A_204], %mul3A_212 {add = true} : memref<10000xf32, #tpu.memory_space<vmem>>[vector<16xi32>], vector<16xf32>,
      %gather3A_213 = tpu.vector_load_idx %arg10[%get3A_202] : memref<10000xf32, #tpu.memory_space<vmem>>[vector<16xi32>], vector<16xf32>,
      %mul3A_214 = arith.mulf %gather3A_213, %get3A_206 : vector<16xf32>
      tpu.vector_store_idx %arg14[%get3A_204], %mul3A_214 {add = true} : memref<10000xf32, #tpu.memory_space<vmem>>[vector<16xi32>], vector<16xf32>,
      %scan3A_215 = arith.constant 6 : i32
      %scan3A_216 = arith.addi %scan3A_86, %scan3A_215 : i32
      %mul3A_217 = arith.constant 1 : i32
      %mul3A_218 = arith.muli %scan3A_216, %mul3A_217 : i32
      %add3A_219 = arith.constant 0 : i32
      %add3A_220 = arith.addi %add3A_219, %mul3A_218 : i32
      %mul3A_221 = arith.constant 16 : i32
      %mul3A_222 = arith.muli %add3A_220, %mul3A_221 : i32
      %get3A_223 = arith.index_cast %mul3A_222 : i32 to index
      %get3A_224 = tpu.vector_load %arg15[%get3A_223] {strides = array<i32>} : memref<4096xi32, #tpu.memory_space<vmem>>, vector<16xi32>,
      %get3A_225 = arith.index_cast %mul3A_222 : i32 to index
      %get3A_226 = tpu.vector_load %arg16[%get3A_225] {strides = array<i32>} : memref<4096xi32, #tpu.memory_space<vmem>>, vector<16xi32>,
      %get3A_227 = arith.index_cast %mul3A_222 : i32 to index
      %get3A_228 = tpu.vector_load %arg17[%get3A_227] {strides = array<i32>} : memref<4096xf32, #tpu.memory_space<vmem>>, vector<16xf32>,
      %gather3A_229 = tpu.vector_load_idx %arg7[%get3A_224] : memref<10000xf32, #tpu.memory_space<vmem>>[vector<16xi32>], vector<16xf32>,
      %mul3A_230 = arith.mulf %gather3A_229, %get3A_228 : vector<16xf32>
      tpu.vector_store_idx %arg11[%get3A_226], %mul3A_230 {add = true} : memref<10000xf32, #tpu.memory_space<vmem>>[vector<16xi32>], vector<16xf32>,
      %gather3A_231 = tpu.vector_load_idx %arg8[%get3A_224] : memref<10000xf32, #tpu.memory_space<vmem>>[vector<16xi32>], vector<16xf32>,
      %mul3A_232 = arith.mulf %gather3A_231, %get3A_228 : vector<16xf32>
      tpu.vector_store_idx %arg12[%get3A_226], %mul3A_232 {add = true} : memref<10000xf32, #tpu.memory_space<vmem>>[vector<16xi32>], vector<16xf32>,
      %gather3A_233 = tpu.vector_load_idx %arg9[%get3A_224] : memref<10000xf32, #tpu.memory_space<vmem>>[vector<16xi32>], vector<16xf32>,
      %mul3A_234 = arith.mulf %gather3A_233, %get3A_228 : vector<16xf32>
      tpu.vector_store_idx %arg13[%get3A_226], %mul3A_234 {add = true} : memref<10000xf32, #tpu.memory_space<vmem>>[vector<16xi32>], vector<16xf32>,
      %gather3A_235 = tpu.vector_load_idx %arg10[%get3A_224] : memref<10000xf32, #tpu.memory_space<vmem>>[vector<16xi32>], vector<16xf32>,
      %mul3A_236 = arith.mulf %gather3A_235, %get3A_228 : vector<16xf32>
      tpu.vector_store_idx %arg14[%get3A_226], %mul3A_236 {add = true} : memref<10000xf32, #tpu.memory_space<vmem>>[vector<16xi32>], vector<16xf32>,
      %scan3A_237 = arith.constant 7 : i32
      %scan3A_238 = arith.addi %scan3A_86, %scan3A_237 : i32
      %mul3A_239 = arith.constant 1 : i32
      %mul3A_240 = arith.muli %scan3A_238, %mul3A_239 : i32
      %add3A_241 = arith.constant 0 : i32
      %add3A_242 = arith.addi %add3A_241, %mul3A_240 : i32
      %mul3A_243 = arith.constant 16 : i32
      %mul3A_244 = arith.muli %add3A_242, %mul3A_243 : i32
      %get3A_245 = arith.index_cast %mul3A_244 : i32 to index
      %get3A_246 = tpu.vector_load %arg15[%get3A_245] {strides = array<i32>} : memref<4096xi32, #tpu.memory_space<vmem>>, vector<16xi32>,
      %get3A_247 = arith.index_cast %mul3A_244 : i32 to index
      %get3A_248 = tpu.vector_load %arg16[%get3A_247] {strides = array<i32>} : memref<4096xi32, #tpu.memory_space<vmem>>, vector<16xi32>,
      %get3A_249 = arith.index_cast %mul3A_244 : i32 to index
      %get3A_250 = tpu.vector_load %arg17[%get3A_249] {strides = array<i32>} : memref<4096xf32, #tpu.memory_space<vmem>>, vector<16xf32>,
      %gather3A_251 = tpu.vector_load_idx %arg7[%get3A_246] : memref<10000xf32, #tpu.memory_space<vmem>>[vector<16xi32>], vector<16xf32>,
      %mul3A_252 = arith.mulf %gather3A_251, %get3A_250 : vector<16xf32>
      tpu.vector_store_idx %arg11[%get3A_248], %mul3A_252 {add = true} : memref<10000xf32, #tpu.memory_space<vmem>>[vector<16xi32>], vector<16xf32>,
      %gather3A_253 = tpu.vector_load_idx %arg8[%get3A_246] : memref<10000xf32, #tpu.memory_space<vmem>>[vector<16xi32>], vector<16xf32>,
      %mul3A_254 = arith.mulf %gather3A_253, %get3A_250 : vector<16xf32>
      tpu.vector_store_idx %arg12[%get3A_248], %mul3A_254 {add = true} : memref<10000xf32, #tpu.memory_space<vmem>>[vector<16xi32>], vector<16xf32>,
      %gather3A_255 = tpu.vector_load_idx %arg9[%get3A_246] : memref<10000xf32, #tpu.memory_space<vmem>>[vector<16xi32>], vector<16xf32>,
      %mul3A_256 = arith.mulf %gather3A_255, %get3A_250 : vector<16xf32>
      tpu.vector_store_idx %arg13[%get3A_248], %mul3A_256 {add = true} : memref<10000xf32, #tpu.memory_space<vmem>>[vector<16xi32>], vector<16xf32>,
      %gather3A_257 = tpu.vector_load_idx %arg10[%get3A_246] : memref<10000xf32, #tpu.memory_space<vmem>>[vector<16xi32>], vector<16xf32>,
      %mul3A_258 = arith.mulf %gather3A_257, %get3A_250 : vector<16xf32>
      tpu.vector_store_idx %arg14[%get3A_248], %mul3A_258 {add = true} : memref<10000xf32, #tpu.memory_space<vmem>>[vector<16xi32>], vector<16xf32>,
      %scan3A_259 = arith.constant 8 : i32
      %scan3A_260 = arith.addi %scan3A_86, %scan3A_259 : i32
      %mul3A_261 = arith.constant 1 : i32
      %mul3A_262 = arith.muli %scan3A_260, %mul3A_261 : i32
      %add3A_263 = arith.constant 0 : i32
      %add3A_264 = arith.addi %add3A_263, %mul3A_262 : i32
      %mul3A_265 = arith.constant 16 : i32
      %mul3A_266 = arith.muli %add3A_264, %mul3A_265 : i32
      %get3A_267 = arith.index_cast %mul3A_266 : i32 to index
      %get3A_268 = tpu.vector_load %arg15[%get3A_267] {strides = array<i32>} : memref<4096xi32, #tpu.memory_space<vmem>>, vector<16xi32>,
      %get3A_269 = arith.index_cast %mul3A_266 : i32 to index
      %get3A_270 = tpu.vector_load %arg16[%get3A_269] {strides = array<i32>} : memref<4096xi32, #tpu.memory_space<vmem>>, vector<16xi32>,
      %get3A_271 = arith.index_cast %mul3A_266 : i32 to index
      %get3A_272 = tpu.vector_load %arg17[%get3A_271] {strides = array<i32>} : memref<4096xf32, #tpu.memory_space<vmem>>, vector<16xf32>,
      %gather3A_273 = tpu.vector_load_idx %arg7[%get3A_268] : memref<10000xf32, #tpu.memory_space<vmem>>[vector<16xi32>], vector<16xf32>,
      %mul3A_274 = arith.mulf %gather3A_273, %get3A_272 : vector<16xf32>
      tpu.vector_store_idx %arg11[%get3A_270], %mul3A_274 {add = true} : memref<10000xf32, #tpu.memory_space<vmem>>[vector<16xi32>], vector<16xf32>,
      %gather3A_275 = tpu.vector_load_idx %arg8[%get3A_268] : memref<10000xf32, #tpu.memory_space<vmem>>[vector<16xi32>], vector<16xf32>,
      %mul3A_276 = arith.mulf %gather3A_275, %get3A_272 : vector<16xf32>
      tpu.vector_store_idx %arg12[%get3A_270], %mul3A_276 {add = true} : memref<10000xf32, #tpu.memory_space<vmem>>[vector<16xi32>], vector<16xf32>,
      %gather3A_277 = tpu.vector_load_idx %arg9[%get3A_268] : memref<10000xf32, #tpu.memory_space<vmem>>[vector<16xi32>], vector<16xf32>,
      %mul3A_278 = arith.mulf %gather3A_277, %get3A_272 : vector<16xf32>
      tpu.vector_store_idx %arg13[%get3A_270], %mul3A_278 {add = true} : memref<10000xf32, #tpu.memory_space<vmem>>[vector<16xi32>], vector<16xf32>,
      %gather3A_279 = tpu.vector_load_idx %arg10[%get3A_268] : memref<10000xf32, #tpu.memory_space<vmem>>[vector<16xi32>], vector<16xf32>,
      %mul3A_280 = arith.mulf %gather3A_279, %get3A_272 : vector<16xf32>
      tpu.vector_store_idx %arg14[%get3A_270], %mul3A_280 {add = true} : memref<10000xf32, #tpu.memory_space<vmem>>[vector<16xi32>], vector<16xf32>,
      %scan3A_281 = arith.constant 9 : i32
      %scan3A_282 = arith.addi %scan3A_86, %scan3A_281 : i32
      %mul3A_283 = arith.constant 1 : i32
      %mul3A_284 = arith.muli %scan3A_282, %mul3A_283 : i32
      %add3A_285 = arith.constant 0 : i32
      %add3A_286 = arith.addi %add3A_285, %mul3A_284 : i32
      %mul3A_287 = arith.constant 16 : i32
      %mul3A_288 = arith.muli %add3A_286, %mul3A_287 : i32
      %get3A_289 = arith.index_cast %mul3A_288 : i32 to index
      %get3A_290 = tpu.vector_load %arg15[%get3A_289] {strides = array<i32>} : memref<4096xi32, #tpu.memory_space<vmem>>, vector<16xi32>,
      %get3A_291 = arith.index_cast %mul3A_288 : i32 to index
      %get3A_292 = tpu.vector_load %arg16[%get3A_291] {strides = array<i32>} : memref<4096xi32, #tpu.memory_space<vmem>>, vector<16xi32>,
      %get3A_293 = arith.index_cast %mul3A_288 : i32 to index
      %get3A_294 = tpu.vector_load %arg17[%get3A_293] {strides = array<i32>} : memref<4096xf32, #tpu.memory_space<vmem>>, vector<16xf32>,
      %gather3A_295 = tpu.vector_load_idx %arg7[%get3A_290] : memref<10000xf32, #tpu.memory_space<vmem>>[vector<16xi32>], vector<16xf32>,
      %mul3A_296 = arith.mulf %gather3A_295, %get3A_294 : vector<16xf32>
      tpu.vector_store_idx %arg11[%get3A_292], %mul3A_296 {add = true} : memref<10000xf32, #tpu.memory_space<vmem>>[vector<16xi32>], vector<16xf32>,
      %gather3A_297 = tpu.vector_load_idx %arg8[%get3A_290] : memref<10000xf32, #tpu.memory_space<vmem>>[vector<16xi32>], vector<16xf32>,
      %mul3A_298 = arith.mulf %gather3A_297, %get3A_294 : vector<16xf32>
      tpu.vector_store_idx %arg12[%get3A_292], %mul3A_298 {add = true} : memref<10000xf32, #tpu.memory_space<vmem>>[vector<16xi32>], vector<16xf32>,
      %gather3A_299 = tpu.vector_load_idx %arg9[%get3A_290] : memref<10000xf32, #tpu.memory_space<vmem>>[vector<16xi32>], vector<16xf32>,
      %mul3A_300 = arith.mulf %gather3A_299, %get3A_294 : vector<16xf32>
      tpu.vector_store_idx %arg13[%get3A_292], %mul3A_300 {add = true} : memref<10000xf32, #tpu.memory_space<vmem>>[vector<16xi32>], vector<16xf32>,
      %gather3A_301 = tpu.vector_load_idx %arg10[%get3A_290] : memref<10000xf32, #tpu.memory_space<vmem>>[vector<16xi32>], vector<16xf32>,
      %mul3A_302 = arith.mulf %gather3A_301, %get3A_294 : vector<16xf32>
      tpu.vector_store_idx %arg14[%get3A_292], %mul3A_302 {add = true} : memref<10000xf32, #tpu.memory_space<vmem>>[vector<16xi32>], vector<16xf32>,
      %scan3A_303 = arith.constant 10 : i32
      %scan3A_304 = arith.addi %scan3A_86, %scan3A_303 : i32
      %mul3A_305 = arith.constant 1 : i32
      %mul3A_306 = arith.muli %scan3A_304, %mul3A_305 : i32
      %add3A_307 = arith.constant 0 : i32
      %add3A_308 = arith.addi %add3A_307, %mul3A_306 : i32
      %mul3A_309 = arith.constant 16 : i32
      %mul3A_310 = arith.muli %add3A_308, %mul3A_309 : i32
      %get3A_311 = arith.index_cast %mul3A_310 : i32 to index
      %get3A_312 = tpu.vector_load %arg15[%get3A_311] {strides = array<i32>} : memref<4096xi32, #tpu.memory_space<vmem>>, vector<16xi32>,
      %get3A_313 = arith.index_cast %mul3A_310 : i32 to index
      %get3A_314 = tpu.vector_load %arg16[%get3A_313] {strides = array<i32>} : memref<4096xi32, #tpu.memory_space<vmem>>, vector<16xi32>,
      %get3A_315 = arith.index_cast %mul3A_310 : i32 to index
      %get3A_316 = tpu.vector_load %arg17[%get3A_315] {strides = array<i32>} : memref<4096xf32, #tpu.memory_space<vmem>>, vector<16xf32>,
      %gather3A_317 = tpu.vector_load_idx %arg7[%get3A_312] : memref<10000xf32, #tpu.memory_space<vmem>>[vector<16xi32>], vector<16xf32>,
      %mul3A_318 = arith.mulf %gather3A_317, %get3A_316 : vector<16xf32>
      tpu.vector_store_idx %arg11[%get3A_314], %mul3A_318 {add = true} : memref<10000xf32, #tpu.memory_space<vmem>>[vector<16xi32>], vector<16xf32>,
      %gather3A_319 = tpu.vector_load_idx %arg8[%get3A_312] : memref<10000xf32, #tpu.memory_space<vmem>>[vector<16xi32>], vector<16xf32>,
      %mul3A_320 = arith.mulf %gather3A_319, %get3A_316 : vector<16xf32>
      tpu.vector_store_idx %arg12[%get3A_314], %mul3A_320 {add = true} : memref<10000xf32, #tpu.memory_space<vmem>>[vector<16xi32>], vector<16xf32>,
      %gather3A_321 = tpu.vector_load_idx %arg9[%get3A_312] : memref<10000xf32, #tpu.memory_space<vmem>>[vector<16xi32>], vector<16xf32>,
      %mul3A_322 = arith.mulf %gather3A_321, %get3A_316 : vector<16xf32>
      tpu.vector_store_idx %arg13[%get3A_314], %mul3A_322 {add = true} : memref<10000xf32, #tpu.memory_space<vmem>>[vector<16xi32>], vector<16xf32>,
      %gather3A_323 = tpu.vector_load_idx %arg10[%get3A_312] : memref<10000xf32, #tpu.memory_space<vmem>>[vector<16xi32>], vector<16xf32>,
      %mul3A_324 = arith.mulf %gather3A_323, %get3A_316 : vector<16xf32>
      tpu.vector_store_idx %arg14[%get3A_314], %mul3A_324 {add = true} : memref<10000xf32, #tpu.memory_space<vmem>>[vector<16xi32>], vector<16xf32>,
      %scan3A_325 = arith.constant 11 : i32
      %scan3A_326 = arith.addi %scan3A_86, %scan3A_325 : i32
      %mul3A_327 = arith.constant 1 : i32
      %mul3A_328 = arith.muli %scan3A_326, %mul3A_327 : i32
      %add3A_329 = arith.constant 0 : i32
      %add3A_330 = arith.addi %add3A_329, %mul3A_328 : i32
      %mul3A_331 = arith.constant 16 : i32
      %mul3A_332 = arith.muli %add3A_330, %mul3A_331 : i32
      %get3A_333 = arith.index_cast %mul3A_332 : i32 to index
      %get3A_334 = tpu.vector_load %arg15[%get3A_333] {strides = array<i32>} : memref<4096xi32, #tpu.memory_space<vmem>>, vector<16xi32>,
      %get3A_335 = arith.index_cast %mul3A_332 : i32 to index
      %get3A_336 = tpu.vector_load %arg16[%get3A_335] {strides = array<i32>} : memref<4096xi32, #tpu.memory_space<vmem>>, vector<16xi32>,
      %get3A_337 = arith.index_cast %mul3A_332 : i32 to index
      %get3A_338 = tpu.vector_load %arg17[%get3A_337] {strides = array<i32>} : memref<4096xf32, #tpu.memory_space<vmem>>, vector<16xf32>,
      %gather3A_339 = tpu.vector_load_idx %arg7[%get3A_334] : memref<10000xf32, #tpu.memory_space<vmem>>[vector<16xi32>], vector<16xf32>,
      %mul3A_340 = arith.mulf %gather3A_339, %get3A_338 : vector<16xf32>
      tpu.vector_store_idx %arg11[%get3A_336], %mul3A_340 {add = true} : memref<10000xf32, #tpu.memory_space<vmem>>[vector<16xi32>], vector<16xf32>,
      %gather3A_341 = tpu.vector_load_idx %arg8[%get3A_334] : memref<10000xf32, #tpu.memory_space<vmem>>[vector<16xi32>], vector<16xf32>,
      %mul3A_342 = arith.mulf %gather3A_341, %get3A_338 : vector<16xf32>
      tpu.vector_store_idx %arg12[%get3A_336], %mul3A_342 {add = true} : memref<10000xf32, #tpu.memory_space<vmem>>[vector<16xi32>], vector<16xf32>,
      %gather3A_343 = tpu.vector_load_idx %arg9[%get3A_334] : memref<10000xf32, #tpu.memory_space<vmem>>[vector<16xi32>], vector<16xf32>,
      %mul3A_344 = arith.mulf %gather3A_343, %get3A_338 : vector<16xf32>
      tpu.vector_store_idx %arg13[%get3A_336], %mul3A_344 {add = true} : memref<10000xf32, #tpu.memory_space<vmem>>[vector<16xi32>], vector<16xf32>,
      %gather3A_345 = tpu.vector_load_idx %arg10[%get3A_334] : memref<10000xf32, #tpu.memory_space<vmem>>[vector<16xi32>], vector<16xf32>,
      %mul3A_346 = arith.mulf %gather3A_345, %get3A_338 : vector<16xf32>
      tpu.vector_store_idx %arg14[%get3A_336], %mul3A_346 {add = true} : memref<10000xf32, #tpu.memory_space<vmem>>[vector<16xi32>], vector<16xf32>,
      %scan3A_347 = arith.constant 12 : i32
      %scan3A_348 = arith.addi %scan3A_86, %scan3A_347 : i32
      %mul3A_349 = arith.constant 1 : i32
      %mul3A_350 = arith.muli %scan3A_348, %mul3A_349 : i32
      %add3A_351 = arith.constant 0 : i32
      %add3A_352 = arith.addi %add3A_351, %mul3A_350 : i32
      %mul3A_353 = arith.constant 16 : i32
      %mul3A_354 = arith.muli %add3A_352, %mul3A_353 : i32
      %get3A_355 = arith.index_cast %mul3A_354 : i32 to index
      %get3A_356 = tpu.vector_load %arg15[%get3A_355] {strides = array<i32>} : memref<4096xi32, #tpu.memory_space<vmem>>, vector<16xi32>,
      %get3A_357 = arith.index_cast %mul3A_354 : i32 to index
      %get3A_358 = tpu.vector_load %arg16[%get3A_357] {strides = array<i32>} : memref<4096xi32, #tpu.memory_space<vmem>>, vector<16xi32>,
      %get3A_359 = arith.index_cast %mul3A_354 : i32 to index
      %get3A_360 = tpu.vector_load %arg17[%get3A_359] {strides = array<i32>} : memref<4096xf32, #tpu.memory_space<vmem>>, vector<16xf32>,
      %gather3A_361 = tpu.vector_load_idx %arg7[%get3A_356] : memref<10000xf32, #tpu.memory_space<vmem>>[vector<16xi32>], vector<16xf32>,
      %mul3A_362 = arith.mulf %gather3A_361, %get3A_360 : vector<16xf32>
      tpu.vector_store_idx %arg11[%get3A_358], %mul3A_362 {add = true} : memref<10000xf32, #tpu.memory_space<vmem>>[vector<16xi32>], vector<16xf32>,
      %gather3A_363 = tpu.vector_load_idx %arg8[%get3A_356] : memref<10000xf32, #tpu.memory_space<vmem>>[vector<16xi32>], vector<16xf32>,
      %mul3A_364 = arith.mulf %gather3A_363, %get3A_360 : vector<16xf32>
      tpu.vector_store_idx %arg12[%get3A_358], %mul3A_364 {add = true} : memref<10000xf32, #tpu.memory_space<vmem>>[vector<16xi32>], vector<16xf32>,
      %gather3A_365 = tpu.vector_load_idx %arg9[%get3A_356] : memref<10000xf32, #tpu.memory_space<vmem>>[vector<16xi32>], vector<16xf32>,
      %mul3A_366 = arith.mulf %gather3A_365, %get3A_360 : vector<16xf32>
      tpu.vector_store_idx %arg13[%get3A_358], %mul3A_366 {add = true} : memref<10000xf32, #tpu.memory_space<vmem>>[vector<16xi32>], vector<16xf32>,
      %gather3A_367 = tpu.vector_load_idx %arg10[%get3A_356] : memref<10000xf32, #tpu.memory_space<vmem>>[vector<16xi32>], vector<16xf32>,
      %mul3A_368 = arith.mulf %gather3A_367, %get3A_360 : vector<16xf32>
      tpu.vector_store_idx %arg14[%get3A_358], %mul3A_368 {add = true} : memref<10000xf32, #tpu.memory_space<vmem>>[vector<16xi32>], vector<16xf32>,
      %scan3A_369 = arith.constant 13 : i32
      %scan3A_370 = arith.addi %scan3A_86, %scan3A_369 : i32
      %mul3A_371 = arith.constant 1 : i32
      %mul3A_372 = arith.muli %scan3A_370, %mul3A_371 : i32
      %add3A_373 = arith.constant 0 : i32
      %add3A_374 = arith.addi %add3A_373, %mul3A_372 : i32
      %mul3A_375 = arith.constant 16 : i32
      %mul3A_376 = arith.muli %add3A_374, %mul3A_375 : i32
      %get3A_377 = arith.index_cast %mul3A_376 : i32 to index
      %get3A_378 = tpu.vector_load %arg15[%get3A_377] {strides = array<i32>} : memref<4096xi32, #tpu.memory_space<vmem>>, vector<16xi32>,
      %get3A_379 = arith.index_cast %mul3A_376 : i32 to index
      %get3A_380 = tpu.vector_load %arg16[%get3A_379] {strides = array<i32>} : memref<4096xi32, #tpu.memory_space<vmem>>, vector<16xi32>,
      %get3A_381 = arith.index_cast %mul3A_376 : i32 to index
      %get3A_382 = tpu.vector_load %arg17[%get3A_381] {strides = array<i32>} : memref<4096xf32, #tpu.memory_space<vmem>>, vector<16xf32>,
      %gather3A_383 = tpu.vector_load_idx %arg7[%get3A_378] : memref<10000xf32, #tpu.memory_space<vmem>>[vector<16xi32>], vector<16xf32>,
      %mul3A_384 = arith.mulf %gather3A_383, %get3A_382 : vector<16xf32>
      tpu.vector_store_idx %arg11[%get3A_380], %mul3A_384 {add = true} : memref<10000xf32, #tpu.memory_space<vmem>>[vector<16xi32>], vector<16xf32>,
      %gather3A_385 = tpu.vector_load_idx %arg8[%get3A_378] : memref<10000xf32, #tpu.memory_space<vmem>>[vector<16xi32>], vector<16xf32>,
      %mul3A_386 = arith.mulf %gather3A_385, %get3A_382 : vector<16xf32>
      tpu.vector_store_idx %arg12[%get3A_380], %mul3A_386 {add = true} : memref<10000xf32, #tpu.memory_space<vmem>>[vector<16xi32>], vector<16xf32>,
      %gather3A_387 = tpu.vector_load_idx %arg9[%get3A_378] : memref<10000xf32, #tpu.memory_space<vmem>>[vector<16xi32>], vector<16xf32>,
      %mul3A_388 = arith.mulf %gather3A_387, %get3A_382 : vector<16xf32>
      tpu.vector_store_idx %arg13[%get3A_380], %mul3A_388 {add = true} : memref<10000xf32, #tpu.memory_space<vmem>>[vector<16xi32>], vector<16xf32>,
      %gather3A_389 = tpu.vector_load_idx %arg10[%get3A_378] : memref<10000xf32, #tpu.memory_space<vmem>>[vector<16xi32>], vector<16xf32>,
      %mul3A_390 = arith.mulf %gather3A_389, %get3A_382 : vector<16xf32>
      tpu.vector_store_idx %arg14[%get3A_380], %mul3A_390 {add = true} : memref<10000xf32, #tpu.memory_space<vmem>>[vector<16xi32>], vector<16xf32>,
      %scan3A_391 = arith.constant 14 : i32
      %scan3A_392 = arith.addi %scan3A_86, %scan3A_391 : i32
      %mul3A_393 = arith.constant 1 : i32
      %mul3A_394 = arith.muli %scan3A_392, %mul3A_393 : i32
      %add3A_395 = arith.constant 0 : i32
      %add3A_396 = arith.addi %add3A_395, %mul3A_394 : i32
      %mul3A_397 = arith.constant 16 : i32
      %mul3A_398 = arith.muli %add3A_396, %mul3A_397 : i32
      %get3A_399 = arith.index_cast %mul3A_398 : i32 to index
      %get3A_400 = tpu.vector_load %arg15[%get3A_399] {strides = array<i32>} : memref<4096xi32, #tpu.memory_space<vmem>>, vector<16xi32>,
      %get3A_401 = arith.index_cast %mul3A_398 : i32 to index
      %get3A_402 = tpu.vector_load %arg16[%get3A_401] {strides = array<i32>} : memref<4096xi32, #tpu.memory_space<vmem>>, vector<16xi32>,
      %get3A_403 = arith.index_cast %mul3A_398 : i32 to index
      %get3A_404 = tpu.vector_load %arg17[%get3A_403] {strides = array<i32>} : memref<4096xf32, #tpu.memory_space<vmem>>, vector<16xf32>,
      %gather3A_405 = tpu.vector_load_idx %arg7[%get3A_400] : memref<10000xf32, #tpu.memory_space<vmem>>[vector<16xi32>], vector<16xf32>,
      %mul3A_406 = arith.mulf %gather3A_405, %get3A_404 : vector<16xf32>
      tpu.vector_store_idx %arg11[%get3A_402], %mul3A_406 {add = true} : memref<10000xf32, #tpu.memory_space<vmem>>[vector<16xi32>], vector<16xf32>,
      %gather3A_407 = tpu.vector_load_idx %arg8[%get3A_400] : memref<10000xf32, #tpu.memory_space<vmem>>[vector<16xi32>], vector<16xf32>,
      %mul3A_408 = arith.mulf %gather3A_407, %get3A_404 : vector<16xf32>
      tpu.vector_store_idx %arg12[%get3A_402], %mul3A_408 {add = true} : memref<10000xf32, #tpu.memory_space<vmem>>[vector<16xi32>], vector<16xf32>,
      %gather3A_409 = tpu.vector_load_idx %arg9[%get3A_400] : memref<10000xf32, #tpu.memory_space<vmem>>[vector<16xi32>], vector<16xf32>,
      %mul3A_410 = arith.mulf %gather3A_409, %get3A_404 : vector<16xf32>
      tpu.vector_store_idx %arg13[%get3A_402], %mul3A_410 {add = true} : memref<10000xf32, #tpu.memory_space<vmem>>[vector<16xi32>], vector<16xf32>,
      %gather3A_411 = tpu.vector_load_idx %arg10[%get3A_400] : memref<10000xf32, #tpu.memory_space<vmem>>[vector<16xi32>], vector<16xf32>,
      %mul3A_412 = arith.mulf %gather3A_411, %get3A_404 : vector<16xf32>
      tpu.vector_store_idx %arg14[%get3A_402], %mul3A_412 {add = true} : memref<10000xf32, #tpu.memory_space<vmem>>[vector<16xi32>], vector<16xf32>,
      %scan3A_413 = arith.constant 15 : i32
      %scan3A_414 = arith.addi %scan3A_86, %scan3A_413 : i32
      %mul3A_415 = arith.constant 1 : i32
      %mul3A_416 = arith.muli %scan3A_414, %mul3A_415 : i32
      %add3A_417 = arith.constant 0 : i32
      %add3A_418 = arith.addi %add3A_417, %mul3A_416 : i32
      %mul3A_419 = arith.constant 16 : i32
      %mul3A_420 = arith.muli %add3A_418, %mul3A_419 : i32
      %get3A_421 = arith.index_cast %mul3A_420 : i32 to index
      %get3A_422 = tpu.vector_load %arg15[%get3A_421] {strides = array<i32>} : memref<4096xi32, #tpu.memory_space<vmem>>, vector<16xi32>,
      %get3A_423 = arith.index_cast %mul3A_420 : i32 to index
      %get3A_424 = tpu.vector_load %arg16[%get3A_423] {strides = array<i32>} : memref<4096xi32, #tpu.memory_space<vmem>>, vector<16xi32>,
      %get3A_425 = arith.index_cast %mul3A_420 : i32 to index
      %get3A_426 = tpu.vector_load %arg17[%get3A_425] {strides = array<i32>} : memref<4096xf32, #tpu.memory_space<vmem>>, vector<16xf32>,
      %gather3A_427 = tpu.vector_load_idx %arg7[%get3A_422] : memref<10000xf32, #tpu.memory_space<vmem>>[vector<16xi32>], vector<16xf32>,
      %mul3A_428 = arith.mulf %gather3A_427, %get3A_426 : vector<16xf32>
      tpu.vector_store_idx %arg11[%get3A_424], %mul3A_428 {add = true} : memref<10000xf32, #tpu.memory_space<vmem>>[vector<16xi32>], vector<16xf32>,
      %gather3A_429 = tpu.vector_load_idx %arg8[%get3A_422] : memref<10000xf32, #tpu.memory_space<vmem>>[vector<16xi32>], vector<16xf32>,
      %mul3A_430 = arith.mulf %gather3A_429, %get3A_426 : vector<16xf32>
      tpu.vector_store_idx %arg12[%get3A_424], %mul3A_430 {add = true} : memref<10000xf32, #tpu.memory_space<vmem>>[vector<16xi32>], vector<16xf32>,
      %gather3A_431 = tpu.vector_load_idx %arg9[%get3A_422] : memref<10000xf32, #tpu.memory_space<vmem>>[vector<16xi32>], vector<16xf32>,
      %mul3A_432 = arith.mulf %gather3A_431, %get3A_426 : vector<16xf32>
      tpu.vector_store_idx %arg13[%get3A_424], %mul3A_432 {add = true} : memref<10000xf32, #tpu.memory_space<vmem>>[vector<16xi32>], vector<16xf32>,
      %gather3A_433 = tpu.vector_load_idx %arg10[%get3A_422] : memref<10000xf32, #tpu.memory_space<vmem>>[vector<16xi32>], vector<16xf32>,
      %mul3A_434 = arith.mulf %gather3A_433, %get3A_426 : vector<16xf32>
      tpu.vector_store_idx %arg14[%get3A_424], %mul3A_434 {add = true} : memref<10000xf32, #tpu.memory_space<vmem>>[vector<16xi32>], vector<16xf32>,
    }
    %scan3A_61 = arith.constant 256 : i32
    %mul3A_62 = arith.constant 4 : i32
    %mul3A_63 = arith.muli %add3A, %mul3A_62 : i32
    %add3A_64 = arith.constant 0 : i32
    %add3A_65 = arith.addi %mul3A_63, %add3A_64 : i32
    %mul3A_66 = arith.constant 10000 : i32
    %mul3A_67 = arith.muli %add3A_65, %mul3A_66 : i32
    "tpu.region"() ({
      %run_scoped3A = tpu.sem_alloc : memref<!tpu.dma_semaphore, #tpu.memory_space<semaphore_mem>>
      %dma_start3A_86 = tpu.memref_slice %arg6[%mul3A_67] : memref<1280000xf32, #tpu.memory_space<hbm>> -> memref<10000xf32, #tpu.memory_space<hbm>>
      %dma_start3A_87 = tpu.memref_slice %arg6[%mul3A_67] : memref<1280000xf32, #tpu.memory_space<hbm>> -> memref<10000xf32, #tpu.memory_space<hbm>>
      tpu.enqueue_dma source(%arg11 : memref<10000xf32, #tpu.memory_space<vmem>>) target(%dma_start3A_87 : memref<10000xf32, #tpu.memory_space<hbm>>) target_semaphore(%run_scoped3A : memref<!tpu.dma_semaphore, #tpu.memory_space<semaphore_mem>>)
      %dma_wait3A_88 = tpu.memref_slice %arg6[%mul3A_67] : memref<1280000xf32, #tpu.memory_space<hbm>> -> memref<10000xf32, #tpu.memory_space<hbm>>
      %dma_wait3A_89 = tpu.memref_slice %arg6[%mul3A_67] : memref<1280000xf32, #tpu.memory_space<hbm>> -> memref<10000xf32, #tpu.memory_space<hbm>>
      tpu.wait_dma2 semaphore(%run_scoped3A : memref<!tpu.dma_semaphore, #tpu.memory_space<semaphore_mem>>) src(%arg11 : memref<10000xf32, #tpu.memory_space<vmem>>) dst(%dma_wait3A_89 : memref<10000xf32, #tpu.memory_space<hbm>>)
      tpu.yield
    }) : () -> ()
    %mul3A_68 = arith.constant 4 : i32
    %mul3A_69 = arith.muli %add3A, %mul3A_68 : i32
    %add3A_70 = arith.constant 1 : i32
    %add3A_71 = arith.addi %mul3A_69, %add3A_70 : i32
    %mul3A_72 = arith.constant 10000 : i32
    %mul3A_73 = arith.muli %add3A_71, %mul3A_72 : i32
    "tpu.region"() ({
      %run_scoped3A = tpu.sem_alloc : memref<!tpu.dma_semaphore, #tpu.memory_space<semaphore_mem>>
      %dma_start3A_86 = tpu.memref_slice %arg6[%mul3A_73] : memref<1280000xf32, #tpu.memory_space<hbm>> -> memref<10000xf32, #tpu.memory_space<hbm>>
      %dma_start3A_87 = tpu.memref_slice %arg6[%mul3A_73] : memref<1280000xf32, #tpu.memory_space<hbm>> -> memref<10000xf32, #tpu.memory_space<hbm>>
      tpu.enqueue_dma source(%arg12 : memref<10000xf32, #tpu.memory_space<vmem>>) target(%dma_start3A_87 : memref<10000xf32, #tpu.memory_space<hbm>>) target_semaphore(%run_scoped3A : memref<!tpu.dma_semaphore, #tpu.memory_space<semaphore_mem>>)
      %dma_wait3A_88 = tpu.memref_slice %arg6[%mul3A_73] : memref<1280000xf32, #tpu.memory_space<hbm>> -> memref<10000xf32, #tpu.memory_space<hbm>>
      %dma_wait3A_89 = tpu.memref_slice %arg6[%mul3A_73] : memref<1280000xf32, #tpu.memory_space<hbm>> -> memref<10000xf32, #tpu.memory_space<hbm>>
      tpu.wait_dma2 semaphore(%run_scoped3A : memref<!tpu.dma_semaphore, #tpu.memory_space<semaphore_mem>>) src(%arg12 : memref<10000xf32, #tpu.memory_space<vmem>>) dst(%dma_wait3A_89 : memref<10000xf32, #tpu.memory_space<hbm>>)
      tpu.yield
    }) : () -> ()
    %mul3A_74 = arith.constant 4 : i32
    %mul3A_75 = arith.muli %add3A, %mul3A_74 : i32
    %add3A_76 = arith.constant 2 : i32
    %add3A_77 = arith.addi %mul3A_75, %add3A_76 : i32
    %mul3A_78 = arith.constant 10000 : i32
    %mul3A_79 = arith.muli %add3A_77, %mul3A_78 : i32
    "tpu.region"() ({
      %run_scoped3A = tpu.sem_alloc : memref<!tpu.dma_semaphore, #tpu.memory_space<semaphore_mem>>
      %dma_start3A_86 = tpu.memref_slice %arg6[%mul3A_79] : memref<1280000xf32, #tpu.memory_space<hbm>> -> memref<10000xf32, #tpu.memory_space<hbm>>
      %dma_start3A_87 = tpu.memref_slice %arg6[%mul3A_79] : memref<1280000xf32, #tpu.memory_space<hbm>> -> memref<10000xf32, #tpu.memory_space<hbm>>
      tpu.enqueue_dma source(%arg13 : memref<10000xf32, #tpu.memory_space<vmem>>) target(%dma_start3A_87 : memref<10000xf32, #tpu.memory_space<hbm>>) target_semaphore(%run_scoped3A : memref<!tpu.dma_semaphore, #tpu.memory_space<semaphore_mem>>)
      %dma_wait3A_88 = tpu.memref_slice %arg6[%mul3A_79] : memref<1280000xf32, #tpu.memory_space<hbm>> -> memref<10000xf32, #tpu.memory_space<hbm>>
      %dma_wait3A_89 = tpu.memref_slice %arg6[%mul3A_79] : memref<1280000xf32, #tpu.memory_space<hbm>> -> memref<10000xf32, #tpu.memory_space<hbm>>
      tpu.wait_dma2 semaphore(%run_scoped3A : memref<!tpu.dma_semaphore, #tpu.memory_space<semaphore_mem>>) src(%arg13 : memref<10000xf32, #tpu.memory_space<vmem>>) dst(%dma_wait3A_89 : memref<10000xf32, #tpu.memory_space<hbm>>)
      tpu.yield
    }) : () -> ()
    %mul3A_80 = arith.constant 4 : i32
    %mul3A_81 = arith.muli %add3A, %mul3A_80 : i32
    %add3A_82 = arith.constant 3 : i32
    %add3A_83 = arith.addi %mul3A_81, %add3A_82 : i32
    %mul3A_84 = arith.constant 10000 : i32
    %mul3A_85 = arith.muli %add3A_83, %mul3A_84 : i32
    "tpu.region"() ({
      %run_scoped3A = tpu.sem_alloc : memref<!tpu.dma_semaphore, #tpu.memory_space<semaphore_mem>>
      %dma_start3A_86 = tpu.memref_slice %arg6[%mul3A_85] : memref<1280000xf32, #tpu.memory_space<hbm>> -> memref<10000xf32, #tpu.memory_space<hbm>>
      %dma_start3A_87 = tpu.memref_slice %arg6[%mul3A_85] : memref<1280000xf32, #tpu.memory_space<hbm>> -> memref<10000xf32, #tpu.memory_space<hbm>>
      tpu.enqueue_dma source(%arg14 : memref<10000xf32, #tpu.memory_space<vmem>>) target(%dma_start3A_87 : memref<10000xf32, #tpu.memory_space<hbm>>) target_semaphore(%run_scoped3A : memref<!tpu.dma_semaphore, #tpu.memory_space<semaphore_mem>>)
      %dma_wait3A_88 = tpu.memref_slice %arg6[%mul3A_85] : memref<1280000xf32, #tpu.memory_space<hbm>> -> memref<10000xf32, #tpu.memory_space<hbm>>
      %dma_wait3A_89 = tpu.memref_slice %arg6[%mul3A_85] : memref<1280000xf32, #tpu.memory_space<hbm>> -> memref<10000xf32, #tpu.memory_space<hbm>>
      tpu.wait_dma2 semaphore(%run_scoped3A : memref<!tpu.dma_semaphore, #tpu.memory_space<semaphore_mem>>) src(%arg14 : memref<10000xf32, #tpu.memory_space<vmem>>) dst(%dma_wait3A_89 : memref<10000xf32, #tpu.memory_space<hbm>>)
      tpu.yield
    }) : () -> ()
    return
  }
}

#map = affine_map<(d0, d1) -> (0)>
module attributes {stable_mosaic.version = 14 : i64} {
  func.func @_agg_sc(%arg0: i32, %arg1: i32, %arg2: memref<1280000xf32, #tpu.memory_space<hbm>>, %arg3: memref<323584xi32, #tpu.memory_space<hbm>>, %arg4: memref<323584xi32, #tpu.memory_space<hbm>>, %arg5: memref<323584xf32, #tpu.memory_space<hbm>>, %arg6: memref<1280000xf32, #tpu.memory_space<hbm>>, %arg7: memref<10000xf32, #tpu.memory_space<vmem>>, %arg8: memref<10000xf32, #tpu.memory_space<vmem>>, %arg9: memref<10000xf32, #tpu.memory_space<vmem>>, %arg10: memref<10000xf32, #tpu.memory_space<vmem>>, %arg11: memref<10000xf32, #tpu.memory_space<vmem>>, %arg12: memref<10000xf32, #tpu.memory_space<vmem>>, %arg13: memref<10000xf32, #tpu.memory_space<vmem>>, %arg14: memref<10000xf32, #tpu.memory_space<vmem>>, %arg15: memref<4096xi32, #tpu.memory_space<vmem>>, %arg16: memref<4096xi32, #tpu.memory_space<vmem>>, %arg17: memref<4096xf32, #tpu.memory_space<vmem>>, %arg18: memref<4096xi32, #tpu.memory_space<vmem>>, %arg19: memref<4096xi32, #tpu.memory_space<vmem>>, %arg20: memref<4096xf32, #tpu.memory_space<vmem>>, %arg21: memref<!tpu.dma_semaphore, #tpu.memory_space<semaphore_mem>>, %arg22: memref<!tpu.dma_semaphore, #tpu.memory_space<semaphore_mem>>) attributes {dimension_semantics = [#tpu.dimension_semantics<core_parallel>, #tpu.dimension_semantics<subcore_parallel>], iteration_bounds = array<i64: 2, 16>, scalar_prefetch = 0 : i64, scratch_operands = 16 : i64, tpu.core_type = #tpu.core_type<sc_vector_subcore>, window_params = [{transform_indices = #map}, {transform_indices = #map}, {transform_indices = #map}, {transform_indices = #map}, {transform_indices = #map}]} {
    %mul3A = arith.constant 2 : i32
    %mul3A_0 = arith.muli %arg1, %mul3A : i32
    %add3A = arith.addi %mul3A_0, %arg0 : i32
    %broadcast_in_dim3A = arith.constant 0.000000e+00 : f32
    %broadcast_in_dim3A_1 = vector.broadcast %broadcast_in_dim3A : f32 to vector<16xf32>
    %scan3A = arith.constant 0 : i32
    %scan3A_2 = arith.constant 625 : i32
    %scan3A_3 = arith.addi %scan3A, %scan3A_2 : i32
    %scan3A_4 = arith.constant 1 : i32
    scf.for %scan3A_86 = %scan3A to %scan3A_3 step %scan3A_4  : i32 {
      %mul3A_87 = arith.constant 1 : i32
      %mul3A_88 = arith.muli %scan3A_86, %mul3A_87 : i32
      %add3A_89 = arith.constant 0 : i32
      %add3A_90 = arith.addi %add3A_89, %mul3A_88 : i32
      %mul3A_91 = arith.constant 16 : i32
      %mul3A_92 = arith.muli %add3A_90, %mul3A_91 : i32
      %swap3A = arith.index_cast %mul3A_92 : i32 to index
      %swap3A_93 = tpu.vector_load %arg11[%swap3A] {strides = array<i32>} : memref<10000xf32, #tpu.memory_space<vmem>>, vector<16xf32>,
      tpu.vector_store %arg11[%swap3A], %broadcast_in_dim3A_1 {strides = array<i32>} : memref<10000xf32, #tpu.memory_space<vmem>>, vector<16xf32>,
      %swap3A_94 = arith.index_cast %mul3A_92 : i32 to index
      %swap3A_95 = tpu.vector_load %arg12[%swap3A_94] {strides = array<i32>} : memref<10000xf32, #tpu.memory_space<vmem>>, vector<16xf32>,
      tpu.vector_store %arg12[%swap3A_94], %broadcast_in_dim3A_1 {strides = array<i32>} : memref<10000xf32, #tpu.memory_space<vmem>>, vector<16xf32>,
      %swap3A_96 = arith.index_cast %mul3A_92 : i32 to index
      %swap3A_97 = tpu.vector_load %arg13[%swap3A_96] {strides = array<i32>} : memref<10000xf32, #tpu.memory_space<vmem>>, vector<16xf32>,
      tpu.vector_store %arg13[%swap3A_96], %broadcast_in_dim3A_1 {strides = array<i32>} : memref<10000xf32, #tpu.memory_space<vmem>>, vector<16xf32>,
      %swap3A_98 = arith.index_cast %mul3A_92 : i32 to index
      %swap3A_99 = tpu.vector_load %arg14[%swap3A_98] {strides = array<i32>} : memref<10000xf32, #tpu.memory_space<vmem>>, vector<16xf32>,
      tpu.vector_store %arg14[%swap3A_98], %broadcast_in_dim3A_1 {strides = array<i32>} : memref<10000xf32, #tpu.memory_space<vmem>>, vector<16xf32>,
    }
    %scan3A_5 = arith.constant 625 : i32
    %dma_start3A = arith.constant 0 : i32
    %dma_start3A_6 = tpu.memref_slice %arg3[%dma_start3A] : memref<323584xi32, #tpu.memory_space<hbm>> -> memref<4096xi32, #tpu.memory_space<hbm>>
    %dma_start3A_7 = arith.constant 0 : i32
    %dma_start3A_8 = tpu.memref_slice %arg3[%dma_start3A_7] : memref<323584xi32, #tpu.memory_space<hbm>> -> memref<4096xi32, #tpu.memory_space<hbm>>
    tpu.enqueue_dma source(%dma_start3A_8 : memref<4096xi32, #tpu.memory_space<hbm>>) target(%arg15 : memref<4096xi32, #tpu.memory_space<vmem>>) target_semaphore(%arg21 : memref<!tpu.dma_semaphore, #tpu.memory_space<semaphore_mem>>)
    %dma_start3A_9 = arith.constant 0 : i32
    %dma_start3A_10 = tpu.memref_slice %arg4[%dma_start3A_9] : memref<323584xi32, #tpu.memory_space<hbm>> -> memref<4096xi32, #tpu.memory_space<hbm>>
    %dma_start3A_11 = arith.constant 0 : i32
    %dma_start3A_12 = tpu.memref_slice %arg4[%dma_start3A_11] : memref<323584xi32, #tpu.memory_space<hbm>> -> memref<4096xi32, #tpu.memory_space<hbm>>
    tpu.enqueue_dma source(%dma_start3A_12 : memref<4096xi32, #tpu.memory_space<hbm>>) target(%arg16 : memref<4096xi32, #tpu.memory_space<vmem>>) target_semaphore(%arg21 : memref<!tpu.dma_semaphore, #tpu.memory_space<semaphore_mem>>)
    %dma_start3A_13 = arith.constant 0 : i32
    %dma_start3A_14 = tpu.memref_slice %arg5[%dma_start3A_13] : memref<323584xf32, #tpu.memory_space<hbm>> -> memref<4096xf32, #tpu.memory_space<hbm>>
    %dma_start3A_15 = arith.constant 0 : i32
    %dma_start3A_16 = tpu.memref_slice %arg5[%dma_start3A_15] : memref<323584xf32, #tpu.memory_space<hbm>> -> memref<4096xf32, #tpu.memory_space<hbm>>
    tpu.enqueue_dma source(%dma_start3A_16 : memref<4096xf32, #tpu.memory_space<hbm>>) target(%arg17 : memref<4096xf32, #tpu.memory_space<vmem>>) target_semaphore(%arg21 : memref<!tpu.dma_semaphore, #tpu.memory_space<semaphore_mem>>)
    %mul3A_17 = arith.constant 4 : i32
    %mul3A_18 = arith.muli %add3A, %mul3A_17 : i32
    %add3A_19 = arith.constant 0 : i32
    %add3A_20 = arith.addi %mul3A_18, %add3A_19 : i32
    %mul3A_21 = arith.constant 10000 : i32
    %mul3A_22 = arith.muli %add3A_20, %mul3A_21 : i32
    "tpu.region"() ({
      %run_scoped3A = tpu.sem_alloc : memref<!tpu.dma_semaphore, #tpu.memory_space<semaphore_mem>>
      %dma_start3A_86 = tpu.memref_slice %arg2[%mul3A_22] : memref<1280000xf32, #tpu.memory_space<hbm>> -> memref<10000xf32, #tpu.memory_space<hbm>>
      %dma_start3A_87 = tpu.memref_slice %arg2[%mul3A_22] : memref<1280000xf32, #tpu.memory_space<hbm>> -> memref<10000xf32, #tpu.memory_space<hbm>>
      tpu.enqueue_dma source(%dma_start3A_87 : memref<10000xf32, #tpu.memory_space<hbm>>) target(%arg7 : memref<10000xf32, #tpu.memory_space<vmem>>) target_semaphore(%run_scoped3A : memref<!tpu.dma_semaphore, #tpu.memory_space<semaphore_mem>>)
      %dma_wait3A_88 = tpu.memref_slice %arg2[%mul3A_22] : memref<1280000xf32, #tpu.memory_space<hbm>> -> memref<10000xf32, #tpu.memory_space<hbm>>
      %dma_wait3A_89 = tpu.memref_slice %arg2[%mul3A_22] : memref<1280000xf32, #tpu.memory_space<hbm>> -> memref<10000xf32, #tpu.memory_space<hbm>>
      tpu.wait_dma2 semaphore(%run_scoped3A : memref<!tpu.dma_semaphore, #tpu.memory_space<semaphore_mem>>) src(%dma_wait3A_89 : memref<10000xf32, #tpu.memory_space<hbm>>) dst(%arg7 : memref<10000xf32, #tpu.memory_space<vmem>>)
      tpu.yield
    }) : () -> ()
    %mul3A_23 = arith.constant 4 : i32
    %mul3A_24 = arith.muli %add3A, %mul3A_23 : i32
    %add3A_25 = arith.constant 1 : i32
    %add3A_26 = arith.addi %mul3A_24, %add3A_25 : i32
    %mul3A_27 = arith.constant 10000 : i32
    %mul3A_28 = arith.muli %add3A_26, %mul3A_27 : i32
    "tpu.region"() ({
      %run_scoped3A = tpu.sem_alloc : memref<!tpu.dma_semaphore, #tpu.memory_space<semaphore_mem>>
      %dma_start3A_86 = tpu.memref_slice %arg2[%mul3A_28] : memref<1280000xf32, #tpu.memory_space<hbm>> -> memref<10000xf32, #tpu.memory_space<hbm>>
      %dma_start3A_87 = tpu.memref_slice %arg2[%mul3A_28] : memref<1280000xf32, #tpu.memory_space<hbm>> -> memref<10000xf32, #tpu.memory_space<hbm>>
      tpu.enqueue_dma source(%dma_start3A_87 : memref<10000xf32, #tpu.memory_space<hbm>>) target(%arg8 : memref<10000xf32, #tpu.memory_space<vmem>>) target_semaphore(%run_scoped3A : memref<!tpu.dma_semaphore, #tpu.memory_space<semaphore_mem>>)
      %dma_wait3A_88 = tpu.memref_slice %arg2[%mul3A_28] : memref<1280000xf32, #tpu.memory_space<hbm>> -> memref<10000xf32, #tpu.memory_space<hbm>>
      %dma_wait3A_89 = tpu.memref_slice %arg2[%mul3A_28] : memref<1280000xf32, #tpu.memory_space<hbm>> -> memref<10000xf32, #tpu.memory_space<hbm>>
      tpu.wait_dma2 semaphore(%run_scoped3A : memref<!tpu.dma_semaphore, #tpu.memory_space<semaphore_mem>>) src(%dma_wait3A_89 : memref<10000xf32, #tpu.memory_space<hbm>>) dst(%arg8 : memref<10000xf32, #tpu.memory_space<vmem>>)
      tpu.yield
    }) : () -> ()
    %mul3A_29 = arith.constant 4 : i32
    %mul3A_30 = arith.muli %add3A, %mul3A_29 : i32
    %add3A_31 = arith.constant 2 : i32
    %add3A_32 = arith.addi %mul3A_30, %add3A_31 : i32
    %mul3A_33 = arith.constant 10000 : i32
    %mul3A_34 = arith.muli %add3A_32, %mul3A_33 : i32
    "tpu.region"() ({
      %run_scoped3A = tpu.sem_alloc : memref<!tpu.dma_semaphore, #tpu.memory_space<semaphore_mem>>
      %dma_start3A_86 = tpu.memref_slice %arg2[%mul3A_34] : memref<1280000xf32, #tpu.memory_space<hbm>> -> memref<10000xf32, #tpu.memory_space<hbm>>
      %dma_start3A_87 = tpu.memref_slice %arg2[%mul3A_34] : memref<1280000xf32, #tpu.memory_space<hbm>> -> memref<10000xf32, #tpu.memory_space<hbm>>
      tpu.enqueue_dma source(%dma_start3A_87 : memref<10000xf32, #tpu.memory_space<hbm>>) target(%arg9 : memref<10000xf32, #tpu.memory_space<vmem>>) target_semaphore(%run_scoped3A : memref<!tpu.dma_semaphore, #tpu.memory_space<semaphore_mem>>)
      %dma_wait3A_88 = tpu.memref_slice %arg2[%mul3A_34] : memref<1280000xf32, #tpu.memory_space<hbm>> -> memref<10000xf32, #tpu.memory_space<hbm>>
      %dma_wait3A_89 = tpu.memref_slice %arg2[%mul3A_34] : memref<1280000xf32, #tpu.memory_space<hbm>> -> memref<10000xf32, #tpu.memory_space<hbm>>
      tpu.wait_dma2 semaphore(%run_scoped3A : memref<!tpu.dma_semaphore, #tpu.memory_space<semaphore_mem>>) src(%dma_wait3A_89 : memref<10000xf32, #tpu.memory_space<hbm>>) dst(%arg9 : memref<10000xf32, #tpu.memory_space<vmem>>)
      tpu.yield
    }) : () -> ()
    %mul3A_35 = arith.constant 4 : i32
    %mul3A_36 = arith.muli %add3A, %mul3A_35 : i32
    %add3A_37 = arith.constant 3 : i32
    %add3A_38 = arith.addi %mul3A_36, %add3A_37 : i32
    %mul3A_39 = arith.constant 10000 : i32
    %mul3A_40 = arith.muli %add3A_38, %mul3A_39 : i32
    "tpu.region"() ({
      %run_scoped3A = tpu.sem_alloc : memref<!tpu.dma_semaphore, #tpu.memory_space<semaphore_mem>>
      %dma_start3A_86 = tpu.memref_slice %arg2[%mul3A_40] : memref<1280000xf32, #tpu.memory_space<hbm>> -> memref<10000xf32, #tpu.memory_space<hbm>>
      %dma_start3A_87 = tpu.memref_slice %arg2[%mul3A_40] : memref<1280000xf32, #tpu.memory_space<hbm>> -> memref<10000xf32, #tpu.memory_space<hbm>>
      tpu.enqueue_dma source(%dma_start3A_87 : memref<10000xf32, #tpu.memory_space<hbm>>) target(%arg10 : memref<10000xf32, #tpu.memory_space<vmem>>) target_semaphore(%run_scoped3A : memref<!tpu.dma_semaphore, #tpu.memory_space<semaphore_mem>>)
      %dma_wait3A_88 = tpu.memref_slice %arg2[%mul3A_40] : memref<1280000xf32, #tpu.memory_space<hbm>> -> memref<10000xf32, #tpu.memory_space<hbm>>
      %dma_wait3A_89 = tpu.memref_slice %arg2[%mul3A_40] : memref<1280000xf32, #tpu.memory_space<hbm>> -> memref<10000xf32, #tpu.memory_space<hbm>>
      tpu.wait_dma2 semaphore(%run_scoped3A : memref<!tpu.dma_semaphore, #tpu.memory_space<semaphore_mem>>) src(%dma_wait3A_89 : memref<10000xf32, #tpu.memory_space<hbm>>) dst(%arg10 : memref<10000xf32, #tpu.memory_space<vmem>>)
      tpu.yield
    }) : () -> ()
    %scan3A_41 = arith.constant 0 : i32
    %scan3A_42 = arith.constant 39 : i32
    %scan3A_43 = arith.addi %scan3A_41, %scan3A_42 : i32
    %scan3A_44 = arith.constant 1 : i32
    scf.for %scan3A_86 = %scan3A_41 to %scan3A_43 step %scan3A_44  : i32 {
      %mul3A_87 = arith.constant 1 : i32
      %mul3A_88 = arith.muli %scan3A_86, %mul3A_87 : i32
      %add3A_89 = arith.constant 0 : i32
      %add3A_90 = arith.addi %add3A_89, %mul3A_88 : i32
      %mul3A_91 = arith.constant 2 : i32
      %mul3A_92 = arith.muli %mul3A_91, %add3A_90 : i32
      %dma_wait3A_93 = arith.constant 0 : i32
      %dma_wait3A_94 = tpu.memref_slice %arg3[%dma_wait3A_93] : memref<323584xi32, #tpu.memory_space<hbm>> -> memref<4096xi32, #tpu.memory_space<hbm>>
      %dma_wait3A_95 = arith.constant 0 : i32
      %dma_wait3A_96 = tpu.memref_slice %arg3[%dma_wait3A_95] : memref<323584xi32, #tpu.memory_space<hbm>> -> memref<4096xi32, #tpu.memory_space<hbm>>
      tpu.wait_dma2 semaphore(%arg21 : memref<!tpu.dma_semaphore, #tpu.memory_space<semaphore_mem>>) src(%dma_wait3A_96 : memref<4096xi32, #tpu.memory_space<hbm>>) dst(%arg15 : memref<4096xi32, #tpu.memory_space<vmem>>)
      %dma_wait3A_97 = arith.constant 0 : i32
      %dma_wait3A_98 = tpu.memref_slice %arg4[%dma_wait3A_97] : memref<323584xi32, #tpu.memory_space<hbm>> -> memref<4096xi32, #tpu.memory_space<hbm>>
      %dma_wait3A_99 = arith.constant 0 : i32
      %dma_wait3A_100 = tpu.memref_slice %arg4[%dma_wait3A_99] : memref<323584xi32, #tpu.memory_space<hbm>> -> memref<4096xi32, #tpu.memory_space<hbm>>
      tpu.wait_dma2 semaphore(%arg21 : memref<!tpu.dma_semaphore, #tpu.memory_space<semaphore_mem>>) src(%dma_wait3A_100 : memref<4096xi32, #tpu.memory_space<hbm>>) dst(%arg16 : memref<4096xi32, #tpu.memory_space<vmem>>)
      %dma_wait3A_101 = arith.constant 0 : i32
      %dma_wait3A_102 = tpu.memref_slice %arg5[%dma_wait3A_101] : memref<323584xf32, #tpu.memory_space<hbm>> -> memref<4096xf32, #tpu.memory_space<hbm>>
      %dma_wait3A_103 = arith.constant 0 : i32
      %dma_wait3A_104 = tpu.memref_slice %arg5[%dma_wait3A_103] : memref<323584xf32, #tpu.memory_space<hbm>> -> memref<4096xf32, #tpu.memory_space<hbm>>
      tpu.wait_dma2 semaphore(%arg21 : memref<!tpu.dma_semaphore, #tpu.memory_space<semaphore_mem>>) src(%dma_wait3A_104 : memref<4096xf32, #tpu.memory_space<hbm>>) dst(%arg17 : memref<4096xf32, #tpu.memory_space<vmem>>)
      %add3A_105 = arith.constant 1 : i32
      %add3A_106 = arith.addi %mul3A_92, %add3A_105 : i32
      %mul3A_107 = arith.constant 4096 : i32
      %mul3A_108 = arith.muli %add3A_106, %mul3A_107 : i32
      %dma_start3A_109 = tpu.memref_slice %arg3[%mul3A_108] : memref<323584xi32, #tpu.memory_space<hbm>> -> memref<4096xi32, #tpu.memory_space<hbm>>
      %dma_start3A_110 = tpu.memref_slice %arg3[%mul3A_108] : memref<323584xi32, #tpu.memory_space<hbm>> -> memref<4096xi32, #tpu.memory_space<hbm>>
      tpu.enqueue_dma source(%dma_start3A_110 : memref<4096xi32, #tpu.memory_space<hbm>>) target(%arg18 : memref<4096xi32, #tpu.memory_space<vmem>>) target_semaphore(%arg22 : memref<!tpu.dma_semaphore, #tpu.memory_space<semaphore_mem>>)
      %mul3A_111 = arith.constant 4096 : i32
      %mul3A_112 = arith.muli %add3A_106, %mul3A_111 : i32
      %dma_start3A_113 = tpu.memref_slice %arg4[%mul3A_112] : memref<323584xi32, #tpu.memory_space<hbm>> -> memref<4096xi32, #tpu.memory_space<hbm>>
      %dma_start3A_114 = tpu.memref_slice %arg4[%mul3A_112] : memref<323584xi32, #tpu.memory_space<hbm>> -> memref<4096xi32, #tpu.memory_space<hbm>>
      tpu.enqueue_dma source(%dma_start3A_114 : memref<4096xi32, #tpu.memory_space<hbm>>) target(%arg19 : memref<4096xi32, #tpu.memory_space<vmem>>) target_semaphore(%arg22 : memref<!tpu.dma_semaphore, #tpu.memory_space<semaphore_mem>>)
      %mul3A_115 = arith.constant 4096 : i32
      %mul3A_116 = arith.muli %add3A_106, %mul3A_115 : i32
      %dma_start3A_117 = tpu.memref_slice %arg5[%mul3A_116] : memref<323584xf32, #tpu.memory_space<hbm>> -> memref<4096xf32, #tpu.memory_space<hbm>>
      %dma_start3A_118 = tpu.memref_slice %arg5[%mul3A_116] : memref<323584xf32, #tpu.memory_space<hbm>> -> memref<4096xf32, #tpu.memory_space<hbm>>
      tpu.enqueue_dma source(%dma_start3A_118 : memref<4096xf32, #tpu.memory_space<hbm>>) target(%arg20 : memref<4096xf32, #tpu.memory_space<vmem>>) target_semaphore(%arg22 : memref<!tpu.dma_semaphore, #tpu.memory_space<semaphore_mem>>)
      %scan3A_119 = arith.constant 0 : i32
      %scan3A_120 = arith.constant 256 : i32
      %scan3A_121 = arith.addi %scan3A_119, %scan3A_120 : i32
      %scan3A_122 = arith.constant 16 : i32
      scf.for %scan3A_145 = %scan3A_119 to %scan3A_121 step %scan3A_122  : i32 {
        %mul3A_146 = arith.constant 1 : i32
        %mul3A_147 = arith.muli %scan3A_145, %mul3A_146 : i32
        %add3A_148 = arith.constant 0 : i32
        %add3A_149 = arith.addi %add3A_148, %mul3A_147 : i32
        %mul3A_150 = arith.constant 16 : i32
        %mul3A_151 = arith.muli %add3A_149, %mul3A_150 : i32
        %get3A = arith.index_cast %mul3A_151 : i32 to index
        %get3A_152 = tpu.vector_load %arg15[%get3A] {strides = array<i32>} : memref<4096xi32, #tpu.memory_space<vmem>>, vector<16xi32>,
        %get3A_153 = arith.index_cast %mul3A_151 : i32 to index
        %get3A_154 = tpu.vector_load %arg16[%get3A_153] {strides = array<i32>} : memref<4096xi32, #tpu.memory_space<vmem>>, vector<16xi32>,
        %get3A_155 = arith.index_cast %mul3A_151 : i32 to index
        %get3A_156 = tpu.vector_load %arg17[%get3A_155] {strides = array<i32>} : memref<4096xf32, #tpu.memory_space<vmem>>, vector<16xf32>,
        %gather3A = tpu.vector_load_idx %arg7[%get3A_152] : memref<10000xf32, #tpu.memory_space<vmem>>[vector<16xi32>], vector<16xf32>,
        %mul3A_157 = arith.mulf %gather3A, %get3A_156 : vector<16xf32>
        tpu.vector_store_idx %arg11[%get3A_154], %mul3A_157 {add = true} : memref<10000xf32, #tpu.memory_space<vmem>>[vector<16xi32>], vector<16xf32>,
        %gather3A_158 = tpu.vector_load_idx %arg8[%get3A_152] : memref<10000xf32, #tpu.memory_space<vmem>>[vector<16xi32>], vector<16xf32>,
        %mul3A_159 = arith.mulf %gather3A_158, %get3A_156 : vector<16xf32>
        tpu.vector_store_idx %arg12[%get3A_154], %mul3A_159 {add = true} : memref<10000xf32, #tpu.memory_space<vmem>>[vector<16xi32>], vector<16xf32>,
        %gather3A_160 = tpu.vector_load_idx %arg9[%get3A_152] : memref<10000xf32, #tpu.memory_space<vmem>>[vector<16xi32>], vector<16xf32>,
        %mul3A_161 = arith.mulf %gather3A_160, %get3A_156 : vector<16xf32>
        tpu.vector_store_idx %arg13[%get3A_154], %mul3A_161 {add = true} : memref<10000xf32, #tpu.memory_space<vmem>>[vector<16xi32>], vector<16xf32>,
        %gather3A_162 = tpu.vector_load_idx %arg10[%get3A_152] : memref<10000xf32, #tpu.memory_space<vmem>>[vector<16xi32>], vector<16xf32>,
        %mul3A_163 = arith.mulf %gather3A_162, %get3A_156 : vector<16xf32>
        tpu.vector_store_idx %arg14[%get3A_154], %mul3A_163 {add = true} : memref<10000xf32, #tpu.memory_space<vmem>>[vector<16xi32>], vector<16xf32>,
        %scan3A_164 = arith.constant 1 : i32
        %scan3A_165 = arith.addi %scan3A_145, %scan3A_164 : i32
        %mul3A_166 = arith.constant 1 : i32
        %mul3A_167 = arith.muli %scan3A_165, %mul3A_166 : i32
        %add3A_168 = arith.constant 0 : i32
        %add3A_169 = arith.addi %add3A_168, %mul3A_167 : i32
        %mul3A_170 = arith.constant 16 : i32
        %mul3A_171 = arith.muli %add3A_169, %mul3A_170 : i32
        %get3A_172 = arith.index_cast %mul3A_171 : i32 to index
        %get3A_173 = tpu.vector_load %arg15[%get3A_172] {strides = array<i32>} : memref<4096xi32, #tpu.memory_space<vmem>>, vector<16xi32>,
        %get3A_174 = arith.index_cast %mul3A_171 : i32 to index
        %get3A_175 = tpu.vector_load %arg16[%get3A_174] {strides = array<i32>} : memref<4096xi32, #tpu.memory_space<vmem>>, vector<16xi32>,
        %get3A_176 = arith.index_cast %mul3A_171 : i32 to index
        %get3A_177 = tpu.vector_load %arg17[%get3A_176] {strides = array<i32>} : memref<4096xf32, #tpu.memory_space<vmem>>, vector<16xf32>,
        %gather3A_178 = tpu.vector_load_idx %arg7[%get3A_173] : memref<10000xf32, #tpu.memory_space<vmem>>[vector<16xi32>], vector<16xf32>,
        %mul3A_179 = arith.mulf %gather3A_178, %get3A_177 : vector<16xf32>
        tpu.vector_store_idx %arg11[%get3A_175], %mul3A_179 {add = true} : memref<10000xf32, #tpu.memory_space<vmem>>[vector<16xi32>], vector<16xf32>,
        %gather3A_180 = tpu.vector_load_idx %arg8[%get3A_173] : memref<10000xf32, #tpu.memory_space<vmem>>[vector<16xi32>], vector<16xf32>,
        %mul3A_181 = arith.mulf %gather3A_180, %get3A_177 : vector<16xf32>
        tpu.vector_store_idx %arg12[%get3A_175], %mul3A_181 {add = true} : memref<10000xf32, #tpu.memory_space<vmem>>[vector<16xi32>], vector<16xf32>,
        %gather3A_182 = tpu.vector_load_idx %arg9[%get3A_173] : memref<10000xf32, #tpu.memory_space<vmem>>[vector<16xi32>], vector<16xf32>,
        %mul3A_183 = arith.mulf %gather3A_182, %get3A_177 : vector<16xf32>
        tpu.vector_store_idx %arg13[%get3A_175], %mul3A_183 {add = true} : memref<10000xf32, #tpu.memory_space<vmem>>[vector<16xi32>], vector<16xf32>,
        %gather3A_184 = tpu.vector_load_idx %arg10[%get3A_173] : memref<10000xf32, #tpu.memory_space<vmem>>[vector<16xi32>], vector<16xf32>,
        %mul3A_185 = arith.mulf %gather3A_184, %get3A_177 : vector<16xf32>
        tpu.vector_store_idx %arg14[%get3A_175], %mul3A_185 {add = true} : memref<10000xf32, #tpu.memory_space<vmem>>[vector<16xi32>], vector<16xf32>,
        %scan3A_186 = arith.constant 2 : i32
        %scan3A_187 = arith.addi %scan3A_145, %scan3A_186 : i32
        %mul3A_188 = arith.constant 1 : i32
        %mul3A_189 = arith.muli %scan3A_187, %mul3A_188 : i32
        %add3A_190 = arith.constant 0 : i32
        %add3A_191 = arith.addi %add3A_190, %mul3A_189 : i32
        %mul3A_192 = arith.constant 16 : i32
        %mul3A_193 = arith.muli %add3A_191, %mul3A_192 : i32
        %get3A_194 = arith.index_cast %mul3A_193 : i32 to index
        %get3A_195 = tpu.vector_load %arg15[%get3A_194] {strides = array<i32>} : memref<4096xi32, #tpu.memory_space<vmem>>, vector<16xi32>,
        %get3A_196 = arith.index_cast %mul3A_193 : i32 to index
        %get3A_197 = tpu.vector_load %arg16[%get3A_196] {strides = array<i32>} : memref<4096xi32, #tpu.memory_space<vmem>>, vector<16xi32>,
        %get3A_198 = arith.index_cast %mul3A_193 : i32 to index
        %get3A_199 = tpu.vector_load %arg17[%get3A_198] {strides = array<i32>} : memref<4096xf32, #tpu.memory_space<vmem>>, vector<16xf32>,
        %gather3A_200 = tpu.vector_load_idx %arg7[%get3A_195] : memref<10000xf32, #tpu.memory_space<vmem>>[vector<16xi32>], vector<16xf32>,
        %mul3A_201 = arith.mulf %gather3A_200, %get3A_199 : vector<16xf32>
        tpu.vector_store_idx %arg11[%get3A_197], %mul3A_201 {add = true} : memref<10000xf32, #tpu.memory_space<vmem>>[vector<16xi32>], vector<16xf32>,
        %gather3A_202 = tpu.vector_load_idx %arg8[%get3A_195] : memref<10000xf32, #tpu.memory_space<vmem>>[vector<16xi32>], vector<16xf32>,
        %mul3A_203 = arith.mulf %gather3A_202, %get3A_199 : vector<16xf32>
        tpu.vector_store_idx %arg12[%get3A_197], %mul3A_203 {add = true} : memref<10000xf32, #tpu.memory_space<vmem>>[vector<16xi32>], vector<16xf32>,
        %gather3A_204 = tpu.vector_load_idx %arg9[%get3A_195] : memref<10000xf32, #tpu.memory_space<vmem>>[vector<16xi32>], vector<16xf32>,
        %mul3A_205 = arith.mulf %gather3A_204, %get3A_199 : vector<16xf32>
        tpu.vector_store_idx %arg13[%get3A_197], %mul3A_205 {add = true} : memref<10000xf32, #tpu.memory_space<vmem>>[vector<16xi32>], vector<16xf32>,
        %gather3A_206 = tpu.vector_load_idx %arg10[%get3A_195] : memref<10000xf32, #tpu.memory_space<vmem>>[vector<16xi32>], vector<16xf32>,
        %mul3A_207 = arith.mulf %gather3A_206, %get3A_199 : vector<16xf32>
        tpu.vector_store_idx %arg14[%get3A_197], %mul3A_207 {add = true} : memref<10000xf32, #tpu.memory_space<vmem>>[vector<16xi32>], vector<16xf32>,
        %scan3A_208 = arith.constant 3 : i32
        %scan3A_209 = arith.addi %scan3A_145, %scan3A_208 : i32
        %mul3A_210 = arith.constant 1 : i32
        %mul3A_211 = arith.muli %scan3A_209, %mul3A_210 : i32
        %add3A_212 = arith.constant 0 : i32
        %add3A_213 = arith.addi %add3A_212, %mul3A_211 : i32
        %mul3A_214 = arith.constant 16 : i32
        %mul3A_215 = arith.muli %add3A_213, %mul3A_214 : i32
        %get3A_216 = arith.index_cast %mul3A_215 : i32 to index
        %get3A_217 = tpu.vector_load %arg15[%get3A_216] {strides = array<i32>} : memref<4096xi32, #tpu.memory_space<vmem>>, vector<16xi32>,
        %get3A_218 = arith.index_cast %mul3A_215 : i32 to index
        %get3A_219 = tpu.vector_load %arg16[%get3A_218] {strides = array<i32>} : memref<4096xi32, #tpu.memory_space<vmem>>, vector<16xi32>,
        %get3A_220 = arith.index_cast %mul3A_215 : i32 to index
        %get3A_221 = tpu.vector_load %arg17[%get3A_220] {strides = array<i32>} : memref<4096xf32, #tpu.memory_space<vmem>>, vector<16xf32>,
        %gather3A_222 = tpu.vector_load_idx %arg7[%get3A_217] : memref<10000xf32, #tpu.memory_space<vmem>>[vector<16xi32>], vector<16xf32>,
        %mul3A_223 = arith.mulf %gather3A_222, %get3A_221 : vector<16xf32>
        tpu.vector_store_idx %arg11[%get3A_219], %mul3A_223 {add = true} : memref<10000xf32, #tpu.memory_space<vmem>>[vector<16xi32>], vector<16xf32>,
        %gather3A_224 = tpu.vector_load_idx %arg8[%get3A_217] : memref<10000xf32, #tpu.memory_space<vmem>>[vector<16xi32>], vector<16xf32>,
        %mul3A_225 = arith.mulf %gather3A_224, %get3A_221 : vector<16xf32>
        tpu.vector_store_idx %arg12[%get3A_219], %mul3A_225 {add = true} : memref<10000xf32, #tpu.memory_space<vmem>>[vector<16xi32>], vector<16xf32>,
        %gather3A_226 = tpu.vector_load_idx %arg9[%get3A_217] : memref<10000xf32, #tpu.memory_space<vmem>>[vector<16xi32>], vector<16xf32>,
        %mul3A_227 = arith.mulf %gather3A_226, %get3A_221 : vector<16xf32>
        tpu.vector_store_idx %arg13[%get3A_219], %mul3A_227 {add = true} : memref<10000xf32, #tpu.memory_space<vmem>>[vector<16xi32>], vector<16xf32>,
        %gather3A_228 = tpu.vector_load_idx %arg10[%get3A_217] : memref<10000xf32, #tpu.memory_space<vmem>>[vector<16xi32>], vector<16xf32>,
        %mul3A_229 = arith.mulf %gather3A_228, %get3A_221 : vector<16xf32>
        tpu.vector_store_idx %arg14[%get3A_219], %mul3A_229 {add = true} : memref<10000xf32, #tpu.memory_space<vmem>>[vector<16xi32>], vector<16xf32>,
        %scan3A_230 = arith.constant 4 : i32
        %scan3A_231 = arith.addi %scan3A_145, %scan3A_230 : i32
        %mul3A_232 = arith.constant 1 : i32
        %mul3A_233 = arith.muli %scan3A_231, %mul3A_232 : i32
        %add3A_234 = arith.constant 0 : i32
        %add3A_235 = arith.addi %add3A_234, %mul3A_233 : i32
        %mul3A_236 = arith.constant 16 : i32
        %mul3A_237 = arith.muli %add3A_235, %mul3A_236 : i32
        %get3A_238 = arith.index_cast %mul3A_237 : i32 to index
        %get3A_239 = tpu.vector_load %arg15[%get3A_238] {strides = array<i32>} : memref<4096xi32, #tpu.memory_space<vmem>>, vector<16xi32>,
        %get3A_240 = arith.index_cast %mul3A_237 : i32 to index
        %get3A_241 = tpu.vector_load %arg16[%get3A_240] {strides = array<i32>} : memref<4096xi32, #tpu.memory_space<vmem>>, vector<16xi32>,
        %get3A_242 = arith.index_cast %mul3A_237 : i32 to index
        %get3A_243 = tpu.vector_load %arg17[%get3A_242] {strides = array<i32>} : memref<4096xf32, #tpu.memory_space<vmem>>, vector<16xf32>,
        %gather3A_244 = tpu.vector_load_idx %arg7[%get3A_239] : memref<10000xf32, #tpu.memory_space<vmem>>[vector<16xi32>], vector<16xf32>,
        %mul3A_245 = arith.mulf %gather3A_244, %get3A_243 : vector<16xf32>
        tpu.vector_store_idx %arg11[%get3A_241], %mul3A_245 {add = true} : memref<10000xf32, #tpu.memory_space<vmem>>[vector<16xi32>], vector<16xf32>,
        %gather3A_246 = tpu.vector_load_idx %arg8[%get3A_239] : memref<10000xf32, #tpu.memory_space<vmem>>[vector<16xi32>], vector<16xf32>,
        %mul3A_247 = arith.mulf %gather3A_246, %get3A_243 : vector<16xf32>
        tpu.vector_store_idx %arg12[%get3A_241], %mul3A_247 {add = true} : memref<10000xf32, #tpu.memory_space<vmem>>[vector<16xi32>], vector<16xf32>,
        %gather3A_248 = tpu.vector_load_idx %arg9[%get3A_239] : memref<10000xf32, #tpu.memory_space<vmem>>[vector<16xi32>], vector<16xf32>,
        %mul3A_249 = arith.mulf %gather3A_248, %get3A_243 : vector<16xf32>
        tpu.vector_store_idx %arg13[%get3A_241], %mul3A_249 {add = true} : memref<10000xf32, #tpu.memory_space<vmem>>[vector<16xi32>], vector<16xf32>,
        %gather3A_250 = tpu.vector_load_idx %arg10[%get3A_239] : memref<10000xf32, #tpu.memory_space<vmem>>[vector<16xi32>], vector<16xf32>,
        %mul3A_251 = arith.mulf %gather3A_250, %get3A_243 : vector<16xf32>
        tpu.vector_store_idx %arg14[%get3A_241], %mul3A_251 {add = true} : memref<10000xf32, #tpu.memory_space<vmem>>[vector<16xi32>], vector<16xf32>,
        %scan3A_252 = arith.constant 5 : i32
        %scan3A_253 = arith.addi %scan3A_145, %scan3A_252 : i32
        %mul3A_254 = arith.constant 1 : i32
        %mul3A_255 = arith.muli %scan3A_253, %mul3A_254 : i32
        %add3A_256 = arith.constant 0 : i32
        %add3A_257 = arith.addi %add3A_256, %mul3A_255 : i32
        %mul3A_258 = arith.constant 16 : i32
        %mul3A_259 = arith.muli %add3A_257, %mul3A_258 : i32
        %get3A_260 = arith.index_cast %mul3A_259 : i32 to index
        %get3A_261 = tpu.vector_load %arg15[%get3A_260] {strides = array<i32>} : memref<4096xi32, #tpu.memory_space<vmem>>, vector<16xi32>,
        %get3A_262 = arith.index_cast %mul3A_259 : i32 to index
        %get3A_263 = tpu.vector_load %arg16[%get3A_262] {strides = array<i32>} : memref<4096xi32, #tpu.memory_space<vmem>>, vector<16xi32>,
        %get3A_264 = arith.index_cast %mul3A_259 : i32 to index
        %get3A_265 = tpu.vector_load %arg17[%get3A_264] {strides = array<i32>} : memref<4096xf32, #tpu.memory_space<vmem>>, vector<16xf32>,
        %gather3A_266 = tpu.vector_load_idx %arg7[%get3A_261] : memref<10000xf32, #tpu.memory_space<vmem>>[vector<16xi32>], vector<16xf32>,
        %mul3A_267 = arith.mulf %gather3A_266, %get3A_265 : vector<16xf32>
        tpu.vector_store_idx %arg11[%get3A_263], %mul3A_267 {add = true} : memref<10000xf32, #tpu.memory_space<vmem>>[vector<16xi32>], vector<16xf32>,
        %gather3A_268 = tpu.vector_load_idx %arg8[%get3A_261] : memref<10000xf32, #tpu.memory_space<vmem>>[vector<16xi32>], vector<16xf32>,
        %mul3A_269 = arith.mulf %gather3A_268, %get3A_265 : vector<16xf32>
        tpu.vector_store_idx %arg12[%get3A_263], %mul3A_269 {add = true} : memref<10000xf32, #tpu.memory_space<vmem>>[vector<16xi32>], vector<16xf32>,
        %gather3A_270 = tpu.vector_load_idx %arg9[%get3A_261] : memref<10000xf32, #tpu.memory_space<vmem>>[vector<16xi32>], vector<16xf32>,
        %mul3A_271 = arith.mulf %gather3A_270, %get3A_265 : vector<16xf32>
        tpu.vector_store_idx %arg13[%get3A_263], %mul3A_271 {add = true} : memref<10000xf32, #tpu.memory_space<vmem>>[vector<16xi32>], vector<16xf32>,
        %gather3A_272 = tpu.vector_load_idx %arg10[%get3A_261] : memref<10000xf32, #tpu.memory_space<vmem>>[vector<16xi32>], vector<16xf32>,
        %mul3A_273 = arith.mulf %gather3A_272, %get3A_265 : vector<16xf32>
        tpu.vector_store_idx %arg14[%get3A_263], %mul3A_273 {add = true} : memref<10000xf32, #tpu.memory_space<vmem>>[vector<16xi32>], vector<16xf32>,
        %scan3A_274 = arith.constant 6 : i32
        %scan3A_275 = arith.addi %scan3A_145, %scan3A_274 : i32
        %mul3A_276 = arith.constant 1 : i32
        %mul3A_277 = arith.muli %scan3A_275, %mul3A_276 : i32
        %add3A_278 = arith.constant 0 : i32
        %add3A_279 = arith.addi %add3A_278, %mul3A_277 : i32
        %mul3A_280 = arith.constant 16 : i32
        %mul3A_281 = arith.muli %add3A_279, %mul3A_280 : i32
        %get3A_282 = arith.index_cast %mul3A_281 : i32 to index
        %get3A_283 = tpu.vector_load %arg15[%get3A_282] {strides = array<i32>} : memref<4096xi32, #tpu.memory_space<vmem>>, vector<16xi32>,
        %get3A_284 = arith.index_cast %mul3A_281 : i32 to index
        %get3A_285 = tpu.vector_load %arg16[%get3A_284] {strides = array<i32>} : memref<4096xi32, #tpu.memory_space<vmem>>, vector<16xi32>,
        %get3A_286 = arith.index_cast %mul3A_281 : i32 to index
        %get3A_287 = tpu.vector_load %arg17[%get3A_286] {strides = array<i32>} : memref<4096xf32, #tpu.memory_space<vmem>>, vector<16xf32>,
        %gather3A_288 = tpu.vector_load_idx %arg7[%get3A_283] : memref<10000xf32, #tpu.memory_space<vmem>>[vector<16xi32>], vector<16xf32>,
        %mul3A_289 = arith.mulf %gather3A_288, %get3A_287 : vector<16xf32>
        tpu.vector_store_idx %arg11[%get3A_285], %mul3A_289 {add = true} : memref<10000xf32, #tpu.memory_space<vmem>>[vector<16xi32>], vector<16xf32>,
        %gather3A_290 = tpu.vector_load_idx %arg8[%get3A_283] : memref<10000xf32, #tpu.memory_space<vmem>>[vector<16xi32>], vector<16xf32>,
        %mul3A_291 = arith.mulf %gather3A_290, %get3A_287 : vector<16xf32>
        tpu.vector_store_idx %arg12[%get3A_285], %mul3A_291 {add = true} : memref<10000xf32, #tpu.memory_space<vmem>>[vector<16xi32>], vector<16xf32>,
        %gather3A_292 = tpu.vector_load_idx %arg9[%get3A_283] : memref<10000xf32, #tpu.memory_space<vmem>>[vector<16xi32>], vector<16xf32>,
        %mul3A_293 = arith.mulf %gather3A_292, %get3A_287 : vector<16xf32>
        tpu.vector_store_idx %arg13[%get3A_285], %mul3A_293 {add = true} : memref<10000xf32, #tpu.memory_space<vmem>>[vector<16xi32>], vector<16xf32>,
        %gather3A_294 = tpu.vector_load_idx %arg10[%get3A_283] : memref<10000xf32, #tpu.memory_space<vmem>>[vector<16xi32>], vector<16xf32>,
        %mul3A_295 = arith.mulf %gather3A_294, %get3A_287 : vector<16xf32>
        tpu.vector_store_idx %arg14[%get3A_285], %mul3A_295 {add = true} : memref<10000xf32, #tpu.memory_space<vmem>>[vector<16xi32>], vector<16xf32>,
        %scan3A_296 = arith.constant 7 : i32
        %scan3A_297 = arith.addi %scan3A_145, %scan3A_296 : i32
        %mul3A_298 = arith.constant 1 : i32
        %mul3A_299 = arith.muli %scan3A_297, %mul3A_298 : i32
        %add3A_300 = arith.constant 0 : i32
        %add3A_301 = arith.addi %add3A_300, %mul3A_299 : i32
        %mul3A_302 = arith.constant 16 : i32
        %mul3A_303 = arith.muli %add3A_301, %mul3A_302 : i32
        %get3A_304 = arith.index_cast %mul3A_303 : i32 to index
        %get3A_305 = tpu.vector_load %arg15[%get3A_304] {strides = array<i32>} : memref<4096xi32, #tpu.memory_space<vmem>>, vector<16xi32>,
        %get3A_306 = arith.index_cast %mul3A_303 : i32 to index
        %get3A_307 = tpu.vector_load %arg16[%get3A_306] {strides = array<i32>} : memref<4096xi32, #tpu.memory_space<vmem>>, vector<16xi32>,
        %get3A_308 = arith.index_cast %mul3A_303 : i32 to index
        %get3A_309 = tpu.vector_load %arg17[%get3A_308] {strides = array<i32>} : memref<4096xf32, #tpu.memory_space<vmem>>, vector<16xf32>,
        %gather3A_310 = tpu.vector_load_idx %arg7[%get3A_305] : memref<10000xf32, #tpu.memory_space<vmem>>[vector<16xi32>], vector<16xf32>,
        %mul3A_311 = arith.mulf %gather3A_310, %get3A_309 : vector<16xf32>
        tpu.vector_store_idx %arg11[%get3A_307], %mul3A_311 {add = true} : memref<10000xf32, #tpu.memory_space<vmem>>[vector<16xi32>], vector<16xf32>,
        %gather3A_312 = tpu.vector_load_idx %arg8[%get3A_305] : memref<10000xf32, #tpu.memory_space<vmem>>[vector<16xi32>], vector<16xf32>,
        %mul3A_313 = arith.mulf %gather3A_312, %get3A_309 : vector<16xf32>
        tpu.vector_store_idx %arg12[%get3A_307], %mul3A_313 {add = true} : memref<10000xf32, #tpu.memory_space<vmem>>[vector<16xi32>], vector<16xf32>,
        %gather3A_314 = tpu.vector_load_idx %arg9[%get3A_305] : memref<10000xf32, #tpu.memory_space<vmem>>[vector<16xi32>], vector<16xf32>,
        %mul3A_315 = arith.mulf %gather3A_314, %get3A_309 : vector<16xf32>
        tpu.vector_store_idx %arg13[%get3A_307], %mul3A_315 {add = true} : memref<10000xf32, #tpu.memory_space<vmem>>[vector<16xi32>], vector<16xf32>,
        %gather3A_316 = tpu.vector_load_idx %arg10[%get3A_305] : memref<10000xf32, #tpu.memory_space<vmem>>[vector<16xi32>], vector<16xf32>,
        %mul3A_317 = arith.mulf %gather3A_316, %get3A_309 : vector<16xf32>
        tpu.vector_store_idx %arg14[%get3A_307], %mul3A_317 {add = true} : memref<10000xf32, #tpu.memory_space<vmem>>[vector<16xi32>], vector<16xf32>,
        %scan3A_318 = arith.constant 8 : i32
        %scan3A_319 = arith.addi %scan3A_145, %scan3A_318 : i32
        %mul3A_320 = arith.constant 1 : i32
        %mul3A_321 = arith.muli %scan3A_319, %mul3A_320 : i32
        %add3A_322 = arith.constant 0 : i32
        %add3A_323 = arith.addi %add3A_322, %mul3A_321 : i32
        %mul3A_324 = arith.constant 16 : i32
        %mul3A_325 = arith.muli %add3A_323, %mul3A_324 : i32
        %get3A_326 = arith.index_cast %mul3A_325 : i32 to index
        %get3A_327 = tpu.vector_load %arg15[%get3A_326] {strides = array<i32>} : memref<4096xi32, #tpu.memory_space<vmem>>, vector<16xi32>,
        %get3A_328 = arith.index_cast %mul3A_325 : i32 to index
        %get3A_329 = tpu.vector_load %arg16[%get3A_328] {strides = array<i32>} : memref<4096xi32, #tpu.memory_space<vmem>>, vector<16xi32>,
        %get3A_330 = arith.index_cast %mul3A_325 : i32 to index
        %get3A_331 = tpu.vector_load %arg17[%get3A_330] {strides = array<i32>} : memref<4096xf32, #tpu.memory_space<vmem>>, vector<16xf32>,
        %gather3A_332 = tpu.vector_load_idx %arg7[%get3A_327] : memref<10000xf32, #tpu.memory_space<vmem>>[vector<16xi32>], vector<16xf32>,
        %mul3A_333 = arith.mulf %gather3A_332, %get3A_331 : vector<16xf32>
        tpu.vector_store_idx %arg11[%get3A_329], %mul3A_333 {add = true} : memref<10000xf32, #tpu.memory_space<vmem>>[vector<16xi32>], vector<16xf32>,
        %gather3A_334 = tpu.vector_load_idx %arg8[%get3A_327] : memref<10000xf32, #tpu.memory_space<vmem>>[vector<16xi32>], vector<16xf32>,
        %mul3A_335 = arith.mulf %gather3A_334, %get3A_331 : vector<16xf32>
        tpu.vector_store_idx %arg12[%get3A_329], %mul3A_335 {add = true} : memref<10000xf32, #tpu.memory_space<vmem>>[vector<16xi32>], vector<16xf32>,
        %gather3A_336 = tpu.vector_load_idx %arg9[%get3A_327] : memref<10000xf32, #tpu.memory_space<vmem>>[vector<16xi32>], vector<16xf32>,
        %mul3A_337 = arith.mulf %gather3A_336, %get3A_331 : vector<16xf32>
        tpu.vector_store_idx %arg13[%get3A_329], %mul3A_337 {add = true} : memref<10000xf32, #tpu.memory_space<vmem>>[vector<16xi32>], vector<16xf32>,
        %gather3A_338 = tpu.vector_load_idx %arg10[%get3A_327] : memref<10000xf32, #tpu.memory_space<vmem>>[vector<16xi32>], vector<16xf32>,
        %mul3A_339 = arith.mulf %gather3A_338, %get3A_331 : vector<16xf32>
        tpu.vector_store_idx %arg14[%get3A_329], %mul3A_339 {add = true} : memref<10000xf32, #tpu.memory_space<vmem>>[vector<16xi32>], vector<16xf32>,
        %scan3A_340 = arith.constant 9 : i32
        %scan3A_341 = arith.addi %scan3A_145, %scan3A_340 : i32
        %mul3A_342 = arith.constant 1 : i32
        %mul3A_343 = arith.muli %scan3A_341, %mul3A_342 : i32
        %add3A_344 = arith.constant 0 : i32
        %add3A_345 = arith.addi %add3A_344, %mul3A_343 : i32
        %mul3A_346 = arith.constant 16 : i32
        %mul3A_347 = arith.muli %add3A_345, %mul3A_346 : i32
        %get3A_348 = arith.index_cast %mul3A_347 : i32 to index
        %get3A_349 = tpu.vector_load %arg15[%get3A_348] {strides = array<i32>} : memref<4096xi32, #tpu.memory_space<vmem>>, vector<16xi32>,
        %get3A_350 = arith.index_cast %mul3A_347 : i32 to index
        %get3A_351 = tpu.vector_load %arg16[%get3A_350] {strides = array<i32>} : memref<4096xi32, #tpu.memory_space<vmem>>, vector<16xi32>,
        %get3A_352 = arith.index_cast %mul3A_347 : i32 to index
        %get3A_353 = tpu.vector_load %arg17[%get3A_352] {strides = array<i32>} : memref<4096xf32, #tpu.memory_space<vmem>>, vector<16xf32>,
        %gather3A_354 = tpu.vector_load_idx %arg7[%get3A_349] : memref<10000xf32, #tpu.memory_space<vmem>>[vector<16xi32>], vector<16xf32>,
        %mul3A_355 = arith.mulf %gather3A_354, %get3A_353 : vector<16xf32>
        tpu.vector_store_idx %arg11[%get3A_351], %mul3A_355 {add = true} : memref<10000xf32, #tpu.memory_space<vmem>>[vector<16xi32>], vector<16xf32>,
        %gather3A_356 = tpu.vector_load_idx %arg8[%get3A_349] : memref<10000xf32, #tpu.memory_space<vmem>>[vector<16xi32>], vector<16xf32>,
        %mul3A_357 = arith.mulf %gather3A_356, %get3A_353 : vector<16xf32>
        tpu.vector_store_idx %arg12[%get3A_351], %mul3A_357 {add = true} : memref<10000xf32, #tpu.memory_space<vmem>>[vector<16xi32>], vector<16xf32>,
        %gather3A_358 = tpu.vector_load_idx %arg9[%get3A_349] : memref<10000xf32, #tpu.memory_space<vmem>>[vector<16xi32>], vector<16xf32>,
        %mul3A_359 = arith.mulf %gather3A_358, %get3A_353 : vector<16xf32>
        tpu.vector_store_idx %arg13[%get3A_351], %mul3A_359 {add = true} : memref<10000xf32, #tpu.memory_space<vmem>>[vector<16xi32>], vector<16xf32>,
        %gather3A_360 = tpu.vector_load_idx %arg10[%get3A_349] : memref<10000xf32, #tpu.memory_space<vmem>>[vector<16xi32>], vector<16xf32>,
        %mul3A_361 = arith.mulf %gather3A_360, %get3A_353 : vector<16xf32>
        tpu.vector_store_idx %arg14[%get3A_351], %mul3A_361 {add = true} : memref<10000xf32, #tpu.memory_space<vmem>>[vector<16xi32>], vector<16xf32>,
        %scan3A_362 = arith.constant 10 : i32
        %scan3A_363 = arith.addi %scan3A_145, %scan3A_362 : i32
        %mul3A_364 = arith.constant 1 : i32
        %mul3A_365 = arith.muli %scan3A_363, %mul3A_364 : i32
        %add3A_366 = arith.constant 0 : i32
        %add3A_367 = arith.addi %add3A_366, %mul3A_365 : i32
        %mul3A_368 = arith.constant 16 : i32
        %mul3A_369 = arith.muli %add3A_367, %mul3A_368 : i32
        %get3A_370 = arith.index_cast %mul3A_369 : i32 to index
        %get3A_371 = tpu.vector_load %arg15[%get3A_370] {strides = array<i32>} : memref<4096xi32, #tpu.memory_space<vmem>>, vector<16xi32>,
        %get3A_372 = arith.index_cast %mul3A_369 : i32 to index
        %get3A_373 = tpu.vector_load %arg16[%get3A_372] {strides = array<i32>} : memref<4096xi32, #tpu.memory_space<vmem>>, vector<16xi32>,
        %get3A_374 = arith.index_cast %mul3A_369 : i32 to index
        %get3A_375 = tpu.vector_load %arg17[%get3A_374] {strides = array<i32>} : memref<4096xf32, #tpu.memory_space<vmem>>, vector<16xf32>,
        %gather3A_376 = tpu.vector_load_idx %arg7[%get3A_371] : memref<10000xf32, #tpu.memory_space<vmem>>[vector<16xi32>], vector<16xf32>,
        %mul3A_377 = arith.mulf %gather3A_376, %get3A_375 : vector<16xf32>
        tpu.vector_store_idx %arg11[%get3A_373], %mul3A_377 {add = true} : memref<10000xf32, #tpu.memory_space<vmem>>[vector<16xi32>], vector<16xf32>,
        %gather3A_378 = tpu.vector_load_idx %arg8[%get3A_371] : memref<10000xf32, #tpu.memory_space<vmem>>[vector<16xi32>], vector<16xf32>,
        %mul3A_379 = arith.mulf %gather3A_378, %get3A_375 : vector<16xf32>
        tpu.vector_store_idx %arg12[%get3A_373], %mul3A_379 {add = true} : memref<10000xf32, #tpu.memory_space<vmem>>[vector<16xi32>], vector<16xf32>,
        %gather3A_380 = tpu.vector_load_idx %arg9[%get3A_371] : memref<10000xf32, #tpu.memory_space<vmem>>[vector<16xi32>], vector<16xf32>,
        %mul3A_381 = arith.mulf %gather3A_380, %get3A_375 : vector<16xf32>
        tpu.vector_store_idx %arg13[%get3A_373], %mul3A_381 {add = true} : memref<10000xf32, #tpu.memory_space<vmem>>[vector<16xi32>], vector<16xf32>,
        %gather3A_382 = tpu.vector_load_idx %arg10[%get3A_371] : memref<10000xf32, #tpu.memory_space<vmem>>[vector<16xi32>], vector<16xf32>,
        %mul3A_383 = arith.mulf %gather3A_382, %get3A_375 : vector<16xf32>
        tpu.vector_store_idx %arg14[%get3A_373], %mul3A_383 {add = true} : memref<10000xf32, #tpu.memory_space<vmem>>[vector<16xi32>], vector<16xf32>,
        %scan3A_384 = arith.constant 11 : i32
        %scan3A_385 = arith.addi %scan3A_145, %scan3A_384 : i32
        %mul3A_386 = arith.constant 1 : i32
        %mul3A_387 = arith.muli %scan3A_385, %mul3A_386 : i32
        %add3A_388 = arith.constant 0 : i32
        %add3A_389 = arith.addi %add3A_388, %mul3A_387 : i32
        %mul3A_390 = arith.constant 16 : i32
        %mul3A_391 = arith.muli %add3A_389, %mul3A_390 : i32
        %get3A_392 = arith.index_cast %mul3A_391 : i32 to index
        %get3A_393 = tpu.vector_load %arg15[%get3A_392] {strides = array<i32>} : memref<4096xi32, #tpu.memory_space<vmem>>, vector<16xi32>,
        %get3A_394 = arith.index_cast %mul3A_391 : i32 to index
        %get3A_395 = tpu.vector_load %arg16[%get3A_394] {strides = array<i32>} : memref<4096xi32, #tpu.memory_space<vmem>>, vector<16xi32>,
        %get3A_396 = arith.index_cast %mul3A_391 : i32 to index
        %get3A_397 = tpu.vector_load %arg17[%get3A_396] {strides = array<i32>} : memref<4096xf32, #tpu.memory_space<vmem>>, vector<16xf32>,
        %gather3A_398 = tpu.vector_load_idx %arg7[%get3A_393] : memref<10000xf32, #tpu.memory_space<vmem>>[vector<16xi32>], vector<16xf32>,
        %mul3A_399 = arith.mulf %gather3A_398, %get3A_397 : vector<16xf32>
        tpu.vector_store_idx %arg11[%get3A_395], %mul3A_399 {add = true} : memref<10000xf32, #tpu.memory_space<vmem>>[vector<16xi32>], vector<16xf32>,
        %gather3A_400 = tpu.vector_load_idx %arg8[%get3A_393] : memref<10000xf32, #tpu.memory_space<vmem>>[vector<16xi32>], vector<16xf32>,
        %mul3A_401 = arith.mulf %gather3A_400, %get3A_397 : vector<16xf32>
        tpu.vector_store_idx %arg12[%get3A_395], %mul3A_401 {add = true} : memref<10000xf32, #tpu.memory_space<vmem>>[vector<16xi32>], vector<16xf32>,
        %gather3A_402 = tpu.vector_load_idx %arg9[%get3A_393] : memref<10000xf32, #tpu.memory_space<vmem>>[vector<16xi32>], vector<16xf32>,
        %mul3A_403 = arith.mulf %gather3A_402, %get3A_397 : vector<16xf32>
        tpu.vector_store_idx %arg13[%get3A_395], %mul3A_403 {add = true} : memref<10000xf32, #tpu.memory_space<vmem>>[vector<16xi32>], vector<16xf32>,
        %gather3A_404 = tpu.vector_load_idx %arg10[%get3A_393] : memref<10000xf32, #tpu.memory_space<vmem>>[vector<16xi32>], vector<16xf32>,
        %mul3A_405 = arith.mulf %gather3A_404, %get3A_397 : vector<16xf32>
        tpu.vector_store_idx %arg14[%get3A_395], %mul3A_405 {add = true} : memref<10000xf32, #tpu.memory_space<vmem>>[vector<16xi32>], vector<16xf32>,
        %scan3A_406 = arith.constant 12 : i32
        %scan3A_407 = arith.addi %scan3A_145, %scan3A_406 : i32
        %mul3A_408 = arith.constant 1 : i32
        %mul3A_409 = arith.muli %scan3A_407, %mul3A_408 : i32
        %add3A_410 = arith.constant 0 : i32
        %add3A_411 = arith.addi %add3A_410, %mul3A_409 : i32
        %mul3A_412 = arith.constant 16 : i32
        %mul3A_413 = arith.muli %add3A_411, %mul3A_412 : i32
        %get3A_414 = arith.index_cast %mul3A_413 : i32 to index
        %get3A_415 = tpu.vector_load %arg15[%get3A_414] {strides = array<i32>} : memref<4096xi32, #tpu.memory_space<vmem>>, vector<16xi32>,
        %get3A_416 = arith.index_cast %mul3A_413 : i32 to index
        %get3A_417 = tpu.vector_load %arg16[%get3A_416] {strides = array<i32>} : memref<4096xi32, #tpu.memory_space<vmem>>, vector<16xi32>,
        %get3A_418 = arith.index_cast %mul3A_413 : i32 to index
        %get3A_419 = tpu.vector_load %arg17[%get3A_418] {strides = array<i32>} : memref<4096xf32, #tpu.memory_space<vmem>>, vector<16xf32>,
        %gather3A_420 = tpu.vector_load_idx %arg7[%get3A_415] : memref<10000xf32, #tpu.memory_space<vmem>>[vector<16xi32>], vector<16xf32>,
        %mul3A_421 = arith.mulf %gather3A_420, %get3A_419 : vector<16xf32>
        tpu.vector_store_idx %arg11[%get3A_417], %mul3A_421 {add = true} : memref<10000xf32, #tpu.memory_space<vmem>>[vector<16xi32>], vector<16xf32>,
        %gather3A_422 = tpu.vector_load_idx %arg8[%get3A_415] : memref<10000xf32, #tpu.memory_space<vmem>>[vector<16xi32>], vector<16xf32>,
        %mul3A_423 = arith.mulf %gather3A_422, %get3A_419 : vector<16xf32>
        tpu.vector_store_idx %arg12[%get3A_417], %mul3A_423 {add = true} : memref<10000xf32, #tpu.memory_space<vmem>>[vector<16xi32>], vector<16xf32>,
        %gather3A_424 = tpu.vector_load_idx %arg9[%get3A_415] : memref<10000xf32, #tpu.memory_space<vmem>>[vector<16xi32>], vector<16xf32>,
        %mul3A_425 = arith.mulf %gather3A_424, %get3A_419 : vector<16xf32>
        tpu.vector_store_idx %arg13[%get3A_417], %mul3A_425 {add = true} : memref<10000xf32, #tpu.memory_space<vmem>>[vector<16xi32>], vector<16xf32>,
        %gather3A_426 = tpu.vector_load_idx %arg10[%get3A_415] : memref<10000xf32, #tpu.memory_space<vmem>>[vector<16xi32>], vector<16xf32>,
        %mul3A_427 = arith.mulf %gather3A_426, %get3A_419 : vector<16xf32>
        tpu.vector_store_idx %arg14[%get3A_417], %mul3A_427 {add = true} : memref<10000xf32, #tpu.memory_space<vmem>>[vector<16xi32>], vector<16xf32>,
        %scan3A_428 = arith.constant 13 : i32
        %scan3A_429 = arith.addi %scan3A_145, %scan3A_428 : i32
        %mul3A_430 = arith.constant 1 : i32
        %mul3A_431 = arith.muli %scan3A_429, %mul3A_430 : i32
        %add3A_432 = arith.constant 0 : i32
        %add3A_433 = arith.addi %add3A_432, %mul3A_431 : i32
        %mul3A_434 = arith.constant 16 : i32
        %mul3A_435 = arith.muli %add3A_433, %mul3A_434 : i32
        %get3A_436 = arith.index_cast %mul3A_435 : i32 to index
        %get3A_437 = tpu.vector_load %arg15[%get3A_436] {strides = array<i32>} : memref<4096xi32, #tpu.memory_space<vmem>>, vector<16xi32>,
        %get3A_438 = arith.index_cast %mul3A_435 : i32 to index
        %get3A_439 = tpu.vector_load %arg16[%get3A_438] {strides = array<i32>} : memref<4096xi32, #tpu.memory_space<vmem>>, vector<16xi32>,
        %get3A_440 = arith.index_cast %mul3A_435 : i32 to index
        %get3A_441 = tpu.vector_load %arg17[%get3A_440] {strides = array<i32>} : memref<4096xf32, #tpu.memory_space<vmem>>, vector<16xf32>,
        %gather3A_442 = tpu.vector_load_idx %arg7[%get3A_437] : memref<10000xf32, #tpu.memory_space<vmem>>[vector<16xi32>], vector<16xf32>,
        %mul3A_443 = arith.mulf %gather3A_442, %get3A_441 : vector<16xf32>
        tpu.vector_store_idx %arg11[%get3A_439], %mul3A_443 {add = true} : memref<10000xf32, #tpu.memory_space<vmem>>[vector<16xi32>], vector<16xf32>,
        %gather3A_444 = tpu.vector_load_idx %arg8[%get3A_437] : memref<10000xf32, #tpu.memory_space<vmem>>[vector<16xi32>], vector<16xf32>,
        %mul3A_445 = arith.mulf %gather3A_444, %get3A_441 : vector<16xf32>
        tpu.vector_store_idx %arg12[%get3A_439], %mul3A_445 {add = true} : memref<10000xf32, #tpu.memory_space<vmem>>[vector<16xi32>], vector<16xf32>,
        %gather3A_446 = tpu.vector_load_idx %arg9[%get3A_437] : memref<10000xf32, #tpu.memory_space<vmem>>[vector<16xi32>], vector<16xf32>,
        %mul3A_447 = arith.mulf %gather3A_446, %get3A_441 : vector<16xf32>
        tpu.vector_store_idx %arg13[%get3A_439], %mul3A_447 {add = true} : memref<10000xf32, #tpu.memory_space<vmem>>[vector<16xi32>], vector<16xf32>,
        %gather3A_448 = tpu.vector_load_idx %arg10[%get3A_437] : memref<10000xf32, #tpu.memory_space<vmem>>[vector<16xi32>], vector<16xf32>,
        %mul3A_449 = arith.mulf %gather3A_448, %get3A_441 : vector<16xf32>
        tpu.vector_store_idx %arg14[%get3A_439], %mul3A_449 {add = true} : memref<10000xf32, #tpu.memory_space<vmem>>[vector<16xi32>], vector<16xf32>,
        %scan3A_450 = arith.constant 14 : i32
        %scan3A_451 = arith.addi %scan3A_145, %scan3A_450 : i32
        %mul3A_452 = arith.constant 1 : i32
        %mul3A_453 = arith.muli %scan3A_451, %mul3A_452 : i32
        %add3A_454 = arith.constant 0 : i32
        %add3A_455 = arith.addi %add3A_454, %mul3A_453 : i32
        %mul3A_456 = arith.constant 16 : i32
        %mul3A_457 = arith.muli %add3A_455, %mul3A_456 : i32
        %get3A_458 = arith.index_cast %mul3A_457 : i32 to index
        %get3A_459 = tpu.vector_load %arg15[%get3A_458] {strides = array<i32>} : memref<4096xi32, #tpu.memory_space<vmem>>, vector<16xi32>,
        %get3A_460 = arith.index_cast %mul3A_457 : i32 to index
        %get3A_461 = tpu.vector_load %arg16[%get3A_460] {strides = array<i32>} : memref<4096xi32, #tpu.memory_space<vmem>>, vector<16xi32>,
        %get3A_462 = arith.index_cast %mul3A_457 : i32 to index
        %get3A_463 = tpu.vector_load %arg17[%get3A_462] {strides = array<i32>} : memref<4096xf32, #tpu.memory_space<vmem>>, vector<16xf32>,
        %gather3A_464 = tpu.vector_load_idx %arg7[%get3A_459] : memref<10000xf32, #tpu.memory_space<vmem>>[vector<16xi32>], vector<16xf32>,
        %mul3A_465 = arith.mulf %gather3A_464, %get3A_463 : vector<16xf32>
        tpu.vector_store_idx %arg11[%get3A_461], %mul3A_465 {add = true} : memref<10000xf32, #tpu.memory_space<vmem>>[vector<16xi32>], vector<16xf32>,
        %gather3A_466 = tpu.vector_load_idx %arg8[%get3A_459] : memref<10000xf32, #tpu.memory_space<vmem>>[vector<16xi32>], vector<16xf32>,
        %mul3A_467 = arith.mulf %gather3A_466, %get3A_463 : vector<16xf32>
        tpu.vector_store_idx %arg12[%get3A_461], %mul3A_467 {add = true} : memref<10000xf32, #tpu.memory_space<vmem>>[vector<16xi32>], vector<16xf32>,
        %gather3A_468 = tpu.vector_load_idx %arg9[%get3A_459] : memref<10000xf32, #tpu.memory_space<vmem>>[vector<16xi32>], vector<16xf32>,
        %mul3A_469 = arith.mulf %gather3A_468, %get3A_463 : vector<16xf32>
        tpu.vector_store_idx %arg13[%get3A_461], %mul3A_469 {add = true} : memref<10000xf32, #tpu.memory_space<vmem>>[vector<16xi32>], vector<16xf32>,
        %gather3A_470 = tpu.vector_load_idx %arg10[%get3A_459] : memref<10000xf32, #tpu.memory_space<vmem>>[vector<16xi32>], vector<16xf32>,
        %mul3A_471 = arith.mulf %gather3A_470, %get3A_463 : vector<16xf32>
        tpu.vector_store_idx %arg14[%get3A_461], %mul3A_471 {add = true} : memref<10000xf32, #tpu.memory_space<vmem>>[vector<16xi32>], vector<16xf32>,
        %scan3A_472 = arith.constant 15 : i32
        %scan3A_473 = arith.addi %scan3A_145, %scan3A_472 : i32
        %mul3A_474 = arith.constant 1 : i32
        %mul3A_475 = arith.muli %scan3A_473, %mul3A_474 : i32
        %add3A_476 = arith.constant 0 : i32
        %add3A_477 = arith.addi %add3A_476, %mul3A_475 : i32
        %mul3A_478 = arith.constant 16 : i32
        %mul3A_479 = arith.muli %add3A_477, %mul3A_478 : i32
        %get3A_480 = arith.index_cast %mul3A_479 : i32 to index
        %get3A_481 = tpu.vector_load %arg15[%get3A_480] {strides = array<i32>} : memref<4096xi32, #tpu.memory_space<vmem>>, vector<16xi32>,
        %get3A_482 = arith.index_cast %mul3A_479 : i32 to index
        %get3A_483 = tpu.vector_load %arg16[%get3A_482] {strides = array<i32>} : memref<4096xi32, #tpu.memory_space<vmem>>, vector<16xi32>,
        %get3A_484 = arith.index_cast %mul3A_479 : i32 to index
        %get3A_485 = tpu.vector_load %arg17[%get3A_484] {strides = array<i32>} : memref<4096xf32, #tpu.memory_space<vmem>>, vector<16xf32>,
        %gather3A_486 = tpu.vector_load_idx %arg7[%get3A_481] : memref<10000xf32, #tpu.memory_space<vmem>>[vector<16xi32>], vector<16xf32>,
        %mul3A_487 = arith.mulf %gather3A_486, %get3A_485 : vector<16xf32>
        tpu.vector_store_idx %arg11[%get3A_483], %mul3A_487 {add = true} : memref<10000xf32, #tpu.memory_space<vmem>>[vector<16xi32>], vector<16xf32>,
        %gather3A_488 = tpu.vector_load_idx %arg8[%get3A_481] : memref<10000xf32, #tpu.memory_space<vmem>>[vector<16xi32>], vector<16xf32>,
        %mul3A_489 = arith.mulf %gather3A_488, %get3A_485 : vector<16xf32>
        tpu.vector_store_idx %arg12[%get3A_483], %mul3A_489 {add = true} : memref<10000xf32, #tpu.memory_space<vmem>>[vector<16xi32>], vector<16xf32>,
        %gather3A_490 = tpu.vector_load_idx %arg9[%get3A_481] : memref<10000xf32, #tpu.memory_space<vmem>>[vector<16xi32>], vector<16xf32>,
        %mul3A_491 = arith.mulf %gather3A_490, %get3A_485 : vector<16xf32>
        tpu.vector_store_idx %arg13[%get3A_483], %mul3A_491 {add = true} : memref<10000xf32, #tpu.memory_space<vmem>>[vector<16xi32>], vector<16xf32>,
        %gather3A_492 = tpu.vector_load_idx %arg10[%get3A_481] : memref<10000xf32, #tpu.memory_space<vmem>>[vector<16xi32>], vector<16xf32>,
        %mul3A_493 = arith.mulf %gather3A_492, %get3A_485 : vector<16xf32>
        tpu.vector_store_idx %arg14[%get3A_483], %mul3A_493 {add = true} : memref<10000xf32, #tpu.memory_space<vmem>>[vector<16xi32>], vector<16xf32>,
      }
      %scan3A_123 = arith.constant 256 : i32
      %dma_wait3A_124 = arith.constant 0 : i32
      %dma_wait3A_125 = tpu.memref_slice %arg3[%dma_wait3A_124] : memref<323584xi32, #tpu.memory_space<hbm>> -> memref<4096xi32, #tpu.memory_space<hbm>>
      %dma_wait3A_126 = arith.constant 0 : i32
      %dma_wait3A_127 = tpu.memref_slice %arg3[%dma_wait3A_126] : memref<323584xi32, #tpu.memory_space<hbm>> -> memref<4096xi32, #tpu.memory_space<hbm>>
      tpu.wait_dma2 semaphore(%arg22 : memref<!tpu.dma_semaphore, #tpu.memory_space<semaphore_mem>>) src(%dma_wait3A_127 : memref<4096xi32, #tpu.memory_space<hbm>>) dst(%arg18 : memref<4096xi32, #tpu.memory_space<vmem>>)
      %dma_wait3A_128 = arith.constant 0 : i32
      %dma_wait3A_129 = tpu.memref_slice %arg4[%dma_wait3A_128] : memref<323584xi32, #tpu.memory_space<hbm>> -> memref<4096xi32, #tpu.memory_space<hbm>>
      %dma_wait3A_130 = arith.constant 0 : i32
      %dma_wait3A_131 = tpu.memref_slice %arg4[%dma_wait3A_130] : memref<323584xi32, #tpu.memory_space<hbm>> -> memref<4096xi32, #tpu.memory_space<hbm>>
      tpu.wait_dma2 semaphore(%arg22 : memref<!tpu.dma_semaphore, #tpu.memory_space<semaphore_mem>>) src(%dma_wait3A_131 : memref<4096xi32, #tpu.memory_space<hbm>>) dst(%arg19 : memref<4096xi32, #tpu.memory_space<vmem>>)
      %dma_wait3A_132 = arith.constant 0 : i32
      %dma_wait3A_133 = tpu.memref_slice %arg5[%dma_wait3A_132] : memref<323584xf32, #tpu.memory_space<hbm>> -> memref<4096xf32, #tpu.memory_space<hbm>>
      %dma_wait3A_134 = arith.constant 0 : i32
      %dma_wait3A_135 = tpu.memref_slice %arg5[%dma_wait3A_134] : memref<323584xf32, #tpu.memory_space<hbm>> -> memref<4096xf32, #tpu.memory_space<hbm>>
      tpu.wait_dma2 semaphore(%arg22 : memref<!tpu.dma_semaphore, #tpu.memory_space<semaphore_mem>>) src(%dma_wait3A_135 : memref<4096xf32, #tpu.memory_space<hbm>>) dst(%arg20 : memref<4096xf32, #tpu.memory_space<vmem>>)
      %add3A_136 = arith.constant 2 : i32
      %add3A_137 = arith.addi %mul3A_92, %add3A_136 : i32
      %lt3A = arith.constant 79 : i32
      %lt3A_138 = arith.cmpi slt, %add3A_137, %lt3A : i32
      %convert_element_type3A = arith.extui %lt3A_138 : i1 to i32
      %cond3A = arith.constant 0 : i32
      %cond3A_139 = arith.cmpi ne, %convert_element_type3A, %cond3A : i32
      scf.if %cond3A_139 {
        %add3A_145 = arith.constant 2 : i32
        %add3A_146 = arith.addi %mul3A_92, %add3A_145 : i32
        %mul3A_147 = arith.constant 4096 : i32
        %mul3A_148 = arith.muli %add3A_146, %mul3A_147 : i32
        %dma_start3A_149 = tpu.memref_slice %arg3[%mul3A_148] : memref<323584xi32, #tpu.memory_space<hbm>> -> memref<4096xi32, #tpu.memory_space<hbm>>
        %dma_start3A_150 = tpu.memref_slice %arg3[%mul3A_148] : memref<323584xi32, #tpu.memory_space<hbm>> -> memref<4096xi32, #tpu.memory_space<hbm>>
        tpu.enqueue_dma source(%dma_start3A_150 : memref<4096xi32, #tpu.memory_space<hbm>>) target(%arg15 : memref<4096xi32, #tpu.memory_space<vmem>>) target_semaphore(%arg21 : memref<!tpu.dma_semaphore, #tpu.memory_space<semaphore_mem>>)
        %mul3A_151 = arith.constant 4096 : i32
        %mul3A_152 = arith.muli %add3A_146, %mul3A_151 : i32
        %dma_start3A_153 = tpu.memref_slice %arg4[%mul3A_152] : memref<323584xi32, #tpu.memory_space<hbm>> -> memref<4096xi32, #tpu.memory_space<hbm>>
        %dma_start3A_154 = tpu.memref_slice %arg4[%mul3A_152] : memref<323584xi32, #tpu.memory_space<hbm>> -> memref<4096xi32, #tpu.memory_space<hbm>>
        tpu.enqueue_dma source(%dma_start3A_154 : memref<4096xi32, #tpu.memory_space<hbm>>) target(%arg16 : memref<4096xi32, #tpu.memory_space<vmem>>) target_semaphore(%arg21 : memref<!tpu.dma_semaphore, #tpu.memory_space<semaphore_mem>>)
        %mul3A_155 = arith.constant 4096 : i32
        %mul3A_156 = arith.muli %add3A_146, %mul3A_155 : i32
        %dma_start3A_157 = tpu.memref_slice %arg5[%mul3A_156] : memref<323584xf32, #tpu.memory_space<hbm>> -> memref<4096xf32, #tpu.memory_space<hbm>>
        %dma_start3A_158 = tpu.memref_slice %arg5[%mul3A_156] : memref<323584xf32, #tpu.memory_space<hbm>> -> memref<4096xf32, #tpu.memory_space<hbm>>
        tpu.enqueue_dma source(%dma_start3A_158 : memref<4096xf32, #tpu.memory_space<hbm>>) target(%arg17 : memref<4096xf32, #tpu.memory_space<vmem>>) target_semaphore(%arg21 : memref<!tpu.dma_semaphore, #tpu.memory_space<semaphore_mem>>)
      } else {
      }
      %scan3A_140 = arith.constant 0 : i32
      %scan3A_141 = arith.constant 256 : i32
      %scan3A_142 = arith.addi %scan3A_140, %scan3A_141 : i32
      %scan3A_143 = arith.constant 16 : i32
      scf.for %scan3A_145 = %scan3A_140 to %scan3A_142 step %scan3A_143  : i32 {
        %mul3A_146 = arith.constant 1 : i32
        %mul3A_147 = arith.muli %scan3A_145, %mul3A_146 : i32
        %add3A_148 = arith.constant 0 : i32
        %add3A_149 = arith.addi %add3A_148, %mul3A_147 : i32
        %mul3A_150 = arith.constant 16 : i32
        %mul3A_151 = arith.muli %add3A_149, %mul3A_150 : i32
        %get3A = arith.index_cast %mul3A_151 : i32 to index
        %get3A_152 = tpu.vector_load %arg18[%get3A] {strides = array<i32>} : memref<4096xi32, #tpu.memory_space<vmem>>, vector<16xi32>,
        %get3A_153 = arith.index_cast %mul3A_151 : i32 to index
        %get3A_154 = tpu.vector_load %arg19[%get3A_153] {strides = array<i32>} : memref<4096xi32, #tpu.memory_space<vmem>>, vector<16xi32>,
        %get3A_155 = arith.index_cast %mul3A_151 : i32 to index
        %get3A_156 = tpu.vector_load %arg20[%get3A_155] {strides = array<i32>} : memref<4096xf32, #tpu.memory_space<vmem>>, vector<16xf32>,
        %gather3A = tpu.vector_load_idx %arg7[%get3A_152] : memref<10000xf32, #tpu.memory_space<vmem>>[vector<16xi32>], vector<16xf32>,
        %mul3A_157 = arith.mulf %gather3A, %get3A_156 : vector<16xf32>
        tpu.vector_store_idx %arg11[%get3A_154], %mul3A_157 {add = true} : memref<10000xf32, #tpu.memory_space<vmem>>[vector<16xi32>], vector<16xf32>,
        %gather3A_158 = tpu.vector_load_idx %arg8[%get3A_152] : memref<10000xf32, #tpu.memory_space<vmem>>[vector<16xi32>], vector<16xf32>,
        %mul3A_159 = arith.mulf %gather3A_158, %get3A_156 : vector<16xf32>
        tpu.vector_store_idx %arg12[%get3A_154], %mul3A_159 {add = true} : memref<10000xf32, #tpu.memory_space<vmem>>[vector<16xi32>], vector<16xf32>,
        %gather3A_160 = tpu.vector_load_idx %arg9[%get3A_152] : memref<10000xf32, #tpu.memory_space<vmem>>[vector<16xi32>], vector<16xf32>,
        %mul3A_161 = arith.mulf %gather3A_160, %get3A_156 : vector<16xf32>
        tpu.vector_store_idx %arg13[%get3A_154], %mul3A_161 {add = true} : memref<10000xf32, #tpu.memory_space<vmem>>[vector<16xi32>], vector<16xf32>,
        %gather3A_162 = tpu.vector_load_idx %arg10[%get3A_152] : memref<10000xf32, #tpu.memory_space<vmem>>[vector<16xi32>], vector<16xf32>,
        %mul3A_163 = arith.mulf %gather3A_162, %get3A_156 : vector<16xf32>
        tpu.vector_store_idx %arg14[%get3A_154], %mul3A_163 {add = true} : memref<10000xf32, #tpu.memory_space<vmem>>[vector<16xi32>], vector<16xf32>,
        %scan3A_164 = arith.constant 1 : i32
        %scan3A_165 = arith.addi %scan3A_145, %scan3A_164 : i32
        %mul3A_166 = arith.constant 1 : i32
        %mul3A_167 = arith.muli %scan3A_165, %mul3A_166 : i32
        %add3A_168 = arith.constant 0 : i32
        %add3A_169 = arith.addi %add3A_168, %mul3A_167 : i32
        %mul3A_170 = arith.constant 16 : i32
        %mul3A_171 = arith.muli %add3A_169, %mul3A_170 : i32
        %get3A_172 = arith.index_cast %mul3A_171 : i32 to index
        %get3A_173 = tpu.vector_load %arg18[%get3A_172] {strides = array<i32>} : memref<4096xi32, #tpu.memory_space<vmem>>, vector<16xi32>,
        %get3A_174 = arith.index_cast %mul3A_171 : i32 to index
        %get3A_175 = tpu.vector_load %arg19[%get3A_174] {strides = array<i32>} : memref<4096xi32, #tpu.memory_space<vmem>>, vector<16xi32>,
        %get3A_176 = arith.index_cast %mul3A_171 : i32 to index
        %get3A_177 = tpu.vector_load %arg20[%get3A_176] {strides = array<i32>} : memref<4096xf32, #tpu.memory_space<vmem>>, vector<16xf32>,
        %gather3A_178 = tpu.vector_load_idx %arg7[%get3A_173] : memref<10000xf32, #tpu.memory_space<vmem>>[vector<16xi32>], vector<16xf32>,
        %mul3A_179 = arith.mulf %gather3A_178, %get3A_177 : vector<16xf32>
        tpu.vector_store_idx %arg11[%get3A_175], %mul3A_179 {add = true} : memref<10000xf32, #tpu.memory_space<vmem>>[vector<16xi32>], vector<16xf32>,
        %gather3A_180 = tpu.vector_load_idx %arg8[%get3A_173] : memref<10000xf32, #tpu.memory_space<vmem>>[vector<16xi32>], vector<16xf32>,
        %mul3A_181 = arith.mulf %gather3A_180, %get3A_177 : vector<16xf32>
        tpu.vector_store_idx %arg12[%get3A_175], %mul3A_181 {add = true} : memref<10000xf32, #tpu.memory_space<vmem>>[vector<16xi32>], vector<16xf32>,
        %gather3A_182 = tpu.vector_load_idx %arg9[%get3A_173] : memref<10000xf32, #tpu.memory_space<vmem>>[vector<16xi32>], vector<16xf32>,
        %mul3A_183 = arith.mulf %gather3A_182, %get3A_177 : vector<16xf32>
        tpu.vector_store_idx %arg13[%get3A_175], %mul3A_183 {add = true} : memref<10000xf32, #tpu.memory_space<vmem>>[vector<16xi32>], vector<16xf32>,
        %gather3A_184 = tpu.vector_load_idx %arg10[%get3A_173] : memref<10000xf32, #tpu.memory_space<vmem>>[vector<16xi32>], vector<16xf32>,
        %mul3A_185 = arith.mulf %gather3A_184, %get3A_177 : vector<16xf32>
        tpu.vector_store_idx %arg14[%get3A_175], %mul3A_185 {add = true} : memref<10000xf32, #tpu.memory_space<vmem>>[vector<16xi32>], vector<16xf32>,
        %scan3A_186 = arith.constant 2 : i32
        %scan3A_187 = arith.addi %scan3A_145, %scan3A_186 : i32
        %mul3A_188 = arith.constant 1 : i32
        %mul3A_189 = arith.muli %scan3A_187, %mul3A_188 : i32
        %add3A_190 = arith.constant 0 : i32
        %add3A_191 = arith.addi %add3A_190, %mul3A_189 : i32
        %mul3A_192 = arith.constant 16 : i32
        %mul3A_193 = arith.muli %add3A_191, %mul3A_192 : i32
        %get3A_194 = arith.index_cast %mul3A_193 : i32 to index
        %get3A_195 = tpu.vector_load %arg18[%get3A_194] {strides = array<i32>} : memref<4096xi32, #tpu.memory_space<vmem>>, vector<16xi32>,
        %get3A_196 = arith.index_cast %mul3A_193 : i32 to index
        %get3A_197 = tpu.vector_load %arg19[%get3A_196] {strides = array<i32>} : memref<4096xi32, #tpu.memory_space<vmem>>, vector<16xi32>,
        %get3A_198 = arith.index_cast %mul3A_193 : i32 to index
        %get3A_199 = tpu.vector_load %arg20[%get3A_198] {strides = array<i32>} : memref<4096xf32, #tpu.memory_space<vmem>>, vector<16xf32>,
        %gather3A_200 = tpu.vector_load_idx %arg7[%get3A_195] : memref<10000xf32, #tpu.memory_space<vmem>>[vector<16xi32>], vector<16xf32>,
        %mul3A_201 = arith.mulf %gather3A_200, %get3A_199 : vector<16xf32>
        tpu.vector_store_idx %arg11[%get3A_197], %mul3A_201 {add = true} : memref<10000xf32, #tpu.memory_space<vmem>>[vector<16xi32>], vector<16xf32>,
        %gather3A_202 = tpu.vector_load_idx %arg8[%get3A_195] : memref<10000xf32, #tpu.memory_space<vmem>>[vector<16xi32>], vector<16xf32>,
        %mul3A_203 = arith.mulf %gather3A_202, %get3A_199 : vector<16xf32>
        tpu.vector_store_idx %arg12[%get3A_197], %mul3A_203 {add = true} : memref<10000xf32, #tpu.memory_space<vmem>>[vector<16xi32>], vector<16xf32>,
        %gather3A_204 = tpu.vector_load_idx %arg9[%get3A_195] : memref<10000xf32, #tpu.memory_space<vmem>>[vector<16xi32>], vector<16xf32>,
        %mul3A_205 = arith.mulf %gather3A_204, %get3A_199 : vector<16xf32>
        tpu.vector_store_idx %arg13[%get3A_197], %mul3A_205 {add = true} : memref<10000xf32, #tpu.memory_space<vmem>>[vector<16xi32>], vector<16xf32>,
        %gather3A_206 = tpu.vector_load_idx %arg10[%get3A_195] : memref<10000xf32, #tpu.memory_space<vmem>>[vector<16xi32>], vector<16xf32>,
        %mul3A_207 = arith.mulf %gather3A_206, %get3A_199 : vector<16xf32>
        tpu.vector_store_idx %arg14[%get3A_197], %mul3A_207 {add = true} : memref<10000xf32, #tpu.memory_space<vmem>>[vector<16xi32>], vector<16xf32>,
        %scan3A_208 = arith.constant 3 : i32
        %scan3A_209 = arith.addi %scan3A_145, %scan3A_208 : i32
        %mul3A_210 = arith.constant 1 : i32
        %mul3A_211 = arith.muli %scan3A_209, %mul3A_210 : i32
        %add3A_212 = arith.constant 0 : i32
        %add3A_213 = arith.addi %add3A_212, %mul3A_211 : i32
        %mul3A_214 = arith.constant 16 : i32
        %mul3A_215 = arith.muli %add3A_213, %mul3A_214 : i32
        %get3A_216 = arith.index_cast %mul3A_215 : i32 to index
        %get3A_217 = tpu.vector_load %arg18[%get3A_216] {strides = array<i32>} : memref<4096xi32, #tpu.memory_space<vmem>>, vector<16xi32>,
        %get3A_218 = arith.index_cast %mul3A_215 : i32 to index
        %get3A_219 = tpu.vector_load %arg19[%get3A_218] {strides = array<i32>} : memref<4096xi32, #tpu.memory_space<vmem>>, vector<16xi32>,
        %get3A_220 = arith.index_cast %mul3A_215 : i32 to index
        %get3A_221 = tpu.vector_load %arg20[%get3A_220] {strides = array<i32>} : memref<4096xf32, #tpu.memory_space<vmem>>, vector<16xf32>,
        %gather3A_222 = tpu.vector_load_idx %arg7[%get3A_217] : memref<10000xf32, #tpu.memory_space<vmem>>[vector<16xi32>], vector<16xf32>,
        %mul3A_223 = arith.mulf %gather3A_222, %get3A_221 : vector<16xf32>
        tpu.vector_store_idx %arg11[%get3A_219], %mul3A_223 {add = true} : memref<10000xf32, #tpu.memory_space<vmem>>[vector<16xi32>], vector<16xf32>,
        %gather3A_224 = tpu.vector_load_idx %arg8[%get3A_217] : memref<10000xf32, #tpu.memory_space<vmem>>[vector<16xi32>], vector<16xf32>,
        %mul3A_225 = arith.mulf %gather3A_224, %get3A_221 : vector<16xf32>
        tpu.vector_store_idx %arg12[%get3A_219], %mul3A_225 {add = true} : memref<10000xf32, #tpu.memory_space<vmem>>[vector<16xi32>], vector<16xf32>,
        %gather3A_226 = tpu.vector_load_idx %arg9[%get3A_217] : memref<10000xf32, #tpu.memory_space<vmem>>[vector<16xi32>], vector<16xf32>,
        %mul3A_227 = arith.mulf %gather3A_226, %get3A_221 : vector<16xf32>
        tpu.vector_store_idx %arg13[%get3A_219], %mul3A_227 {add = true} : memref<10000xf32, #tpu.memory_space<vmem>>[vector<16xi32>], vector<16xf32>,
        %gather3A_228 = tpu.vector_load_idx %arg10[%get3A_217] : memref<10000xf32, #tpu.memory_space<vmem>>[vector<16xi32>], vector<16xf32>,
        %mul3A_229 = arith.mulf %gather3A_228, %get3A_221 : vector<16xf32>
        tpu.vector_store_idx %arg14[%get3A_219], %mul3A_229 {add = true} : memref<10000xf32, #tpu.memory_space<vmem>>[vector<16xi32>], vector<16xf32>,
        %scan3A_230 = arith.constant 4 : i32
        %scan3A_231 = arith.addi %scan3A_145, %scan3A_230 : i32
        %mul3A_232 = arith.constant 1 : i32
        %mul3A_233 = arith.muli %scan3A_231, %mul3A_232 : i32
        %add3A_234 = arith.constant 0 : i32
        %add3A_235 = arith.addi %add3A_234, %mul3A_233 : i32
        %mul3A_236 = arith.constant 16 : i32
        %mul3A_237 = arith.muli %add3A_235, %mul3A_236 : i32
        %get3A_238 = arith.index_cast %mul3A_237 : i32 to index
        %get3A_239 = tpu.vector_load %arg18[%get3A_238] {strides = array<i32>} : memref<4096xi32, #tpu.memory_space<vmem>>, vector<16xi32>,
        %get3A_240 = arith.index_cast %mul3A_237 : i32 to index
        %get3A_241 = tpu.vector_load %arg19[%get3A_240] {strides = array<i32>} : memref<4096xi32, #tpu.memory_space<vmem>>, vector<16xi32>,
        %get3A_242 = arith.index_cast %mul3A_237 : i32 to index
        %get3A_243 = tpu.vector_load %arg20[%get3A_242] {strides = array<i32>} : memref<4096xf32, #tpu.memory_space<vmem>>, vector<16xf32>,
        %gather3A_244 = tpu.vector_load_idx %arg7[%get3A_239] : memref<10000xf32, #tpu.memory_space<vmem>>[vector<16xi32>], vector<16xf32>,
        %mul3A_245 = arith.mulf %gather3A_244, %get3A_243 : vector<16xf32>
        tpu.vector_store_idx %arg11[%get3A_241], %mul3A_245 {add = true} : memref<10000xf32, #tpu.memory_space<vmem>>[vector<16xi32>], vector<16xf32>,
        %gather3A_246 = tpu.vector_load_idx %arg8[%get3A_239] : memref<10000xf32, #tpu.memory_space<vmem>>[vector<16xi32>], vector<16xf32>,
        %mul3A_247 = arith.mulf %gather3A_246, %get3A_243 : vector<16xf32>
        tpu.vector_store_idx %arg12[%get3A_241], %mul3A_247 {add = true} : memref<10000xf32, #tpu.memory_space<vmem>>[vector<16xi32>], vector<16xf32>,
        %gather3A_248 = tpu.vector_load_idx %arg9[%get3A_239] : memref<10000xf32, #tpu.memory_space<vmem>>[vector<16xi32>], vector<16xf32>,
        %mul3A_249 = arith.mulf %gather3A_248, %get3A_243 : vector<16xf32>
        tpu.vector_store_idx %arg13[%get3A_241], %mul3A_249 {add = true} : memref<10000xf32, #tpu.memory_space<vmem>>[vector<16xi32>], vector<16xf32>,
        %gather3A_250 = tpu.vector_load_idx %arg10[%get3A_239] : memref<10000xf32, #tpu.memory_space<vmem>>[vector<16xi32>], vector<16xf32>,
        %mul3A_251 = arith.mulf %gather3A_250, %get3A_243 : vector<16xf32>
        tpu.vector_store_idx %arg14[%get3A_241], %mul3A_251 {add = true} : memref<10000xf32, #tpu.memory_space<vmem>>[vector<16xi32>], vector<16xf32>,
        %scan3A_252 = arith.constant 5 : i32
        %scan3A_253 = arith.addi %scan3A_145, %scan3A_252 : i32
        %mul3A_254 = arith.constant 1 : i32
        %mul3A_255 = arith.muli %scan3A_253, %mul3A_254 : i32
        %add3A_256 = arith.constant 0 : i32
        %add3A_257 = arith.addi %add3A_256, %mul3A_255 : i32
        %mul3A_258 = arith.constant 16 : i32
        %mul3A_259 = arith.muli %add3A_257, %mul3A_258 : i32
        %get3A_260 = arith.index_cast %mul3A_259 : i32 to index
        %get3A_261 = tpu.vector_load %arg18[%get3A_260] {strides = array<i32>} : memref<4096xi32, #tpu.memory_space<vmem>>, vector<16xi32>,
        %get3A_262 = arith.index_cast %mul3A_259 : i32 to index
        %get3A_263 = tpu.vector_load %arg19[%get3A_262] {strides = array<i32>} : memref<4096xi32, #tpu.memory_space<vmem>>, vector<16xi32>,
        %get3A_264 = arith.index_cast %mul3A_259 : i32 to index
        %get3A_265 = tpu.vector_load %arg20[%get3A_264] {strides = array<i32>} : memref<4096xf32, #tpu.memory_space<vmem>>, vector<16xf32>,
        %gather3A_266 = tpu.vector_load_idx %arg7[%get3A_261] : memref<10000xf32, #tpu.memory_space<vmem>>[vector<16xi32>], vector<16xf32>,
        %mul3A_267 = arith.mulf %gather3A_266, %get3A_265 : vector<16xf32>
        tpu.vector_store_idx %arg11[%get3A_263], %mul3A_267 {add = true} : memref<10000xf32, #tpu.memory_space<vmem>>[vector<16xi32>], vector<16xf32>,
        %gather3A_268 = tpu.vector_load_idx %arg8[%get3A_261] : memref<10000xf32, #tpu.memory_space<vmem>>[vector<16xi32>], vector<16xf32>,
        %mul3A_269 = arith.mulf %gather3A_268, %get3A_265 : vector<16xf32>
        tpu.vector_store_idx %arg12[%get3A_263], %mul3A_269 {add = true} : memref<10000xf32, #tpu.memory_space<vmem>>[vector<16xi32>], vector<16xf32>,
        %gather3A_270 = tpu.vector_load_idx %arg9[%get3A_261] : memref<10000xf32, #tpu.memory_space<vmem>>[vector<16xi32>], vector<16xf32>,
        %mul3A_271 = arith.mulf %gather3A_270, %get3A_265 : vector<16xf32>
        tpu.vector_store_idx %arg13[%get3A_263], %mul3A_271 {add = true} : memref<10000xf32, #tpu.memory_space<vmem>>[vector<16xi32>], vector<16xf32>,
        %gather3A_272 = tpu.vector_load_idx %arg10[%get3A_261] : memref<10000xf32, #tpu.memory_space<vmem>>[vector<16xi32>], vector<16xf32>,
        %mul3A_273 = arith.mulf %gather3A_272, %get3A_265 : vector<16xf32>
        tpu.vector_store_idx %arg14[%get3A_263], %mul3A_273 {add = true} : memref<10000xf32, #tpu.memory_space<vmem>>[vector<16xi32>], vector<16xf32>,
        %scan3A_274 = arith.constant 6 : i32
        %scan3A_275 = arith.addi %scan3A_145, %scan3A_274 : i32
        %mul3A_276 = arith.constant 1 : i32
        %mul3A_277 = arith.muli %scan3A_275, %mul3A_276 : i32
        %add3A_278 = arith.constant 0 : i32
        %add3A_279 = arith.addi %add3A_278, %mul3A_277 : i32
        %mul3A_280 = arith.constant 16 : i32
        %mul3A_281 = arith.muli %add3A_279, %mul3A_280 : i32
        %get3A_282 = arith.index_cast %mul3A_281 : i32 to index
        %get3A_283 = tpu.vector_load %arg18[%get3A_282] {strides = array<i32>} : memref<4096xi32, #tpu.memory_space<vmem>>, vector<16xi32>,
        %get3A_284 = arith.index_cast %mul3A_281 : i32 to index
        %get3A_285 = tpu.vector_load %arg19[%get3A_284] {strides = array<i32>} : memref<4096xi32, #tpu.memory_space<vmem>>, vector<16xi32>,
        %get3A_286 = arith.index_cast %mul3A_281 : i32 to index
        %get3A_287 = tpu.vector_load %arg20[%get3A_286] {strides = array<i32>} : memref<4096xf32, #tpu.memory_space<vmem>>, vector<16xf32>,
        %gather3A_288 = tpu.vector_load_idx %arg7[%get3A_283] : memref<10000xf32, #tpu.memory_space<vmem>>[vector<16xi32>], vector<16xf32>,
        %mul3A_289 = arith.mulf %gather3A_288, %get3A_287 : vector<16xf32>
        tpu.vector_store_idx %arg11[%get3A_285], %mul3A_289 {add = true} : memref<10000xf32, #tpu.memory_space<vmem>>[vector<16xi32>], vector<16xf32>,
        %gather3A_290 = tpu.vector_load_idx %arg8[%get3A_283] : memref<10000xf32, #tpu.memory_space<vmem>>[vector<16xi32>], vector<16xf32>,
        %mul3A_291 = arith.mulf %gather3A_290, %get3A_287 : vector<16xf32>
        tpu.vector_store_idx %arg12[%get3A_285], %mul3A_291 {add = true} : memref<10000xf32, #tpu.memory_space<vmem>>[vector<16xi32>], vector<16xf32>,
        %gather3A_292 = tpu.vector_load_idx %arg9[%get3A_283] : memref<10000xf32, #tpu.memory_space<vmem>>[vector<16xi32>], vector<16xf32>,
        %mul3A_293 = arith.mulf %gather3A_292, %get3A_287 : vector<16xf32>
        tpu.vector_store_idx %arg13[%get3A_285], %mul3A_293 {add = true} : memref<10000xf32, #tpu.memory_space<vmem>>[vector<16xi32>], vector<16xf32>,
        %gather3A_294 = tpu.vector_load_idx %arg10[%get3A_283] : memref<10000xf32, #tpu.memory_space<vmem>>[vector<16xi32>], vector<16xf32>,
        %mul3A_295 = arith.mulf %gather3A_294, %get3A_287 : vector<16xf32>
        tpu.vector_store_idx %arg14[%get3A_285], %mul3A_295 {add = true} : memref<10000xf32, #tpu.memory_space<vmem>>[vector<16xi32>], vector<16xf32>,
        %scan3A_296 = arith.constant 7 : i32
        %scan3A_297 = arith.addi %scan3A_145, %scan3A_296 : i32
        %mul3A_298 = arith.constant 1 : i32
        %mul3A_299 = arith.muli %scan3A_297, %mul3A_298 : i32
        %add3A_300 = arith.constant 0 : i32
        %add3A_301 = arith.addi %add3A_300, %mul3A_299 : i32
        %mul3A_302 = arith.constant 16 : i32
        %mul3A_303 = arith.muli %add3A_301, %mul3A_302 : i32
        %get3A_304 = arith.index_cast %mul3A_303 : i32 to index
        %get3A_305 = tpu.vector_load %arg18[%get3A_304] {strides = array<i32>} : memref<4096xi32, #tpu.memory_space<vmem>>, vector<16xi32>,
        %get3A_306 = arith.index_cast %mul3A_303 : i32 to index
        %get3A_307 = tpu.vector_load %arg19[%get3A_306] {strides = array<i32>} : memref<4096xi32, #tpu.memory_space<vmem>>, vector<16xi32>,
        %get3A_308 = arith.index_cast %mul3A_303 : i32 to index
        %get3A_309 = tpu.vector_load %arg20[%get3A_308] {strides = array<i32>} : memref<4096xf32, #tpu.memory_space<vmem>>, vector<16xf32>,
        %gather3A_310 = tpu.vector_load_idx %arg7[%get3A_305] : memref<10000xf32, #tpu.memory_space<vmem>>[vector<16xi32>], vector<16xf32>,
        %mul3A_311 = arith.mulf %gather3A_310, %get3A_309 : vector<16xf32>
        tpu.vector_store_idx %arg11[%get3A_307], %mul3A_311 {add = true} : memref<10000xf32, #tpu.memory_space<vmem>>[vector<16xi32>], vector<16xf32>,
        %gather3A_312 = tpu.vector_load_idx %arg8[%get3A_305] : memref<10000xf32, #tpu.memory_space<vmem>>[vector<16xi32>], vector<16xf32>,
        %mul3A_313 = arith.mulf %gather3A_312, %get3A_309 : vector<16xf32>
        tpu.vector_store_idx %arg12[%get3A_307], %mul3A_313 {add = true} : memref<10000xf32, #tpu.memory_space<vmem>>[vector<16xi32>], vector<16xf32>,
        %gather3A_314 = tpu.vector_load_idx %arg9[%get3A_305] : memref<10000xf32, #tpu.memory_space<vmem>>[vector<16xi32>], vector<16xf32>,
        %mul3A_315 = arith.mulf %gather3A_314, %get3A_309 : vector<16xf32>
        tpu.vector_store_idx %arg13[%get3A_307], %mul3A_315 {add = true} : memref<10000xf32, #tpu.memory_space<vmem>>[vector<16xi32>], vector<16xf32>,
        %gather3A_316 = tpu.vector_load_idx %arg10[%get3A_305] : memref<10000xf32, #tpu.memory_space<vmem>>[vector<16xi32>], vector<16xf32>,
        %mul3A_317 = arith.mulf %gather3A_316, %get3A_309 : vector<16xf32>
        tpu.vector_store_idx %arg14[%get3A_307], %mul3A_317 {add = true} : memref<10000xf32, #tpu.memory_space<vmem>>[vector<16xi32>], vector<16xf32>,
        %scan3A_318 = arith.constant 8 : i32
        %scan3A_319 = arith.addi %scan3A_145, %scan3A_318 : i32
        %mul3A_320 = arith.constant 1 : i32
        %mul3A_321 = arith.muli %scan3A_319, %mul3A_320 : i32
        %add3A_322 = arith.constant 0 : i32
        %add3A_323 = arith.addi %add3A_322, %mul3A_321 : i32
        %mul3A_324 = arith.constant 16 : i32
        %mul3A_325 = arith.muli %add3A_323, %mul3A_324 : i32
        %get3A_326 = arith.index_cast %mul3A_325 : i32 to index
        %get3A_327 = tpu.vector_load %arg18[%get3A_326] {strides = array<i32>} : memref<4096xi32, #tpu.memory_space<vmem>>, vector<16xi32>,
        %get3A_328 = arith.index_cast %mul3A_325 : i32 to index
        %get3A_329 = tpu.vector_load %arg19[%get3A_328] {strides = array<i32>} : memref<4096xi32, #tpu.memory_space<vmem>>, vector<16xi32>,
        %get3A_330 = arith.index_cast %mul3A_325 : i32 to index
        %get3A_331 = tpu.vector_load %arg20[%get3A_330] {strides = array<i32>} : memref<4096xf32, #tpu.memory_space<vmem>>, vector<16xf32>,
        %gather3A_332 = tpu.vector_load_idx %arg7[%get3A_327] : memref<10000xf32, #tpu.memory_space<vmem>>[vector<16xi32>], vector<16xf32>,
        %mul3A_333 = arith.mulf %gather3A_332, %get3A_331 : vector<16xf32>
        tpu.vector_store_idx %arg11[%get3A_329], %mul3A_333 {add = true} : memref<10000xf32, #tpu.memory_space<vmem>>[vector<16xi32>], vector<16xf32>,
        %gather3A_334 = tpu.vector_load_idx %arg8[%get3A_327] : memref<10000xf32, #tpu.memory_space<vmem>>[vector<16xi32>], vector<16xf32>,
        %mul3A_335 = arith.mulf %gather3A_334, %get3A_331 : vector<16xf32>
        tpu.vector_store_idx %arg12[%get3A_329], %mul3A_335 {add = true} : memref<10000xf32, #tpu.memory_space<vmem>>[vector<16xi32>], vector<16xf32>,
        %gather3A_336 = tpu.vector_load_idx %arg9[%get3A_327] : memref<10000xf32, #tpu.memory_space<vmem>>[vector<16xi32>], vector<16xf32>,
        %mul3A_337 = arith.mulf %gather3A_336, %get3A_331 : vector<16xf32>
        tpu.vector_store_idx %arg13[%get3A_329], %mul3A_337 {add = true} : memref<10000xf32, #tpu.memory_space<vmem>>[vector<16xi32>], vector<16xf32>,
        %gather3A_338 = tpu.vector_load_idx %arg10[%get3A_327] : memref<10000xf32, #tpu.memory_space<vmem>>[vector<16xi32>], vector<16xf32>,
        %mul3A_339 = arith.mulf %gather3A_338, %get3A_331 : vector<16xf32>
        tpu.vector_store_idx %arg14[%get3A_329], %mul3A_339 {add = true} : memref<10000xf32, #tpu.memory_space<vmem>>[vector<16xi32>], vector<16xf32>,
        %scan3A_340 = arith.constant 9 : i32
        %scan3A_341 = arith.addi %scan3A_145, %scan3A_340 : i32
        %mul3A_342 = arith.constant 1 : i32
        %mul3A_343 = arith.muli %scan3A_341, %mul3A_342 : i32
        %add3A_344 = arith.constant 0 : i32
        %add3A_345 = arith.addi %add3A_344, %mul3A_343 : i32
        %mul3A_346 = arith.constant 16 : i32
        %mul3A_347 = arith.muli %add3A_345, %mul3A_346 : i32
        %get3A_348 = arith.index_cast %mul3A_347 : i32 to index
        %get3A_349 = tpu.vector_load %arg18[%get3A_348] {strides = array<i32>} : memref<4096xi32, #tpu.memory_space<vmem>>, vector<16xi32>,
        %get3A_350 = arith.index_cast %mul3A_347 : i32 to index
        %get3A_351 = tpu.vector_load %arg19[%get3A_350] {strides = array<i32>} : memref<4096xi32, #tpu.memory_space<vmem>>, vector<16xi32>,
        %get3A_352 = arith.index_cast %mul3A_347 : i32 to index
        %get3A_353 = tpu.vector_load %arg20[%get3A_352] {strides = array<i32>} : memref<4096xf32, #tpu.memory_space<vmem>>, vector<16xf32>,
        %gather3A_354 = tpu.vector_load_idx %arg7[%get3A_349] : memref<10000xf32, #tpu.memory_space<vmem>>[vector<16xi32>], vector<16xf32>,
        %mul3A_355 = arith.mulf %gather3A_354, %get3A_353 : vector<16xf32>
        tpu.vector_store_idx %arg11[%get3A_351], %mul3A_355 {add = true} : memref<10000xf32, #tpu.memory_space<vmem>>[vector<16xi32>], vector<16xf32>,
        %gather3A_356 = tpu.vector_load_idx %arg8[%get3A_349] : memref<10000xf32, #tpu.memory_space<vmem>>[vector<16xi32>], vector<16xf32>,
        %mul3A_357 = arith.mulf %gather3A_356, %get3A_353 : vector<16xf32>
        tpu.vector_store_idx %arg12[%get3A_351], %mul3A_357 {add = true} : memref<10000xf32, #tpu.memory_space<vmem>>[vector<16xi32>], vector<16xf32>,
        %gather3A_358 = tpu.vector_load_idx %arg9[%get3A_349] : memref<10000xf32, #tpu.memory_space<vmem>>[vector<16xi32>], vector<16xf32>,
        %mul3A_359 = arith.mulf %gather3A_358, %get3A_353 : vector<16xf32>
        tpu.vector_store_idx %arg13[%get3A_351], %mul3A_359 {add = true} : memref<10000xf32, #tpu.memory_space<vmem>>[vector<16xi32>], vector<16xf32>,
        %gather3A_360 = tpu.vector_load_idx %arg10[%get3A_349] : memref<10000xf32, #tpu.memory_space<vmem>>[vector<16xi32>], vector<16xf32>,
        %mul3A_361 = arith.mulf %gather3A_360, %get3A_353 : vector<16xf32>
        tpu.vector_store_idx %arg14[%get3A_351], %mul3A_361 {add = true} : memref<10000xf32, #tpu.memory_space<vmem>>[vector<16xi32>], vector<16xf32>,
        %scan3A_362 = arith.constant 10 : i32
        %scan3A_363 = arith.addi %scan3A_145, %scan3A_362 : i32
        %mul3A_364 = arith.constant 1 : i32
        %mul3A_365 = arith.muli %scan3A_363, %mul3A_364 : i32
        %add3A_366 = arith.constant 0 : i32
        %add3A_367 = arith.addi %add3A_366, %mul3A_365 : i32
        %mul3A_368 = arith.constant 16 : i32
        %mul3A_369 = arith.muli %add3A_367, %mul3A_368 : i32
        %get3A_370 = arith.index_cast %mul3A_369 : i32 to index
        %get3A_371 = tpu.vector_load %arg18[%get3A_370] {strides = array<i32>} : memref<4096xi32, #tpu.memory_space<vmem>>, vector<16xi32>,
        %get3A_372 = arith.index_cast %mul3A_369 : i32 to index
        %get3A_373 = tpu.vector_load %arg19[%get3A_372] {strides = array<i32>} : memref<4096xi32, #tpu.memory_space<vmem>>, vector<16xi32>,
        %get3A_374 = arith.index_cast %mul3A_369 : i32 to index
        %get3A_375 = tpu.vector_load %arg20[%get3A_374] {strides = array<i32>} : memref<4096xf32, #tpu.memory_space<vmem>>, vector<16xf32>,
        %gather3A_376 = tpu.vector_load_idx %arg7[%get3A_371] : memref<10000xf32, #tpu.memory_space<vmem>>[vector<16xi32>], vector<16xf32>,
        %mul3A_377 = arith.mulf %gather3A_376, %get3A_375 : vector<16xf32>
        tpu.vector_store_idx %arg11[%get3A_373], %mul3A_377 {add = true} : memref<10000xf32, #tpu.memory_space<vmem>>[vector<16xi32>], vector<16xf32>,
        %gather3A_378 = tpu.vector_load_idx %arg8[%get3A_371] : memref<10000xf32, #tpu.memory_space<vmem>>[vector<16xi32>], vector<16xf32>,
        %mul3A_379 = arith.mulf %gather3A_378, %get3A_375 : vector<16xf32>
        tpu.vector_store_idx %arg12[%get3A_373], %mul3A_379 {add = true} : memref<10000xf32, #tpu.memory_space<vmem>>[vector<16xi32>], vector<16xf32>,
        %gather3A_380 = tpu.vector_load_idx %arg9[%get3A_371] : memref<10000xf32, #tpu.memory_space<vmem>>[vector<16xi32>], vector<16xf32>,
        %mul3A_381 = arith.mulf %gather3A_380, %get3A_375 : vector<16xf32>
        tpu.vector_store_idx %arg13[%get3A_373], %mul3A_381 {add = true} : memref<10000xf32, #tpu.memory_space<vmem>>[vector<16xi32>], vector<16xf32>,
        %gather3A_382 = tpu.vector_load_idx %arg10[%get3A_371] : memref<10000xf32, #tpu.memory_space<vmem>>[vector<16xi32>], vector<16xf32>,
        %mul3A_383 = arith.mulf %gather3A_382, %get3A_375 : vector<16xf32>
        tpu.vector_store_idx %arg14[%get3A_373], %mul3A_383 {add = true} : memref<10000xf32, #tpu.memory_space<vmem>>[vector<16xi32>], vector<16xf32>,
        %scan3A_384 = arith.constant 11 : i32
        %scan3A_385 = arith.addi %scan3A_145, %scan3A_384 : i32
        %mul3A_386 = arith.constant 1 : i32
        %mul3A_387 = arith.muli %scan3A_385, %mul3A_386 : i32
        %add3A_388 = arith.constant 0 : i32
        %add3A_389 = arith.addi %add3A_388, %mul3A_387 : i32
        %mul3A_390 = arith.constant 16 : i32
        %mul3A_391 = arith.muli %add3A_389, %mul3A_390 : i32
        %get3A_392 = arith.index_cast %mul3A_391 : i32 to index
        %get3A_393 = tpu.vector_load %arg18[%get3A_392] {strides = array<i32>} : memref<4096xi32, #tpu.memory_space<vmem>>, vector<16xi32>,
        %get3A_394 = arith.index_cast %mul3A_391 : i32 to index
        %get3A_395 = tpu.vector_load %arg19[%get3A_394] {strides = array<i32>} : memref<4096xi32, #tpu.memory_space<vmem>>, vector<16xi32>,
        %get3A_396 = arith.index_cast %mul3A_391 : i32 to index
        %get3A_397 = tpu.vector_load %arg20[%get3A_396] {strides = array<i32>} : memref<4096xf32, #tpu.memory_space<vmem>>, vector<16xf32>,
        %gather3A_398 = tpu.vector_load_idx %arg7[%get3A_393] : memref<10000xf32, #tpu.memory_space<vmem>>[vector<16xi32>], vector<16xf32>,
        %mul3A_399 = arith.mulf %gather3A_398, %get3A_397 : vector<16xf32>
        tpu.vector_store_idx %arg11[%get3A_395], %mul3A_399 {add = true} : memref<10000xf32, #tpu.memory_space<vmem>>[vector<16xi32>], vector<16xf32>,
        %gather3A_400 = tpu.vector_load_idx %arg8[%get3A_393] : memref<10000xf32, #tpu.memory_space<vmem>>[vector<16xi32>], vector<16xf32>,
        %mul3A_401 = arith.mulf %gather3A_400, %get3A_397 : vector<16xf32>
        tpu.vector_store_idx %arg12[%get3A_395], %mul3A_401 {add = true} : memref<10000xf32, #tpu.memory_space<vmem>>[vector<16xi32>], vector<16xf32>,
        %gather3A_402 = tpu.vector_load_idx %arg9[%get3A_393] : memref<10000xf32, #tpu.memory_space<vmem>>[vector<16xi32>], vector<16xf32>,
        %mul3A_403 = arith.mulf %gather3A_402, %get3A_397 : vector<16xf32>
        tpu.vector_store_idx %arg13[%get3A_395], %mul3A_403 {add = true} : memref<10000xf32, #tpu.memory_space<vmem>>[vector<16xi32>], vector<16xf32>,
        %gather3A_404 = tpu.vector_load_idx %arg10[%get3A_393] : memref<10000xf32, #tpu.memory_space<vmem>>[vector<16xi32>], vector<16xf32>,
        %mul3A_405 = arith.mulf %gather3A_404, %get3A_397 : vector<16xf32>
        tpu.vector_store_idx %arg14[%get3A_395], %mul3A_405 {add = true} : memref<10000xf32, #tpu.memory_space<vmem>>[vector<16xi32>], vector<16xf32>,
        %scan3A_406 = arith.constant 12 : i32
        %scan3A_407 = arith.addi %scan3A_145, %scan3A_406 : i32
        %mul3A_408 = arith.constant 1 : i32
        %mul3A_409 = arith.muli %scan3A_407, %mul3A_408 : i32
        %add3A_410 = arith.constant 0 : i32
        %add3A_411 = arith.addi %add3A_410, %mul3A_409 : i32
        %mul3A_412 = arith.constant 16 : i32
        %mul3A_413 = arith.muli %add3A_411, %mul3A_412 : i32
        %get3A_414 = arith.index_cast %mul3A_413 : i32 to index
        %get3A_415 = tpu.vector_load %arg18[%get3A_414] {strides = array<i32>} : memref<4096xi32, #tpu.memory_space<vmem>>, vector<16xi32>,
        %get3A_416 = arith.index_cast %mul3A_413 : i32 to index
        %get3A_417 = tpu.vector_load %arg19[%get3A_416] {strides = array<i32>} : memref<4096xi32, #tpu.memory_space<vmem>>, vector<16xi32>,
        %get3A_418 = arith.index_cast %mul3A_413 : i32 to index
        %get3A_419 = tpu.vector_load %arg20[%get3A_418] {strides = array<i32>} : memref<4096xf32, #tpu.memory_space<vmem>>, vector<16xf32>,
        %gather3A_420 = tpu.vector_load_idx %arg7[%get3A_415] : memref<10000xf32, #tpu.memory_space<vmem>>[vector<16xi32>], vector<16xf32>,
        %mul3A_421 = arith.mulf %gather3A_420, %get3A_419 : vector<16xf32>
        tpu.vector_store_idx %arg11[%get3A_417], %mul3A_421 {add = true} : memref<10000xf32, #tpu.memory_space<vmem>>[vector<16xi32>], vector<16xf32>,
        %gather3A_422 = tpu.vector_load_idx %arg8[%get3A_415] : memref<10000xf32, #tpu.memory_space<vmem>>[vector<16xi32>], vector<16xf32>,
        %mul3A_423 = arith.mulf %gather3A_422, %get3A_419 : vector<16xf32>
        tpu.vector_store_idx %arg12[%get3A_417], %mul3A_423 {add = true} : memref<10000xf32, #tpu.memory_space<vmem>>[vector<16xi32>], vector<16xf32>,
        %gather3A_424 = tpu.vector_load_idx %arg9[%get3A_415] : memref<10000xf32, #tpu.memory_space<vmem>>[vector<16xi32>], vector<16xf32>,
        %mul3A_425 = arith.mulf %gather3A_424, %get3A_419 : vector<16xf32>
        tpu.vector_store_idx %arg13[%get3A_417], %mul3A_425 {add = true} : memref<10000xf32, #tpu.memory_space<vmem>>[vector<16xi32>], vector<16xf32>,
        %gather3A_426 = tpu.vector_load_idx %arg10[%get3A_415] : memref<10000xf32, #tpu.memory_space<vmem>>[vector<16xi32>], vector<16xf32>,
        %mul3A_427 = arith.mulf %gather3A_426, %get3A_419 : vector<16xf32>
        tpu.vector_store_idx %arg14[%get3A_417], %mul3A_427 {add = true} : memref<10000xf32, #tpu.memory_space<vmem>>[vector<16xi32>], vector<16xf32>,
        %scan3A_428 = arith.constant 13 : i32
        %scan3A_429 = arith.addi %scan3A_145, %scan3A_428 : i32
        %mul3A_430 = arith.constant 1 : i32
        %mul3A_431 = arith.muli %scan3A_429, %mul3A_430 : i32
        %add3A_432 = arith.constant 0 : i32
        %add3A_433 = arith.addi %add3A_432, %mul3A_431 : i32
        %mul3A_434 = arith.constant 16 : i32
        %mul3A_435 = arith.muli %add3A_433, %mul3A_434 : i32
        %get3A_436 = arith.index_cast %mul3A_435 : i32 to index
        %get3A_437 = tpu.vector_load %arg18[%get3A_436] {strides = array<i32>} : memref<4096xi32, #tpu.memory_space<vmem>>, vector<16xi32>,
        %get3A_438 = arith.index_cast %mul3A_435 : i32 to index
        %get3A_439 = tpu.vector_load %arg19[%get3A_438] {strides = array<i32>} : memref<4096xi32, #tpu.memory_space<vmem>>, vector<16xi32>,
        %get3A_440 = arith.index_cast %mul3A_435 : i32 to index
        %get3A_441 = tpu.vector_load %arg20[%get3A_440] {strides = array<i32>} : memref<4096xf32, #tpu.memory_space<vmem>>, vector<16xf32>,
        %gather3A_442 = tpu.vector_load_idx %arg7[%get3A_437] : memref<10000xf32, #tpu.memory_space<vmem>>[vector<16xi32>], vector<16xf32>,
        %mul3A_443 = arith.mulf %gather3A_442, %get3A_441 : vector<16xf32>
        tpu.vector_store_idx %arg11[%get3A_439], %mul3A_443 {add = true} : memref<10000xf32, #tpu.memory_space<vmem>>[vector<16xi32>], vector<16xf32>,
        %gather3A_444 = tpu.vector_load_idx %arg8[%get3A_437] : memref<10000xf32, #tpu.memory_space<vmem>>[vector<16xi32>], vector<16xf32>,
        %mul3A_445 = arith.mulf %gather3A_444, %get3A_441 : vector<16xf32>
        tpu.vector_store_idx %arg12[%get3A_439], %mul3A_445 {add = true} : memref<10000xf32, #tpu.memory_space<vmem>>[vector<16xi32>], vector<16xf32>,
        %gather3A_446 = tpu.vector_load_idx %arg9[%get3A_437] : memref<10000xf32, #tpu.memory_space<vmem>>[vector<16xi32>], vector<16xf32>,
        %mul3A_447 = arith.mulf %gather3A_446, %get3A_441 : vector<16xf32>
        tpu.vector_store_idx %arg13[%get3A_439], %mul3A_447 {add = true} : memref<10000xf32, #tpu.memory_space<vmem>>[vector<16xi32>], vector<16xf32>,
        %gather3A_448 = tpu.vector_load_idx %arg10[%get3A_437] : memref<10000xf32, #tpu.memory_space<vmem>>[vector<16xi32>], vector<16xf32>,
        %mul3A_449 = arith.mulf %gather3A_448, %get3A_441 : vector<16xf32>
        tpu.vector_store_idx %arg14[%get3A_439], %mul3A_449 {add = true} : memref<10000xf32, #tpu.memory_space<vmem>>[vector<16xi32>], vector<16xf32>,
        %scan3A_450 = arith.constant 14 : i32
        %scan3A_451 = arith.addi %scan3A_145, %scan3A_450 : i32
        %mul3A_452 = arith.constant 1 : i32
        %mul3A_453 = arith.muli %scan3A_451, %mul3A_452 : i32
        %add3A_454 = arith.constant 0 : i32
        %add3A_455 = arith.addi %add3A_454, %mul3A_453 : i32
        %mul3A_456 = arith.constant 16 : i32
        %mul3A_457 = arith.muli %add3A_455, %mul3A_456 : i32
        %get3A_458 = arith.index_cast %mul3A_457 : i32 to index
        %get3A_459 = tpu.vector_load %arg18[%get3A_458] {strides = array<i32>} : memref<4096xi32, #tpu.memory_space<vmem>>, vector<16xi32>,
        %get3A_460 = arith.index_cast %mul3A_457 : i32 to index
        %get3A_461 = tpu.vector_load %arg19[%get3A_460] {strides = array<i32>} : memref<4096xi32, #tpu.memory_space<vmem>>, vector<16xi32>,
        %get3A_462 = arith.index_cast %mul3A_457 : i32 to index
        %get3A_463 = tpu.vector_load %arg20[%get3A_462] {strides = array<i32>} : memref<4096xf32, #tpu.memory_space<vmem>>, vector<16xf32>,
        %gather3A_464 = tpu.vector_load_idx %arg7[%get3A_459] : memref<10000xf32, #tpu.memory_space<vmem>>[vector<16xi32>], vector<16xf32>,
        %mul3A_465 = arith.mulf %gather3A_464, %get3A_463 : vector<16xf32>
        tpu.vector_store_idx %arg11[%get3A_461], %mul3A_465 {add = true} : memref<10000xf32, #tpu.memory_space<vmem>>[vector<16xi32>], vector<16xf32>,
        %gather3A_466 = tpu.vector_load_idx %arg8[%get3A_459] : memref<10000xf32, #tpu.memory_space<vmem>>[vector<16xi32>], vector<16xf32>,
        %mul3A_467 = arith.mulf %gather3A_466, %get3A_463 : vector<16xf32>
        tpu.vector_store_idx %arg12[%get3A_461], %mul3A_467 {add = true} : memref<10000xf32, #tpu.memory_space<vmem>>[vector<16xi32>], vector<16xf32>,
        %gather3A_468 = tpu.vector_load_idx %arg9[%get3A_459] : memref<10000xf32, #tpu.memory_space<vmem>>[vector<16xi32>], vector<16xf32>,
        %mul3A_469 = arith.mulf %gather3A_468, %get3A_463 : vector<16xf32>
        tpu.vector_store_idx %arg13[%get3A_461], %mul3A_469 {add = true} : memref<10000xf32, #tpu.memory_space<vmem>>[vector<16xi32>], vector<16xf32>,
        %gather3A_470 = tpu.vector_load_idx %arg10[%get3A_459] : memref<10000xf32, #tpu.memory_space<vmem>>[vector<16xi32>], vector<16xf32>,
        %mul3A_471 = arith.mulf %gather3A_470, %get3A_463 : vector<16xf32>
        tpu.vector_store_idx %arg14[%get3A_461], %mul3A_471 {add = true} : memref<10000xf32, #tpu.memory_space<vmem>>[vector<16xi32>], vector<16xf32>,
        %scan3A_472 = arith.constant 15 : i32
        %scan3A_473 = arith.addi %scan3A_145, %scan3A_472 : i32
        %mul3A_474 = arith.constant 1 : i32
        %mul3A_475 = arith.muli %scan3A_473, %mul3A_474 : i32
        %add3A_476 = arith.constant 0 : i32
        %add3A_477 = arith.addi %add3A_476, %mul3A_475 : i32
        %mul3A_478 = arith.constant 16 : i32
        %mul3A_479 = arith.muli %add3A_477, %mul3A_478 : i32
        %get3A_480 = arith.index_cast %mul3A_479 : i32 to index
        %get3A_481 = tpu.vector_load %arg18[%get3A_480] {strides = array<i32>} : memref<4096xi32, #tpu.memory_space<vmem>>, vector<16xi32>,
        %get3A_482 = arith.index_cast %mul3A_479 : i32 to index
        %get3A_483 = tpu.vector_load %arg19[%get3A_482] {strides = array<i32>} : memref<4096xi32, #tpu.memory_space<vmem>>, vector<16xi32>,
        %get3A_484 = arith.index_cast %mul3A_479 : i32 to index
        %get3A_485 = tpu.vector_load %arg20[%get3A_484] {strides = array<i32>} : memref<4096xf32, #tpu.memory_space<vmem>>, vector<16xf32>,
        %gather3A_486 = tpu.vector_load_idx %arg7[%get3A_481] : memref<10000xf32, #tpu.memory_space<vmem>>[vector<16xi32>], vector<16xf32>,
        %mul3A_487 = arith.mulf %gather3A_486, %get3A_485 : vector<16xf32>
        tpu.vector_store_idx %arg11[%get3A_483], %mul3A_487 {add = true} : memref<10000xf32, #tpu.memory_space<vmem>>[vector<16xi32>], vector<16xf32>,
        %gather3A_488 = tpu.vector_load_idx %arg8[%get3A_481] : memref<10000xf32, #tpu.memory_space<vmem>>[vector<16xi32>], vector<16xf32>,
        %mul3A_489 = arith.mulf %gather3A_488, %get3A_485 : vector<16xf32>
        tpu.vector_store_idx %arg12[%get3A_483], %mul3A_489 {add = true} : memref<10000xf32, #tpu.memory_space<vmem>>[vector<16xi32>], vector<16xf32>,
        %gather3A_490 = tpu.vector_load_idx %arg9[%get3A_481] : memref<10000xf32, #tpu.memory_space<vmem>>[vector<16xi32>], vector<16xf32>,
        %mul3A_491 = arith.mulf %gather3A_490, %get3A_485 : vector<16xf32>
        tpu.vector_store_idx %arg13[%get3A_483], %mul3A_491 {add = true} : memref<10000xf32, #tpu.memory_space<vmem>>[vector<16xi32>], vector<16xf32>,
        %gather3A_492 = tpu.vector_load_idx %arg10[%get3A_481] : memref<10000xf32, #tpu.memory_space<vmem>>[vector<16xi32>], vector<16xf32>,
        %mul3A_493 = arith.mulf %gather3A_492, %get3A_485 : vector<16xf32>
        tpu.vector_store_idx %arg14[%get3A_483], %mul3A_493 {add = true} : memref<10000xf32, #tpu.memory_space<vmem>>[vector<16xi32>], vector<16xf32>,
      }
      %scan3A_144 = arith.constant 256 : i32
    }
    %scan3A_45 = arith.constant 39 : i32
    %dma_wait3A = arith.constant 0 : i32
    %dma_wait3A_46 = tpu.memref_slice %arg3[%dma_wait3A] : memref<323584xi32, #tpu.memory_space<hbm>> -> memref<4096xi32, #tpu.memory_space<hbm>>
    %dma_wait3A_47 = arith.constant 0 : i32
    %dma_wait3A_48 = tpu.memref_slice %arg3[%dma_wait3A_47] : memref<323584xi32, #tpu.memory_space<hbm>> -> memref<4096xi32, #tpu.memory_space<hbm>>
    tpu.wait_dma2 semaphore(%arg21 : memref<!tpu.dma_semaphore, #tpu.memory_space<semaphore_mem>>) src(%dma_wait3A_48 : memref<4096xi32, #tpu.memory_space<hbm>>) dst(%arg15 : memref<4096xi32, #tpu.memory_space<vmem>>)
    %dma_wait3A_49 = arith.constant 0 : i32
    %dma_wait3A_50 = tpu.memref_slice %arg4[%dma_wait3A_49] : memref<323584xi32, #tpu.memory_space<hbm>> -> memref<4096xi32, #tpu.memory_space<hbm>>
    %dma_wait3A_51 = arith.constant 0 : i32
    %dma_wait3A_52 = tpu.memref_slice %arg4[%dma_wait3A_51] : memref<323584xi32, #tpu.memory_space<hbm>> -> memref<4096xi32, #tpu.memory_space<hbm>>
    tpu.wait_dma2 semaphore(%arg21 : memref<!tpu.dma_semaphore, #tpu.memory_space<semaphore_mem>>) src(%dma_wait3A_52 : memref<4096xi32, #tpu.memory_space<hbm>>) dst(%arg16 : memref<4096xi32, #tpu.memory_space<vmem>>)
    %dma_wait3A_53 = arith.constant 0 : i32
    %dma_wait3A_54 = tpu.memref_slice %arg5[%dma_wait3A_53] : memref<323584xf32, #tpu.memory_space<hbm>> -> memref<4096xf32, #tpu.memory_space<hbm>>
    %dma_wait3A_55 = arith.constant 0 : i32
    %dma_wait3A_56 = tpu.memref_slice %arg5[%dma_wait3A_55] : memref<323584xf32, #tpu.memory_space<hbm>> -> memref<4096xf32, #tpu.memory_space<hbm>>
    tpu.wait_dma2 semaphore(%arg21 : memref<!tpu.dma_semaphore, #tpu.memory_space<semaphore_mem>>) src(%dma_wait3A_56 : memref<4096xf32, #tpu.memory_space<hbm>>) dst(%arg17 : memref<4096xf32, #tpu.memory_space<vmem>>)
    %scan3A_57 = arith.constant 0 : i32
    %scan3A_58 = arith.constant 256 : i32
    %scan3A_59 = arith.addi %scan3A_57, %scan3A_58 : i32
    %scan3A_60 = arith.constant 16 : i32
    scf.for %scan3A_86 = %scan3A_57 to %scan3A_59 step %scan3A_60  : i32 {
      %mul3A_87 = arith.constant 1 : i32
      %mul3A_88 = arith.muli %scan3A_86, %mul3A_87 : i32
      %add3A_89 = arith.constant 0 : i32
      %add3A_90 = arith.addi %add3A_89, %mul3A_88 : i32
      %mul3A_91 = arith.constant 16 : i32
      %mul3A_92 = arith.muli %add3A_90, %mul3A_91 : i32
      %get3A = arith.index_cast %mul3A_92 : i32 to index
      %get3A_93 = tpu.vector_load %arg15[%get3A] {strides = array<i32>} : memref<4096xi32, #tpu.memory_space<vmem>>, vector<16xi32>,
      %get3A_94 = arith.index_cast %mul3A_92 : i32 to index
      %get3A_95 = tpu.vector_load %arg16[%get3A_94] {strides = array<i32>} : memref<4096xi32, #tpu.memory_space<vmem>>, vector<16xi32>,
      %get3A_96 = arith.index_cast %mul3A_92 : i32 to index
      %get3A_97 = tpu.vector_load %arg17[%get3A_96] {strides = array<i32>} : memref<4096xf32, #tpu.memory_space<vmem>>, vector<16xf32>,
      %gather3A = tpu.vector_load_idx %arg7[%get3A_93] : memref<10000xf32, #tpu.memory_space<vmem>>[vector<16xi32>], vector<16xf32>,
      %mul3A_98 = arith.mulf %gather3A, %get3A_97 : vector<16xf32>
      tpu.vector_store_idx %arg11[%get3A_95], %mul3A_98 {add = true} : memref<10000xf32, #tpu.memory_space<vmem>>[vector<16xi32>], vector<16xf32>,
      %gather3A_99 = tpu.vector_load_idx %arg8[%get3A_93] : memref<10000xf32, #tpu.memory_space<vmem>>[vector<16xi32>], vector<16xf32>,
      %mul3A_100 = arith.mulf %gather3A_99, %get3A_97 : vector<16xf32>
      tpu.vector_store_idx %arg12[%get3A_95], %mul3A_100 {add = true} : memref<10000xf32, #tpu.memory_space<vmem>>[vector<16xi32>], vector<16xf32>,
      %gather3A_101 = tpu.vector_load_idx %arg9[%get3A_93] : memref<10000xf32, #tpu.memory_space<vmem>>[vector<16xi32>], vector<16xf32>,
      %mul3A_102 = arith.mulf %gather3A_101, %get3A_97 : vector<16xf32>
      tpu.vector_store_idx %arg13[%get3A_95], %mul3A_102 {add = true} : memref<10000xf32, #tpu.memory_space<vmem>>[vector<16xi32>], vector<16xf32>,
      %gather3A_103 = tpu.vector_load_idx %arg10[%get3A_93] : memref<10000xf32, #tpu.memory_space<vmem>>[vector<16xi32>], vector<16xf32>,
      %mul3A_104 = arith.mulf %gather3A_103, %get3A_97 : vector<16xf32>
      tpu.vector_store_idx %arg14[%get3A_95], %mul3A_104 {add = true} : memref<10000xf32, #tpu.memory_space<vmem>>[vector<16xi32>], vector<16xf32>,
      %scan3A_105 = arith.constant 1 : i32
      %scan3A_106 = arith.addi %scan3A_86, %scan3A_105 : i32
      %mul3A_107 = arith.constant 1 : i32
      %mul3A_108 = arith.muli %scan3A_106, %mul3A_107 : i32
      %add3A_109 = arith.constant 0 : i32
      %add3A_110 = arith.addi %add3A_109, %mul3A_108 : i32
      %mul3A_111 = arith.constant 16 : i32
      %mul3A_112 = arith.muli %add3A_110, %mul3A_111 : i32
      %get3A_113 = arith.index_cast %mul3A_112 : i32 to index
      %get3A_114 = tpu.vector_load %arg15[%get3A_113] {strides = array<i32>} : memref<4096xi32, #tpu.memory_space<vmem>>, vector<16xi32>,
      %get3A_115 = arith.index_cast %mul3A_112 : i32 to index
      %get3A_116 = tpu.vector_load %arg16[%get3A_115] {strides = array<i32>} : memref<4096xi32, #tpu.memory_space<vmem>>, vector<16xi32>,
      %get3A_117 = arith.index_cast %mul3A_112 : i32 to index
      %get3A_118 = tpu.vector_load %arg17[%get3A_117] {strides = array<i32>} : memref<4096xf32, #tpu.memory_space<vmem>>, vector<16xf32>,
      %gather3A_119 = tpu.vector_load_idx %arg7[%get3A_114] : memref<10000xf32, #tpu.memory_space<vmem>>[vector<16xi32>], vector<16xf32>,
      %mul3A_120 = arith.mulf %gather3A_119, %get3A_118 : vector<16xf32>
      tpu.vector_store_idx %arg11[%get3A_116], %mul3A_120 {add = true} : memref<10000xf32, #tpu.memory_space<vmem>>[vector<16xi32>], vector<16xf32>,
      %gather3A_121 = tpu.vector_load_idx %arg8[%get3A_114] : memref<10000xf32, #tpu.memory_space<vmem>>[vector<16xi32>], vector<16xf32>,
      %mul3A_122 = arith.mulf %gather3A_121, %get3A_118 : vector<16xf32>
      tpu.vector_store_idx %arg12[%get3A_116], %mul3A_122 {add = true} : memref<10000xf32, #tpu.memory_space<vmem>>[vector<16xi32>], vector<16xf32>,
      %gather3A_123 = tpu.vector_load_idx %arg9[%get3A_114] : memref<10000xf32, #tpu.memory_space<vmem>>[vector<16xi32>], vector<16xf32>,
      %mul3A_124 = arith.mulf %gather3A_123, %get3A_118 : vector<16xf32>
      tpu.vector_store_idx %arg13[%get3A_116], %mul3A_124 {add = true} : memref<10000xf32, #tpu.memory_space<vmem>>[vector<16xi32>], vector<16xf32>,
      %gather3A_125 = tpu.vector_load_idx %arg10[%get3A_114] : memref<10000xf32, #tpu.memory_space<vmem>>[vector<16xi32>], vector<16xf32>,
      %mul3A_126 = arith.mulf %gather3A_125, %get3A_118 : vector<16xf32>
      tpu.vector_store_idx %arg14[%get3A_116], %mul3A_126 {add = true} : memref<10000xf32, #tpu.memory_space<vmem>>[vector<16xi32>], vector<16xf32>,
      %scan3A_127 = arith.constant 2 : i32
      %scan3A_128 = arith.addi %scan3A_86, %scan3A_127 : i32
      %mul3A_129 = arith.constant 1 : i32
      %mul3A_130 = arith.muli %scan3A_128, %mul3A_129 : i32
      %add3A_131 = arith.constant 0 : i32
      %add3A_132 = arith.addi %add3A_131, %mul3A_130 : i32
      %mul3A_133 = arith.constant 16 : i32
      %mul3A_134 = arith.muli %add3A_132, %mul3A_133 : i32
      %get3A_135 = arith.index_cast %mul3A_134 : i32 to index
      %get3A_136 = tpu.vector_load %arg15[%get3A_135] {strides = array<i32>} : memref<4096xi32, #tpu.memory_space<vmem>>, vector<16xi32>,
      %get3A_137 = arith.index_cast %mul3A_134 : i32 to index
      %get3A_138 = tpu.vector_load %arg16[%get3A_137] {strides = array<i32>} : memref<4096xi32, #tpu.memory_space<vmem>>, vector<16xi32>,
      %get3A_139 = arith.index_cast %mul3A_134 : i32 to index
      %get3A_140 = tpu.vector_load %arg17[%get3A_139] {strides = array<i32>} : memref<4096xf32, #tpu.memory_space<vmem>>, vector<16xf32>,
      %gather3A_141 = tpu.vector_load_idx %arg7[%get3A_136] : memref<10000xf32, #tpu.memory_space<vmem>>[vector<16xi32>], vector<16xf32>,
      %mul3A_142 = arith.mulf %gather3A_141, %get3A_140 : vector<16xf32>
      tpu.vector_store_idx %arg11[%get3A_138], %mul3A_142 {add = true} : memref<10000xf32, #tpu.memory_space<vmem>>[vector<16xi32>], vector<16xf32>,
      %gather3A_143 = tpu.vector_load_idx %arg8[%get3A_136] : memref<10000xf32, #tpu.memory_space<vmem>>[vector<16xi32>], vector<16xf32>,
      %mul3A_144 = arith.mulf %gather3A_143, %get3A_140 : vector<16xf32>
      tpu.vector_store_idx %arg12[%get3A_138], %mul3A_144 {add = true} : memref<10000xf32, #tpu.memory_space<vmem>>[vector<16xi32>], vector<16xf32>,
      %gather3A_145 = tpu.vector_load_idx %arg9[%get3A_136] : memref<10000xf32, #tpu.memory_space<vmem>>[vector<16xi32>], vector<16xf32>,
      %mul3A_146 = arith.mulf %gather3A_145, %get3A_140 : vector<16xf32>
      tpu.vector_store_idx %arg13[%get3A_138], %mul3A_146 {add = true} : memref<10000xf32, #tpu.memory_space<vmem>>[vector<16xi32>], vector<16xf32>,
      %gather3A_147 = tpu.vector_load_idx %arg10[%get3A_136] : memref<10000xf32, #tpu.memory_space<vmem>>[vector<16xi32>], vector<16xf32>,
      %mul3A_148 = arith.mulf %gather3A_147, %get3A_140 : vector<16xf32>
      tpu.vector_store_idx %arg14[%get3A_138], %mul3A_148 {add = true} : memref<10000xf32, #tpu.memory_space<vmem>>[vector<16xi32>], vector<16xf32>,
      %scan3A_149 = arith.constant 3 : i32
      %scan3A_150 = arith.addi %scan3A_86, %scan3A_149 : i32
      %mul3A_151 = arith.constant 1 : i32
      %mul3A_152 = arith.muli %scan3A_150, %mul3A_151 : i32
      %add3A_153 = arith.constant 0 : i32
      %add3A_154 = arith.addi %add3A_153, %mul3A_152 : i32
      %mul3A_155 = arith.constant 16 : i32
      %mul3A_156 = arith.muli %add3A_154, %mul3A_155 : i32
      %get3A_157 = arith.index_cast %mul3A_156 : i32 to index
      %get3A_158 = tpu.vector_load %arg15[%get3A_157] {strides = array<i32>} : memref<4096xi32, #tpu.memory_space<vmem>>, vector<16xi32>,
      %get3A_159 = arith.index_cast %mul3A_156 : i32 to index
      %get3A_160 = tpu.vector_load %arg16[%get3A_159] {strides = array<i32>} : memref<4096xi32, #tpu.memory_space<vmem>>, vector<16xi32>,
      %get3A_161 = arith.index_cast %mul3A_156 : i32 to index
      %get3A_162 = tpu.vector_load %arg17[%get3A_161] {strides = array<i32>} : memref<4096xf32, #tpu.memory_space<vmem>>, vector<16xf32>,
      %gather3A_163 = tpu.vector_load_idx %arg7[%get3A_158] : memref<10000xf32, #tpu.memory_space<vmem>>[vector<16xi32>], vector<16xf32>,
      %mul3A_164 = arith.mulf %gather3A_163, %get3A_162 : vector<16xf32>
      tpu.vector_store_idx %arg11[%get3A_160], %mul3A_164 {add = true} : memref<10000xf32, #tpu.memory_space<vmem>>[vector<16xi32>], vector<16xf32>,
      %gather3A_165 = tpu.vector_load_idx %arg8[%get3A_158] : memref<10000xf32, #tpu.memory_space<vmem>>[vector<16xi32>], vector<16xf32>,
      %mul3A_166 = arith.mulf %gather3A_165, %get3A_162 : vector<16xf32>
      tpu.vector_store_idx %arg12[%get3A_160], %mul3A_166 {add = true} : memref<10000xf32, #tpu.memory_space<vmem>>[vector<16xi32>], vector<16xf32>,
      %gather3A_167 = tpu.vector_load_idx %arg9[%get3A_158] : memref<10000xf32, #tpu.memory_space<vmem>>[vector<16xi32>], vector<16xf32>,
      %mul3A_168 = arith.mulf %gather3A_167, %get3A_162 : vector<16xf32>
      tpu.vector_store_idx %arg13[%get3A_160], %mul3A_168 {add = true} : memref<10000xf32, #tpu.memory_space<vmem>>[vector<16xi32>], vector<16xf32>,
      %gather3A_169 = tpu.vector_load_idx %arg10[%get3A_158] : memref<10000xf32, #tpu.memory_space<vmem>>[vector<16xi32>], vector<16xf32>,
      %mul3A_170 = arith.mulf %gather3A_169, %get3A_162 : vector<16xf32>
      tpu.vector_store_idx %arg14[%get3A_160], %mul3A_170 {add = true} : memref<10000xf32, #tpu.memory_space<vmem>>[vector<16xi32>], vector<16xf32>,
      %scan3A_171 = arith.constant 4 : i32
      %scan3A_172 = arith.addi %scan3A_86, %scan3A_171 : i32
      %mul3A_173 = arith.constant 1 : i32
      %mul3A_174 = arith.muli %scan3A_172, %mul3A_173 : i32
      %add3A_175 = arith.constant 0 : i32
      %add3A_176 = arith.addi %add3A_175, %mul3A_174 : i32
      %mul3A_177 = arith.constant 16 : i32
      %mul3A_178 = arith.muli %add3A_176, %mul3A_177 : i32
      %get3A_179 = arith.index_cast %mul3A_178 : i32 to index
      %get3A_180 = tpu.vector_load %arg15[%get3A_179] {strides = array<i32>} : memref<4096xi32, #tpu.memory_space<vmem>>, vector<16xi32>,
      %get3A_181 = arith.index_cast %mul3A_178 : i32 to index
      %get3A_182 = tpu.vector_load %arg16[%get3A_181] {strides = array<i32>} : memref<4096xi32, #tpu.memory_space<vmem>>, vector<16xi32>,
      %get3A_183 = arith.index_cast %mul3A_178 : i32 to index
      %get3A_184 = tpu.vector_load %arg17[%get3A_183] {strides = array<i32>} : memref<4096xf32, #tpu.memory_space<vmem>>, vector<16xf32>,
      %gather3A_185 = tpu.vector_load_idx %arg7[%get3A_180] : memref<10000xf32, #tpu.memory_space<vmem>>[vector<16xi32>], vector<16xf32>,
      %mul3A_186 = arith.mulf %gather3A_185, %get3A_184 : vector<16xf32>
      tpu.vector_store_idx %arg11[%get3A_182], %mul3A_186 {add = true} : memref<10000xf32, #tpu.memory_space<vmem>>[vector<16xi32>], vector<16xf32>,
      %gather3A_187 = tpu.vector_load_idx %arg8[%get3A_180] : memref<10000xf32, #tpu.memory_space<vmem>>[vector<16xi32>], vector<16xf32>,
      %mul3A_188 = arith.mulf %gather3A_187, %get3A_184 : vector<16xf32>
      tpu.vector_store_idx %arg12[%get3A_182], %mul3A_188 {add = true} : memref<10000xf32, #tpu.memory_space<vmem>>[vector<16xi32>], vector<16xf32>,
      %gather3A_189 = tpu.vector_load_idx %arg9[%get3A_180] : memref<10000xf32, #tpu.memory_space<vmem>>[vector<16xi32>], vector<16xf32>,
      %mul3A_190 = arith.mulf %gather3A_189, %get3A_184 : vector<16xf32>
      tpu.vector_store_idx %arg13[%get3A_182], %mul3A_190 {add = true} : memref<10000xf32, #tpu.memory_space<vmem>>[vector<16xi32>], vector<16xf32>,
      %gather3A_191 = tpu.vector_load_idx %arg10[%get3A_180] : memref<10000xf32, #tpu.memory_space<vmem>>[vector<16xi32>], vector<16xf32>,
      %mul3A_192 = arith.mulf %gather3A_191, %get3A_184 : vector<16xf32>
      tpu.vector_store_idx %arg14[%get3A_182], %mul3A_192 {add = true} : memref<10000xf32, #tpu.memory_space<vmem>>[vector<16xi32>], vector<16xf32>,
      %scan3A_193 = arith.constant 5 : i32
      %scan3A_194 = arith.addi %scan3A_86, %scan3A_193 : i32
      %mul3A_195 = arith.constant 1 : i32
      %mul3A_196 = arith.muli %scan3A_194, %mul3A_195 : i32
      %add3A_197 = arith.constant 0 : i32
      %add3A_198 = arith.addi %add3A_197, %mul3A_196 : i32
      %mul3A_199 = arith.constant 16 : i32
      %mul3A_200 = arith.muli %add3A_198, %mul3A_199 : i32
      %get3A_201 = arith.index_cast %mul3A_200 : i32 to index
      %get3A_202 = tpu.vector_load %arg15[%get3A_201] {strides = array<i32>} : memref<4096xi32, #tpu.memory_space<vmem>>, vector<16xi32>,
      %get3A_203 = arith.index_cast %mul3A_200 : i32 to index
      %get3A_204 = tpu.vector_load %arg16[%get3A_203] {strides = array<i32>} : memref<4096xi32, #tpu.memory_space<vmem>>, vector<16xi32>,
      %get3A_205 = arith.index_cast %mul3A_200 : i32 to index
      %get3A_206 = tpu.vector_load %arg17[%get3A_205] {strides = array<i32>} : memref<4096xf32, #tpu.memory_space<vmem>>, vector<16xf32>,
      %gather3A_207 = tpu.vector_load_idx %arg7[%get3A_202] : memref<10000xf32, #tpu.memory_space<vmem>>[vector<16xi32>], vector<16xf32>,
      %mul3A_208 = arith.mulf %gather3A_207, %get3A_206 : vector<16xf32>
      tpu.vector_store_idx %arg11[%get3A_204], %mul3A_208 {add = true} : memref<10000xf32, #tpu.memory_space<vmem>>[vector<16xi32>], vector<16xf32>,
      %gather3A_209 = tpu.vector_load_idx %arg8[%get3A_202] : memref<10000xf32, #tpu.memory_space<vmem>>[vector<16xi32>], vector<16xf32>,
      %mul3A_210 = arith.mulf %gather3A_209, %get3A_206 : vector<16xf32>
      tpu.vector_store_idx %arg12[%get3A_204], %mul3A_210 {add = true} : memref<10000xf32, #tpu.memory_space<vmem>>[vector<16xi32>], vector<16xf32>,
      %gather3A_211 = tpu.vector_load_idx %arg9[%get3A_202] : memref<10000xf32, #tpu.memory_space<vmem>>[vector<16xi32>], vector<16xf32>,
      %mul3A_212 = arith.mulf %gather3A_211, %get3A_206 : vector<16xf32>
      tpu.vector_store_idx %arg13[%get3A_204], %mul3A_212 {add = true} : memref<10000xf32, #tpu.memory_space<vmem>>[vector<16xi32>], vector<16xf32>,
      %gather3A_213 = tpu.vector_load_idx %arg10[%get3A_202] : memref<10000xf32, #tpu.memory_space<vmem>>[vector<16xi32>], vector<16xf32>,
      %mul3A_214 = arith.mulf %gather3A_213, %get3A_206 : vector<16xf32>
      tpu.vector_store_idx %arg14[%get3A_204], %mul3A_214 {add = true} : memref<10000xf32, #tpu.memory_space<vmem>>[vector<16xi32>], vector<16xf32>,
      %scan3A_215 = arith.constant 6 : i32
      %scan3A_216 = arith.addi %scan3A_86, %scan3A_215 : i32
      %mul3A_217 = arith.constant 1 : i32
      %mul3A_218 = arith.muli %scan3A_216, %mul3A_217 : i32
      %add3A_219 = arith.constant 0 : i32
      %add3A_220 = arith.addi %add3A_219, %mul3A_218 : i32
      %mul3A_221 = arith.constant 16 : i32
      %mul3A_222 = arith.muli %add3A_220, %mul3A_221 : i32
      %get3A_223 = arith.index_cast %mul3A_222 : i32 to index
      %get3A_224 = tpu.vector_load %arg15[%get3A_223] {strides = array<i32>} : memref<4096xi32, #tpu.memory_space<vmem>>, vector<16xi32>,
      %get3A_225 = arith.index_cast %mul3A_222 : i32 to index
      %get3A_226 = tpu.vector_load %arg16[%get3A_225] {strides = array<i32>} : memref<4096xi32, #tpu.memory_space<vmem>>, vector<16xi32>,
      %get3A_227 = arith.index_cast %mul3A_222 : i32 to index
      %get3A_228 = tpu.vector_load %arg17[%get3A_227] {strides = array<i32>} : memref<4096xf32, #tpu.memory_space<vmem>>, vector<16xf32>,
      %gather3A_229 = tpu.vector_load_idx %arg7[%get3A_224] : memref<10000xf32, #tpu.memory_space<vmem>>[vector<16xi32>], vector<16xf32>,
      %mul3A_230 = arith.mulf %gather3A_229, %get3A_228 : vector<16xf32>
      tpu.vector_store_idx %arg11[%get3A_226], %mul3A_230 {add = true} : memref<10000xf32, #tpu.memory_space<vmem>>[vector<16xi32>], vector<16xf32>,
      %gather3A_231 = tpu.vector_load_idx %arg8[%get3A_224] : memref<10000xf32, #tpu.memory_space<vmem>>[vector<16xi32>], vector<16xf32>,
      %mul3A_232 = arith.mulf %gather3A_231, %get3A_228 : vector<16xf32>
      tpu.vector_store_idx %arg12[%get3A_226], %mul3A_232 {add = true} : memref<10000xf32, #tpu.memory_space<vmem>>[vector<16xi32>], vector<16xf32>,
      %gather3A_233 = tpu.vector_load_idx %arg9[%get3A_224] : memref<10000xf32, #tpu.memory_space<vmem>>[vector<16xi32>], vector<16xf32>,
      %mul3A_234 = arith.mulf %gather3A_233, %get3A_228 : vector<16xf32>
      tpu.vector_store_idx %arg13[%get3A_226], %mul3A_234 {add = true} : memref<10000xf32, #tpu.memory_space<vmem>>[vector<16xi32>], vector<16xf32>,
      %gather3A_235 = tpu.vector_load_idx %arg10[%get3A_224] : memref<10000xf32, #tpu.memory_space<vmem>>[vector<16xi32>], vector<16xf32>,
      %mul3A_236 = arith.mulf %gather3A_235, %get3A_228 : vector<16xf32>
      tpu.vector_store_idx %arg14[%get3A_226], %mul3A_236 {add = true} : memref<10000xf32, #tpu.memory_space<vmem>>[vector<16xi32>], vector<16xf32>,
      %scan3A_237 = arith.constant 7 : i32
      %scan3A_238 = arith.addi %scan3A_86, %scan3A_237 : i32
      %mul3A_239 = arith.constant 1 : i32
      %mul3A_240 = arith.muli %scan3A_238, %mul3A_239 : i32
      %add3A_241 = arith.constant 0 : i32
      %add3A_242 = arith.addi %add3A_241, %mul3A_240 : i32
      %mul3A_243 = arith.constant 16 : i32
      %mul3A_244 = arith.muli %add3A_242, %mul3A_243 : i32
      %get3A_245 = arith.index_cast %mul3A_244 : i32 to index
      %get3A_246 = tpu.vector_load %arg15[%get3A_245] {strides = array<i32>} : memref<4096xi32, #tpu.memory_space<vmem>>, vector<16xi32>,
      %get3A_247 = arith.index_cast %mul3A_244 : i32 to index
      %get3A_248 = tpu.vector_load %arg16[%get3A_247] {strides = array<i32>} : memref<4096xi32, #tpu.memory_space<vmem>>, vector<16xi32>,
      %get3A_249 = arith.index_cast %mul3A_244 : i32 to index
      %get3A_250 = tpu.vector_load %arg17[%get3A_249] {strides = array<i32>} : memref<4096xf32, #tpu.memory_space<vmem>>, vector<16xf32>,
      %gather3A_251 = tpu.vector_load_idx %arg7[%get3A_246] : memref<10000xf32, #tpu.memory_space<vmem>>[vector<16xi32>], vector<16xf32>,
      %mul3A_252 = arith.mulf %gather3A_251, %get3A_250 : vector<16xf32>
      tpu.vector_store_idx %arg11[%get3A_248], %mul3A_252 {add = true} : memref<10000xf32, #tpu.memory_space<vmem>>[vector<16xi32>], vector<16xf32>,
      %gather3A_253 = tpu.vector_load_idx %arg8[%get3A_246] : memref<10000xf32, #tpu.memory_space<vmem>>[vector<16xi32>], vector<16xf32>,
      %mul3A_254 = arith.mulf %gather3A_253, %get3A_250 : vector<16xf32>
      tpu.vector_store_idx %arg12[%get3A_248], %mul3A_254 {add = true} : memref<10000xf32, #tpu.memory_space<vmem>>[vector<16xi32>], vector<16xf32>,
      %gather3A_255 = tpu.vector_load_idx %arg9[%get3A_246] : memref<10000xf32, #tpu.memory_space<vmem>>[vector<16xi32>], vector<16xf32>,
      %mul3A_256 = arith.mulf %gather3A_255, %get3A_250 : vector<16xf32>
      tpu.vector_store_idx %arg13[%get3A_248], %mul3A_256 {add = true} : memref<10000xf32, #tpu.memory_space<vmem>>[vector<16xi32>], vector<16xf32>,
      %gather3A_257 = tpu.vector_load_idx %arg10[%get3A_246] : memref<10000xf32, #tpu.memory_space<vmem>>[vector<16xi32>], vector<16xf32>,
      %mul3A_258 = arith.mulf %gather3A_257, %get3A_250 : vector<16xf32>
      tpu.vector_store_idx %arg14[%get3A_248], %mul3A_258 {add = true} : memref<10000xf32, #tpu.memory_space<vmem>>[vector<16xi32>], vector<16xf32>,
      %scan3A_259 = arith.constant 8 : i32
      %scan3A_260 = arith.addi %scan3A_86, %scan3A_259 : i32
      %mul3A_261 = arith.constant 1 : i32
      %mul3A_262 = arith.muli %scan3A_260, %mul3A_261 : i32
      %add3A_263 = arith.constant 0 : i32
      %add3A_264 = arith.addi %add3A_263, %mul3A_262 : i32
      %mul3A_265 = arith.constant 16 : i32
      %mul3A_266 = arith.muli %add3A_264, %mul3A_265 : i32
      %get3A_267 = arith.index_cast %mul3A_266 : i32 to index
      %get3A_268 = tpu.vector_load %arg15[%get3A_267] {strides = array<i32>} : memref<4096xi32, #tpu.memory_space<vmem>>, vector<16xi32>,
      %get3A_269 = arith.index_cast %mul3A_266 : i32 to index
      %get3A_270 = tpu.vector_load %arg16[%get3A_269] {strides = array<i32>} : memref<4096xi32, #tpu.memory_space<vmem>>, vector<16xi32>,
      %get3A_271 = arith.index_cast %mul3A_266 : i32 to index
      %get3A_272 = tpu.vector_load %arg17[%get3A_271] {strides = array<i32>} : memref<4096xf32, #tpu.memory_space<vmem>>, vector<16xf32>,
      %gather3A_273 = tpu.vector_load_idx %arg7[%get3A_268] : memref<10000xf32, #tpu.memory_space<vmem>>[vector<16xi32>], vector<16xf32>,
      %mul3A_274 = arith.mulf %gather3A_273, %get3A_272 : vector<16xf32>
      tpu.vector_store_idx %arg11[%get3A_270], %mul3A_274 {add = true} : memref<10000xf32, #tpu.memory_space<vmem>>[vector<16xi32>], vector<16xf32>,
      %gather3A_275 = tpu.vector_load_idx %arg8[%get3A_268] : memref<10000xf32, #tpu.memory_space<vmem>>[vector<16xi32>], vector<16xf32>,
      %mul3A_276 = arith.mulf %gather3A_275, %get3A_272 : vector<16xf32>
      tpu.vector_store_idx %arg12[%get3A_270], %mul3A_276 {add = true} : memref<10000xf32, #tpu.memory_space<vmem>>[vector<16xi32>], vector<16xf32>,
      %gather3A_277 = tpu.vector_load_idx %arg9[%get3A_268] : memref<10000xf32, #tpu.memory_space<vmem>>[vector<16xi32>], vector<16xf32>,
      %mul3A_278 = arith.mulf %gather3A_277, %get3A_272 : vector<16xf32>
      tpu.vector_store_idx %arg13[%get3A_270], %mul3A_278 {add = true} : memref<10000xf32, #tpu.memory_space<vmem>>[vector<16xi32>], vector<16xf32>,
      %gather3A_279 = tpu.vector_load_idx %arg10[%get3A_268] : memref<10000xf32, #tpu.memory_space<vmem>>[vector<16xi32>], vector<16xf32>,
      %mul3A_280 = arith.mulf %gather3A_279, %get3A_272 : vector<16xf32>
      tpu.vector_store_idx %arg14[%get3A_270], %mul3A_280 {add = true} : memref<10000xf32, #tpu.memory_space<vmem>>[vector<16xi32>], vector<16xf32>,
      %scan3A_281 = arith.constant 9 : i32
      %scan3A_282 = arith.addi %scan3A_86, %scan3A_281 : i32
      %mul3A_283 = arith.constant 1 : i32
      %mul3A_284 = arith.muli %scan3A_282, %mul3A_283 : i32
      %add3A_285 = arith.constant 0 : i32
      %add3A_286 = arith.addi %add3A_285, %mul3A_284 : i32
      %mul3A_287 = arith.constant 16 : i32
      %mul3A_288 = arith.muli %add3A_286, %mul3A_287 : i32
      %get3A_289 = arith.index_cast %mul3A_288 : i32 to index
      %get3A_290 = tpu.vector_load %arg15[%get3A_289] {strides = array<i32>} : memref<4096xi32, #tpu.memory_space<vmem>>, vector<16xi32>,
      %get3A_291 = arith.index_cast %mul3A_288 : i32 to index
      %get3A_292 = tpu.vector_load %arg16[%get3A_291] {strides = array<i32>} : memref<4096xi32, #tpu.memory_space<vmem>>, vector<16xi32>,
      %get3A_293 = arith.index_cast %mul3A_288 : i32 to index
      %get3A_294 = tpu.vector_load %arg17[%get3A_293] {strides = array<i32>} : memref<4096xf32, #tpu.memory_space<vmem>>, vector<16xf32>,
      %gather3A_295 = tpu.vector_load_idx %arg7[%get3A_290] : memref<10000xf32, #tpu.memory_space<vmem>>[vector<16xi32>], vector<16xf32>,
      %mul3A_296 = arith.mulf %gather3A_295, %get3A_294 : vector<16xf32>
      tpu.vector_store_idx %arg11[%get3A_292], %mul3A_296 {add = true} : memref<10000xf32, #tpu.memory_space<vmem>>[vector<16xi32>], vector<16xf32>,
      %gather3A_297 = tpu.vector_load_idx %arg8[%get3A_290] : memref<10000xf32, #tpu.memory_space<vmem>>[vector<16xi32>], vector<16xf32>,
      %mul3A_298 = arith.mulf %gather3A_297, %get3A_294 : vector<16xf32>
      tpu.vector_store_idx %arg12[%get3A_292], %mul3A_298 {add = true} : memref<10000xf32, #tpu.memory_space<vmem>>[vector<16xi32>], vector<16xf32>,
      %gather3A_299 = tpu.vector_load_idx %arg9[%get3A_290] : memref<10000xf32, #tpu.memory_space<vmem>>[vector<16xi32>], vector<16xf32>,
      %mul3A_300 = arith.mulf %gather3A_299, %get3A_294 : vector<16xf32>
      tpu.vector_store_idx %arg13[%get3A_292], %mul3A_300 {add = true} : memref<10000xf32, #tpu.memory_space<vmem>>[vector<16xi32>], vector<16xf32>,
      %gather3A_301 = tpu.vector_load_idx %arg10[%get3A_290] : memref<10000xf32, #tpu.memory_space<vmem>>[vector<16xi32>], vector<16xf32>,
      %mul3A_302 = arith.mulf %gather3A_301, %get3A_294 : vector<16xf32>
      tpu.vector_store_idx %arg14[%get3A_292], %mul3A_302 {add = true} : memref<10000xf32, #tpu.memory_space<vmem>>[vector<16xi32>], vector<16xf32>,
      %scan3A_303 = arith.constant 10 : i32
      %scan3A_304 = arith.addi %scan3A_86, %scan3A_303 : i32
      %mul3A_305 = arith.constant 1 : i32
      %mul3A_306 = arith.muli %scan3A_304, %mul3A_305 : i32
      %add3A_307 = arith.constant 0 : i32
      %add3A_308 = arith.addi %add3A_307, %mul3A_306 : i32
      %mul3A_309 = arith.constant 16 : i32
      %mul3A_310 = arith.muli %add3A_308, %mul3A_309 : i32
      %get3A_311 = arith.index_cast %mul3A_310 : i32 to index
      %get3A_312 = tpu.vector_load %arg15[%get3A_311] {strides = array<i32>} : memref<4096xi32, #tpu.memory_space<vmem>>, vector<16xi32>,
      %get3A_313 = arith.index_cast %mul3A_310 : i32 to index
      %get3A_314 = tpu.vector_load %arg16[%get3A_313] {strides = array<i32>} : memref<4096xi32, #tpu.memory_space<vmem>>, vector<16xi32>,
      %get3A_315 = arith.index_cast %mul3A_310 : i32 to index
      %get3A_316 = tpu.vector_load %arg17[%get3A_315] {strides = array<i32>} : memref<4096xf32, #tpu.memory_space<vmem>>, vector<16xf32>,
      %gather3A_317 = tpu.vector_load_idx %arg7[%get3A_312] : memref<10000xf32, #tpu.memory_space<vmem>>[vector<16xi32>], vector<16xf32>,
      %mul3A_318 = arith.mulf %gather3A_317, %get3A_316 : vector<16xf32>
      tpu.vector_store_idx %arg11[%get3A_314], %mul3A_318 {add = true} : memref<10000xf32, #tpu.memory_space<vmem>>[vector<16xi32>], vector<16xf32>,
      %gather3A_319 = tpu.vector_load_idx %arg8[%get3A_312] : memref<10000xf32, #tpu.memory_space<vmem>>[vector<16xi32>], vector<16xf32>,
      %mul3A_320 = arith.mulf %gather3A_319, %get3A_316 : vector<16xf32>
      tpu.vector_store_idx %arg12[%get3A_314], %mul3A_320 {add = true} : memref<10000xf32, #tpu.memory_space<vmem>>[vector<16xi32>], vector<16xf32>,
      %gather3A_321 = tpu.vector_load_idx %arg9[%get3A_312] : memref<10000xf32, #tpu.memory_space<vmem>>[vector<16xi32>], vector<16xf32>,
      %mul3A_322 = arith.mulf %gather3A_321, %get3A_316 : vector<16xf32>
      tpu.vector_store_idx %arg13[%get3A_314], %mul3A_322 {add = true} : memref<10000xf32, #tpu.memory_space<vmem>>[vector<16xi32>], vector<16xf32>,
      %gather3A_323 = tpu.vector_load_idx %arg10[%get3A_312] : memref<10000xf32, #tpu.memory_space<vmem>>[vector<16xi32>], vector<16xf32>,
      %mul3A_324 = arith.mulf %gather3A_323, %get3A_316 : vector<16xf32>
      tpu.vector_store_idx %arg14[%get3A_314], %mul3A_324 {add = true} : memref<10000xf32, #tpu.memory_space<vmem>>[vector<16xi32>], vector<16xf32>,
      %scan3A_325 = arith.constant 11 : i32
      %scan3A_326 = arith.addi %scan3A_86, %scan3A_325 : i32
      %mul3A_327 = arith.constant 1 : i32
      %mul3A_328 = arith.muli %scan3A_326, %mul3A_327 : i32
      %add3A_329 = arith.constant 0 : i32
      %add3A_330 = arith.addi %add3A_329, %mul3A_328 : i32
      %mul3A_331 = arith.constant 16 : i32
      %mul3A_332 = arith.muli %add3A_330, %mul3A_331 : i32
      %get3A_333 = arith.index_cast %mul3A_332 : i32 to index
      %get3A_334 = tpu.vector_load %arg15[%get3A_333] {strides = array<i32>} : memref<4096xi32, #tpu.memory_space<vmem>>, vector<16xi32>,
      %get3A_335 = arith.index_cast %mul3A_332 : i32 to index
      %get3A_336 = tpu.vector_load %arg16[%get3A_335] {strides = array<i32>} : memref<4096xi32, #tpu.memory_space<vmem>>, vector<16xi32>,
      %get3A_337 = arith.index_cast %mul3A_332 : i32 to index
      %get3A_338 = tpu.vector_load %arg17[%get3A_337] {strides = array<i32>} : memref<4096xf32, #tpu.memory_space<vmem>>, vector<16xf32>,
      %gather3A_339 = tpu.vector_load_idx %arg7[%get3A_334] : memref<10000xf32, #tpu.memory_space<vmem>>[vector<16xi32>], vector<16xf32>,
      %mul3A_340 = arith.mulf %gather3A_339, %get3A_338 : vector<16xf32>
      tpu.vector_store_idx %arg11[%get3A_336], %mul3A_340 {add = true} : memref<10000xf32, #tpu.memory_space<vmem>>[vector<16xi32>], vector<16xf32>,
      %gather3A_341 = tpu.vector_load_idx %arg8[%get3A_334] : memref<10000xf32, #tpu.memory_space<vmem>>[vector<16xi32>], vector<16xf32>,
      %mul3A_342 = arith.mulf %gather3A_341, %get3A_338 : vector<16xf32>
      tpu.vector_store_idx %arg12[%get3A_336], %mul3A_342 {add = true} : memref<10000xf32, #tpu.memory_space<vmem>>[vector<16xi32>], vector<16xf32>,
      %gather3A_343 = tpu.vector_load_idx %arg9[%get3A_334] : memref<10000xf32, #tpu.memory_space<vmem>>[vector<16xi32>], vector<16xf32>,
      %mul3A_344 = arith.mulf %gather3A_343, %get3A_338 : vector<16xf32>
      tpu.vector_store_idx %arg13[%get3A_336], %mul3A_344 {add = true} : memref<10000xf32, #tpu.memory_space<vmem>>[vector<16xi32>], vector<16xf32>,
      %gather3A_345 = tpu.vector_load_idx %arg10[%get3A_334] : memref<10000xf32, #tpu.memory_space<vmem>>[vector<16xi32>], vector<16xf32>,
      %mul3A_346 = arith.mulf %gather3A_345, %get3A_338 : vector<16xf32>
      tpu.vector_store_idx %arg14[%get3A_336], %mul3A_346 {add = true} : memref<10000xf32, #tpu.memory_space<vmem>>[vector<16xi32>], vector<16xf32>,
      %scan3A_347 = arith.constant 12 : i32
      %scan3A_348 = arith.addi %scan3A_86, %scan3A_347 : i32
      %mul3A_349 = arith.constant 1 : i32
      %mul3A_350 = arith.muli %scan3A_348, %mul3A_349 : i32
      %add3A_351 = arith.constant 0 : i32
      %add3A_352 = arith.addi %add3A_351, %mul3A_350 : i32
      %mul3A_353 = arith.constant 16 : i32
      %mul3A_354 = arith.muli %add3A_352, %mul3A_353 : i32
      %get3A_355 = arith.index_cast %mul3A_354 : i32 to index
      %get3A_356 = tpu.vector_load %arg15[%get3A_355] {strides = array<i32>} : memref<4096xi32, #tpu.memory_space<vmem>>, vector<16xi32>,
      %get3A_357 = arith.index_cast %mul3A_354 : i32 to index
      %get3A_358 = tpu.vector_load %arg16[%get3A_357] {strides = array<i32>} : memref<4096xi32, #tpu.memory_space<vmem>>, vector<16xi32>,
      %get3A_359 = arith.index_cast %mul3A_354 : i32 to index
      %get3A_360 = tpu.vector_load %arg17[%get3A_359] {strides = array<i32>} : memref<4096xf32, #tpu.memory_space<vmem>>, vector<16xf32>,
      %gather3A_361 = tpu.vector_load_idx %arg7[%get3A_356] : memref<10000xf32, #tpu.memory_space<vmem>>[vector<16xi32>], vector<16xf32>,
      %mul3A_362 = arith.mulf %gather3A_361, %get3A_360 : vector<16xf32>
      tpu.vector_store_idx %arg11[%get3A_358], %mul3A_362 {add = true} : memref<10000xf32, #tpu.memory_space<vmem>>[vector<16xi32>], vector<16xf32>,
      %gather3A_363 = tpu.vector_load_idx %arg8[%get3A_356] : memref<10000xf32, #tpu.memory_space<vmem>>[vector<16xi32>], vector<16xf32>,
      %mul3A_364 = arith.mulf %gather3A_363, %get3A_360 : vector<16xf32>
      tpu.vector_store_idx %arg12[%get3A_358], %mul3A_364 {add = true} : memref<10000xf32, #tpu.memory_space<vmem>>[vector<16xi32>], vector<16xf32>,
      %gather3A_365 = tpu.vector_load_idx %arg9[%get3A_356] : memref<10000xf32, #tpu.memory_space<vmem>>[vector<16xi32>], vector<16xf32>,
      %mul3A_366 = arith.mulf %gather3A_365, %get3A_360 : vector<16xf32>
      tpu.vector_store_idx %arg13[%get3A_358], %mul3A_366 {add = true} : memref<10000xf32, #tpu.memory_space<vmem>>[vector<16xi32>], vector<16xf32>,
      %gather3A_367 = tpu.vector_load_idx %arg10[%get3A_356] : memref<10000xf32, #tpu.memory_space<vmem>>[vector<16xi32>], vector<16xf32>,
      %mul3A_368 = arith.mulf %gather3A_367, %get3A_360 : vector<16xf32>
      tpu.vector_store_idx %arg14[%get3A_358], %mul3A_368 {add = true} : memref<10000xf32, #tpu.memory_space<vmem>>[vector<16xi32>], vector<16xf32>,
      %scan3A_369 = arith.constant 13 : i32
      %scan3A_370 = arith.addi %scan3A_86, %scan3A_369 : i32
      %mul3A_371 = arith.constant 1 : i32
      %mul3A_372 = arith.muli %scan3A_370, %mul3A_371 : i32
      %add3A_373 = arith.constant 0 : i32
      %add3A_374 = arith.addi %add3A_373, %mul3A_372 : i32
      %mul3A_375 = arith.constant 16 : i32
      %mul3A_376 = arith.muli %add3A_374, %mul3A_375 : i32
      %get3A_377 = arith.index_cast %mul3A_376 : i32 to index
      %get3A_378 = tpu.vector_load %arg15[%get3A_377] {strides = array<i32>} : memref<4096xi32, #tpu.memory_space<vmem>>, vector<16xi32>,
      %get3A_379 = arith.index_cast %mul3A_376 : i32 to index
      %get3A_380 = tpu.vector_load %arg16[%get3A_379] {strides = array<i32>} : memref<4096xi32, #tpu.memory_space<vmem>>, vector<16xi32>,
      %get3A_381 = arith.index_cast %mul3A_376 : i32 to index
      %get3A_382 = tpu.vector_load %arg17[%get3A_381] {strides = array<i32>} : memref<4096xf32, #tpu.memory_space<vmem>>, vector<16xf32>,
      %gather3A_383 = tpu.vector_load_idx %arg7[%get3A_378] : memref<10000xf32, #tpu.memory_space<vmem>>[vector<16xi32>], vector<16xf32>,
      %mul3A_384 = arith.mulf %gather3A_383, %get3A_382 : vector<16xf32>
      tpu.vector_store_idx %arg11[%get3A_380], %mul3A_384 {add = true} : memref<10000xf32, #tpu.memory_space<vmem>>[vector<16xi32>], vector<16xf32>,
      %gather3A_385 = tpu.vector_load_idx %arg8[%get3A_378] : memref<10000xf32, #tpu.memory_space<vmem>>[vector<16xi32>], vector<16xf32>,
      %mul3A_386 = arith.mulf %gather3A_385, %get3A_382 : vector<16xf32>
      tpu.vector_store_idx %arg12[%get3A_380], %mul3A_386 {add = true} : memref<10000xf32, #tpu.memory_space<vmem>>[vector<16xi32>], vector<16xf32>,
      %gather3A_387 = tpu.vector_load_idx %arg9[%get3A_378] : memref<10000xf32, #tpu.memory_space<vmem>>[vector<16xi32>], vector<16xf32>,
      %mul3A_388 = arith.mulf %gather3A_387, %get3A_382 : vector<16xf32>
      tpu.vector_store_idx %arg13[%get3A_380], %mul3A_388 {add = true} : memref<10000xf32, #tpu.memory_space<vmem>>[vector<16xi32>], vector<16xf32>,
      %gather3A_389 = tpu.vector_load_idx %arg10[%get3A_378] : memref<10000xf32, #tpu.memory_space<vmem>>[vector<16xi32>], vector<16xf32>,
      %mul3A_390 = arith.mulf %gather3A_389, %get3A_382 : vector<16xf32>
      tpu.vector_store_idx %arg14[%get3A_380], %mul3A_390 {add = true} : memref<10000xf32, #tpu.memory_space<vmem>>[vector<16xi32>], vector<16xf32>,
      %scan3A_391 = arith.constant 14 : i32
      %scan3A_392 = arith.addi %scan3A_86, %scan3A_391 : i32
      %mul3A_393 = arith.constant 1 : i32
      %mul3A_394 = arith.muli %scan3A_392, %mul3A_393 : i32
      %add3A_395 = arith.constant 0 : i32
      %add3A_396 = arith.addi %add3A_395, %mul3A_394 : i32
      %mul3A_397 = arith.constant 16 : i32
      %mul3A_398 = arith.muli %add3A_396, %mul3A_397 : i32
      %get3A_399 = arith.index_cast %mul3A_398 : i32 to index
      %get3A_400 = tpu.vector_load %arg15[%get3A_399] {strides = array<i32>} : memref<4096xi32, #tpu.memory_space<vmem>>, vector<16xi32>,
      %get3A_401 = arith.index_cast %mul3A_398 : i32 to index
      %get3A_402 = tpu.vector_load %arg16[%get3A_401] {strides = array<i32>} : memref<4096xi32, #tpu.memory_space<vmem>>, vector<16xi32>,
      %get3A_403 = arith.index_cast %mul3A_398 : i32 to index
      %get3A_404 = tpu.vector_load %arg17[%get3A_403] {strides = array<i32>} : memref<4096xf32, #tpu.memory_space<vmem>>, vector<16xf32>,
      %gather3A_405 = tpu.vector_load_idx %arg7[%get3A_400] : memref<10000xf32, #tpu.memory_space<vmem>>[vector<16xi32>], vector<16xf32>,
      %mul3A_406 = arith.mulf %gather3A_405, %get3A_404 : vector<16xf32>
      tpu.vector_store_idx %arg11[%get3A_402], %mul3A_406 {add = true} : memref<10000xf32, #tpu.memory_space<vmem>>[vector<16xi32>], vector<16xf32>,
      %gather3A_407 = tpu.vector_load_idx %arg8[%get3A_400] : memref<10000xf32, #tpu.memory_space<vmem>>[vector<16xi32>], vector<16xf32>,
      %mul3A_408 = arith.mulf %gather3A_407, %get3A_404 : vector<16xf32>
      tpu.vector_store_idx %arg12[%get3A_402], %mul3A_408 {add = true} : memref<10000xf32, #tpu.memory_space<vmem>>[vector<16xi32>], vector<16xf32>,
      %gather3A_409 = tpu.vector_load_idx %arg9[%get3A_400] : memref<10000xf32, #tpu.memory_space<vmem>>[vector<16xi32>], vector<16xf32>,
      %mul3A_410 = arith.mulf %gather3A_409, %get3A_404 : vector<16xf32>
      tpu.vector_store_idx %arg13[%get3A_402], %mul3A_410 {add = true} : memref<10000xf32, #tpu.memory_space<vmem>>[vector<16xi32>], vector<16xf32>,
      %gather3A_411 = tpu.vector_load_idx %arg10[%get3A_400] : memref<10000xf32, #tpu.memory_space<vmem>>[vector<16xi32>], vector<16xf32>,
      %mul3A_412 = arith.mulf %gather3A_411, %get3A_404 : vector<16xf32>
      tpu.vector_store_idx %arg14[%get3A_402], %mul3A_412 {add = true} : memref<10000xf32, #tpu.memory_space<vmem>>[vector<16xi32>], vector<16xf32>,
      %scan3A_413 = arith.constant 15 : i32
      %scan3A_414 = arith.addi %scan3A_86, %scan3A_413 : i32
      %mul3A_415 = arith.constant 1 : i32
      %mul3A_416 = arith.muli %scan3A_414, %mul3A_415 : i32
      %add3A_417 = arith.constant 0 : i32
      %add3A_418 = arith.addi %add3A_417, %mul3A_416 : i32
      %mul3A_419 = arith.constant 16 : i32
      %mul3A_420 = arith.muli %add3A_418, %mul3A_419 : i32
      %get3A_421 = arith.index_cast %mul3A_420 : i32 to index
      %get3A_422 = tpu.vector_load %arg15[%get3A_421] {strides = array<i32>} : memref<4096xi32, #tpu.memory_space<vmem>>, vector<16xi32>,
      %get3A_423 = arith.index_cast %mul3A_420 : i32 to index
      %get3A_424 = tpu.vector_load %arg16[%get3A_423] {strides = array<i32>} : memref<4096xi32, #tpu.memory_space<vmem>>, vector<16xi32>,
      %get3A_425 = arith.index_cast %mul3A_420 : i32 to index
      %get3A_426 = tpu.vector_load %arg17[%get3A_425] {strides = array<i32>} : memref<4096xf32, #tpu.memory_space<vmem>>, vector<16xf32>,
      %gather3A_427 = tpu.vector_load_idx %arg7[%get3A_422] : memref<10000xf32, #tpu.memory_space<vmem>>[vector<16xi32>], vector<16xf32>,
      %mul3A_428 = arith.mulf %gather3A_427, %get3A_426 : vector<16xf32>
      tpu.vector_store_idx %arg11[%get3A_424], %mul3A_428 {add = true} : memref<10000xf32, #tpu.memory_space<vmem>>[vector<16xi32>], vector<16xf32>,
      %gather3A_429 = tpu.vector_load_idx %arg8[%get3A_422] : memref<10000xf32, #tpu.memory_space<vmem>>[vector<16xi32>], vector<16xf32>,
      %mul3A_430 = arith.mulf %gather3A_429, %get3A_426 : vector<16xf32>
      tpu.vector_store_idx %arg12[%get3A_424], %mul3A_430 {add = true} : memref<10000xf32, #tpu.memory_space<vmem>>[vector<16xi32>], vector<16xf32>,
      %gather3A_431 = tpu.vector_load_idx %arg9[%get3A_422] : memref<10000xf32, #tpu.memory_space<vmem>>[vector<16xi32>], vector<16xf32>,
      %mul3A_432 = arith.mulf %gather3A_431, %get3A_426 : vector<16xf32>
      tpu.vector_store_idx %arg13[%get3A_424], %mul3A_432 {add = true} : memref<10000xf32, #tpu.memory_space<vmem>>[vector<16xi32>], vector<16xf32>,
      %gather3A_433 = tpu.vector_load_idx %arg10[%get3A_422] : memref<10000xf32, #tpu.memory_space<vmem>>[vector<16xi32>], vector<16xf32>,
      %mul3A_434 = arith.mulf %gather3A_433, %get3A_426 : vector<16xf32>
      tpu.vector_store_idx %arg14[%get3A_424], %mul3A_434 {add = true} : memref<10000xf32, #tpu.memory_space<vmem>>[vector<16xi32>], vector<16xf32>,
    }
    %scan3A_61 = arith.constant 256 : i32
    %mul3A_62 = arith.constant 4 : i32
    %mul3A_63 = arith.muli %add3A, %mul3A_62 : i32
    %add3A_64 = arith.constant 0 : i32
    %add3A_65 = arith.addi %mul3A_63, %add3A_64 : i32
    %mul3A_66 = arith.constant 10000 : i32
    %mul3A_67 = arith.muli %add3A_65, %mul3A_66 : i32
    "tpu.region"() ({
      %run_scoped3A = tpu.sem_alloc : memref<!tpu.dma_semaphore, #tpu.memory_space<semaphore_mem>>
      %dma_start3A_86 = tpu.memref_slice %arg6[%mul3A_67] : memref<1280000xf32, #tpu.memory_space<hbm>> -> memref<10000xf32, #tpu.memory_space<hbm>>
      %dma_start3A_87 = tpu.memref_slice %arg6[%mul3A_67] : memref<1280000xf32, #tpu.memory_space<hbm>> -> memref<10000xf32, #tpu.memory_space<hbm>>
      tpu.enqueue_dma source(%arg11 : memref<10000xf32, #tpu.memory_space<vmem>>) target(%dma_start3A_87 : memref<10000xf32, #tpu.memory_space<hbm>>) target_semaphore(%run_scoped3A : memref<!tpu.dma_semaphore, #tpu.memory_space<semaphore_mem>>)
      %dma_wait3A_88 = tpu.memref_slice %arg6[%mul3A_67] : memref<1280000xf32, #tpu.memory_space<hbm>> -> memref<10000xf32, #tpu.memory_space<hbm>>
      %dma_wait3A_89 = tpu.memref_slice %arg6[%mul3A_67] : memref<1280000xf32, #tpu.memory_space<hbm>> -> memref<10000xf32, #tpu.memory_space<hbm>>
      tpu.wait_dma2 semaphore(%run_scoped3A : memref<!tpu.dma_semaphore, #tpu.memory_space<semaphore_mem>>) src(%arg11 : memref<10000xf32, #tpu.memory_space<vmem>>) dst(%dma_wait3A_89 : memref<10000xf32, #tpu.memory_space<hbm>>)
      tpu.yield
    }) : () -> ()
    %mul3A_68 = arith.constant 4 : i32
    %mul3A_69 = arith.muli %add3A, %mul3A_68 : i32
    %add3A_70 = arith.constant 1 : i32
    %add3A_71 = arith.addi %mul3A_69, %add3A_70 : i32
    %mul3A_72 = arith.constant 10000 : i32
    %mul3A_73 = arith.muli %add3A_71, %mul3A_72 : i32
    "tpu.region"() ({
      %run_scoped3A = tpu.sem_alloc : memref<!tpu.dma_semaphore, #tpu.memory_space<semaphore_mem>>
      %dma_start3A_86 = tpu.memref_slice %arg6[%mul3A_73] : memref<1280000xf32, #tpu.memory_space<hbm>> -> memref<10000xf32, #tpu.memory_space<hbm>>
      %dma_start3A_87 = tpu.memref_slice %arg6[%mul3A_73] : memref<1280000xf32, #tpu.memory_space<hbm>> -> memref<10000xf32, #tpu.memory_space<hbm>>
      tpu.enqueue_dma source(%arg12 : memref<10000xf32, #tpu.memory_space<vmem>>) target(%dma_start3A_87 : memref<10000xf32, #tpu.memory_space<hbm>>) target_semaphore(%run_scoped3A : memref<!tpu.dma_semaphore, #tpu.memory_space<semaphore_mem>>)
      %dma_wait3A_88 = tpu.memref_slice %arg6[%mul3A_73] : memref<1280000xf32, #tpu.memory_space<hbm>> -> memref<10000xf32, #tpu.memory_space<hbm>>
      %dma_wait3A_89 = tpu.memref_slice %arg6[%mul3A_73] : memref<1280000xf32, #tpu.memory_space<hbm>> -> memref<10000xf32, #tpu.memory_space<hbm>>
      tpu.wait_dma2 semaphore(%run_scoped3A : memref<!tpu.dma_semaphore, #tpu.memory_space<semaphore_mem>>) src(%arg12 : memref<10000xf32, #tpu.memory_space<vmem>>) dst(%dma_wait3A_89 : memref<10000xf32, #tpu.memory_space<hbm>>)
      tpu.yield
    }) : () -> ()
    %mul3A_74 = arith.constant 4 : i32
    %mul3A_75 = arith.muli %add3A, %mul3A_74 : i32
    %add3A_76 = arith.constant 2 : i32
    %add3A_77 = arith.addi %mul3A_75, %add3A_76 : i32
    %mul3A_78 = arith.constant 10000 : i32
    %mul3A_79 = arith.muli %add3A_77, %mul3A_78 : i32
    "tpu.region"() ({
      %run_scoped3A = tpu.sem_alloc : memref<!tpu.dma_semaphore, #tpu.memory_space<semaphore_mem>>
      %dma_start3A_86 = tpu.memref_slice %arg6[%mul3A_79] : memref<1280000xf32, #tpu.memory_space<hbm>> -> memref<10000xf32, #tpu.memory_space<hbm>>
      %dma_start3A_87 = tpu.memref_slice %arg6[%mul3A_79] : memref<1280000xf32, #tpu.memory_space<hbm>> -> memref<10000xf32, #tpu.memory_space<hbm>>
      tpu.enqueue_dma source(%arg13 : memref<10000xf32, #tpu.memory_space<vmem>>) target(%dma_start3A_87 : memref<10000xf32, #tpu.memory_space<hbm>>) target_semaphore(%run_scoped3A : memref<!tpu.dma_semaphore, #tpu.memory_space<semaphore_mem>>)
      %dma_wait3A_88 = tpu.memref_slice %arg6[%mul3A_79] : memref<1280000xf32, #tpu.memory_space<hbm>> -> memref<10000xf32, #tpu.memory_space<hbm>>
      %dma_wait3A_89 = tpu.memref_slice %arg6[%mul3A_79] : memref<1280000xf32, #tpu.memory_space<hbm>> -> memref<10000xf32, #tpu.memory_space<hbm>>
      tpu.wait_dma2 semaphore(%run_scoped3A : memref<!tpu.dma_semaphore, #tpu.memory_space<semaphore_mem>>) src(%arg13 : memref<10000xf32, #tpu.memory_space<vmem>>) dst(%dma_wait3A_89 : memref<10000xf32, #tpu.memory_space<hbm>>)
      tpu.yield
    }) : () -> ()
    %mul3A_80 = arith.constant 4 : i32
    %mul3A_81 = arith.muli %add3A, %mul3A_80 : i32
    %add3A_82 = arith.constant 3 : i32
    %add3A_83 = arith.addi %mul3A_81, %add3A_82 : i32
    %mul3A_84 = arith.constant 10000 : i32
    %mul3A_85 = arith.muli %add3A_83, %mul3A_84 : i32
    "tpu.region"() ({
      %run_scoped3A = tpu.sem_alloc : memref<!tpu.dma_semaphore, #tpu.memory_space<semaphore_mem>>
      %dma_start3A_86 = tpu.memref_slice %arg6[%mul3A_85] : memref<1280000xf32, #tpu.memory_space<hbm>> -> memref<10000xf32, #tpu.memory_space<hbm>>
      %dma_start3A_87 = tpu.memref_slice %arg6[%mul3A_85] : memref<1280000xf32, #tpu.memory_space<hbm>> -> memref<10000xf32, #tpu.memory_space<hbm>>
      tpu.enqueue_dma source(%arg14 : memref<10000xf32, #tpu.memory_space<vmem>>) target(%dma_start3A_87 : memref<10000xf32, #tpu.memory_space<hbm>>) target_semaphore(%run_scoped3A : memref<!tpu.dma_semaphore, #tpu.memory_space<semaphore_mem>>)
      %dma_wait3A_88 = tpu.memref_slice %arg6[%mul3A_85] : memref<1280000xf32, #tpu.memory_space<hbm>> -> memref<10000xf32, #tpu.memory_space<hbm>>
      %dma_wait3A_89 = tpu.memref_slice %arg6[%mul3A_85] : memref<1280000xf32, #tpu.memory_space<hbm>> -> memref<10000xf32, #tpu.memory_space<hbm>>
      tpu.wait_dma2 semaphore(%run_scoped3A : memref<!tpu.dma_semaphore, #tpu.memory_space<semaphore_mem>>) src(%arg14 : memref<10000xf32, #tpu.memory_space<vmem>>) dst(%dma_wait3A_89 : memref<10000xf32, #tpu.memory_space<hbm>>)
      tpu.yield
    }) : () -> ()
    return
  }
}

module attributes {stable_mosaic.version = 14 : i64} {
  func.func @_tc_a_body(%arg0: memref<10000x128xf32, #tpu.memory_space<vmem>>, %arg1: memref<128x128xf32, #tpu.memory_space<vmem>>, %arg2: memref<1x128xf32, #tpu.memory_space<vmem>>, %arg3: memref<128x128xf32, #tpu.memory_space<vmem>>, %arg4: memref<32x10000xf32, #tpu.memory_space<vmem>>, %arg5: memref<128x10000xf32, #tpu.memory_space<vmem>>) attributes {dimension_semantics = [], scalar_prefetch = 0 : i64, scratch_operands = 0 : i64, tpu.core_type = #tpu.core_type<tc>} {
    %get3A = arith.constant 0 : index
    %get3A_0 = arith.constant 0 : index
    %get3A_1 = vector.load %arg4[%get3A, %get3A_0] : memref<32x10000xf32, #tpu.memory_space<vmem>>, vector<32x10000xf32>
    %reduce_sum3A = arith.constant dense<0.000000e+00> : vector<10000xf32>
    %reduce_sum3A_2 = vector.multi_reduction <add>, %get3A_1, %reduce_sum3A [0] : vector<32x10000xf32> to vector<10000xf32>
    %add3A = arith.constant 1.000000e+00 : f32
    %add3A_3 = vector.broadcast %add3A : f32 to vector<10000xf32>
    %add3A_4 = arith.addf %reduce_sum3A_2, %add3A_3 : vector<10000xf32>
    %sqrt3A = math.sqrt %add3A_4 : vector<10000xf32>
    %div3A = arith.constant 1.000000e+00 : f32
    %div3A_5 = vector.broadcast %div3A : f32 to vector<10000xf32>
    %div3A_6 = arith.divf %div3A_5, %sqrt3A : vector<10000xf32>
    %broadcast_in_dim3A = vector.shape_cast %div3A_6 : vector<10000xf32> to vector<10000x1xf32>
    %get3A_7 = arith.constant 0 : index
    %get3A_8 = arith.constant 0 : index
    %get3A_9 = vector.load %arg0[%get3A_7, %get3A_8] : memref<10000x128xf32, #tpu.memory_space<vmem>>, vector<10000x128xf32>
    %get3A_10 = arith.constant 0 : index
    %get3A_11 = arith.constant 0 : index
    %get3A_12 = vector.load %arg1[%get3A_10, %get3A_11] : memref<128x128xf32, #tpu.memory_space<vmem>>, vector<128x128xf32>
    %dot_general3A = arith.constant dense<0.000000e+00> : vector<10000x128xf32>
    %dot_general3A_13 = tpu.matmul %get3A_9, %get3A_12, %dot_general3A {dimension_numbers = #tpu.dot_dimension_numbers<[1], [0], [0], [1], [0, 0, 1, 1], [], []>, transpose_lhs_hint = false} : vector<10000x128xf32>, vector<128x128xf32>, vector<10000x128xf32> -> vector<10000x128xf32>
    %get3A_14 = arith.constant 0 : index
    %get3A_15 = arith.constant 0 : index
    %get3A_16 = vector.load %arg2[%get3A_14, %get3A_15] : memref<1x128xf32, #tpu.memory_space<vmem>>, vector<1x128xf32>
    %add3A_17 = vector.broadcast %get3A_16 : vector<1x128xf32> to vector<10000x128xf32>
    %add3A_18 = arith.addf %dot_general3A_13, %add3A_17 : vector<10000x128xf32>
    %max3A = arith.constant 0.000000e+00 : f32
    %max3A_19 = vector.broadcast %max3A : f32 to vector<10000x128xf32>
    %max3A_20 = arith.maximumf %add3A_18, %max3A_19 : vector<10000x128xf32>
    %get3A_21 = arith.constant 0 : index
    %get3A_22 = arith.constant 0 : index
    %get3A_23 = vector.load %arg3[%get3A_21, %get3A_22] : memref<128x128xf32, #tpu.memory_space<vmem>>, vector<128x128xf32>
    %dot_general3A_24 = arith.constant dense<0.000000e+00> : vector<10000x128xf32>
    %dot_general3A_25 = tpu.matmul %max3A_20, %get3A_23, %dot_general3A_24 {dimension_numbers = #tpu.dot_dimension_numbers<[1], [0], [0], [1], [0, 0, 1, 1], [], []>, transpose_lhs_hint = false} : vector<10000x128xf32>, vector<128x128xf32>, vector<10000x128xf32> -> vector<10000x128xf32>
    %mul3A = vector.broadcast %broadcast_in_dim3A : vector<10000x1xf32> to vector<10000x128xf32>
    %mul3A_26 = arith.mulf %dot_general3A_25, %mul3A : vector<10000x128xf32>
    %transpose3A = tpu.transpose %mul3A_26, [1, 0] : vector<10000x128xf32> -> vector<128x10000xf32>
    %swap3A = arith.constant 0 : index
    %swap3A_27 = arith.constant 0 : index
    %swap3A_28 = vector.load %arg5[%swap3A, %swap3A_27] : memref<128x10000xf32, #tpu.memory_space<vmem>>, vector<128x10000xf32>
    tpu.vector_store %arg5[%swap3A, %swap3A_27], %transpose3A {strides = array<i32>} : memref<128x10000xf32, #tpu.memory_space<vmem>>, vector<128x10000xf32>,
    return
  }
}

module attributes {stable_mosaic.version = 14 : i64} {
  func.func @_tc_b_body(%arg0: memref<128x10000xf32, #tpu.memory_space<vmem>>, %arg1: memref<128x10000xf32, #tpu.memory_space<vmem>>, %arg2: memref<32x10000xf32, #tpu.memory_space<vmem>>, %arg3: memref<1x128xf32, #tpu.memory_space<vmem>>, %arg4: memref<128x128xf32, #tpu.memory_space<vmem>>, %arg5: memref<128x10000xf32, #tpu.memory_space<vmem>>) attributes {dimension_semantics = [], scalar_prefetch = 0 : i64, scratch_operands = 0 : i64, tpu.core_type = #tpu.core_type<tc>} {
    %get3A = arith.constant 0 : index
    %get3A_0 = arith.constant 0 : index
    %get3A_1 = vector.load %arg2[%get3A, %get3A_0] : memref<32x10000xf32, #tpu.memory_space<vmem>>, vector<32x10000xf32>
    %reduce_sum3A = arith.constant dense<0.000000e+00> : vector<10000xf32>
    %reduce_sum3A_2 = vector.multi_reduction <add>, %get3A_1, %reduce_sum3A [0] : vector<32x10000xf32> to vector<10000xf32>
    %add3A = arith.constant 1.000000e+00 : f32
    %add3A_3 = vector.broadcast %add3A : f32 to vector<10000xf32>
    %add3A_4 = arith.addf %reduce_sum3A_2, %add3A_3 : vector<10000xf32>
    %sqrt3A = math.sqrt %add3A_4 : vector<10000xf32>
    %div3A = arith.constant 1.000000e+00 : f32
    %div3A_5 = vector.broadcast %div3A : f32 to vector<10000xf32>
    %div3A_6 = arith.divf %div3A_5, %sqrt3A : vector<10000xf32>
    %broadcast_in_dim3A = vector.shape_cast %div3A_6 : vector<10000xf32> to vector<10000x1xf32>
    %get3A_7 = arith.constant 0 : index
    %get3A_8 = arith.constant 0 : index
    %get3A_9 = vector.load %arg0[%get3A_7, %get3A_8] : memref<128x10000xf32, #tpu.memory_space<vmem>>, vector<128x10000xf32>
    %get3A_10 = arith.constant 0 : index
    %get3A_11 = arith.constant 0 : index
    %get3A_12 = vector.load %arg1[%get3A_10, %get3A_11] : memref<128x10000xf32, #tpu.memory_space<vmem>>, vector<128x10000xf32>
    %add3A_13 = arith.addf %get3A_9, %get3A_12 : vector<128x10000xf32>
    %transpose3A = tpu.transpose %add3A_13, [1, 0] : vector<128x10000xf32> -> vector<10000x128xf32>
    %mul3A = vector.broadcast %broadcast_in_dim3A : vector<10000x1xf32> to vector<10000x128xf32>
    %mul3A_14 = arith.mulf %transpose3A, %mul3A : vector<10000x128xf32>
    %get3A_15 = arith.constant 0 : index
    %get3A_16 = arith.constant 0 : index
    %get3A_17 = vector.load %arg3[%get3A_15, %get3A_16] : memref<1x128xf32, #tpu.memory_space<vmem>>, vector<1x128xf32>
    %add3A_18 = vector.broadcast %get3A_17 : vector<1x128xf32> to vector<10000x128xf32>
    %add3A_19 = arith.addf %mul3A_14, %add3A_18 : vector<10000x128xf32>
    %max3A = arith.constant 0.000000e+00 : f32
    %max3A_20 = vector.broadcast %max3A : f32 to vector<10000x128xf32>
    %max3A_21 = arith.maximumf %add3A_19, %max3A_20 : vector<10000x128xf32>
    %get3A_22 = arith.constant 0 : index
    %get3A_23 = arith.constant 0 : index
    %get3A_24 = vector.load %arg4[%get3A_22, %get3A_23] : memref<128x128xf32, #tpu.memory_space<vmem>>, vector<128x128xf32>
    %dot_general3A = arith.constant dense<0.000000e+00> : vector<10000x128xf32>
    %dot_general3A_25 = tpu.matmul %max3A_21, %get3A_24, %dot_general3A {dimension_numbers = #tpu.dot_dimension_numbers<[1], [0], [0], [1], [0, 0, 1, 1], [], []>, transpose_lhs_hint = false} : vector<10000x128xf32>, vector<128x128xf32>, vector<10000x128xf32> -> vector<10000x128xf32>
    %mul3A_26 = vector.broadcast %broadcast_in_dim3A : vector<10000x1xf32> to vector<10000x128xf32>
    %mul3A_27 = arith.mulf %dot_general3A_25, %mul3A_26 : vector<10000x128xf32>
    %transpose3A_28 = tpu.transpose %mul3A_27, [1, 0] : vector<10000x128xf32> -> vector<128x10000xf32>
    %swap3A = arith.constant 0 : index
    %swap3A_29 = arith.constant 0 : index
    %swap3A_30 = vector.load %arg5[%swap3A, %swap3A_29] : memref<128x10000xf32, #tpu.memory_space<vmem>>, vector<128x10000xf32>
    tpu.vector_store %arg5[%swap3A, %swap3A_29], %transpose3A_28 {strides = array<i32>} : memref<128x10000xf32, #tpu.memory_space<vmem>>, vector<128x10000xf32>,
    return
  }
}

module attributes {stable_mosaic.version = 14 : i64} {
  func.func @_tc_c_body(%arg0: memref<128x10000xf32, #tpu.memory_space<vmem>>, %arg1: memref<128x10000xf32, #tpu.memory_space<vmem>>, %arg2: memref<32x10000xf32, #tpu.memory_space<vmem>>, %arg3: memref<1x128xf32, #tpu.memory_space<vmem>>, %arg4: memref<128x40xf32, #tpu.memory_space<vmem>>, %arg5: memref<1x40xf32, #tpu.memory_space<vmem>>, %arg6: memref<10000x40xf32, #tpu.memory_space<vmem>>) attributes {dimension_semantics = [], scalar_prefetch = 0 : i64, scratch_operands = 0 : i64, tpu.core_type = #tpu.core_type<tc>} {
    %get3A = arith.constant 0 : index
    %get3A_0 = arith.constant 0 : index
    %get3A_1 = vector.load %arg2[%get3A, %get3A_0] : memref<32x10000xf32, #tpu.memory_space<vmem>>, vector<32x10000xf32>
    %reduce_sum3A = arith.constant dense<0.000000e+00> : vector<10000xf32>
    %reduce_sum3A_2 = vector.multi_reduction <add>, %get3A_1, %reduce_sum3A [0] : vector<32x10000xf32> to vector<10000xf32>
    %add3A = arith.constant 1.000000e+00 : f32
    %add3A_3 = vector.broadcast %add3A : f32 to vector<10000xf32>
    %add3A_4 = arith.addf %reduce_sum3A_2, %add3A_3 : vector<10000xf32>
    %sqrt3A = math.sqrt %add3A_4 : vector<10000xf32>
    %div3A = arith.constant 1.000000e+00 : f32
    %div3A_5 = vector.broadcast %div3A : f32 to vector<10000xf32>
    %div3A_6 = arith.divf %div3A_5, %sqrt3A : vector<10000xf32>
    %broadcast_in_dim3A = vector.shape_cast %div3A_6 : vector<10000xf32> to vector<10000x1xf32>
    %get3A_7 = arith.constant 0 : index
    %get3A_8 = arith.constant 0 : index
    %get3A_9 = vector.load %arg0[%get3A_7, %get3A_8] : memref<128x10000xf32, #tpu.memory_space<vmem>>, vector<128x10000xf32>
    %get3A_10 = arith.constant 0 : index
    %get3A_11 = arith.constant 0 : index
    %get3A_12 = vector.load %arg1[%get3A_10, %get3A_11] : memref<128x10000xf32, #tpu.memory_space<vmem>>, vector<128x10000xf32>
    %add3A_13 = arith.addf %get3A_9, %get3A_12 : vector<128x10000xf32>
    %transpose3A = tpu.transpose %add3A_13, [1, 0] : vector<128x10000xf32> -> vector<10000x128xf32>
    %mul3A = vector.broadcast %broadcast_in_dim3A : vector<10000x1xf32> to vector<10000x128xf32>
    %mul3A_14 = arith.mulf %transpose3A, %mul3A : vector<10000x128xf32>
    %get3A_15 = arith.constant 0 : index
    %get3A_16 = arith.constant 0 : index
    %get3A_17 = vector.load %arg3[%get3A_15, %get3A_16] : memref<1x128xf32, #tpu.memory_space<vmem>>, vector<1x128xf32>
    %add3A_18 = vector.broadcast %get3A_17 : vector<1x128xf32> to vector<10000x128xf32>
    %add3A_19 = arith.addf %mul3A_14, %add3A_18 : vector<10000x128xf32>
    %max3A = arith.constant 0.000000e+00 : f32
    %max3A_20 = vector.broadcast %max3A : f32 to vector<10000x128xf32>
    %max3A_21 = arith.maximumf %add3A_19, %max3A_20 : vector<10000x128xf32>
    %get3A_22 = arith.constant 0 : index
    %get3A_23 = arith.constant 0 : index
    %get3A_24 = vector.load %arg4[%get3A_22, %get3A_23] : memref<128x40xf32, #tpu.memory_space<vmem>>, vector<128x40xf32>
    %dot_general3A = arith.constant dense<0.000000e+00> : vector<10000x40xf32>
    %dot_general3A_25 = tpu.matmul %max3A_21, %get3A_24, %dot_general3A {dimension_numbers = #tpu.dot_dimension_numbers<[1], [0], [0], [1], [0, 0, 1, 1], [], []>, transpose_lhs_hint = false} : vector<10000x128xf32>, vector<128x40xf32>, vector<10000x40xf32> -> vector<10000x40xf32>
    %get3A_26 = arith.constant 0 : index
    %get3A_27 = arith.constant 0 : index
    %get3A_28 = vector.load %arg5[%get3A_26, %get3A_27] : memref<1x40xf32, #tpu.memory_space<vmem>>, vector<1x40xf32>
    %add3A_29 = vector.broadcast %get3A_28 : vector<1x40xf32> to vector<10000x40xf32>
    %add3A_30 = arith.addf %dot_general3A_25, %add3A_29 : vector<10000x40xf32>
    %swap3A = arith.constant 0 : index
    %swap3A_31 = arith.constant 0 : index
    %swap3A_32 = vector.load %arg6[%swap3A, %swap3A_31] : memref<10000x40xf32, #tpu.memory_space<vmem>>, vector<10000x40xf32>
    tpu.vector_store %arg6[%swap3A, %swap3A_31], %add3A_30 {strides = array<i32>} : memref<10000x40xf32, #tpu.memory_space<vmem>>, vector<10000x40xf32>,
    return
  }
}

</mosaic_0001>

<sc_bundles>
// kernel: kernel.11.cloned.1.call-start
scs
__scs_entry_jumppad:
0x0: {  	(pc) =	sbr.rel $0x88, $3  }
0x1: {  	(tag) =	ssettag $0x0;
	lr =	simm.s32 $0x1  }
0x2: {  	[smem:$0x3F96] =	sst lr;
	_ =	strace $0xD0000000  }
0x3: {  	_ = 	snop  }
0x4: {  	_ = 	snop  }
0x5: {  	_ = 	snop  }
0x6: {  	_ = 	snop  }
0x7: {  	_ = 	snop  }
__scs_overlays_trampoline_lowered:
0x8: {  	[smem:$0x3FA5] =	sst s0  }
0x9: {  	[smem:$0x3FA6] =	sst s1  }
0xa: {  	[smem:$0x3FA7] =	sst s2  }
0xb: {  	[smem:$0x3FA8] =	sst s3  }
0xc: {  	[smem:$0x3FA9] =	sst s4  }
0xd: {  	[smem:$0x3FAA] =	sst s5  }
0xe: {  	[smem:$0x3FAB] =	sst s6  }
0xf: {  	[smem:$0x3FAC] =	sst s7  }
0x10: {  	[smem:$0x3FAD] =	sst s8  }
0x11: {  	[smem:$0x3FAE] =	sst s9;
	s0 =	simm.s32 @!p0 $0x0  }
0x12: {  	s1 =	sld [smem:$0x3F94];
	s0 =	simm.s32 @p0 $0x1  }
0x13: {  	[smem:$0x3FAF] =	sst s0;
	s0 =	simm.s32 @!p1 $0x0  }
0x14: {  	s2 =	sld [smem:$0x3F93];
	s0 =	simm.s32 @p1 $0x1  }
0x15: {  	[smem:$0x3FB0] =	sst s0;
	s0 =	simm.s32 @!p2 $0x0  }
0x16: {  	s3 =	sld [smem:$0x3FDB];
	s0 =	simm.s32 @p2 $0x1  }
0x17: {  	s4 =	simm.s32 $0x1BF5;
	[smem:$0x3FB2] =	sst s0  }
0x18: {  	s0 =	sld [smem:$0x3F95];
	_ =	swait.ge [sflag:s4], $0x0  }
0x19: {  	s7 =	sld [smem:$0x3F96]  }
0x1a: {  	s8 =	sadd.s32 $0xFFFFE003, lr  }
0x1b: {  	s9 =	sadd.s32 $0xFFFFFEF7, lr;
	s5 =	simm.s32 $0xFFFFFFFF;
	p2 =	slt.u32 s8, $0xFFFFF086  }
0x1c: {  	p1 =	slt.u32 s9, $0xF7A;
	s5 =	simm.s32 @!p2 $0x0  }
0x1d: {  	s5 =	simm.s32 @p1 $0x1;
	p0 =	seq.s32 s7, s2  }
0x1e: {  	s7 =	smul.u32 @!p0 $0xF7A, s2;
	p2 =	seq.s32 @!p0 s5, $0x0  }
0x1f: {  	s9 =	smul.u32 $0xF7A, s1;
	s8 =	simm.s32 @!p0 $0x1BF5;
	p2 =	por !p2, p0  }
0x20: {  	[sflag:s8] =	ssyncset.s32 @!p0 $0xFFFFF086;
	s6 =	sadd.s32 @!p0 s3, s7;
	s7 =	simm.s32 @!p0 $0x108  }
0x21: {  	s3 =	sadd.s32 s3, s9;
	s6 =	sadd.s32 @!p0 $0x88, s6;
	s7 =	simm.s32 @p2 $0x1082  }
0x22: {  	[simem:s7], [sflag:s8] =	dma.local @!p0 [hbm:s6], $0xF7A  }
0x23: {  	s9 =	sor.u32 $0xD0000000, s2;
	s6 =	simm.s32 $0x108;
	_ =	swait.ge @!p0 [sflag:s8], $0x0  }
0x24: {  	s3 =	sadd.s32 $0x88, s3;
	s6 =	simm.s32 @!p1 $0x1082;
	[sflag:s4] =	ssyncset.s32 $0xFFFFF086  }
0x25: {  	[simem:s6], [sflag:s4] =	dma.local [hbm:s3], $0xF7A  }
0x26: {  	[smem:$0x3F96] =	sst s1;
	(tag) =	ssettag s2;
	_ =	strace s9  }
0x27: {  	s1 =	sld [smem:$0x3FA6]  }
0x28: {  	s2 =	sld [smem:$0x3FA7]  }
0x29: {  	s4 =	sld [smem:$0x3FA9]  }
0x2a: {  	p0 =	seq.s32 s5, $0x0;
	s5 =	sld [smem:$0x3FAA]  }
0x2b: {  	s6 =	sld [smem:$0x3FAB]  }
0x2c: {  	s7 =	sld [smem:$0x3FAC]  }
0x2d: {  	s3 =	simm.s32 $0x108;
	s8 =	sld [smem:$0x3FAD]  }
0x2e: {  	s3 =	simm.s32 @!p0 $0x1082;
	s9 =	sld [smem:$0x3FAE]  }
0x2f: {  	lr =	sadd.s32 s0, s3;
	s0 =	sld [smem:$0x3FA5]  }
0x30: {  	s3 =	sld [smem:$0x3FA8]  }
0x31: {  	[smem:$0x3FB1] =	sst s10  }
0x32: {  	s10 =	sld [smem:$0x3FAF];
	_ =	sdelay $0x3  }
0x33: {  	p0 =	seq.s32 s10, $0x1;
	s10 =	sld [smem:$0x3FB1];
	_ =	sdelay $0x3  }
0x34: {  	[smem:$0x3FB1] =	sst s10  }
0x35: {  	s10 =	sld [smem:$0x3FB0];
	_ =	sdelay $0x3  }
0x36: {  	p1 =	seq.s32 s10, $0x1;
	s10 =	sld [smem:$0x3FB1];
	_ =	sdelay $0x3  }
0x37: {  	[smem:$0x3FB1] =	sst s10  }
0x38: {  	s10 =	sld [smem:$0x3FB2]  }
0x39: {  	_ = 	snop;
	(pc) =	sbr.ind lr, $3  }
0x3a: {  	_ = 	snop  }
0x3b: {  	_ = 	snop  }
0x3c: {  	p2 =	seq.s32 s10, $0x1;
	s10 =	sld [smem:$0x3FB1]  }
0x3d: {  	_ =	shalt  }
0x3e: {  	_ =	shalt  }
0x3f: {  	_ =	shalt  }
0x40: {  	_ =	shalt  }
0x41: {  	_ =	shalt  }
0x42: {  	_ =	shalt  }
0x43: {  	_ =	shalt  }
0x44: {  	_ =	shalt  }
0x45: {  	_ =	shalt  }
0x46: {  	_ =	shalt  }
0x47: {  	_ =	shalt  }
0x48: {  	_ =	shalt  }
0x49: {  	_ =	shalt  }
0x4a: {  	_ =	shalt  }
0x4b: {  	_ =	shalt  }
0x4c: {  	_ =	shalt  }
0x4d: {  	_ =	shalt  }
0x4e: {  	_ =	shalt  }
0x4f: {  	_ =	shalt  }
0x50: {  	_ =	shalt  }
0x51: {  	_ =	shalt  }
0x52: {  	_ =	shalt  }
0x53: {  	_ =	shalt  }
0x54: {  	_ =	shalt  }
0x55: {  	_ =	shalt  }
0x56: {  	_ =	shalt  }
0x57: {  	_ =	shalt  }
0x58: {  	_ =	shalt  }
0x59: {  	_ =	shalt  }
0x5a: {  	_ =	shalt  }
0x5b: {  	_ =	shalt  }
0x5c: {  	_ =	shalt  }
0x5d: {  	_ =	shalt  }
0x5e: {  	_ =	shalt  }
0x5f: {  	_ =	shalt  }
0x60: {  	_ =	shalt  }
0x61: {  	_ =	shalt  }
0x62: {  	_ =	shalt  }
0x63: {  	_ =	shalt  }
0x64: {  	_ =	shalt  }
0x65: {  	_ =	shalt  }
0x66: {  	_ =	shalt  }
0x67: {  	_ =	shalt  }
0x68: {  	_ =	shalt  }
0x69: {  	_ =	shalt  }
0x6a: {  	_ =	shalt  }
0x6b: {  	_ =	shalt  }
0x6c: {  	_ =	shalt  }
0x6d: {  	_ =	shalt  }
0x6e: {  	_ =	shalt  }
0x6f: {  	_ =	shalt  }
0x70: {  	_ =	shalt  }
0x71: {  	_ =	shalt  }
0x72: {  	_ =	shalt  }
0x73: {  	_ =	shalt  }
0x74: {  	_ =	shalt  }
0x75: {  	_ =	shalt  }
0x76: {  	_ =	shalt  }
0x77: {  	_ =	shalt  }
0x78: {  	_ =	shalt  }
0x79: {  	_ =	shalt  }
0x7a: {  	_ =	shalt  }
0x7b: {  	_ =	shalt  }
0x7c: {  	_ =	shalt  }
0x7d: {  	_ =	shalt  }
0x7e: {  	_ =	shalt  }
0x7f: {  	_ =	shalt  }
0x80: {  	_ =	shalt  }
0x81: {  	_ =	shalt  }
0x82: {  	_ =	shalt  }
0x83: {  	_ =	shalt  }
0x84: {  	_ =	shalt  }
0x85: {  	_ =	shalt  }
0x86: {  	_ =	shalt  }
0x87: {  	_ =	shalt  }
.Lfunc_end0:
.L_simem_size_0:
called_computation.1_lowered:
.L_overlay_start_0:
0x88: {  	s2 =	sld [smem:$0x3FD9]  }
0x89: {  	s3 =	sld [smem:$0x3FFE];
	_ =	sdelay $0x1  }
0x8a: {  	s1 =	srdreg.scid  }
0x8b: {  	s0 =	sand.u32 $0x1, s1  }
0x8c: {  	s17 =	sshll.u32 s0, $0xA;
	s2 =	sadd.s32 s3, s2  }
0x8d: {  	s2 =	sadd.s32 s2, s17  }
0x8e: {  	[smem:$0x3FBD] =	sst s2  }
0x8f: {  	_ = 	snop  }
0x90: {  	s2 =	sld [smem:$0x3FD0];
	(tm) =	ssettm $0x1  }
0x91: {  	s18 =	sld [smem:$0x3FFB];
	_ =	sdelay $0x3  }
0x92: {  	_ =	strace s18  }
0x93: {  	s3 =	sld [smem:$0x3FFC];
	_ =	sdelay $0x3  }
0x94: {  	_ =	strace s3  }
0x95: {  	s3 =	sld [smem:$0x3FFD];
	_ =	sdelay $0x3  }
0x96: {  	_ =	strace s3  }
0x97: {  	_ =	strace $0x8FFFFFFF  }
0x98: {  	s19 =	sld [smem:$0x3FDB];
	_ =	sdelay $0x1  }
0x99: {  	s4 =	simm.s32 $_scs_section_size  }
0x9a: {  	s5 =	simm.s32 $_size__tile_overlayer_lowered;
	s6 =	simm.s32 $_tile_overlayer_lowered  }
0x9b: {  	s22 =	simm.s32 $0x1BFF;
	s21 =	sshll.u32 s6, $0x1;
	s3 =	sadd.s32 s4, s19  }
0x9c: {  	s7 =	simm.s32 $0x0;
	s20 =	sshll.u32 s5, $0x1;
	s5 =	sadd.s32 s21, s3  }
0x9d: {  	[timem:s7], [sflag:s22] =	dma.local [hbm:s5], s20  }
0x9e: {  	_ =	swait.ge [sflag:s22], s20  }
0x9f: {  	s4 =	ssub.s32 $0x0, s20;
	[sflag:s22] =	ssyncset.done $0x0  }
0xa0: {  	[sflag:s22] =	ssyncadd.s32 s4;
	_ =	sdelay $0x1  }
0xa1: {  	s23 =	simm.s32 $0x1B8B  }
0xa2: {  	_ =	swait.ge [sflag:s23], $0x1  }
0xa3: {  	[sflag:s23] =	ssyncset.done $0x0  }
0xa4: {  	s25 =	simm.s32 $0x1B8E;
	s24 =	sld [smem:$0x3FFE];
	[sflag:s23] =	ssyncadd.s32 $0xFFFFFFFF  }
0xa5: {  	s26 =	simm.s32 $execute0_lowered;
	[smem:$0x3FD2] =	sst s25  }
0xa6: {  	s5 =	sshll.u32 s26, $0x1;
	_ =	strace $0x80000049;
	[dreg:$0x1] =	wrdreg $0xFFFFFFFF  }
0xa7: {  	s28 =	simm.s32 $_size_execute0_lowered;
	s3 =	sadd.s32 s3, s5;
	[dreg:$0x0] =	wrdreg $0x0  }
0xa8: {  	s5 =	sshll.u32 s28, $0x1;
	[dreg:$0x2] =	wrdreg s3  }
0xa9: {  	[dreg:$0x3] =	wrdreg s5  }
0xaa: {  	[dreg:$0x4] =	wrdreg $0xC0  }
0xab: {  	_ =	task [dreg:s7], $0x5FFFF  }
0xac: {  	[dreg:$0x1] =	wrdreg $0xFFFFFFFF  }
0xad: {  	[dreg:$0x0] =	wrdreg $0x60  }
0xae: {  	[dreg:$0x2] =	wrdreg s24  }
0xaf: {  	[dreg:$0x3] =	wrdreg s2  }
0xb0: {  	[dreg:$0x4] =	wrdreg $0x9  }
0xb1: {  	_ =	task.clear_ibuf [dreg:s7], $0x5FFFF;
	_ =	strace $0x90000049  }
0xb2: {  	s29 =	simm.s32 $0x9;
	_ =	strace $0x8000004B  }
0xb3: {  	_ =	swait.ge [sflag:s29], $0x1  }
0xb4: {  	[sflag:s29] =	ssyncadd.s32 $0xFFFFFFFF  }
0xb5: {  	_ =	strace $0x9000004B  }
0xb6: {  	_ =	sfence  }
0xb7: {  	s30 =	sld [smem:$0x0];
	_ =	sdelay $0x2  }
0xb8: {  	s31 =	sshll.u32 s1, $0xD;
	s1 =	sshrl.u32 s1, $0x2  }
0xb9: {  	s3 =	sand.u32 $0x4000, s31;
	s1 =	sadd.s32 s1, s30  }
0xba: {  	s0 =	sor.u32 s3, s0;
	s1 =	sshll.u32 s1, $0x11  }
0xbb: {  	s0 =	sor.u32 s1, s0  }
0xbc: {  	s0 =	sadd.s32 $0x8F2B, s0  }
0xbd: {  	[sflag:s0] =	ssyncadd.remote.s32 $0x1  }
0xbe: {  	_ =	sfence.sel $0xFFFF  }
0xbf: {  	[dreg:$0x0] =	wrdreg $0xFFFFFFFF;
	(pc) =	sbr.abs _section_cstart, $3  }
0xc0: {  	[dreg:$0x1] =	wrdreg $0xFFFFFFFF  }
0xc1: {  	_ =	task.clear_ibuf [dreg:s7], $0x2FFFF;
	_ =	strace $0x9FFFFFFF  }
0xc2: {  	(tm) =	ssettm $0x7FFFFFFF  }
0xc3: {  	_ =	shalt  }
tec
execute0_lowered:
.L_overlay_start_1:
0x0: {  	(tag) =	ssettag $0x1  }
0x1: {  	s0 =	rddreg [dreg:$0x0]  }
0x2: {  	s2 =	rddreg [dreg:$0x1];
	s3 =	simm.s32 $0x0  }
0x3: {  	s1 =	srdreg.scid;
	s4 =	stileid.u32;
	s15 =	simm.s32 $0x13C00  }
0x4: {  	s16 =	simm.s32 $0x14C00;
	s17 =	simm.s32 $0x15C00;
	s18 =	simm.s32 $0x3  }
0x5: {  	s19 =	simm.s32 $0x2780;
	s20 =	simm.s32 $0x4F00;
	s21 =	simm.s32 $0x7680  }
0x6: {  	s22 =	simm.s32 $0x1;
	s23 =	simm.s32 $0x16C00;
	s28 =	simm.s32 $0xC580  }
0x7: {  	s29 =	simm.s32 $0xED00;
	s30 =	simm.s32 $0x11480;
	s31 =	simm.s32 $0x2  }
0x8: {  	[smem:$0x7FF] =	sst s3;
	s1 =	sand.u32 $0x1, s1;
	s4 =	sshll.u32 s4, $0x1  }
0x9: {  	s7 =	sadd.s32 $0x1F800, s0;
	s5 =	sadd.s32 $0x1E00, s0;
	s6 =	sor.u32 s1, s4  }
0xa: {  	_ =	strace $0x8000004A;
	s1 =	ssub.s32 $0x2, s1;
	s8 =	smul.u32 $0x9C40, s6  }
0xb: {  	s4 =	sadd.s32 $0x15A00, s0;
	s6 =	smul.u32 $0x1388, s6;
	s9 =	sshrl.u32 s1, $0x1  }
0xc: {  	s0 =	sadd.s32 $0x46A00, s0;
	s1 =	ssub.s32 s1, s9;
	s8 =	sshrl.u32 s8, $0x3  }
0xd: {  	s24 =	sadd.s32 s7, s6;
	s6 =	sadd.s32 s0, s6;
	s14 =	smax.u32 s1, $0x1  }
0xe: {  	[dreg:$0x3] =	wrdreg s24;
	s25 =	sadd.s32 $0x4E2, s8;
	s26 =	sadd.s32 $0x9C4, s8  }
0xf: {  	s8 =	sadd.s32 $0xEA6, s8;
	[dreg:$0x7] =	wrdreg s6;
	s10 =	sadd.s32 s7, s25  }
0x10: {  	s24 =	simm.s32 $0x17C00;
	s11 =	sadd.s32 s7, s26;
	[dreg:$0x4] =	wrdreg s10  }
0x11: {  	s7 =	sadd.s32 s7, s8;
	s12 =	sadd.s32 s0, s26;
	[dreg:$0x5] =	wrdreg s11  }
0x12: {  	s13 =	sadd.s32 s0, s8;
	s26 =	simm.s32 $0x9E00;
	[dreg:$0x6] =	wrdreg s7  }
0x13: {  	v0 =	vimm.f32 $0.0e+00;
	s11 =	sadd.s32 s0, s25;
	s25 =	simm.s32 $0x18C00;
	s0 =	simm.s32 $0x0  }
.LBB2_1:
0x14: {  	s6 =	simm.s32 $0x40;
	s1 =	simm.s32 $0x0  }
.LBB2_2:
0x15: {  	p0 =	sne.s32 s6, $0x9C00;
	[tilespmem:s1+$0x11480] =	vst v0;
	s7 =	smov.u32 s6;
	s6 =	sadd.s32 $0x40, s6  }
.Ltmp0:
0x16: {  	[tilespmem:s1+$0xED00] =	vst v0;
	(pc) =	sbr.rel @p0 .LBB2_2-.Ltmp0, $3  }
0x17: {  	[tilespmem:s1+$0x9E00] =	vst v0  }
0x18: {  	[tilespmem:s1+$0xC580] =	vst v0;
	_ =	sdelay $0x1  }
0x19: {  	s1 =	sshra.s32 s7, $0x2  }
0x1a: {  	[tilespmem:s1+$0x11480] =	vst v0  }
0x1b: {  	[tilespmem:s1+$0xED00] =	vst v0  }
0x1c: {  	[tilespmem:s1+$0x9E00] =	vst v0  }
0x1d: {  	[tilespmem:s1+$0xC580] =	vst v0;
	s1 =	simm.s32 $0x0  }
0x1e: {  	[tilespmem:s15], [sflag:$0x1] =	stream.linear.gather [hbm4b:s4+s1], $0x1000, $0x38;
	[tilespmem:$0x19C00] =	vst v63  }
0x1f: {  	_ = 	snop  }
0x20: {  	[tilespmem:s16], [sflag:$0x1] =	stream.linear.gather [hbm4b:s2+s1], $0x1000, $0x38;
	[tilespmem:$0x19C00] =	vst v63  }
0x21: {  	_ = 	snop  }
0x22: {  	[tilespmem:s17], [sflag:$0x1] =	stream.linear.gather [hbm4b:s5+s1], $0x1000, $0x38;
	[tilespmem:$0x19C00] =	vst v63  }
0x23: {  	s6 =	rddreg [dreg:$0x3]  }
0x24: {  	[tilespmem:s1], [sflag:$0x3] =	stream.linear.gather [hbm4b:s6+s1], $0x2710, $0x38;
	[tilespmem:$0x19C00] =	vst v63  }
0x25: {  	_ =	swait.ge [sflag:s18], $0x2710  }
0x26: {  	[sflag:s18] =	ssyncset.done $0x0  }
0x27: {  	s8 =	rddreg [dreg:$0x4];
	[sflag:s18] =	ssyncadd.s32 $0xFFFFD8F0  }
0x28: {  	[tilespmem:s19], [sflag:$0x3] =	stream.linear.gather [hbm4b:s8+s1], $0x2710, $0x38;
	[tilespmem:$0x19C00] =	vst v63  }
0x29: {  	_ =	swait.ge [sflag:s18], $0x2710  }
0x2a: {  	[sflag:s18] =	ssyncset.done $0x0  }
0x2b: {  	s9 =	rddreg [dreg:$0x5];
	[sflag:s18] =	ssyncadd.s32 $0xFFFFD8F0  }
0x2c: {  	[tilespmem:s20], [sflag:$0x3] =	stream.linear.gather [hbm4b:s9+s1], $0x2710, $0x38;
	[tilespmem:$0x19C00] =	vst v63  }
0x2d: {  	_ =	swait.ge [sflag:s18], $0x2710  }
0x2e: {  	[sflag:s18] =	ssyncset.done $0x0  }
0x2f: {  	s10 =	rddreg [dreg:$0x6];
	[sflag:s18] =	ssyncadd.s32 $0xFFFFD8F0  }
0x30: {  	[tilespmem:s21], [sflag:$0x3] =	stream.linear.gather [hbm4b:s10+s1], $0x2710, $0x38;
	[tilespmem:$0x19C00] =	vst v63  }
0x31: {  	_ =	swait.ge [sflag:s18], $0x2710  }
0x32: {  	[sflag:s18] =	ssyncset.done $0x0  }
0x33: {  	[sflag:s18] =	ssyncadd.s32 $0xFFFFD8F0  }
.LBB2_4:
0x34: {  	_ =	swait.ge [sflag:s22], $0x1000  }
0x35: {  	[sflag:s22] =	ssyncset.done $0x0  }
0x36: {  	[sflag:s22] =	ssyncadd.s32 $0xFFFFF000  }
0x37: {  	_ =	swait.ge [sflag:s22], $0x1000  }
0x38: {  	[sflag:s22] =	ssyncset.done $0x0  }
0x39: {  	[sflag:s22] =	ssyncadd.s32 $0xFFFFF000  }
0x3a: {  	s6 =	sshll.u32 s1, $0xA;
	_ =	swait.ge [sflag:s22], $0x1000  }
0x3b: {  	s7 =	sor.u32 $0x200, s6;
	[sflag:s22] =	ssyncset.done $0x0  }
0x3c: {  	s8 =	sadd.s32 s4, s7;
	[sflag:s22] =	ssyncadd.s32 $0xFFFFF000  }
0x3d: {  	[tilespmem:s23], [sflag:$0x2] =	stream.linear.gather [hbm4b:s8+s3], $0x1000, $0x38;
	[tilespmem:$0x19C00] =	vst v63  }
0x3e: {  	s10 =	sadd.s32 s2, s7  }
0x3f: {  	[tilespmem:s24], [sflag:$0x2] =	stream.linear.gather [hbm4b:s10+s3], $0x1000, $0x38;
	[tilespmem:$0x19C00] =	vst v63  }
0x40: {  	s9 =	simm.s32 $0x14C80;
	s7 =	sadd.s32 s5, s7  }
0x41: {  	[tilespmem:s25], [sflag:$0x2] =	stream.linear.gather [hbm4b:s7+s3], $0x1000, $0x38;
	[tilespmem:$0x19C00] =	vst v63  }
0x42: {  	s8 =	simm.s32 $0x15C80;
	s10 =	simm.s32 $0x13C80;
	s7 =	simm.s32 $0xFFFFFFF0  }
.LBB2_5:
0x43: {  	v1 =	vld [tilespmem:s10+$0xFFFFFF80];
	_ =	sdelay $0x5  }
0x44: {  	v2 =	vld [tilespmem:s9+$0xFFFFFF80]  }
0x45: {  	v3 =	vld [tilespmem:s8+$0xFFFFFF80]  }
0x46: {  	v4 =	vld.idx.msk [tilespmem:v1+s3+$0x0], $0xffff;
	_ =	sdelay $0x4  }
0x47: {  	v4 =	vmul.f32 v4, v3;
	_ =	sdelay $0x1  }
0x48: {  	[tilespmem:v2+s26+$0x0] =	vst.idx.add.f32.msk $0xffff, v4  }
0x49: {  	v4 =	vld.idx.msk [tilespmem:v1+s19+$0x0], $0xffff;
	_ =	sdelay $0x4  }
0x4a: {  	v4 =	vmul.f32 v4, v3;
	_ =	sdelay $0x1  }
0x4b: {  	[tilespmem:v2+s28+$0x0] =	vst.idx.add.f32.msk $0xffff, v4  }
0x4c: {  	v4 =	vld.idx.msk [tilespmem:v1+s20+$0x0], $0xffff;
	_ =	sdelay $0x4  }
0x4d: {  	v4 =	vmul.f32 v4, v3;
	_ =	sdelay $0x1  }
0x4e: {  	[tilespmem:v2+s29+$0x0] =	vst.idx.add.f32.msk $0xffff, v4  }
0x4f: {  	v1 =	vld.idx.msk [tilespmem:v1+s21+$0x0], $0xffff;
	_ =	sdelay $0x4  }
0x50: {  	v1 =	vmul.f32 v1, v3;
	_ =	sdelay $0x1  }
0x51: {  	[tilespmem:v2+s30+$0x0] =	vst.idx.add.f32.msk $0xffff, v1  }
0x52: {  	v1 =	vld [tilespmem:s10+$0xFFFFFF90];
	_ =	sdelay $0x5  }
0x53: {  	v2 =	vld [tilespmem:s9+$0xFFFFFF90]  }
0x54: {  	v3 =	vld [tilespmem:s8+$0xFFFFFF90]  }
0x55: {  	v4 =	vld.idx.msk [tilespmem:v1+s3+$0x0], $0xffff;
	_ =	sdelay $0x4  }
0x56: {  	v4 =	vmul.f32 v4, v3;
	_ =	sdelay $0x1  }
0x57: {  	[tilespmem:v2+s26+$0x0] =	vst.idx.add.f32.msk $0xffff, v4  }
0x58: {  	v4 =	vld.idx.msk [tilespmem:v1+s19+$0x0], $0xffff;
	_ =	sdelay $0x4  }
0x59: {  	v4 =	vmul.f32 v4, v3;
	_ =	sdelay $0x1  }
0x5a: {  	[tilespmem:v2+s28+$0x0] =	vst.idx.add.f32.msk $0xffff, v4  }
0x5b: {  	v4 =	vld.idx.msk [tilespmem:v1+s20+$0x0], $0xffff;
	_ =	sdelay $0x4  }
0x5c: {  	v4 =	vmul.f32 v4, v3;
	_ =	sdelay $0x1  }
0x5d: {  	[tilespmem:v2+s29+$0x0] =	vst.idx.add.f32.msk $0xffff, v4  }
0x5e: {  	v1 =	vld.idx.msk [tilespmem:v1+s21+$0x0], $0xffff;
	_ =	sdelay $0x4  }
0x5f: {  	v1 =	vmul.f32 v1, v3;
	_ =	sdelay $0x1  }
0x60: {  	[tilespmem:v2+s30+$0x0] =	vst.idx.add.f32.msk $0xffff, v1  }
0x61: {  	v1 =	vld [tilespmem:s10+$0xFFFFFFA0];
	_ =	sdelay $0x5  }
0x62: {  	v2 =	vld [tilespmem:s9+$0xFFFFFFA0]  }
0x63: {  	v3 =	vld [tilespmem:s8+$0xFFFFFFA0]  }
0x64: {  	v4 =	vld.idx.msk [tilespmem:v1+s3+$0x0], $0xffff;
	_ =	sdelay $0x4  }
0x65: {  	v4 =	vmul.f32 v4, v3;
	_ =	sdelay $0x1  }
0x66: {  	[tilespmem:v2+s26+$0x0] =	vst.idx.add.f32.msk $0xffff, v4  }
0x67: {  	v4 =	vld.idx.msk [tilespmem:v1+s19+$0x0], $0xffff;
	_ =	sdelay $0x4  }
0x68: {  	v4 =	vmul.f32 v4, v3;
	_ =	sdelay $0x1  }
0x69: {  	[tilespmem:v2+s28+$0x0] =	vst.idx.add.f32.msk $0xffff, v4  }
0x6a: {  	v4 =	vld.idx.msk [tilespmem:v1+s20+$0x0], $0xffff;
	_ =	sdelay $0x4  }
0x6b: {  	v4 =	vmul.f32 v4, v3;
	_ =	sdelay $0x1  }
0x6c: {  	[tilespmem:v2+s29+$0x0] =	vst.idx.add.f32.msk $0xffff, v4  }
0x6d: {  	v1 =	vld.idx.msk [tilespmem:v1+s21+$0x0], $0xffff;
	_ =	sdelay $0x4  }
0x6e: {  	v1 =	vmul.f32 v1, v3;
	_ =	sdelay $0x1  }
0x6f: {  	[tilespmem:v2+s30+$0x0] =	vst.idx.add.f32.msk $0xffff, v1  }
0x70: {  	v1 =	vld [tilespmem:s10+$0xFFFFFFB0];
	_ =	sdelay $0x5  }
0x71: {  	v2 =	vld [tilespmem:s9+$0xFFFFFFB0]  }
0x72: {  	v3 =	vld [tilespmem:s8+$0xFFFFFFB0]  }
0x73: {  	v4 =	vld.idx.msk [tilespmem:v1+s3+$0x0], $0xffff;
	_ =	sdelay $0x4  }
0x74: {  	v4 =	vmul.f32 v4, v3;
	_ =	sdelay $0x1  }
0x75: {  	[tilespmem:v2+s26+$0x0] =	vst.idx.add.f32.msk $0xffff, v4  }
0x76: {  	v4 =	vld.idx.msk [tilespmem:v1+s19+$0x0], $0xffff;
	_ =	sdelay $0x4  }
0x77: {  	v4 =	vmul.f32 v4, v3;
	_ =	sdelay $0x1  }
0x78: {  	[tilespmem:v2+s28+$0x0] =	vst.idx.add.f32.msk $0xffff, v4  }
0x79: {  	v4 =	vld.idx.msk [tilespmem:v1+s20+$0x0], $0xffff;
	_ =	sdelay $0x4  }
0x7a: {  	v4 =	vmul.f32 v4, v3;
	_ =	sdelay $0x1  }
0x7b: {  	[tilespmem:v2+s29+$0x0] =	vst.idx.add.f32.msk $0xffff, v4  }
0x7c: {  	v1 =	vld.idx.msk [tilespmem:v1+s21+$0x0], $0xffff;
	_ =	sdelay $0x4  }
0x7d: {  	v1 =	vmul.f32 v1, v3;
	_ =	sdelay $0x1  }
0x7e: {  	[tilespmem:v2+s30+$0x0] =	vst.idx.add.f32.msk $0xffff, v1  }
0x7f: {  	v1 =	vld [tilespmem:s10+$0xFFFFFFC0];
	_ =	sdelay $0x5  }
0x80: {  	v2 =	vld [tilespmem:s9+$0xFFFFFFC0]  }
0x81: {  	v3 =	vld [tilespmem:s8+$0xFFFFFFC0]  }
0x82: {  	v4 =	vld.idx.msk [tilespmem:v1+s3+$0x0], $0xffff;
	_ =	sdelay $0x4  }
0x83: {  	v4 =	vmul.f32 v4, v3;
	_ =	sdelay $0x1  }
0x84: {  	[tilespmem:v2+s26+$0x0] =	vst.idx.add.f32.msk $0xffff, v4  }
0x85: {  	v4 =	vld.idx.msk [tilespmem:v1+s19+$0x0], $0xffff;
	_ =	sdelay $0x4  }
0x86: {  	v4 =	vmul.f32 v4, v3;
	_ =	sdelay $0x1  }
0x87: {  	[tilespmem:v2+s28+$0x0] =	vst.idx.add.f32.msk $0xffff, v4  }
0x88: {  	v4 =	vld.idx.msk [tilespmem:v1+s20+$0x0], $0xffff;
	_ =	sdelay $0x4  }
0x89: {  	v4 =	vmul.f32 v4, v3;
	_ =	sdelay $0x1  }
0x8a: {  	[tilespmem:v2+s29+$0x0] =	vst.idx.add.f32.msk $0xffff, v4  }
0x8b: {  	v1 =	vld.idx.msk [tilespmem:v1+s21+$0x0], $0xffff;
	_ =	sdelay $0x4  }
0x8c: {  	v1 =	vmul.f32 v1, v3;
	_ =	sdelay $0x1  }
0x8d: {  	[tilespmem:v2+s30+$0x0] =	vst.idx.add.f32.msk $0xffff, v1  }
0x8e: {  	v1 =	vld [tilespmem:s10+$0xFFFFFFD0];
	_ =	sdelay $0x5  }
0x8f: {  	v2 =	vld [tilespmem:s9+$0xFFFFFFD0]  }
0x90: {  	v3 =	vld [tilespmem:s8+$0xFFFFFFD0]  }
0x91: {  	v4 =	vld.idx.msk [tilespmem:v1+s3+$0x0], $0xffff;
	_ =	sdelay $0x4  }
0x92: {  	v4 =	vmul.f32 v4, v3;
	_ =	sdelay $0x1  }
0x93: {  	[tilespmem:v2+s26+$0x0] =	vst.idx.add.f32.msk $0xffff, v4  }
0x94: {  	v4 =	vld.idx.msk [tilespmem:v1+s19+$0x0], $0xffff;
	_ =	sdelay $0x4  }
0x95: {  	v4 =	vmul.f32 v4, v3;
	_ =	sdelay $0x1  }
0x96: {  	[tilespmem:v2+s28+$0x0] =	vst.idx.add.f32.msk $0xffff, v4  }
0x97: {  	v4 =	vld.idx.msk [tilespmem:v1+s20+$0x0], $0xffff;
	_ =	sdelay $0x4  }
0x98: {  	v4 =	vmul.f32 v4, v3;
	_ =	sdelay $0x1  }
0x99: {  	[tilespmem:v2+s29+$0x0] =	vst.idx.add.f32.msk $0xffff, v4  }
0x9a: {  	v1 =	vld.idx.msk [tilespmem:v1+s21+$0x0], $0xffff;
	_ =	sdelay $0x4  }
0x9b: {  	v1 =	vmul.f32 v1, v3;
	_ =	sdelay $0x1  }
0x9c: {  	[tilespmem:v2+s30+$0x0] =	vst.idx.add.f32.msk $0xffff, v1  }
0x9d: {  	v1 =	vld [tilespmem:s10+$0xFFFFFFE0];
	_ =	sdelay $0x5  }
0x9e: {  	v2 =	vld [tilespmem:s9+$0xFFFFFFE0]  }
0x9f: {  	v3 =	vld [tilespmem:s8+$0xFFFFFFE0]  }
0xa0: {  	v4 =	vld.idx.msk [tilespmem:v1+s3+$0x0], $0xffff;
	_ =	sdelay $0x4  }
0xa1: {  	v4 =	vmul.f32 v4, v3;
	_ =	sdelay $0x1  }
0xa2: {  	[tilespmem:v2+s26+$0x0] =	vst.idx.add.f32.msk $0xffff, v4  }
0xa3: {  	v4 =	vld.idx.msk [tilespmem:v1+s19+$0x0], $0xffff;
	_ =	sdelay $0x4  }
0xa4: {  	v4 =	vmul.f32 v4, v3;
	_ =	sdelay $0x1  }
0xa5: {  	[tilespmem:v2+s28+$0x0] =	vst.idx.add.f32.msk $0xffff, v4  }
0xa6: {  	v4 =	vld.idx.msk [tilespmem:v1+s20+$0x0], $0xffff;
	_ =	sdelay $0x4  }
0xa7: {  	v4 =	vmul.f32 v4, v3;
	_ =	sdelay $0x1  }
0xa8: {  	[tilespmem:v2+s29+$0x0] =	vst.idx.add.f32.msk $0xffff, v4  }
0xa9: {  	v1 =	vld.idx.msk [tilespmem:v1+s21+$0x0], $0xffff;
	_ =	sdelay $0x4  }
0xaa: {  	v1 =	vmul.f32 v1, v3;
	_ =	sdelay $0x1  }
0xab: {  	[tilespmem:v2+s30+$0x0] =	vst.idx.add.f32.msk $0xffff, v1  }
0xac: {  	v1 =	vld [tilespmem:s10+$0xFFFFFFF0];
	_ =	sdelay $0x5  }
0xad: {  	v2 =	vld [tilespmem:s9+$0xFFFFFFF0]  }
0xae: {  	v3 =	vld [tilespmem:s8+$0xFFFFFFF0]  }
0xaf: {  	v4 =	vld.idx.msk [tilespmem:v1+s3+$0x0], $0xffff;
	_ =	sdelay $0x4  }
0xb0: {  	v4 =	vmul.f32 v4, v3;
	_ =	sdelay $0x1  }
0xb1: {  	[tilespmem:v2+s26+$0x0] =	vst.idx.add.f32.msk $0xffff, v4  }
0xb2: {  	v4 =	vld.idx.msk [tilespmem:v1+s19+$0x0], $0xffff;
	_ =	sdelay $0x4  }
0xb3: {  	v4 =	vmul.f32 v4, v3;
	_ =	sdelay $0x1  }
0xb4: {  	[tilespmem:v2+s28+$0x0] =	vst.idx.add.f32.msk $0xffff, v4  }
0xb5: {  	v4 =	vld.idx.msk [tilespmem:v1+s20+$0x0], $0xffff;
	_ =	sdelay $0x4  }
0xb6: {  	v4 =	vmul.f32 v4, v3;
	_ =	sdelay $0x1  }
0xb7: {  	[tilespmem:v2+s29+$0x0] =	vst.idx.add.f32.msk $0xffff, v4  }
0xb8: {  	v1 =	vld.idx.msk [tilespmem:v1+s21+$0x0], $0xffff;
	_ =	sdelay $0x4  }
0xb9: {  	v1 =	vmul.f32 v1, v3;
	_ =	sdelay $0x1  }
0xba: {  	[tilespmem:v2+s30+$0x0] =	vst.idx.add.f32.msk $0xffff, v1  }
0xbb: {  	v1 =	vld [tilespmem:s10+$0x0];
	_ =	sdelay $0x5  }
0xbc: {  	v2 =	vld [tilespmem:s9+$0x0]  }
0xbd: {  	v3 =	vld [tilespmem:s8+$0x0]  }
0xbe: {  	v4 =	vld.idx.msk [tilespmem:v1+s3+$0x0], $0xffff;
	_ =	sdelay $0x4  }
0xbf: {  	v4 =	vmul.f32 v4, v3;
	_ =	sdelay $0x1  }
0xc0: {  	[tilespmem:v2+s26+$0x0] =	vst.idx.add.f32.msk $0xffff, v4  }
0xc1: {  	v4 =	vld.idx.msk [tilespmem:v1+s19+$0x0], $0xffff;
	_ =	sdelay $0x4  }
0xc2: {  	v4 =	vmul.f32 v4, v3;
	_ =	sdelay $0x1  }
0xc3: {  	[tilespmem:v2+s28+$0x0] =	vst.idx.add.f32.msk $0xffff, v4  }
0xc4: {  	v4 =	vld.idx.msk [tilespmem:v1+s20+$0x0], $0xffff;
	_ =	sdelay $0x4  }
0xc5: {  	v4 =	vmul.f32 v4, v3;
	_ =	sdelay $0x1  }
0xc6: {  	[tilespmem:v2+s29+$0x0] =	vst.idx.add.f32.msk $0xffff, v4  }
0xc7: {  	v1 =	vld.idx.msk [tilespmem:v1+s21+$0x0], $0xffff;
	_ =	sdelay $0x4  }
0xc8: {  	v1 =	vmul.f32 v1, v3;
	_ =	sdelay $0x1  }
0xc9: {  	[tilespmem:v2+s30+$0x0] =	vst.idx.add.f32.msk $0xffff, v1  }
0xca: {  	v1 =	vld [tilespmem:s10+$0x10];
	_ =	sdelay $0x5  }
0xcb: {  	v2 =	vld [tilespmem:s9+$0x10]  }
0xcc: {  	v3 =	vld [tilespmem:s8+$0x10]  }
0xcd: {  	v4 =	vld.idx.msk [tilespmem:v1+s3+$0x0], $0xffff;
	_ =	sdelay $0x4  }
0xce: {  	v4 =	vmul.f32 v4, v3;
	_ =	sdelay $0x1  }
0xcf: {  	[tilespmem:v2+s26+$0x0] =	vst.idx.add.f32.msk $0xffff, v4  }
0xd0: {  	v4 =	vld.idx.msk [tilespmem:v1+s19+$0x0], $0xffff;
	_ =	sdelay $0x4  }
0xd1: {  	v4 =	vmul.f32 v4, v3;
	_ =	sdelay $0x1  }
0xd2: {  	[tilespmem:v2+s28+$0x0] =	vst.idx.add.f32.msk $0xffff, v4  }
0xd3: {  	v4 =	vld.idx.msk [tilespmem:v1+s20+$0x0], $0xffff;
	_ =	sdelay $0x4  }
0xd4: {  	v4 =	vmul.f32 v4, v3;
	_ =	sdelay $0x1  }
0xd5: {  	[tilespmem:v2+s29+$0x0] =	vst.idx.add.f32.msk $0xffff, v4  }
0xd6: {  	v1 =	vld.idx.msk [tilespmem:v1+s21+$0x0], $0xffff;
	_ =	sdelay $0x4  }
0xd7: {  	v1 =	vmul.f32 v1, v3;
	_ =	sdelay $0x1  }
0xd8: {  	[tilespmem:v2+s30+$0x0] =	vst.idx.add.f32.msk $0xffff, v1  }
0xd9: {  	v1 =	vld [tilespmem:s10+$0x20];
	_ =	sdelay $0x5  }
0xda: {  	v2 =	vld [tilespmem:s9+$0x20]  }
0xdb: {  	v3 =	vld [tilespmem:s8+$0x20]  }
0xdc: {  	v4 =	vld.idx.msk [tilespmem:v1+s3+$0x0], $0xffff;
	_ =	sdelay $0x4  }
0xdd: {  	v4 =	vmul.f32 v4, v3;
	_ =	sdelay $0x1  }
0xde: {  	[tilespmem:v2+s26+$0x0] =	vst.idx.add.f32.msk $0xffff, v4  }
0xdf: {  	v4 =	vld.idx.msk [tilespmem:v1+s19+$0x0], $0xffff;
	_ =	sdelay $0x4  }
0xe0: {  	v4 =	vmul.f32 v4, v3;
	_ =	sdelay $0x1  }
0xe1: {  	[tilespmem:v2+s28+$0x0] =	vst.idx.add.f32.msk $0xffff, v4  }
0xe2: {  	v4 =	vld.idx.msk [tilespmem:v1+s20+$0x0], $0xffff;
	_ =	sdelay $0x4  }
0xe3: {  	v4 =	vmul.f32 v4, v3;
	_ =	sdelay $0x1  }
0xe4: {  	[tilespmem:v2+s29+$0x0] =	vst.idx.add.f32.msk $0xffff, v4  }
0xe5: {  	v1 =	vld.idx.msk [tilespmem:v1+s21+$0x0], $0xffff;
	_ =	sdelay $0x4  }
0xe6: {  	v1 =	vmul.f32 v1, v3;
	_ =	sdelay $0x1  }
0xe7: {  	[tilespmem:v2+s30+$0x0] =	vst.idx.add.f32.msk $0xffff, v1  }
0xe8: {  	v1 =	vld [tilespmem:s10+$0x30];
	_ =	sdelay $0x5  }
0xe9: {  	v2 =	vld [tilespmem:s9+$0x30]  }
0xea: {  	v3 =	vld [tilespmem:s8+$0x30]  }
0xeb: {  	v4 =	vld.idx.msk [tilespmem:v1+s3+$0x0], $0xffff;
	_ =	sdelay $0x4  }
0xec: {  	v4 =	vmul.f32 v4, v3;
	_ =	sdelay $0x1  }
0xed: {  	[tilespmem:v2+s26+$0x0] =	vst.idx.add.f32.msk $0xffff, v4  }
0xee: {  	v4 =	vld.idx.msk [tilespmem:v1+s19+$0x0], $0xffff;
	_ =	sdelay $0x4  }
0xef: {  	v4 =	vmul.f32 v4, v3;
	_ =	sdelay $0x1  }
0xf0: {  	[tilespmem:v2+s28+$0x0] =	vst.idx.add.f32.msk $0xffff, v4  }
0xf1: {  	v4 =	vld.idx.msk [tilespmem:v1+s20+$0x0], $0xffff;
	_ =	sdelay $0x4  }
0xf2: {  	v4 =	vmul.f32 v4, v3;
	_ =	sdelay $0x1  }
0xf3: {  	[tilespmem:v2+s29+$0x0] =	vst.idx.add.f32.msk $0xffff, v4  }
0xf4: {  	v1 =	vld.idx.msk [tilespmem:v1+s21+$0x0], $0xffff;
	_ =	sdelay $0x4  }
0xf5: {  	v1 =	vmul.f32 v1, v3;
	_ =	sdelay $0x1  }
0xf6: {  	[tilespmem:v2+s30+$0x0] =	vst.idx.add.f32.msk $0xffff, v1  }
0xf7: {  	v1 =	vld [tilespmem:s10+$0x40];
	_ =	sdelay $0x5  }
0xf8: {  	v2 =	vld [tilespmem:s9+$0x40]  }
0xf9: {  	v3 =	vld [tilespmem:s8+$0x40]  }
0xfa: {  	v4 =	vld.idx.msk [tilespmem:v1+s3+$0x0], $0xffff;
	_ =	sdelay $0x4  }
0xfb: {  	v4 =	vmul.f32 v4, v3;
	_ =	sdelay $0x1  }
0xfc: {  	[tilespmem:v2+s26+$0x0] =	vst.idx.add.f32.msk $0xffff, v4  }
0xfd: {  	v4 =	vld.idx.msk [tilespmem:v1+s19+$0x0], $0xffff;
	_ =	sdelay $0x4  }
0xfe: {  	v4 =	vmul.f32 v4, v3;
	_ =	sdelay $0x1  }
0xff: {  	[tilespmem:v2+s28+$0x0] =	vst.idx.add.f32.msk $0xffff, v4  }
0x100: {  	v4 =	vld.idx.msk [tilespmem:v1+s20+$0x0], $0xffff;
	_ =	sdelay $0x4  }
0x101: {  	v4 =	vmul.f32 v4, v3;
	_ =	sdelay $0x1  }
0x102: {  	[tilespmem:v2+s29+$0x0] =	vst.idx.add.f32.msk $0xffff, v4  }
0x103: {  	v1 =	vld.idx.msk [tilespmem:v1+s21+$0x0], $0xffff;
	_ =	sdelay $0x4  }
0x104: {  	v1 =	vmul.f32 v1, v3;
	_ =	sdelay $0x1  }
0x105: {  	[tilespmem:v2+s30+$0x0] =	vst.idx.add.f32.msk $0xffff, v1  }
0x106: {  	v1 =	vld [tilespmem:s10+$0x50];
	_ =	sdelay $0x5  }
0x107: {  	v2 =	vld [tilespmem:s9+$0x50]  }
0x108: {  	v3 =	vld [tilespmem:s8+$0x50]  }
0x109: {  	v4 =	vld.idx.msk [tilespmem:v1+s3+$0x0], $0xffff;
	_ =	sdelay $0x4  }
0x10a: {  	v4 =	vmul.f32 v4, v3;
	_ =	sdelay $0x1  }
0x10b: {  	[tilespmem:v2+s26+$0x0] =	vst.idx.add.f32.msk $0xffff, v4  }
0x10c: {  	v4 =	vld.idx.msk [tilespmem:v1+s19+$0x0], $0xffff;
	_ =	sdelay $0x4  }
0x10d: {  	v4 =	vmul.f32 v4, v3;
	_ =	sdelay $0x1  }
0x10e: {  	[tilespmem:v2+s28+$0x0] =	vst.idx.add.f32.msk $0xffff, v4  }
0x10f: {  	v4 =	vld.idx.msk [tilespmem:v1+s20+$0x0], $0xffff;
	_ =	sdelay $0x4  }
0x110: {  	v4 =	vmul.f32 v4, v3;
	_ =	sdelay $0x1  }
0x111: {  	[tilespmem:v2+s29+$0x0] =	vst.idx.add.f32.msk $0xffff, v4  }
0x112: {  	v1 =	vld.idx.msk [tilespmem:v1+s21+$0x0], $0xffff;
	_ =	sdelay $0x4  }
0x113: {  	v1 =	vmul.f32 v1, v3;
	_ =	sdelay $0x1  }
0x114: {  	[tilespmem:v2+s30+$0x0] =	vst.idx.add.f32.msk $0xffff, v1  }
0x115: {  	v1 =	vld [tilespmem:s10+$0x60];
	_ =	sdelay $0x5  }
0x116: {  	v2 =	vld [tilespmem:s9+$0x60]  }
0x117: {  	v3 =	vld [tilespmem:s8+$0x60]  }
0x118: {  	v4 =	vld.idx.msk [tilespmem:v1+s3+$0x0], $0xffff;
	_ =	sdelay $0x4  }
0x119: {  	v4 =	vmul.f32 v4, v3;
	_ =	sdelay $0x1  }
0x11a: {  	[tilespmem:v2+s26+$0x0] =	vst.idx.add.f32.msk $0xffff, v4  }
0x11b: {  	v4 =	vld.idx.msk [tilespmem:v1+s19+$0x0], $0xffff;
	_ =	sdelay $0x4  }
0x11c: {  	v4 =	vmul.f32 v4, v3;
	_ =	sdelay $0x1  }
0x11d: {  	[tilespmem:v2+s28+$0x0] =	vst.idx.add.f32.msk $0xffff, v4  }
0x11e: {  	v4 =	vld.idx.msk [tilespmem:v1+s20+$0x0], $0xffff;
	_ =	sdelay $0x4  }
0x11f: {  	v4 =	vmul.f32 v4, v3;
	_ =	sdelay $0x1  }
0x120: {  	[tilespmem:v2+s29+$0x0] =	vst.idx.add.f32.msk $0xffff, v4  }
0x121: {  	v1 =	vld.idx.msk [tilespmem:v1+s21+$0x0], $0xffff;
	_ =	sdelay $0x4  }
0x122: {  	v1 =	vmul.f32 v1, v3;
	_ =	sdelay $0x1  }
0x123: {  	[tilespmem:v2+s30+$0x0] =	vst.idx.add.f32.msk $0xffff, v1  }
0x124: {  	v1 =	vld [tilespmem:s10+$0x70];
	_ =	sdelay $0x5  }
0x125: {  	v2 =	vld [tilespmem:s9+$0x70]  }
0x126: {  	v3 =	vld [tilespmem:s8+$0x70]  }
0x127: {  	v4 =	vld.idx.msk [tilespmem:v1+s3+$0x0], $0xffff;
	_ =	sdelay $0x4  }
0x128: {  	v4 =	vmul.f32 v4, v3;
	_ =	sdelay $0x1  }
0x129: {  	[tilespmem:v2+s26+$0x0] =	vst.idx.add.f32.msk $0xffff, v4  }
0x12a: {  	v4 =	vld.idx.msk [tilespmem:v1+s19+$0x0], $0xffff;
	_ =	sdelay $0x4  }
0x12b: {  	v4 =	vmul.f32 v4, v3;
	_ =	sdelay $0x1  }
0x12c: {  	[tilespmem:v2+s28+$0x0] =	vst.idx.add.f32.msk $0xffff, v4  }
0x12d: {  	v4 =	vld.idx.msk [tilespmem:v1+s20+$0x0], $0xffff;
	_ =	sdelay $0x4  }
0x12e: {  	v4 =	vmul.f32 v4, v3;
	_ =	sdelay $0x1  }
0x12f: {  	[tilespmem:v2+s29+$0x0] =	vst.idx.add.f32.msk $0xffff, v4  }
0x130: {  	v1 =	vld.idx.msk [tilespmem:v1+s21+$0x0], $0xffff  }
0x131: {  	s7 =	sadd.s32 $0x10, s7  }
0x132: {  	p0 =	slt.u32 s7, $0xF0  }
.Ltmp1:
0x133: {  	_ = 	snop;
	(pc) =	sbr.rel @p0 .LBB2_5-.Ltmp1, $3  }
0x134: {  	_ = 	snop  }
0x135: {  	v1 =	vmul.f32 v1, v3;
	_ =	sdelay $0x1  }
0x136: {  	s8 =	sadd.s32 $0x100, s8;
	s9 =	sadd.s32 $0x100, s9;
	s10 =	sadd.s32 $0x100, s10;
	[tilespmem:v2+s30+$0x0] =	vst.idx.add.f32.msk $0xffff, v1  }
0x137: {  	_ =	swait.ge [sflag:s31], $0x1000  }
0x138: {  	[sflag:s31] =	ssyncset.done $0x0  }
0x139: {  	[sflag:s31] =	ssyncadd.s32 $0xFFFFF000  }
0x13a: {  	_ =	swait.ge [sflag:s31], $0x1000  }
0x13b: {  	[sflag:s31] =	ssyncset.done $0x0  }
0x13c: {  	[sflag:s31] =	ssyncadd.s32 $0xFFFFF000  }
0x13d: {  	_ =	swait.ge [sflag:s31], $0x1000  }
0x13e: {  	s6 =	sadd.s32 $0x400, s6;
	[sflag:s31] =	ssyncset.done $0x0  }
0x13f: {  	s7 =	sadd.s32 s4, s6;
	[sflag:s31] =	ssyncadd.s32 $0xFFFFF000  }
0x140: {  	[tilespmem:s15], [sflag:$0x1] =	stream.linear.gather [hbm4b:s7+s3], $0x1000, $0x38;
	[tilespmem:$0x19C00] =	vst v63  }
0x141: {  	s10 =	sadd.s32 s2, s6  }
0x142: {  	[tilespmem:s16], [sflag:$0x1] =	stream.linear.gather [hbm4b:s10+s3], $0x1000, $0x38;
	[tilespmem:$0x19C00] =	vst v63  }
0x143: {  	s8 =	simm.s32 $0x17C80;
	s6 =	sadd.s32 s5, s6  }
0x144: {  	[tilespmem:s17], [sflag:$0x1] =	stream.linear.gather [hbm4b:s6+s3], $0x1000, $0x38;
	[tilespmem:$0x19C00] =	vst v63  }
0x145: {  	s9 =	simm.s32 $0x16C80;
	s7 =	simm.s32 $0x18C80;
	s6 =	simm.s32 $0xFFFFFFF0  }
.LBB2_7:
0x146: {  	v1 =	vld [tilespmem:s9+$0xFFFFFF80];
	_ =	sdelay $0x5  }
0x147: {  	v2 =	vld [tilespmem:s8+$0xFFFFFF80]  }
0x148: {  	v3 =	vld [tilespmem:s7+$0xFFFFFF80]  }
0x149: {  	v4 =	vld.idx.msk [tilespmem:v1+s3+$0x0], $0xffff;
	_ =	sdelay $0x4  }
0x14a: {  	v4 =	vmul.f32 v4, v3;
	_ =	sdelay $0x1  }
0x14b: {  	[tilespmem:v2+s26+$0x0] =	vst.idx.add.f32.msk $0xffff, v4  }
0x14c: {  	v4 =	vld.idx.msk [tilespmem:v1+s19+$0x0], $0xffff;
	_ =	sdelay $0x4  }
0x14d: {  	v4 =	vmul.f32 v4, v3;
	_ =	sdelay $0x1  }
0x14e: {  	[tilespmem:v2+s28+$0x0] =	vst.idx.add.f32.msk $0xffff, v4  }
0x14f: {  	v4 =	vld.idx.msk [tilespmem:v1+s20+$0x0], $0xffff;
	_ =	sdelay $0x4  }
0x150: {  	v4 =	vmul.f32 v4, v3;
	_ =	sdelay $0x1  }
0x151: {  	[tilespmem:v2+s29+$0x0] =	vst.idx.add.f32.msk $0xffff, v4  }
0x152: {  	v1 =	vld.idx.msk [tilespmem:v1+s21+$0x0], $0xffff;
	_ =	sdelay $0x4  }
0x153: {  	v1 =	vmul.f32 v1, v3;
	_ =	sdelay $0x1  }
0x154: {  	[tilespmem:v2+s30+$0x0] =	vst.idx.add.f32.msk $0xffff, v1  }
0x155: {  	v1 =	vld [tilespmem:s9+$0xFFFFFF90];
	_ =	sdelay $0x5  }
0x156: {  	v2 =	vld [tilespmem:s8+$0xFFFFFF90]  }
0x157: {  	v3 =	vld [tilespmem:s7+$0xFFFFFF90]  }
0x158: {  	v4 =	vld.idx.msk [tilespmem:v1+s3+$0x0], $0xffff;
	_ =	sdelay $0x4  }
0x159: {  	v4 =	vmul.f32 v4, v3;
	_ =	sdelay $0x1  }
0x15a: {  	[tilespmem:v2+s26+$0x0] =	vst.idx.add.f32.msk $0xffff, v4  }
0x15b: {  	v4 =	vld.idx.msk [tilespmem:v1+s19+$0x0], $0xffff;
	_ =	sdelay $0x4  }
0x15c: {  	v4 =	vmul.f32 v4, v3;
	_ =	sdelay $0x1  }
0x15d: {  	[tilespmem:v2+s28+$0x0] =	vst.idx.add.f32.msk $0xffff, v4  }
0x15e: {  	v4 =	vld.idx.msk [tilespmem:v1+s20+$0x0], $0xffff;
	_ =	sdelay $0x4  }
0x15f: {  	v4 =	vmul.f32 v4, v3;
	_ =	sdelay $0x1  }
0x160: {  	[tilespmem:v2+s29+$0x0] =	vst.idx.add.f32.msk $0xffff, v4  }
0x161: {  	v1 =	vld.idx.msk [tilespmem:v1+s21+$0x0], $0xffff;
	_ =	sdelay $0x4  }
0x162: {  	v1 =	vmul.f32 v1, v3;
	_ =	sdelay $0x1  }
0x163: {  	[tilespmem:v2+s30+$0x0] =	vst.idx.add.f32.msk $0xffff, v1  }
0x164: {  	v1 =	vld [tilespmem:s9+$0xFFFFFFA0];
	_ =	sdelay $0x5  }
0x165: {  	v2 =	vld [tilespmem:s8+$0xFFFFFFA0]  }
0x166: {  	v3 =	vld [tilespmem:s7+$0xFFFFFFA0]  }
0x167: {  	v4 =	vld.idx.msk [tilespmem:v1+s3+$0x0], $0xffff;
	_ =	sdelay $0x4  }
0x168: {  	v4 =	vmul.f32 v4, v3;
	_ =	sdelay $0x1  }
0x169: {  	[tilespmem:v2+s26+$0x0] =	vst.idx.add.f32.msk $0xffff, v4  }
0x16a: {  	v4 =	vld.idx.msk [tilespmem:v1+s19+$0x0], $0xffff;
	_ =	sdelay $0x4  }
0x16b: {  	v4 =	vmul.f32 v4, v3;
	_ =	sdelay $0x1  }
0x16c: {  	[tilespmem:v2+s28+$0x0] =	vst.idx.add.f32.msk $0xffff, v4  }
0x16d: {  	v4 =	vld.idx.msk [tilespmem:v1+s20+$0x0], $0xffff;
	_ =	sdelay $0x4  }
0x16e: {  	v4 =	vmul.f32 v4, v3;
	_ =	sdelay $0x1  }
0x16f: {  	[tilespmem:v2+s29+$0x0] =	vst.idx.add.f32.msk $0xffff, v4  }
0x170: {  	v1 =	vld.idx.msk [tilespmem:v1+s21+$0x0], $0xffff;
	_ =	sdelay $0x4  }
0x171: {  	v1 =	vmul.f32 v1, v3;
	_ =	sdelay $0x1  }
0x172: {  	[tilespmem:v2+s30+$0x0] =	vst.idx.add.f32.msk $0xffff, v1  }
0x173: {  	v1 =	vld [tilespmem:s9+$0xFFFFFFB0];
	_ =	sdelay $0x5  }
0x174: {  	v2 =	vld [tilespmem:s8+$0xFFFFFFB0]  }
0x175: {  	v3 =	vld [tilespmem:s7+$0xFFFFFFB0]  }
0x176: {  	v4 =	vld.idx.msk [tilespmem:v1+s3+$0x0], $0xffff;
	_ =	sdelay $0x4  }
0x177: {  	v4 =	vmul.f32 v4, v3;
	_ =	sdelay $0x1  }
0x178: {  	[tilespmem:v2+s26+$0x0] =	vst.idx.add.f32.msk $0xffff, v4  }
0x179: {  	v4 =	vld.idx.msk [tilespmem:v1+s19+$0x0], $0xffff;
	_ =	sdelay $0x4  }
0x17a: {  	v4 =	vmul.f32 v4, v3;
	_ =	sdelay $0x1  }
0x17b: {  	[tilespmem:v2+s28+$0x0] =	vst.idx.add.f32.msk $0xffff, v4  }
0x17c: {  	v4 =	vld.idx.msk [tilespmem:v1+s20+$0x0], $0xffff;
	_ =	sdelay $0x4  }
0x17d: {  	v4 =	vmul.f32 v4, v3;
	_ =	sdelay $0x1  }
0x17e: {  	[tilespmem:v2+s29+$0x0] =	vst.idx.add.f32.msk $0xffff, v4  }
0x17f: {  	v1 =	vld.idx.msk [tilespmem:v1+s21+$0x0], $0xffff;
	_ =	sdelay $0x4  }
0x180: {  	v1 =	vmul.f32 v1, v3;
	_ =	sdelay $0x1  }
0x181: {  	[tilespmem:v2+s30+$0x0] =	vst.idx.add.f32.msk $0xffff, v1  }
0x182: {  	v1 =	vld [tilespmem:s9+$0xFFFFFFC0];
	_ =	sdelay $0x5  }
0x183: {  	v2 =	vld [tilespmem:s8+$0xFFFFFFC0]  }
0x184: {  	v3 =	vld [tilespmem:s7+$0xFFFFFFC0]  }
0x185: {  	v4 =	vld.idx.msk [tilespmem:v1+s3+$0x0], $0xffff;
	_ =	sdelay $0x4  }
0x186: {  	v4 =	vmul.f32 v4, v3;
	_ =	sdelay $0x1  }
0x187: {  	[tilespmem:v2+s26+$0x0] =	vst.idx.add.f32.msk $0xffff, v4  }
0x188: {  	v4 =	vld.idx.msk [tilespmem:v1+s19+$0x0], $0xffff;
	_ =	sdelay $0x4  }
0x189: {  	v4 =	vmul.f32 v4, v3;
	_ =	sdelay $0x1  }
0x18a: {  	[tilespmem:v2+s28+$0x0] =	vst.idx.add.f32.msk $0xffff, v4  }
0x18b: {  	v4 =	vld.idx.msk [tilespmem:v1+s20+$0x0], $0xffff;
	_ =	sdelay $0x4  }
0x18c: {  	v4 =	vmul.f32 v4, v3;
	_ =	sdelay $0x1  }
0x18d: {  	[tilespmem:v2+s29+$0x0] =	vst.idx.add.f32.msk $0xffff, v4  }
0x18e: {  	v1 =	vld.idx.msk [tilespmem:v1+s21+$0x0], $0xffff;
	_ =	sdelay $0x4  }
0x18f: {  	v1 =	vmul.f32 v1, v3;
	_ =	sdelay $0x1  }
0x190: {  	[tilespmem:v2+s30+$0x0] =	vst.idx.add.f32.msk $0xffff, v1  }
0x191: {  	v1 =	vld [tilespmem:s9+$0xFFFFFFD0];
	_ =	sdelay $0x5  }
0x192: {  	v2 =	vld [tilespmem:s8+$0xFFFFFFD0]  }
0x193: {  	v3 =	vld [tilespmem:s7+$0xFFFFFFD0]  }
0x194: {  	v4 =	vld.idx.msk [tilespmem:v1+s3+$0x0], $0xffff;
	_ =	sdelay $0x4  }
0x195: {  	v4 =	vmul.f32 v4, v3;
	_ =	sdelay $0x1  }
0x196: {  	[tilespmem:v2+s26+$0x0] =	vst.idx.add.f32.msk $0xffff, v4  }
0x197: {  	v4 =	vld.idx.msk [tilespmem:v1+s19+$0x0], $0xffff;
	_ =	sdelay $0x4  }
0x198: {  	v4 =	vmul.f32 v4, v3;
	_ =	sdelay $0x1  }
0x199: {  	[tilespmem:v2+s28+$0x0] =	vst.idx.add.f32.msk $0xffff, v4  }
0x19a: {  	v4 =	vld.idx.msk [tilespmem:v1+s20+$0x0], $0xffff;
	_ =	sdelay $0x4  }
0x19b: {  	v4 =	vmul.f32 v4, v3;
	_ =	sdelay $0x1  }
0x19c: {  	[tilespmem:v2+s29+$0x0] =	vst.idx.add.f32.msk $0xffff, v4  }
0x19d: {  	v1 =	vld.idx.msk [tilespmem:v1+s21+$0x0], $0xffff;
	_ =	sdelay $0x4  }
0x19e: {  	v1 =	vmul.f32 v1, v3;
	_ =	sdelay $0x1  }
0x19f: {  	[tilespmem:v2+s30+$0x0] =	vst.idx.add.f32.msk $0xffff, v1  }
0x1a0: {  	v1 =	vld [tilespmem:s9+$0xFFFFFFE0];
	_ =	sdelay $0x5  }
0x1a1: {  	v2 =	vld [tilespmem:s8+$0xFFFFFFE0]  }
0x1a2: {  	v3 =	vld [tilespmem:s7+$0xFFFFFFE0]  }
0x1a3: {  	v4 =	vld.idx.msk [tilespmem:v1+s3+$0x0], $0xffff;
	_ =	sdelay $0x4  }
0x1a4: {  	v4 =	vmul.f32 v4, v3;
	_ =	sdelay $0x1  }
0x1a5: {  	[tilespmem:v2+s26+$0x0] =	vst.idx.add.f32.msk $0xffff, v4  }
0x1a6: {  	v4 =	vld.idx.msk [tilespmem:v1+s19+$0x0], $0xffff;
	_ =	sdelay $0x4  }
0x1a7: {  	v4 =	vmul.f32 v4, v3;
	_ =	sdelay $0x1  }
0x1a8: {  	[tilespmem:v2+s28+$0x0] =	vst.idx.add.f32.msk $0xffff, v4  }
0x1a9: {  	v4 =	vld.idx.msk [tilespmem:v1+s20+$0x0], $0xffff;
	_ =	sdelay $0x4  }
0x1aa: {  	v4 =	vmul.f32 v4, v3;
	_ =	sdelay $0x1  }
0x1ab: {  	[tilespmem:v2+s29+$0x0] =	vst.idx.add.f32.msk $0xffff, v4  }
0x1ac: {  	v1 =	vld.idx.msk [tilespmem:v1+s21+$0x0], $0xffff;
	_ =	sdelay $0x4  }
0x1ad: {  	v1 =	vmul.f32 v1, v3;
	_ =	sdelay $0x1  }
0x1ae: {  	[tilespmem:v2+s30+$0x0] =	vst.idx.add.f32.msk $0xffff, v1  }
0x1af: {  	v1 =	vld [tilespmem:s9+$0xFFFFFFF0];
	_ =	sdelay $0x5  }
0x1b0: {  	v2 =	vld [tilespmem:s8+$0xFFFFFFF0]  }
0x1b1: {  	v3 =	vld [tilespmem:s7+$0xFFFFFFF0]  }
0x1b2: {  	v4 =	vld.idx.msk [tilespmem:v1+s3+$0x0], $0xffff;
	_ =	sdelay $0x4  }
0x1b3: {  	v4 =	vmul.f32 v4, v3;
	_ =	sdelay $0x1  }
0x1b4: {  	[tilespmem:v2+s26+$0x0] =	vst.idx.add.f32.msk $0xffff, v4  }
0x1b5: {  	v4 =	vld.idx.msk [tilespmem:v1+s19+$0x0], $0xffff;
	_ =	sdelay $0x4  }
0x1b6: {  	v4 =	vmul.f32 v4, v3;
	_ =	sdelay $0x1  }
0x1b7: {  	[tilespmem:v2+s28+$0x0] =	vst.idx.add.f32.msk $0xffff, v4  }
0x1b8: {  	v4 =	vld.idx.msk [tilespmem:v1+s20+$0x0], $0xffff;
	_ =	sdelay $0x4  }
0x1b9: {  	v4 =	vmul.f32 v4, v3;
	_ =	sdelay $0x1  }
0x1ba: {  	[tilespmem:v2+s29+$0x0] =	vst.idx.add.f32.msk $0xffff, v4  }
0x1bb: {  	v1 =	vld.idx.msk [tilespmem:v1+s21+$0x0], $0xffff;
	_ =	sdelay $0x4  }
0x1bc: {  	v1 =	vmul.f32 v1, v3;
	_ =	sdelay $0x1  }
0x1bd: {  	[tilespmem:v2+s30+$0x0] =	vst.idx.add.f32.msk $0xffff, v1  }
0x1be: {  	v1 =	vld [tilespmem:s9+$0x0];
	_ =	sdelay $0x5  }
0x1bf: {  	v2 =	vld [tilespmem:s8+$0x0]  }
0x1c0: {  	v3 =	vld [tilespmem:s7+$0x0]  }
0x1c1: {  	v4 =	vld.idx.msk [tilespmem:v1+s3+$0x0], $0xffff;
	_ =	sdelay $0x4  }
0x1c2: {  	v4 =	vmul.f32 v4, v3;
	_ =	sdelay $0x1  }
0x1c3: {  	[tilespmem:v2+s26+$0x0] =	vst.idx.add.f32.msk $0xffff, v4  }
0x1c4: {  	v4 =	vld.idx.msk [tilespmem:v1+s19+$0x0], $0xffff;
	_ =	sdelay $0x4  }
0x1c5: {  	v4 =	vmul.f32 v4, v3;
	_ =	sdelay $0x1  }
0x1c6: {  	[tilespmem:v2+s28+$0x0] =	vst.idx.add.f32.msk $0xffff, v4  }
0x1c7: {  	v4 =	vld.idx.msk [tilespmem:v1+s20+$0x0], $0xffff;
	_ =	sdelay $0x4  }
0x1c8: {  	v4 =	vmul.f32 v4, v3;
	_ =	sdelay $0x1  }
0x1c9: {  	[tilespmem:v2+s29+$0x0] =	vst.idx.add.f32.msk $0xffff, v4  }
0x1ca: {  	v1 =	vld.idx.msk [tilespmem:v1+s21+$0x0], $0xffff;
	_ =	sdelay $0x4  }
0x1cb: {  	v1 =	vmul.f32 v1, v3;
	_ =	sdelay $0x1  }
0x1cc: {  	[tilespmem:v2+s30+$0x0] =	vst.idx.add.f32.msk $0xffff, v1  }
0x1cd: {  	v1 =	vld [tilespmem:s9+$0x10];
	_ =	sdelay $0x5  }
0x1ce: {  	v2 =	vld [tilespmem:s8+$0x10]  }
0x1cf: {  	v3 =	vld [tilespmem:s7+$0x10]  }
0x1d0: {  	v4 =	vld.idx.msk [tilespmem:v1+s3+$0x0], $0xffff;
	_ =	sdelay $0x4  }
0x1d1: {  	v4 =	vmul.f32 v4, v3;
	_ =	sdelay $0x1  }
0x1d2: {  	[tilespmem:v2+s26+$0x0] =	vst.idx.add.f32.msk $0xffff, v4  }
0x1d3: {  	v4 =	vld.idx.msk [tilespmem:v1+s19+$0x0], $0xffff;
	_ =	sdelay $0x4  }
0x1d4: {  	v4 =	vmul.f32 v4, v3;
	_ =	sdelay $0x1  }
0x1d5: {  	[tilespmem:v2+s28+$0x0] =	vst.idx.add.f32.msk $0xffff, v4  }
0x1d6: {  	v4 =	vld.idx.msk [tilespmem:v1+s20+$0x0], $0xffff;
	_ =	sdelay $0x4  }
0x1d7: {  	v4 =	vmul.f32 v4, v3;
	_ =	sdelay $0x1  }
0x1d8: {  	[tilespmem:v2+s29+$0x0] =	vst.idx.add.f32.msk $0xffff, v4  }
0x1d9: {  	v1 =	vld.idx.msk [tilespmem:v1+s21+$0x0], $0xffff;
	_ =	sdelay $0x4  }
0x1da: {  	v1 =	vmul.f32 v1, v3;
	_ =	sdelay $0x1  }
0x1db: {  	[tilespmem:v2+s30+$0x0] =	vst.idx.add.f32.msk $0xffff, v1  }
0x1dc: {  	v1 =	vld [tilespmem:s9+$0x20];
	_ =	sdelay $0x5  }
0x1dd: {  	v2 =	vld [tilespmem:s8+$0x20]  }
0x1de: {  	v3 =	vld [tilespmem:s7+$0x20]  }
0x1df: {  	v4 =	vld.idx.msk [tilespmem:v1+s3+$0x0], $0xffff;
	_ =	sdelay $0x4  }
0x1e0: {  	v4 =	vmul.f32 v4, v3;
	_ =	sdelay $0x1  }
0x1e1: {  	[tilespmem:v2+s26+$0x0] =	vst.idx.add.f32.msk $0xffff, v4  }
0x1e2: {  	v4 =	vld.idx.msk [tilespmem:v1+s19+$0x0], $0xffff;
	_ =	sdelay $0x4  }
0x1e3: {  	v4 =	vmul.f32 v4, v3;
	_ =	sdelay $0x1  }
0x1e4: {  	[tilespmem:v2+s28+$0x0] =	vst.idx.add.f32.msk $0xffff, v4  }
0x1e5: {  	v4 =	vld.idx.msk [tilespmem:v1+s20+$0x0], $0xffff;
	_ =	sdelay $0x4  }
0x1e6: {  	v4 =	vmul.f32 v4, v3;
	_ =	sdelay $0x1  }
0x1e7: {  	[tilespmem:v2+s29+$0x0] =	vst.idx.add.f32.msk $0xffff, v4  }
0x1e8: {  	v1 =	vld.idx.msk [tilespmem:v1+s21+$0x0], $0xffff;
	_ =	sdelay $0x4  }
0x1e9: {  	v1 =	vmul.f32 v1, v3;
	_ =	sdelay $0x1  }
0x1ea: {  	[tilespmem:v2+s30+$0x0] =	vst.idx.add.f32.msk $0xffff, v1  }
0x1eb: {  	v1 =	vld [tilespmem:s9+$0x30];
	_ =	sdelay $0x5  }
0x1ec: {  	v2 =	vld [tilespmem:s8+$0x30]  }
0x1ed: {  	v3 =	vld [tilespmem:s7+$0x30]  }
0x1ee: {  	v4 =	vld.idx.msk [tilespmem:v1+s3+$0x0], $0xffff;
	_ =	sdelay $0x4  }
0x1ef: {  	v4 =	vmul.f32 v4, v3;
	_ =	sdelay $0x1  }
0x1f0: {  	[tilespmem:v2+s26+$0x0] =	vst.idx.add.f32.msk $0xffff, v4  }
0x1f1: {  	v4 =	vld.idx.msk [tilespmem:v1+s19+$0x0], $0xffff;
	_ =	sdelay $0x4  }
0x1f2: {  	v4 =	vmul.f32 v4, v3;
	_ =	sdelay $0x1  }
0x1f3: {  	[tilespmem:v2+s28+$0x0] =	vst.idx.add.f32.msk $0xffff, v4  }
0x1f4: {  	v4 =	vld.idx.msk [tilespmem:v1+s20+$0x0], $0xffff;
	_ =	sdelay $0x4  }
0x1f5: {  	v4 =	vmul.f32 v4, v3;
	_ =	sdelay $0x1  }
0x1f6: {  	[tilespmem:v2+s29+$0x0] =	vst.idx.add.f32.msk $0xffff, v4  }
0x1f7: {  	v1 =	vld.idx.msk [tilespmem:v1+s21+$0x0], $0xffff;
	_ =	sdelay $0x4  }
0x1f8: {  	v1 =	vmul.f32 v1, v3;
	_ =	sdelay $0x1  }
0x1f9: {  	[tilespmem:v2+s30+$0x0] =	vst.idx.add.f32.msk $0xffff, v1  }
0x1fa: {  	v1 =	vld [tilespmem:s9+$0x40];
	_ =	sdelay $0x5  }
0x1fb: {  	v2 =	vld [tilespmem:s8+$0x40]  }
0x1fc: {  	v3 =	vld [tilespmem:s7+$0x40]  }
0x1fd: {  	v4 =	vld.idx.msk [tilespmem:v1+s3+$0x0], $0xffff;
	_ =	sdelay $0x4  }
0x1fe: {  	v4 =	vmul.f32 v4, v3;
	_ =	sdelay $0x1  }
0x1ff: {  	[tilespmem:v2+s26+$0x0] =	vst.idx.add.f32.msk $0xffff, v4  }
0x200: {  	v4 =	vld.idx.msk [tilespmem:v1+s19+$0x0], $0xffff;
	_ =	sdelay $0x4  }
0x201: {  	v4 =	vmul.f32 v4, v3;
	_ =	sdelay $0x1  }
0x202: {  	[tilespmem:v2+s28+$0x0] =	vst.idx.add.f32.msk $0xffff, v4  }
0x203: {  	v4 =	vld.idx.msk [tilespmem:v1+s20+$0x0], $0xffff;
	_ =	sdelay $0x4  }
0x204: {  	v4 =	vmul.f32 v4, v3;
	_ =	sdelay $0x1  }
0x205: {  	[tilespmem:v2+s29+$0x0] =	vst.idx.add.f32.msk $0xffff, v4  }
0x206: {  	v1 =	vld.idx.msk [tilespmem:v1+s21+$0x0], $0xffff;
	_ =	sdelay $0x4  }
0x207: {  	v1 =	vmul.f32 v1, v3;
	_ =	sdelay $0x1  }
0x208: {  	[tilespmem:v2+s30+$0x0] =	vst.idx.add.f32.msk $0xffff, v1  }
0x209: {  	v1 =	vld [tilespmem:s9+$0x50];
	_ =	sdelay $0x5  }
0x20a: {  	v2 =	vld [tilespmem:s8+$0x50]  }
0x20b: {  	v3 =	vld [tilespmem:s7+$0x50]  }
0x20c: {  	v4 =	vld.idx.msk [tilespmem:v1+s3+$0x0], $0xffff;
	_ =	sdelay $0x4  }
0x20d: {  	v4 =	vmul.f32 v4, v3;
	_ =	sdelay $0x1  }
0x20e: {  	[tilespmem:v2+s26+$0x0] =	vst.idx.add.f32.msk $0xffff, v4  }
0x20f: {  	v4 =	vld.idx.msk [tilespmem:v1+s19+$0x0], $0xffff;
	_ =	sdelay $0x4  }
0x210: {  	v4 =	vmul.f32 v4, v3;
	_ =	sdelay $0x1  }
0x211: {  	[tilespmem:v2+s28+$0x0] =	vst.idx.add.f32.msk $0xffff, v4  }
0x212: {  	v4 =	vld.idx.msk [tilespmem:v1+s20+$0x0], $0xffff;
	_ =	sdelay $0x4  }
0x213: {  	v4 =	vmul.f32 v4, v3;
	_ =	sdelay $0x1  }
0x214: {  	[tilespmem:v2+s29+$0x0] =	vst.idx.add.f32.msk $0xffff, v4  }
0x215: {  	v1 =	vld.idx.msk [tilespmem:v1+s21+$0x0], $0xffff;
	_ =	sdelay $0x4  }
0x216: {  	v1 =	vmul.f32 v1, v3;
	_ =	sdelay $0x1  }
0x217: {  	[tilespmem:v2+s30+$0x0] =	vst.idx.add.f32.msk $0xffff, v1  }
0x218: {  	v1 =	vld [tilespmem:s9+$0x60];
	_ =	sdelay $0x5  }
0x219: {  	v2 =	vld [tilespmem:s8+$0x60]  }
0x21a: {  	v3 =	vld [tilespmem:s7+$0x60]  }
0x21b: {  	v4 =	vld.idx.msk [tilespmem:v1+s3+$0x0], $0xffff;
	_ =	sdelay $0x4  }
0x21c: {  	v4 =	vmul.f32 v4, v3;
	_ =	sdelay $0x1  }
0x21d: {  	[tilespmem:v2+s26+$0x0] =	vst.idx.add.f32.msk $0xffff, v4  }
0x21e: {  	v4 =	vld.idx.msk [tilespmem:v1+s19+$0x0], $0xffff;
	_ =	sdelay $0x4  }
0x21f: {  	v4 =	vmul.f32 v4, v3;
	_ =	sdelay $0x1  }
0x220: {  	[tilespmem:v2+s28+$0x0] =	vst.idx.add.f32.msk $0xffff, v4  }
0x221: {  	v4 =	vld.idx.msk [tilespmem:v1+s20+$0x0], $0xffff;
	_ =	sdelay $0x4  }
0x222: {  	v4 =	vmul.f32 v4, v3;
	_ =	sdelay $0x1  }
0x223: {  	[tilespmem:v2+s29+$0x0] =	vst.idx.add.f32.msk $0xffff, v4  }
0x224: {  	v1 =	vld.idx.msk [tilespmem:v1+s21+$0x0], $0xffff;
	_ =	sdelay $0x4  }
0x225: {  	v1 =	vmul.f32 v1, v3;
	_ =	sdelay $0x1  }
0x226: {  	[tilespmem:v2+s30+$0x0] =	vst.idx.add.f32.msk $0xffff, v1  }
0x227: {  	v1 =	vld [tilespmem:s9+$0x70];
	_ =	sdelay $0x5  }
0x228: {  	v2 =	vld [tilespmem:s8+$0x70]  }
0x229: {  	v3 =	vld [tilespmem:s7+$0x70]  }
0x22a: {  	v4 =	vld.idx.msk [tilespmem:v1+s3+$0x0], $0xffff;
	_ =	sdelay $0x4  }
0x22b: {  	v4 =	vmul.f32 v4, v3;
	_ =	sdelay $0x1  }
0x22c: {  	[tilespmem:v2+s26+$0x0] =	vst.idx.add.f32.msk $0xffff, v4  }
0x22d: {  	v4 =	vld.idx.msk [tilespmem:v1+s19+$0x0], $0xffff;
	_ =	sdelay $0x4  }
0x22e: {  	v4 =	vmul.f32 v4, v3;
	_ =	sdelay $0x1  }
0x22f: {  	[tilespmem:v2+s28+$0x0] =	vst.idx.add.f32.msk $0xffff, v4  }
0x230: {  	v4 =	vld.idx.msk [tilespmem:v1+s20+$0x0], $0xffff;
	_ =	sdelay $0x4  }
0x231: {  	v4 =	vmul.f32 v4, v3;
	_ =	sdelay $0x1  }
0x232: {  	[tilespmem:v2+s29+$0x0] =	vst.idx.add.f32.msk $0xffff, v4  }
0x233: {  	v1 =	vld.idx.msk [tilespmem:v1+s21+$0x0], $0xffff  }
0x234: {  	s6 =	sadd.s32 $0x10, s6  }
0x235: {  	p0 =	slt.u32 s6, $0xF0  }
.Ltmp2:
0x236: {  	_ = 	snop;
	(pc) =	sbr.rel @p0 .LBB2_7-.Ltmp2, $3  }
0x237: {  	_ = 	snop  }
0x238: {  	v1 =	vmul.f32 v1, v3;
	_ =	sdelay $0x1  }
0x239: {  	s7 =	sadd.s32 $0x100, s7;
	s8 =	sadd.s32 $0x100, s8;
	s9 =	sadd.s32 $0x100, s9;
	[tilespmem:v2+s30+$0x0] =	vst.idx.add.f32.msk $0xffff, v1  }
0x23a: {  	s1 =	sadd.s32 $0x1, s1  }
0x23b: {  	p0 =	sne.s32 s1, $0x27  }
.Ltmp3:
0x23c: {  	_ = 	snop;
	(pc) =	sbr.rel @p0 .LBB2_4-.Ltmp3, $1  }
0x23d: {  	_ =	sdelay $0x3  }
0x23e: {  	_ =	swait.ge [sflag:s22], $0x1000  }
0x23f: {  	[sflag:s22] =	ssyncset.done $0x0  }
0x240: {  	[sflag:s22] =	ssyncadd.s32 $0xFFFFF000  }
0x241: {  	_ =	swait.ge [sflag:s22], $0x1000  }
0x242: {  	[sflag:s22] =	ssyncset.done $0x0  }
0x243: {  	[sflag:s22] =	ssyncadd.s32 $0xFFFFF000  }
0x244: {  	_ =	swait.ge [sflag:s22], $0x1000  }
0x245: {  	s1 =	simm.s32 $0xFFFFFFF0;
	s6 =	simm.s32 $0x15C80;
	[sflag:s22] =	ssyncset.done $0x0  }
0x246: {  	s7 =	simm.s32 $0x14C80;
	s8 =	simm.s32 $0x13C80;
	[sflag:s22] =	ssyncadd.s32 $0xFFFFF000  }
.LBB2_10:
0x247: {  	v1 =	vld [tilespmem:s8+$0xFFFFFF80];
	_ =	sdelay $0x5  }
0x248: {  	v2 =	vld [tilespmem:s7+$0xFFFFFF80]  }
0x249: {  	v3 =	vld [tilespmem:s6+$0xFFFFFF80]  }
0x24a: {  	v4 =	vld.idx.msk [tilespmem:v1+s3+$0x0], $0xffff;
	_ =	sdelay $0x4  }
0x24b: {  	v4 =	vmul.f32 v4, v3;
	_ =	sdelay $0x1  }
0x24c: {  	[tilespmem:v2+s26+$0x0] =	vst.idx.add.f32.msk $0xffff, v4  }
0x24d: {  	v4 =	vld.idx.msk [tilespmem:v1+s19+$0x0], $0xffff;
	_ =	sdelay $0x4  }
0x24e: {  	v4 =	vmul.f32 v4, v3;
	_ =	sdelay $0x1  }
0x24f: {  	[tilespmem:v2+s28+$0x0] =	vst.idx.add.f32.msk $0xffff, v4  }
0x250: {  	v4 =	vld.idx.msk [tilespmem:v1+s20+$0x0], $0xffff;
	_ =	sdelay $0x4  }
0x251: {  	v4 =	vmul.f32 v4, v3;
	_ =	sdelay $0x1  }
0x252: {  	[tilespmem:v2+s29+$0x0] =	vst.idx.add.f32.msk $0xffff, v4  }
0x253: {  	v1 =	vld.idx.msk [tilespmem:v1+s21+$0x0], $0xffff;
	_ =	sdelay $0x4  }
0x254: {  	v1 =	vmul.f32 v1, v3;
	_ =	sdelay $0x1  }
0x255: {  	[tilespmem:v2+s30+$0x0] =	vst.idx.add.f32.msk $0xffff, v1  }
0x256: {  	v1 =	vld [tilespmem:s8+$0xFFFFFF90];
	_ =	sdelay $0x5  }
0x257: {  	v2 =	vld [tilespmem:s7+$0xFFFFFF90]  }
0x258: {  	v3 =	vld [tilespmem:s6+$0xFFFFFF90]  }
0x259: {  	v4 =	vld.idx.msk [tilespmem:v1+s3+$0x0], $0xffff;
	_ =	sdelay $0x4  }
0x25a: {  	v4 =	vmul.f32 v4, v3;
	_ =	sdelay $0x1  }
0x25b: {  	[tilespmem:v2+s26+$0x0] =	vst.idx.add.f32.msk $0xffff, v4  }
0x25c: {  	v4 =	vld.idx.msk [tilespmem:v1+s19+$0x0], $0xffff;
	_ =	sdelay $0x4  }
0x25d: {  	v4 =	vmul.f32 v4, v3;
	_ =	sdelay $0x1  }
0x25e: {  	[tilespmem:v2+s28+$0x0] =	vst.idx.add.f32.msk $0xffff, v4  }
0x25f: {  	v4 =	vld.idx.msk [tilespmem:v1+s20+$0x0], $0xffff;
	_ =	sdelay $0x4  }
0x260: {  	v4 =	vmul.f32 v4, v3;
	_ =	sdelay $0x1  }
0x261: {  	[tilespmem:v2+s29+$0x0] =	vst.idx.add.f32.msk $0xffff, v4  }
0x262: {  	v1 =	vld.idx.msk [tilespmem:v1+s21+$0x0], $0xffff;
	_ =	sdelay $0x4  }
0x263: {  	v1 =	vmul.f32 v1, v3;
	_ =	sdelay $0x1  }
0x264: {  	[tilespmem:v2+s30+$0x0] =	vst.idx.add.f32.msk $0xffff, v1  }
0x265: {  	v1 =	vld [tilespmem:s8+$0xFFFFFFA0];
	_ =	sdelay $0x5  }
0x266: {  	v2 =	vld [tilespmem:s7+$0xFFFFFFA0]  }
0x267: {  	v3 =	vld [tilespmem:s6+$0xFFFFFFA0]  }
0x268: {  	v4 =	vld.idx.msk [tilespmem:v1+s3+$0x0], $0xffff;
	_ =	sdelay $0x4  }
0x269: {  	v4 =	vmul.f32 v4, v3;
	_ =	sdelay $0x1  }
0x26a: {  	[tilespmem:v2+s26+$0x0] =	vst.idx.add.f32.msk $0xffff, v4  }
0x26b: {  	v4 =	vld.idx.msk [tilespmem:v1+s19+$0x0], $0xffff;
	_ =	sdelay $0x4  }
0x26c: {  	v4 =	vmul.f32 v4, v3;
	_ =	sdelay $0x1  }
0x26d: {  	[tilespmem:v2+s28+$0x0] =	vst.idx.add.f32.msk $0xffff, v4  }
0x26e: {  	v4 =	vld.idx.msk [tilespmem:v1+s20+$0x0], $0xffff;
	_ =	sdelay $0x4  }
0x26f: {  	v4 =	vmul.f32 v4, v3;
	_ =	sdelay $0x1  }
0x270: {  	[tilespmem:v2+s29+$0x0] =	vst.idx.add.f32.msk $0xffff, v4  }
0x271: {  	v1 =	vld.idx.msk [tilespmem:v1+s21+$0x0], $0xffff;
	_ =	sdelay $0x4  }
0x272: {  	v1 =	vmul.f32 v1, v3;
	_ =	sdelay $0x1  }
0x273: {  	[tilespmem:v2+s30+$0x0] =	vst.idx.add.f32.msk $0xffff, v1  }
0x274: {  	v1 =	vld [tilespmem:s8+$0xFFFFFFB0];
	_ =	sdelay $0x5  }
0x275: {  	v2 =	vld [tilespmem:s7+$0xFFFFFFB0]  }
0x276: {  	v3 =	vld [tilespmem:s6+$0xFFFFFFB0]  }
0x277: {  	v4 =	vld.idx.msk [tilespmem:v1+s3+$0x0], $0xffff;
	_ =	sdelay $0x4  }
0x278: {  	v4 =	vmul.f32 v4, v3;
	_ =	sdelay $0x1  }
0x279: {  	[tilespmem:v2+s26+$0x0] =	vst.idx.add.f32.msk $0xffff, v4  }
0x27a: {  	v4 =	vld.idx.msk [tilespmem:v1+s19+$0x0], $0xffff;
	_ =	sdelay $0x4  }
0x27b: {  	v4 =	vmul.f32 v4, v3;
	_ =	sdelay $0x1  }
0x27c: {  	[tilespmem:v2+s28+$0x0] =	vst.idx.add.f32.msk $0xffff, v4  }
0x27d: {  	v4 =	vld.idx.msk [tilespmem:v1+s20+$0x0], $0xffff;
	_ =	sdelay $0x4  }
0x27e: {  	v4 =	vmul.f32 v4, v3;
	_ =	sdelay $0x1  }
0x27f: {  	[tilespmem:v2+s29+$0x0] =	vst.idx.add.f32.msk $0xffff, v4  }
0x280: {  	v1 =	vld.idx.msk [tilespmem:v1+s21+$0x0], $0xffff;
	_ =	sdelay $0x4  }
0x281: {  	v1 =	vmul.f32 v1, v3;
	_ =	sdelay $0x1  }
0x282: {  	[tilespmem:v2+s30+$0x0] =	vst.idx.add.f32.msk $0xffff, v1  }
0x283: {  	v1 =	vld [tilespmem:s8+$0xFFFFFFC0];
	_ =	sdelay $0x5  }
0x284: {  	v2 =	vld [tilespmem:s7+$0xFFFFFFC0]  }
0x285: {  	v3 =	vld [tilespmem:s6+$0xFFFFFFC0]  }
0x286: {  	v4 =	vld.idx.msk [tilespmem:v1+s3+$0x0], $0xffff;
	_ =	sdelay $0x4  }
0x287: {  	v4 =	vmul.f32 v4, v3;
	_ =	sdelay $0x1  }
0x288: {  	[tilespmem:v2+s26+$0x0] =	vst.idx.add.f32.msk $0xffff, v4  }
0x289: {  	v4 =	vld.idx.msk [tilespmem:v1+s19+$0x0], $0xffff;
	_ =	sdelay $0x4  }
0x28a: {  	v4 =	vmul.f32 v4, v3;
	_ =	sdelay $0x1  }
0x28b: {  	[tilespmem:v2+s28+$0x0] =	vst.idx.add.f32.msk $0xffff, v4  }
0x28c: {  	v4 =	vld.idx.msk [tilespmem:v1+s20+$0x0], $0xffff;
	_ =	sdelay $0x4  }
0x28d: {  	v4 =	vmul.f32 v4, v3;
	_ =	sdelay $0x1  }
0x28e: {  	[tilespmem:v2+s29+$0x0] =	vst.idx.add.f32.msk $0xffff, v4  }
0x28f: {  	v1 =	vld.idx.msk [tilespmem:v1+s21+$0x0], $0xffff;
	_ =	sdelay $0x4  }
0x290: {  	v1 =	vmul.f32 v1, v3;
	_ =	sdelay $0x1  }
0x291: {  	[tilespmem:v2+s30+$0x0] =	vst.idx.add.f32.msk $0xffff, v1  }
0x292: {  	v1 =	vld [tilespmem:s8+$0xFFFFFFD0];
	_ =	sdelay $0x5  }
0x293: {  	v2 =	vld [tilespmem:s7+$0xFFFFFFD0]  }
0x294: {  	v3 =	vld [tilespmem:s6+$0xFFFFFFD0]  }
0x295: {  	v4 =	vld.idx.msk [tilespmem:v1+s3+$0x0], $0xffff;
	_ =	sdelay $0x4  }
0x296: {  	v4 =	vmul.f32 v4, v3;
	_ =	sdelay $0x1  }
0x297: {  	[tilespmem:v2+s26+$0x0] =	vst.idx.add.f32.msk $0xffff, v4  }
0x298: {  	v4 =	vld.idx.msk [tilespmem:v1+s19+$0x0], $0xffff;
	_ =	sdelay $0x4  }
0x299: {  	v4 =	vmul.f32 v4, v3;
	_ =	sdelay $0x1  }
0x29a: {  	[tilespmem:v2+s28+$0x0] =	vst.idx.add.f32.msk $0xffff, v4  }
0x29b: {  	v4 =	vld.idx.msk [tilespmem:v1+s20+$0x0], $0xffff;
	_ =	sdelay $0x4  }
0x29c: {  	v4 =	vmul.f32 v4, v3;
	_ =	sdelay $0x1  }
0x29d: {  	[tilespmem:v2+s29+$0x0] =	vst.idx.add.f32.msk $0xffff, v4  }
0x29e: {  	v1 =	vld.idx.msk [tilespmem:v1+s21+$0x0], $0xffff;
	_ =	sdelay $0x4  }
0x29f: {  	v1 =	vmul.f32 v1, v3;
	_ =	sdelay $0x1  }
0x2a0: {  	[tilespmem:v2+s30+$0x0] =	vst.idx.add.f32.msk $0xffff, v1  }
0x2a1: {  	v1 =	vld [tilespmem:s8+$0xFFFFFFE0];
	_ =	sdelay $0x5  }
0x2a2: {  	v2 =	vld [tilespmem:s7+$0xFFFFFFE0]  }
0x2a3: {  	v3 =	vld [tilespmem:s6+$0xFFFFFFE0]  }
0x2a4: {  	v4 =	vld.idx.msk [tilespmem:v1+s3+$0x0], $0xffff;
	_ =	sdelay $0x4  }
0x2a5: {  	v4 =	vmul.f32 v4, v3;
	_ =	sdelay $0x1  }
0x2a6: {  	[tilespmem:v2+s26+$0x0] =	vst.idx.add.f32.msk $0xffff, v4  }
0x2a7: {  	v4 =	vld.idx.msk [tilespmem:v1+s19+$0x0], $0xffff;
	_ =	sdelay $0x4  }
0x2a8: {  	v4 =	vmul.f32 v4, v3;
	_ =	sdelay $0x1  }
0x2a9: {  	[tilespmem:v2+s28+$0x0] =	vst.idx.add.f32.msk $0xffff, v4  }
0x2aa: {  	v4 =	vld.idx.msk [tilespmem:v1+s20+$0x0], $0xffff;
	_ =	sdelay $0x4  }
0x2ab: {  	v4 =	vmul.f32 v4, v3;
	_ =	sdelay $0x1  }
0x2ac: {  	[tilespmem:v2+s29+$0x0] =	vst.idx.add.f32.msk $0xffff, v4  }
0x2ad: {  	v1 =	vld.idx.msk [tilespmem:v1+s21+$0x0], $0xffff;
	_ =	sdelay $0x4  }
0x2ae: {  	v1 =	vmul.f32 v1, v3;
	_ =	sdelay $0x1  }
0x2af: {  	[tilespmem:v2+s30+$0x0] =	vst.idx.add.f32.msk $0xffff, v1  }
0x2b0: {  	v1 =	vld [tilespmem:s8+$0xFFFFFFF0];
	_ =	sdelay $0x5  }
0x2b1: {  	v2 =	vld [tilespmem:s7+$0xFFFFFFF0]  }
0x2b2: {  	v3 =	vld [tilespmem:s6+$0xFFFFFFF0]  }
0x2b3: {  	v4 =	vld.idx.msk [tilespmem:v1+s3+$0x0], $0xffff;
	_ =	sdelay $0x4  }
0x2b4: {  	v4 =	vmul.f32 v4, v3;
	_ =	sdelay $0x1  }
0x2b5: {  	[tilespmem:v2+s26+$0x0] =	vst.idx.add.f32.msk $0xffff, v4  }
0x2b6: {  	v4 =	vld.idx.msk [tilespmem:v1+s19+$0x0], $0xffff;
	_ =	sdelay $0x4  }
0x2b7: {  	v4 =	vmul.f32 v4, v3;
	_ =	sdelay $0x1  }
0x2b8: {  	[tilespmem:v2+s28+$0x0] =	vst.idx.add.f32.msk $0xffff, v4  }
0x2b9: {  	v4 =	vld.idx.msk [tilespmem:v1+s20+$0x0], $0xffff;
	_ =	sdelay $0x4  }
0x2ba: {  	v4 =	vmul.f32 v4, v3;
	_ =	sdelay $0x1  }
0x2bb: {  	[tilespmem:v2+s29+$0x0] =	vst.idx.add.f32.msk $0xffff, v4  }
0x2bc: {  	v1 =	vld.idx.msk [tilespmem:v1+s21+$0x0], $0xffff;
	_ =	sdelay $0x4  }
0x2bd: {  	v1 =	vmul.f32 v1, v3;
	_ =	sdelay $0x1  }
0x2be: {  	[tilespmem:v2+s30+$0x0] =	vst.idx.add.f32.msk $0xffff, v1  }
0x2bf: {  	v1 =	vld [tilespmem:s8+$0x0];
	_ =	sdelay $0x5  }
0x2c0: {  	v2 =	vld [tilespmem:s7+$0x0]  }
0x2c1: {  	v3 =	vld [tilespmem:s6+$0x0]  }
0x2c2: {  	v4 =	vld.idx.msk [tilespmem:v1+s3+$0x0], $0xffff;
	_ =	sdelay $0x4  }
0x2c3: {  	v4 =	vmul.f32 v4, v3;
	_ =	sdelay $0x1  }
0x2c4: {  	[tilespmem:v2+s26+$0x0] =	vst.idx.add.f32.msk $0xffff, v4  }
0x2c5: {  	v4 =	vld.idx.msk [tilespmem:v1+s19+$0x0], $0xffff;
	_ =	sdelay $0x4  }
0x2c6: {  	v4 =	vmul.f32 v4, v3;
	_ =	sdelay $0x1  }
0x2c7: {  	[tilespmem:v2+s28+$0x0] =	vst.idx.add.f32.msk $0xffff, v4  }
0x2c8: {  	v4 =	vld.idx.msk [tilespmem:v1+s20+$0x0], $0xffff;
	_ =	sdelay $0x4  }
0x2c9: {  	v4 =	vmul.f32 v4, v3;
	_ =	sdelay $0x1  }
0x2ca: {  	[tilespmem:v2+s29+$0x0] =	vst.idx.add.f32.msk $0xffff, v4  }
0x2cb: {  	v1 =	vld.idx.msk [tilespmem:v1+s21+$0x0], $0xffff;
	_ =	sdelay $0x4  }
0x2cc: {  	v1 =	vmul.f32 v1, v3;
	_ =	sdelay $0x1  }
0x2cd: {  	[tilespmem:v2+s30+$0x0] =	vst.idx.add.f32.msk $0xffff, v1  }
0x2ce: {  	v1 =	vld [tilespmem:s8+$0x10];
	_ =	sdelay $0x5  }
0x2cf: {  	v2 =	vld [tilespmem:s7+$0x10]  }
0x2d0: {  	v3 =	vld [tilespmem:s6+$0x10]  }
0x2d1: {  	v4 =	vld.idx.msk [tilespmem:v1+s3+$0x0], $0xffff;
	_ =	sdelay $0x4  }
0x2d2: {  	v4 =	vmul.f32 v4, v3;
	_ =	sdelay $0x1  }
0x2d3: {  	[tilespmem:v2+s26+$0x0] =	vst.idx.add.f32.msk $0xffff, v4  }
0x2d4: {  	v4 =	vld.idx.msk [tilespmem:v1+s19+$0x0], $0xffff;
	_ =	sdelay $0x4  }
0x2d5: {  	v4 =	vmul.f32 v4, v3;
	_ =	sdelay $0x1  }
0x2d6: {  	[tilespmem:v2+s28+$0x0] =	vst.idx.add.f32.msk $0xffff, v4  }
0x2d7: {  	v4 =	vld.idx.msk [tilespmem:v1+s20+$0x0], $0xffff;
	_ =	sdelay $0x4  }
0x2d8: {  	v4 =	vmul.f32 v4, v3;
	_ =	sdelay $0x1  }
0x2d9: {  	[tilespmem:v2+s29+$0x0] =	vst.idx.add.f32.msk $0xffff, v4  }
0x2da: {  	v1 =	vld.idx.msk [tilespmem:v1+s21+$0x0], $0xffff;
	_ =	sdelay $0x4  }
0x2db: {  	v1 =	vmul.f32 v1, v3;
	_ =	sdelay $0x1  }
0x2dc: {  	[tilespmem:v2+s30+$0x0] =	vst.idx.add.f32.msk $0xffff, v1  }
0x2dd: {  	v1 =	vld [tilespmem:s8+$0x20];
	_ =	sdelay $0x5  }
0x2de: {  	v2 =	vld [tilespmem:s7+$0x20]  }
0x2df: {  	v3 =	vld [tilespmem:s6+$0x20]  }
0x2e0: {  	v4 =	vld.idx.msk [tilespmem:v1+s3+$0x0], $0xffff;
	_ =	sdelay $0x4  }
0x2e1: {  	v4 =	vmul.f32 v4, v3;
	_ =	sdelay $0x1  }
0x2e2: {  	[tilespmem:v2+s26+$0x0] =	vst.idx.add.f32.msk $0xffff, v4  }
0x2e3: {  	v4 =	vld.idx.msk [tilespmem:v1+s19+$0x0], $0xffff;
	_ =	sdelay $0x4  }
0x2e4: {  	v4 =	vmul.f32 v4, v3;
	_ =	sdelay $0x1  }
0x2e5: {  	[tilespmem:v2+s28+$0x0] =	vst.idx.add.f32.msk $0xffff, v4  }
0x2e6: {  	v4 =	vld.idx.msk [tilespmem:v1+s20+$0x0], $0xffff;
	_ =	sdelay $0x4  }
0x2e7: {  	v4 =	vmul.f32 v4, v3;
	_ =	sdelay $0x1  }
0x2e8: {  	[tilespmem:v2+s29+$0x0] =	vst.idx.add.f32.msk $0xffff, v4  }
0x2e9: {  	v1 =	vld.idx.msk [tilespmem:v1+s21+$0x0], $0xffff;
	_ =	sdelay $0x4  }
0x2ea: {  	v1 =	vmul.f32 v1, v3;
	_ =	sdelay $0x1  }
0x2eb: {  	[tilespmem:v2+s30+$0x0] =	vst.idx.add.f32.msk $0xffff, v1  }
0x2ec: {  	v1 =	vld [tilespmem:s8+$0x30];
	_ =	sdelay $0x5  }
0x2ed: {  	v2 =	vld [tilespmem:s7+$0x30]  }
0x2ee: {  	v3 =	vld [tilespmem:s6+$0x30]  }
0x2ef: {  	v4 =	vld.idx.msk [tilespmem:v1+s3+$0x0], $0xffff;
	_ =	sdelay $0x4  }
0x2f0: {  	v4 =	vmul.f32 v4, v3;
	_ =	sdelay $0x1  }
0x2f1: {  	[tilespmem:v2+s26+$0x0] =	vst.idx.add.f32.msk $0xffff, v4  }
0x2f2: {  	v4 =	vld.idx.msk [tilespmem:v1+s19+$0x0], $0xffff;
	_ =	sdelay $0x4  }
0x2f3: {  	v4 =	vmul.f32 v4, v3;
	_ =	sdelay $0x1  }
0x2f4: {  	[tilespmem:v2+s28+$0x0] =	vst.idx.add.f32.msk $0xffff, v4  }
0x2f5: {  	v4 =	vld.idx.msk [tilespmem:v1+s20+$0x0], $0xffff;
	_ =	sdelay $0x4  }
0x2f6: {  	v4 =	vmul.f32 v4, v3;
	_ =	sdelay $0x1  }
0x2f7: {  	[tilespmem:v2+s29+$0x0] =	vst.idx.add.f32.msk $0xffff, v4  }
0x2f8: {  	v1 =	vld.idx.msk [tilespmem:v1+s21+$0x0], $0xffff;
	_ =	sdelay $0x4  }
0x2f9: {  	v1 =	vmul.f32 v1, v3;
	_ =	sdelay $0x1  }
0x2fa: {  	[tilespmem:v2+s30+$0x0] =	vst.idx.add.f32.msk $0xffff, v1  }
0x2fb: {  	v1 =	vld [tilespmem:s8+$0x40];
	_ =	sdelay $0x5  }
0x2fc: {  	v2 =	vld [tilespmem:s7+$0x40]  }
0x2fd: {  	v3 =	vld [tilespmem:s6+$0x40]  }
0x2fe: {  	v4 =	vld.idx.msk [tilespmem:v1+s3+$0x0], $0xffff;
	_ =	sdelay $0x4  }
0x2ff: {  	v4 =	vmul.f32 v4, v3;
	_ =	sdelay $0x1  }
0x300: {  	[tilespmem:v2+s26+$0x0] =	vst.idx.add.f32.msk $0xffff, v4  }
0x301: {  	v4 =	vld.idx.msk [tilespmem:v1+s19+$0x0], $0xffff;
	_ =	sdelay $0x4  }
0x302: {  	v4 =	vmul.f32 v4, v3;
	_ =	sdelay $0x1  }
0x303: {  	[tilespmem:v2+s28+$0x0] =	vst.idx.add.f32.msk $0xffff, v4  }
0x304: {  	v4 =	vld.idx.msk [tilespmem:v1+s20+$0x0], $0xffff;
	_ =	sdelay $0x4  }
0x305: {  	v4 =	vmul.f32 v4, v3;
	_ =	sdelay $0x1  }
0x306: {  	[tilespmem:v2+s29+$0x0] =	vst.idx.add.f32.msk $0xffff, v4  }
0x307: {  	v1 =	vld.idx.msk [tilespmem:v1+s21+$0x0], $0xffff;
	_ =	sdelay $0x4  }
0x308: {  	v1 =	vmul.f32 v1, v3;
	_ =	sdelay $0x1  }
0x309: {  	[tilespmem:v2+s30+$0x0] =	vst.idx.add.f32.msk $0xffff, v1  }
0x30a: {  	v1 =	vld [tilespmem:s8+$0x50];
	_ =	sdelay $0x5  }
0x30b: {  	v2 =	vld [tilespmem:s7+$0x50]  }
0x30c: {  	v3 =	vld [tilespmem:s6+$0x50]  }
0x30d: {  	v4 =	vld.idx.msk [tilespmem:v1+s3+$0x0], $0xffff;
	_ =	sdelay $0x4  }
0x30e: {  	v4 =	vmul.f32 v4, v3;
	_ =	sdelay $0x1  }
0x30f: {  	[tilespmem:v2+s26+$0x0] =	vst.idx.add.f32.msk $0xffff, v4  }
0x310: {  	v4 =	vld.idx.msk [tilespmem:v1+s19+$0x0], $0xffff;
	_ =	sdelay $0x4  }
0x311: {  	v4 =	vmul.f32 v4, v3;
	_ =	sdelay $0x1  }
0x312: {  	[tilespmem:v2+s28+$0x0] =	vst.idx.add.f32.msk $0xffff, v4  }
0x313: {  	v4 =	vld.idx.msk [tilespmem:v1+s20+$0x0], $0xffff;
	_ =	sdelay $0x4  }
0x314: {  	v4 =	vmul.f32 v4, v3;
	_ =	sdelay $0x1  }
0x315: {  	[tilespmem:v2+s29+$0x0] =	vst.idx.add.f32.msk $0xffff, v4  }
0x316: {  	v1 =	vld.idx.msk [tilespmem:v1+s21+$0x0], $0xffff;
	_ =	sdelay $0x4  }
0x317: {  	v1 =	vmul.f32 v1, v3;
	_ =	sdelay $0x1  }
0x318: {  	[tilespmem:v2+s30+$0x0] =	vst.idx.add.f32.msk $0xffff, v1  }
0x319: {  	v1 =	vld [tilespmem:s8+$0x60];
	_ =	sdelay $0x5  }
0x31a: {  	v2 =	vld [tilespmem:s7+$0x60]  }
0x31b: {  	v3 =	vld [tilespmem:s6+$0x60]  }
0x31c: {  	v4 =	vld.idx.msk [tilespmem:v1+s3+$0x0], $0xffff;
	_ =	sdelay $0x4  }
0x31d: {  	v4 =	vmul.f32 v4, v3;
	_ =	sdelay $0x1  }
0x31e: {  	[tilespmem:v2+s26+$0x0] =	vst.idx.add.f32.msk $0xffff, v4  }
0x31f: {  	v4 =	vld.idx.msk [tilespmem:v1+s19+$0x0], $0xffff;
	_ =	sdelay $0x4  }
0x320: {  	v4 =	vmul.f32 v4, v3;
	_ =	sdelay $0x1  }
0x321: {  	[tilespmem:v2+s28+$0x0] =	vst.idx.add.f32.msk $0xffff, v4  }
0x322: {  	v4 =	vld.idx.msk [tilespmem:v1+s20+$0x0], $0xffff;
	_ =	sdelay $0x4  }
0x323: {  	v4 =	vmul.f32 v4, v3;
	_ =	sdelay $0x1  }
0x324: {  	[tilespmem:v2+s29+$0x0] =	vst.idx.add.f32.msk $0xffff, v4  }
0x325: {  	v1 =	vld.idx.msk [tilespmem:v1+s21+$0x0], $0xffff;
	_ =	sdelay $0x4  }
0x326: {  	v1 =	vmul.f32 v1, v3;
	_ =	sdelay $0x1  }
0x327: {  	[tilespmem:v2+s30+$0x0] =	vst.idx.add.f32.msk $0xffff, v1  }
0x328: {  	v1 =	vld [tilespmem:s8+$0x70];
	_ =	sdelay $0x5  }
0x329: {  	v2 =	vld [tilespmem:s7+$0x70]  }
0x32a: {  	v3 =	vld [tilespmem:s6+$0x70]  }
0x32b: {  	v4 =	vld.idx.msk [tilespmem:v1+s3+$0x0], $0xffff;
	_ =	sdelay $0x4  }
0x32c: {  	v4 =	vmul.f32 v4, v3;
	_ =	sdelay $0x1  }
0x32d: {  	[tilespmem:v2+s26+$0x0] =	vst.idx.add.f32.msk $0xffff, v4  }
0x32e: {  	v4 =	vld.idx.msk [tilespmem:v1+s19+$0x0], $0xffff;
	_ =	sdelay $0x4  }
0x32f: {  	v4 =	vmul.f32 v4, v3;
	_ =	sdelay $0x1  }
0x330: {  	[tilespmem:v2+s28+$0x0] =	vst.idx.add.f32.msk $0xffff, v4  }
0x331: {  	v4 =	vld.idx.msk [tilespmem:v1+s20+$0x0], $0xffff;
	_ =	sdelay $0x4  }
0x332: {  	v4 =	vmul.f32 v4, v3;
	_ =	sdelay $0x1  }
0x333: {  	[tilespmem:v2+s29+$0x0] =	vst.idx.add.f32.msk $0xffff, v4  }
0x334: {  	v1 =	vld.idx.msk [tilespmem:v1+s21+$0x0], $0xffff  }
0x335: {  	s1 =	sadd.s32 $0x10, s1  }
0x336: {  	p0 =	slt.u32 s1, $0xF0  }
.Ltmp4:
0x337: {  	_ = 	snop;
	(pc) =	sbr.rel @p0 .LBB2_10-.Ltmp4, $3  }
0x338: {  	_ = 	snop  }
0x339: {  	v1 =	vmul.f32 v1, v3;
	_ =	sdelay $0x1  }
0x33a: {  	s6 =	sadd.s32 $0x100, s6;
	s7 =	sadd.s32 $0x100, s7;
	s8 =	sadd.s32 $0x100, s8;
	[tilespmem:v2+s30+$0x0] =	vst.idx.add.f32.msk $0xffff, v1  }
0x33b: {  	s1 =	rddreg [dreg:$0x7]  }
0x33c: {  	[hbm4b:s1+s3] =	stream.linear.scatter [tilespmem:s26], [sflag:$0x3], $0x2710, $0x38;
	[tilespmem:$0x19C00] =	vst v63  }
0x33d: {  	_ =	swait.ge [sflag:s18], $0x2710  }
0x33e: {  	[sflag:s18] =	ssyncset.done $0x0  }
0x33f: {  	[sflag:s18] =	ssyncadd.s32 $0xFFFFD8F0  }
0x340: {  	[hbm4b:s11+s3] =	stream.linear.scatter [tilespmem:s28], [sflag:$0x3], $0x2710, $0x38;
	[tilespmem:$0x19C00] =	vst v63  }
0x341: {  	_ =	swait.ge [sflag:s18], $0x2710  }
0x342: {  	[sflag:s18] =	ssyncset.done $0x0  }
0x343: {  	[sflag:s18] =	ssyncadd.s32 $0xFFFFD8F0  }
0x344: {  	[hbm4b:s12+s3] =	stream.linear.scatter [tilespmem:s29], [sflag:$0x3], $0x2710, $0x38;
	[tilespmem:$0x19C00] =	vst v63  }
0x345: {  	s0 =	sadd.s32 $0x1, s0;
	_ =	swait.ge [sflag:s18], $0x2710  }
0x346: {  	p0 =	sne.s32 s0, s14;
	[sflag:s18] =	ssyncset.done $0x0  }
.Ltmp5:
0x347: {  	[sflag:s18] =	ssyncadd.s32 $0xFFFFD8F0;
	(pc) =	sbr.rel @p0 .LBB2_1-.Ltmp5, $4  }
0x348: {  	[hbm4b:s13+s3] =	stream.linear.scatter [tilespmem:s30], [sflag:$0x3], $0x2710, $0x38;
	[tilespmem:$0x19C00] =	vst v63  }
0x349: {  	_ =	swait.ge [sflag:s18], $0x2710  }
0x34a: {  	[sflag:s18] =	ssyncset.done $0x0  }
0x34b: {  	[sflag:s18] =	ssyncadd.s32 $0xFFFFD8F0  }
0x34c: {  	_ =	sfence.sel $0x180000  }
0x34d: {  	[bflag:$0x0] =	sbarrier.arrive $0xFFFF  }
0x34e: {  	_ =	strace $0x9000004A  }
0x34f: {  	s0 =	stileid.u32;
	[bflag:$0x2] =	sbarrier.arrive $0xFFFF  }
0x350: {  	p0 =	sne.s32 s0, $0x0;
	s0 =	rddreg [dreg:$0x2]  }
0x351: {  	s0 =	sadd.s32 @!p0 $0x100000, s0  }
0x352: {  	[sflag:s0] =	ssyncadd.tile.s32 @!p0 $0x1;
	_ =	shalt  }
.Lfunc_end2:
_tile_overlayer_lowered:
.L_overlay_start_2:
0x353: {  	(tag) =	ssettag $0x2  }
0x354: {  	s0 =	rddreg [dreg:$0x0];
	s2 =	stileid.u32  }
0x355: {  	s1 =	rddreg [dreg:$0x1];
	p0 =	sne.s32 s2, $0x0  }
0x356: {  	s3 =	rddreg [dreg:$0x2];
	[bflag:$0x3] =	sbarrier.arrive $0xFFFF;
	s2 =	simm.s32 @!p0 $0x1C03  }
0x357: {  	[timem:s3], [sflag:s2] =	dma.local @!p0 [hbm:s0], s1  }
0x358: {  	s0 =	simm.s32 @!p0 $0x3  }
0x359: {  	_ =	swait.ge @!p0 [sflag:s0], s1  }
0x35a: {  	s1 =	ssub.s32 @!p0 $0x0, s1;
	[sflag:s0] =	ssyncset.done @!p0 $0x0  }
0x35b: {  	[sflag:s0] =	ssyncadd.s32 @!p0 s1  }
0x35c: {  	[bflag:$0x3] =	sbarrier.arrive $0xFFFF  }
0x35d: {  	_ =	shalt  }

// kernel: kernel.14.cloned.1.call-start
scs
__scs_entry_jumppad:
0x0: {  	(pc) =	sbr.rel $0x88, $3  }
0x1: {  	(tag) =	ssettag $0x0;
	lr =	simm.s32 $0x1  }
0x2: {  	[smem:$0x3F96] =	sst lr;
	_ =	strace $0xD0000000  }
0x3: {  	_ = 	snop  }
0x4: {  	_ = 	snop  }
0x5: {  	_ = 	snop  }
0x6: {  	_ = 	snop  }
0x7: {  	_ = 	snop  }
__scs_overlays_trampoline_lowered:
0x8: {  	[smem:$0x3FA5] =	sst s0  }
0x9: {  	[smem:$0x3FA6] =	sst s1  }
0xa: {  	[smem:$0x3FA7] =	sst s2  }
0xb: {  	[smem:$0x3FA8] =	sst s3  }
0xc: {  	[smem:$0x3FA9] =	sst s4  }
0xd: {  	[smem:$0x3FAA] =	sst s5  }
0xe: {  	[smem:$0x3FAB] =	sst s6  }
0xf: {  	[smem:$0x3FAC] =	sst s7  }
0x10: {  	[smem:$0x3FAD] =	sst s8  }
0x11: {  	[smem:$0x3FAE] =	sst s9;
	s0 =	simm.s32 @!p0 $0x0  }
0x12: {  	s1 =	sld [smem:$0x3F94];
	s0 =	simm.s32 @p0 $0x1  }
0x13: {  	[smem:$0x3FAF] =	sst s0;
	s0 =	simm.s32 @!p1 $0x0  }
0x14: {  	s2 =	sld [smem:$0x3F93];
	s0 =	simm.s32 @p1 $0x1  }
0x15: {  	[smem:$0x3FB0] =	sst s0;
	s0 =	simm.s32 @!p2 $0x0  }
0x16: {  	s3 =	sld [smem:$0x3FDB];
	s0 =	simm.s32 @p2 $0x1  }
0x17: {  	s4 =	simm.s32 $0x1BF5;
	[smem:$0x3FB2] =	sst s0  }
0x18: {  	s0 =	sld [smem:$0x3F95];
	_ =	swait.ge [sflag:s4], $0x0  }
0x19: {  	s7 =	sld [smem:$0x3F96]  }
0x1a: {  	s8 =	sadd.s32 $0xFFFFE003, lr  }
0x1b: {  	s9 =	sadd.s32 $0xFFFFFEF7, lr;
	s5 =	simm.s32 $0xFFFFFFFF;
	p2 =	slt.u32 s8, $0xFFFFF086  }
0x1c: {  	p1 =	slt.u32 s9, $0xF7A;
	s5 =	simm.s32 @!p2 $0x0  }
0x1d: {  	s5 =	simm.s32 @p1 $0x1;
	p0 =	seq.s32 s7, s2  }
0x1e: {  	s7 =	smul.u32 @!p0 $0xF7A, s2;
	p2 =	seq.s32 @!p0 s5, $0x0  }
0x1f: {  	s9 =	smul.u32 $0xF7A, s1;
	s8 =	simm.s32 @!p0 $0x1BF5;
	p2 =	por !p2, p0  }
0x20: {  	[sflag:s8] =	ssyncset.s32 @!p0 $0xFFFFF086;
	s6 =	sadd.s32 @!p0 s3, s7;
	s7 =	simm.s32 @!p0 $0x108  }
0x21: {  	s3 =	sadd.s32 s3, s9;
	s6 =	sadd.s32 @!p0 $0x88, s6;
	s7 =	simm.s32 @p2 $0x1082  }
0x22: {  	[simem:s7], [sflag:s8] =	dma.local @!p0 [hbm:s6], $0xF7A  }
0x23: {  	s9 =	sor.u32 $0xD0000000, s2;
	s6 =	simm.s32 $0x108;
	_ =	swait.ge @!p0 [sflag:s8], $0x0  }
0x24: {  	s3 =	sadd.s32 $0x88, s3;
	s6 =	simm.s32 @!p1 $0x1082;
	[sflag:s4] =	ssyncset.s32 $0xFFFFF086  }
0x25: {  	[simem:s6], [sflag:s4] =	dma.local [hbm:s3], $0xF7A  }
0x26: {  	[smem:$0x3F96] =	sst s1;
	(tag) =	ssettag s2;
	_ =	strace s9  }
0x27: {  	s1 =	sld [smem:$0x3FA6]  }
0x28: {  	s2 =	sld [smem:$0x3FA7]  }
0x29: {  	s4 =	sld [smem:$0x3FA9]  }
0x2a: {  	p0 =	seq.s32 s5, $0x0;
	s5 =	sld [smem:$0x3FAA]  }
0x2b: {  	s6 =	sld [smem:$0x3FAB]  }
0x2c: {  	s7 =	sld [smem:$0x3FAC]  }
0x2d: {  	s3 =	simm.s32 $0x108;
	s8 =	sld [smem:$0x3FAD]  }
0x2e: {  	s3 =	simm.s32 @!p0 $0x1082;
	s9 =	sld [smem:$0x3FAE]  }
0x2f: {  	lr =	sadd.s32 s0, s3;
	s0 =	sld [smem:$0x3FA5]  }
0x30: {  	s3 =	sld [smem:$0x3FA8]  }
0x31: {  	[smem:$0x3FB1] =	sst s10  }
0x32: {  	s10 =	sld [smem:$0x3FAF];
	_ =	sdelay $0x3  }
0x33: {  	p0 =	seq.s32 s10, $0x1;
	s10 =	sld [smem:$0x3FB1];
	_ =	sdelay $0x3  }
0x34: {  	[smem:$0x3FB1] =	sst s10  }
0x35: {  	s10 =	sld [smem:$0x3FB0];
	_ =	sdelay $0x3  }
0x36: {  	p1 =	seq.s32 s10, $0x1;
	s10 =	sld [smem:$0x3FB1];
	_ =	sdelay $0x3  }
0x37: {  	[smem:$0x3FB1] =	sst s10  }
0x38: {  	s10 =	sld [smem:$0x3FB2]  }
0x39: {  	_ = 	snop;
	(pc) =	sbr.ind lr, $3  }
0x3a: {  	_ = 	snop  }
0x3b: {  	_ = 	snop  }
0x3c: {  	p2 =	seq.s32 s10, $0x1;
	s10 =	sld [smem:$0x3FB1]  }
0x3d: {  	_ =	shalt  }
0x3e: {  	_ =	shalt  }
0x3f: {  	_ =	shalt  }
0x40: {  	_ =	shalt  }
0x41: {  	_ =	shalt  }
0x42: {  	_ =	shalt  }
0x43: {  	_ =	shalt  }
0x44: {  	_ =	shalt  }
0x45: {  	_ =	shalt  }
0x46: {  	_ =	shalt  }
0x47: {  	_ =	shalt  }
0x48: {  	_ =	shalt  }
0x49: {  	_ =	shalt  }
0x4a: {  	_ =	shalt  }
0x4b: {  	_ =	shalt  }
0x4c: {  	_ =	shalt  }
0x4d: {  	_ =	shalt  }
0x4e: {  	_ =	shalt  }
0x4f: {  	_ =	shalt  }
0x50: {  	_ =	shalt  }
0x51: {  	_ =	shalt  }
0x52: {  	_ =	shalt  }
0x53: {  	_ =	shalt  }
0x54: {  	_ =	shalt  }
0x55: {  	_ =	shalt  }
0x56: {  	_ =	shalt  }
0x57: {  	_ =	shalt  }
0x58: {  	_ =	shalt  }
0x59: {  	_ =	shalt  }
0x5a: {  	_ =	shalt  }
0x5b: {  	_ =	shalt  }
0x5c: {  	_ =	shalt  }
0x5d: {  	_ =	shalt  }
0x5e: {  	_ =	shalt  }
0x5f: {  	_ =	shalt  }
0x60: {  	_ =	shalt  }
0x61: {  	_ =	shalt  }
0x62: {  	_ =	shalt  }
0x63: {  	_ =	shalt  }
0x64: {  	_ =	shalt  }
0x65: {  	_ =	shalt  }
0x66: {  	_ =	shalt  }
0x67: {  	_ =	shalt  }
0x68: {  	_ =	shalt  }
0x69: {  	_ =	shalt  }
0x6a: {  	_ =	shalt  }
0x6b: {  	_ =	shalt  }
0x6c: {  	_ =	shalt  }
0x6d: {  	_ =	shalt  }
0x6e: {  	_ =	shalt  }
0x6f: {  	_ =	shalt  }
0x70: {  	_ =	shalt  }
0x71: {  	_ =	shalt  }
0x72: {  	_ =	shalt  }
0x73: {  	_ =	shalt  }
0x74: {  	_ =	shalt  }
0x75: {  	_ =	shalt  }
0x76: {  	_ =	shalt  }
0x77: {  	_ =	shalt  }
0x78: {  	_ =	shalt  }
0x79: {  	_ =	shalt  }
0x7a: {  	_ =	shalt  }
0x7b: {  	_ =	shalt  }
0x7c: {  	_ =	shalt  }
0x7d: {  	_ =	shalt  }
0x7e: {  	_ =	shalt  }
0x7f: {  	_ =	shalt  }
0x80: {  	_ =	shalt  }
0x81: {  	_ =	shalt  }
0x82: {  	_ =	shalt  }
0x83: {  	_ =	shalt  }
0x84: {  	_ =	shalt  }
0x85: {  	_ =	shalt  }
0x86: {  	_ =	shalt  }
0x87: {  	_ =	shalt  }
.Lfunc_end0:
.L_simem_size_0:
called_computation.2_lowered:
.L_overlay_start_0:
0x88: {  	s2 =	sld [smem:$0x3FD9]  }
0x89: {  	s3 =	sld [smem:$0x3FFE];
	_ =	sdelay $0x1  }
0x8a: {  	s1 =	srdreg.scid  }
0x8b: {  	s0 =	sand.u32 $0x1, s1  }
0x8c: {  	s17 =	sshll.u32 s0, $0xA;
	s2 =	sadd.s32 s3, s2  }
0x8d: {  	s2 =	sadd.s32 s2, s17  }
0x8e: {  	[smem:$0x3FBD] =	sst s2  }
0x8f: {  	_ = 	snop  }
0x90: {  	s2 =	sld [smem:$0x3FD0];
	(tm) =	ssettm $0x1  }
0x91: {  	s18 =	sld [smem:$0x3FFB];
	_ =	sdelay $0x3  }
0x92: {  	_ =	strace s18  }
0x93: {  	s3 =	sld [smem:$0x3FFC];
	_ =	sdelay $0x3  }
0x94: {  	_ =	strace s3  }
0x95: {  	s3 =	sld [smem:$0x3FFD];
	_ =	sdelay $0x3  }
0x96: {  	_ =	strace s3  }
0x97: {  	_ =	strace $0x8FFFFFFF  }
0x98: {  	s19 =	sld [smem:$0x3FDB];
	_ =	sdelay $0x1  }
0x99: {  	s4 =	simm.s32 $_scs_section_size  }
0x9a: {  	s5 =	simm.s32 $_size__tile_overlayer_lowered;
	s6 =	simm.s32 $_tile_overlayer_lowered  }
0x9b: {  	s22 =	simm.s32 $0x1BFF;
	s21 =	sshll.u32 s6, $0x1;
	s3 =	sadd.s32 s4, s19  }
0x9c: {  	s7 =	simm.s32 $0x0;
	s20 =	sshll.u32 s5, $0x1;
	s5 =	sadd.s32 s21, s3  }
0x9d: {  	[timem:s7], [sflag:s22] =	dma.local [hbm:s5], s20  }
0x9e: {  	_ =	swait.ge [sflag:s22], s20  }
0x9f: {  	s4 =	ssub.s32 $0x0, s20;
	[sflag:s22] =	ssyncset.done $0x0  }
0xa0: {  	[sflag:s22] =	ssyncadd.s32 s4;
	_ =	sdelay $0x1  }
0xa1: {  	s23 =	simm.s32 $0x1B8B  }
0xa2: {  	_ =	swait.ge [sflag:s23], $0x1  }
0xa3: {  	[sflag:s23] =	ssyncset.done $0x0  }
0xa4: {  	s25 =	simm.s32 $0x1B8E;
	s24 =	sld [smem:$0x3FFE];
	[sflag:s23] =	ssyncadd.s32 $0xFFFFFFFF  }
0xa5: {  	s26 =	simm.s32 $execute0_lowered;
	[smem:$0x3FD2] =	sst s25  }
0xa6: {  	s5 =	sshll.u32 s26, $0x1;
	_ =	strace $0x8000004C;
	[dreg:$0x1] =	wrdreg $0xFFFFFFFF  }
0xa7: {  	s28 =	simm.s32 $_size_execute0_lowered;
	s3 =	sadd.s32 s3, s5;
	[dreg:$0x0] =	wrdreg $0x0  }
0xa8: {  	s5 =	sshll.u32 s28, $0x1;
	[dreg:$0x2] =	wrdreg s3  }
0xa9: {  	[dreg:$0x3] =	wrdreg s5  }
0xaa: {  	[dreg:$0x4] =	wrdreg $0xC0  }
0xab: {  	_ =	task [dreg:s7], $0x5FFFF  }
0xac: {  	[dreg:$0x1] =	wrdreg $0xFFFFFFFF  }
0xad: {  	[dreg:$0x0] =	wrdreg $0x60  }
0xae: {  	[dreg:$0x2] =	wrdreg s24  }
0xaf: {  	[dreg:$0x3] =	wrdreg s2  }
0xb0: {  	[dreg:$0x4] =	wrdreg $0x9  }
0xb1: {  	_ =	task.clear_ibuf [dreg:s7], $0x5FFFF;
	_ =	strace $0x9000004C  }
0xb2: {  	s29 =	simm.s32 $0x9;
	_ =	strace $0x8000004E  }
0xb3: {  	_ =	swait.ge [sflag:s29], $0x1  }
0xb4: {  	[sflag:s29] =	ssyncadd.s32 $0xFFFFFFFF  }
0xb5: {  	_ =	strace $0x9000004E  }
0xb6: {  	_ =	sfence  }
0xb7: {  	s30 =	sld [smem:$0x0];
	_ =	sdelay $0x2  }
0xb8: {  	s31 =	sshll.u32 s1, $0xD;
	s1 =	sshrl.u32 s1, $0x2  }
0xb9: {  	s3 =	sand.u32 $0x4000, s31;
	s1 =	sadd.s32 s1, s30  }
0xba: {  	s0 =	sor.u32 s3, s0;
	s1 =	sshll.u32 s1, $0x11  }
0xbb: {  	s0 =	sor.u32 s1, s0  }
0xbc: {  	s0 =	sadd.s32 $0x8F2B, s0  }
0xbd: {  	[sflag:s0] =	ssyncadd.remote.s32 $0x1  }
0xbe: {  	_ =	sfence.sel $0xFFFF  }
0xbf: {  	[dreg:$0x0] =	wrdreg $0xFFFFFFFF;
	(pc) =	sbr.abs _section_cstart, $3  }
0xc0: {  	[dreg:$0x1] =	wrdreg $0xFFFFFFFF  }
0xc1: {  	_ =	task.clear_ibuf [dreg:s7], $0x2FFFF;
	_ =	strace $0x9FFFFFFF  }
0xc2: {  	(tm) =	ssettm $0x7FFFFFFF  }
0xc3: {  	_ =	shalt  }
tec
execute0_lowered:
.L_overlay_start_1:
0x0: {  	(tag) =	ssettag $0x1  }
0x1: {  	s0 =	rddreg [dreg:$0x0]  }
0x2: {  	s2 =	rddreg [dreg:$0x1];
	s3 =	simm.s32 $0x0  }
0x3: {  	s1 =	srdreg.scid;
	s4 =	stileid.u32;
	s15 =	simm.s32 $0x13C00  }
0x4: {  	s16 =	simm.s32 $0x14C00;
	s17 =	simm.s32 $0x15C00;
	s18 =	simm.s32 $0x3  }
0x5: {  	s19 =	simm.s32 $0x2780;
	s20 =	simm.s32 $0x4F00;
	s21 =	simm.s32 $0x7680  }
0x6: {  	s22 =	simm.s32 $0x1;
	s23 =	simm.s32 $0x16C00;
	s28 =	simm.s32 $0xC580  }
0x7: {  	s29 =	simm.s32 $0xED00;
	s30 =	simm.s32 $0x11480;
	s31 =	simm.s32 $0x2  }
0x8: {  	[smem:$0x7FF] =	sst s3;
	s1 =	sand.u32 $0x1, s1;
	s4 =	sshll.u32 s4, $0x1  }
0x9: {  	s7 =	sadd.s32 $0x1F800, s0;
	s5 =	sadd.s32 $0x1E00, s0;
	s6 =	sor.u32 s1, s4  }
0xa: {  	_ =	strace $0x8000004D;
	s1 =	ssub.s32 $0x2, s1;
	s8 =	smul.u32 $0x9C40, s6  }
0xb: {  	s4 =	sadd.s32 $0x15A00, s0;
	s6 =	smul.u32 $0x1388, s6;
	s9 =	sshrl.u32 s1, $0x1  }
0xc: {  	s0 =	sadd.s32 $0x46A00, s0;
	s1 =	ssub.s32 s1, s9;
	s8 =	sshrl.u32 s8, $0x3  }
0xd: {  	s24 =	sadd.s32 s7, s6;
	s6 =	sadd.s32 s0, s6;
	s14 =	smax.u32 s1, $0x1  }
0xe: {  	[dreg:$0x3] =	wrdreg s24;
	s25 =	sadd.s32 $0x4E2, s8;
	s26 =	sadd.s32 $0x9C4, s8  }
0xf: {  	s8 =	sadd.s32 $0xEA6, s8;
	[dreg:$0x7] =	wrdreg s6;
	s10 =	sadd.s32 s7, s25  }
0x10: {  	s24 =	simm.s32 $0x17C00;
	s11 =	sadd.s32 s7, s26;
	[dreg:$0x4] =	wrdreg s10  }
0x11: {  	s7 =	sadd.s32 s7, s8;
	s12 =	sadd.s32 s0, s26;
	[dreg:$0x5] =	wrdreg s11  }
0x12: {  	s13 =	sadd.s32 s0, s8;
	s26 =	simm.s32 $0x9E00;
	[dreg:$0x6] =	wrdreg s7  }
0x13: {  	v0 =	vimm.f32 $0.0e+00;
	s11 =	sadd.s32 s0, s25;
	s25 =	simm.s32 $0x18C00;
	s0 =	simm.s32 $0x0  }
.LBB2_1:
0x14: {  	s6 =	simm.s32 $0x40;
	s1 =	simm.s32 $0x0  }
.LBB2_2:
0x15: {  	p0 =	sne.s32 s6, $0x9C00;
	[tilespmem:s1+$0x11480] =	vst v0;
	s7 =	smov.u32 s6;
	s6 =	sadd.s32 $0x40, s6  }
.Ltmp0:
0x16: {  	[tilespmem:s1+$0xED00] =	vst v0;
	(pc) =	sbr.rel @p0 .LBB2_2-.Ltmp0, $3  }
0x17: {  	[tilespmem:s1+$0x9E00] =	vst v0  }
0x18: {  	[tilespmem:s1+$0xC580] =	vst v0;
	_ =	sdelay $0x1  }
0x19: {  	s1 =	sshra.s32 s7, $0x2  }
0x1a: {  	[tilespmem:s1+$0x11480] =	vst v0  }
0x1b: {  	[tilespmem:s1+$0xED00] =	vst v0  }
0x1c: {  	[tilespmem:s1+$0x9E00] =	vst v0  }
0x1d: {  	[tilespmem:s1+$0xC580] =	vst v0;
	s1 =	simm.s32 $0x0  }
0x1e: {  	[tilespmem:s15], [sflag:$0x1] =	stream.linear.gather [hbm4b:s4+s1], $0x1000, $0x38;
	[tilespmem:$0x19C00] =	vst v63  }
0x1f: {  	_ = 	snop  }
0x20: {  	[tilespmem:s16], [sflag:$0x1] =	stream.linear.gather [hbm4b:s2+s1], $0x1000, $0x38;
	[tilespmem:$0x19C00] =	vst v63  }
0x21: {  	_ = 	snop  }
0x22: {  	[tilespmem:s17], [sflag:$0x1] =	stream.linear.gather [hbm4b:s5+s1], $0x1000, $0x38;
	[tilespmem:$0x19C00] =	vst v63  }
0x23: {  	s6 =	rddreg [dreg:$0x3]  }
0x24: {  	[tilespmem:s1], [sflag:$0x3] =	stream.linear.gather [hbm4b:s6+s1], $0x2710, $0x38;
	[tilespmem:$0x19C00] =	vst v63  }
0x25: {  	_ =	swait.ge [sflag:s18], $0x2710  }
0x26: {  	[sflag:s18] =	ssyncset.done $0x0  }
0x27: {  	s8 =	rddreg [dreg:$0x4];
	[sflag:s18] =	ssyncadd.s32 $0xFFFFD8F0  }
0x28: {  	[tilespmem:s19], [sflag:$0x3] =	stream.linear.gather [hbm4b:s8+s1], $0x2710, $0x38;
	[tilespmem:$0x19C00] =	vst v63  }
0x29: {  	_ =	swait.ge [sflag:s18], $0x2710  }
0x2a: {  	[sflag:s18] =	ssyncset.done $0x0  }
0x2b: {  	s9 =	rddreg [dreg:$0x5];
	[sflag:s18] =	ssyncadd.s32 $0xFFFFD8F0  }
0x2c: {  	[tilespmem:s20], [sflag:$0x3] =	stream.linear.gather [hbm4b:s9+s1], $0x2710, $0x38;
	[tilespmem:$0x19C00] =	vst v63  }
0x2d: {  	_ =	swait.ge [sflag:s18], $0x2710  }
0x2e: {  	[sflag:s18] =	ssyncset.done $0x0  }
0x2f: {  	s10 =	rddreg [dreg:$0x6];
	[sflag:s18] =	ssyncadd.s32 $0xFFFFD8F0  }
0x30: {  	[tilespmem:s21], [sflag:$0x3] =	stream.linear.gather [hbm4b:s10+s1], $0x2710, $0x38;
	[tilespmem:$0x19C00] =	vst v63  }
0x31: {  	_ =	swait.ge [sflag:s18], $0x2710  }
0x32: {  	[sflag:s18] =	ssyncset.done $0x0  }
0x33: {  	[sflag:s18] =	ssyncadd.s32 $0xFFFFD8F0  }
.LBB2_4:
0x34: {  	_ =	swait.ge [sflag:s22], $0x1000  }
0x35: {  	[sflag:s22] =	ssyncset.done $0x0  }
0x36: {  	[sflag:s22] =	ssyncadd.s32 $0xFFFFF000  }
0x37: {  	_ =	swait.ge [sflag:s22], $0x1000  }
0x38: {  	[sflag:s22] =	ssyncset.done $0x0  }
0x39: {  	[sflag:s22] =	ssyncadd.s32 $0xFFFFF000  }
0x3a: {  	s6 =	sshll.u32 s1, $0xA;
	_ =	swait.ge [sflag:s22], $0x1000  }
0x3b: {  	s7 =	sor.u32 $0x200, s6;
	[sflag:s22] =	ssyncset.done $0x0  }
0x3c: {  	s8 =	sadd.s32 s4, s7;
	[sflag:s22] =	ssyncadd.s32 $0xFFFFF000  }
0x3d: {  	[tilespmem:s23], [sflag:$0x2] =	stream.linear.gather [hbm4b:s8+s3], $0x1000, $0x38;
	[tilespmem:$0x19C00] =	vst v63  }
0x3e: {  	s10 =	sadd.s32 s2, s7  }
0x3f: {  	[tilespmem:s24], [sflag:$0x2] =	stream.linear.gather [hbm4b:s10+s3], $0x1000, $0x38;
	[tilespmem:$0x19C00] =	vst v63  }
0x40: {  	s9 =	simm.s32 $0x14C80;
	s7 =	sadd.s32 s5, s7  }
0x41: {  	[tilespmem:s25], [sflag:$0x2] =	stream.linear.gather [hbm4b:s7+s3], $0x1000, $0x38;
	[tilespmem:$0x19C00] =	vst v63  }
0x42: {  	s8 =	simm.s32 $0x15C80;
	s10 =	simm.s32 $0x13C80;
	s7 =	simm.s32 $0xFFFFFFF0  }
.LBB2_5:
0x43: {  	v1 =	vld [tilespmem:s10+$0xFFFFFF80];
	_ =	sdelay $0x5  }
0x44: {  	v2 =	vld [tilespmem:s9+$0xFFFFFF80]  }
0x45: {  	v3 =	vld [tilespmem:s8+$0xFFFFFF80]  }
0x46: {  	v4 =	vld.idx.msk [tilespmem:v1+s3+$0x0], $0xffff;
	_ =	sdelay $0x4  }
0x47: {  	v4 =	vmul.f32 v4, v3;
	_ =	sdelay $0x1  }
0x48: {  	[tilespmem:v2+s26+$0x0] =	vst.idx.add.f32.msk $0xffff, v4  }
0x49: {  	v4 =	vld.idx.msk [tilespmem:v1+s19+$0x0], $0xffff;
	_ =	sdelay $0x4  }
0x4a: {  	v4 =	vmul.f32 v4, v3;
	_ =	sdelay $0x1  }
0x4b: {  	[tilespmem:v2+s28+$0x0] =	vst.idx.add.f32.msk $0xffff, v4  }
0x4c: {  	v4 =	vld.idx.msk [tilespmem:v1+s20+$0x0], $0xffff;
	_ =	sdelay $0x4  }
0x4d: {  	v4 =	vmul.f32 v4, v3;
	_ =	sdelay $0x1  }
0x4e: {  	[tilespmem:v2+s29+$0x0] =	vst.idx.add.f32.msk $0xffff, v4  }
0x4f: {  	v1 =	vld.idx.msk [tilespmem:v1+s21+$0x0], $0xffff;
	_ =	sdelay $0x4  }
0x50: {  	v1 =	vmul.f32 v1, v3;
	_ =	sdelay $0x1  }
0x51: {  	[tilespmem:v2+s30+$0x0] =	vst.idx.add.f32.msk $0xffff, v1  }
0x52: {  	v1 =	vld [tilespmem:s10+$0xFFFFFF90];
	_ =	sdelay $0x5  }
0x53: {  	v2 =	vld [tilespmem:s9+$0xFFFFFF90]  }
0x54: {  	v3 =	vld [tilespmem:s8+$0xFFFFFF90]  }
0x55: {  	v4 =	vld.idx.msk [tilespmem:v1+s3+$0x0], $0xffff;
	_ =	sdelay $0x4  }
0x56: {  	v4 =	vmul.f32 v4, v3;
	_ =	sdelay $0x1  }
0x57: {  	[tilespmem:v2+s26+$0x0] =	vst.idx.add.f32.msk $0xffff, v4  }
0x58: {  	v4 =	vld.idx.msk [tilespmem:v1+s19+$0x0], $0xffff;
	_ =	sdelay $0x4  }
0x59: {  	v4 =	vmul.f32 v4, v3;
	_ =	sdelay $0x1  }
0x5a: {  	[tilespmem:v2+s28+$0x0] =	vst.idx.add.f32.msk $0xffff, v4  }
0x5b: {  	v4 =	vld.idx.msk [tilespmem:v1+s20+$0x0], $0xffff;
	_ =	sdelay $0x4  }
0x5c: {  	v4 =	vmul.f32 v4, v3;
	_ =	sdelay $0x1  }
0x5d: {  	[tilespmem:v2+s29+$0x0] =	vst.idx.add.f32.msk $0xffff, v4  }
0x5e: {  	v1 =	vld.idx.msk [tilespmem:v1+s21+$0x0], $0xffff;
	_ =	sdelay $0x4  }
0x5f: {  	v1 =	vmul.f32 v1, v3;
	_ =	sdelay $0x1  }
0x60: {  	[tilespmem:v2+s30+$0x0] =	vst.idx.add.f32.msk $0xffff, v1  }
0x61: {  	v1 =	vld [tilespmem:s10+$0xFFFFFFA0];
	_ =	sdelay $0x5  }
0x62: {  	v2 =	vld [tilespmem:s9+$0xFFFFFFA0]  }
0x63: {  	v3 =	vld [tilespmem:s8+$0xFFFFFFA0]  }
0x64: {  	v4 =	vld.idx.msk [tilespmem:v1+s3+$0x0], $0xffff;
	_ =	sdelay $0x4  }
0x65: {  	v4 =	vmul.f32 v4, v3;
	_ =	sdelay $0x1  }
0x66: {  	[tilespmem:v2+s26+$0x0] =	vst.idx.add.f32.msk $0xffff, v4  }
0x67: {  	v4 =	vld.idx.msk [tilespmem:v1+s19+$0x0], $0xffff;
	_ =	sdelay $0x4  }
0x68: {  	v4 =	vmul.f32 v4, v3;
	_ =	sdelay $0x1  }
0x69: {  	[tilespmem:v2+s28+$0x0] =	vst.idx.add.f32.msk $0xffff, v4  }
0x6a: {  	v4 =	vld.idx.msk [tilespmem:v1+s20+$0x0], $0xffff;
	_ =	sdelay $0x4  }
0x6b: {  	v4 =	vmul.f32 v4, v3;
	_ =	sdelay $0x1  }
0x6c: {  	[tilespmem:v2+s29+$0x0] =	vst.idx.add.f32.msk $0xffff, v4  }
0x6d: {  	v1 =	vld.idx.msk [tilespmem:v1+s21+$0x0], $0xffff;
	_ =	sdelay $0x4  }
0x6e: {  	v1 =	vmul.f32 v1, v3;
	_ =	sdelay $0x1  }
0x6f: {  	[tilespmem:v2+s30+$0x0] =	vst.idx.add.f32.msk $0xffff, v1  }
0x70: {  	v1 =	vld [tilespmem:s10+$0xFFFFFFB0];
	_ =	sdelay $0x5  }
0x71: {  	v2 =	vld [tilespmem:s9+$0xFFFFFFB0]  }
0x72: {  	v3 =	vld [tilespmem:s8+$0xFFFFFFB0]  }
0x73: {  	v4 =	vld.idx.msk [tilespmem:v1+s3+$0x0], $0xffff;
	_ =	sdelay $0x4  }
0x74: {  	v4 =	vmul.f32 v4, v3;
	_ =	sdelay $0x1  }
0x75: {  	[tilespmem:v2+s26+$0x0] =	vst.idx.add.f32.msk $0xffff, v4  }
0x76: {  	v4 =	vld.idx.msk [tilespmem:v1+s19+$0x0], $0xffff;
	_ =	sdelay $0x4  }
0x77: {  	v4 =	vmul.f32 v4, v3;
	_ =	sdelay $0x1  }
0x78: {  	[tilespmem:v2+s28+$0x0] =	vst.idx.add.f32.msk $0xffff, v4  }
0x79: {  	v4 =	vld.idx.msk [tilespmem:v1+s20+$0x0], $0xffff;
	_ =	sdelay $0x4  }
0x7a: {  	v4 =	vmul.f32 v4, v3;
	_ =	sdelay $0x1  }
0x7b: {  	[tilespmem:v2+s29+$0x0] =	vst.idx.add.f32.msk $0xffff, v4  }
0x7c: {  	v1 =	vld.idx.msk [tilespmem:v1+s21+$0x0], $0xffff;
	_ =	sdelay $0x4  }
0x7d: {  	v1 =	vmul.f32 v1, v3;
	_ =	sdelay $0x1  }
0x7e: {  	[tilespmem:v2+s30+$0x0] =	vst.idx.add.f32.msk $0xffff, v1  }
0x7f: {  	v1 =	vld [tilespmem:s10+$0xFFFFFFC0];
	_ =	sdelay $0x5  }
0x80: {  	v2 =	vld [tilespmem:s9+$0xFFFFFFC0]  }
0x81: {  	v3 =	vld [tilespmem:s8+$0xFFFFFFC0]  }
0x82: {  	v4 =	vld.idx.msk [tilespmem:v1+s3+$0x0], $0xffff;
	_ =	sdelay $0x4  }
0x83: {  	v4 =	vmul.f32 v4, v3;
	_ =	sdelay $0x1  }
0x84: {  	[tilespmem:v2+s26+$0x0] =	vst.idx.add.f32.msk $0xffff, v4  }
0x85: {  	v4 =	vld.idx.msk [tilespmem:v1+s19+$0x0], $0xffff;
	_ =	sdelay $0x4  }
0x86: {  	v4 =	vmul.f32 v4, v3;
	_ =	sdelay $0x1  }
0x87: {  	[tilespmem:v2+s28+$0x0] =	vst.idx.add.f32.msk $0xffff, v4  }
0x88: {  	v4 =	vld.idx.msk [tilespmem:v1+s20+$0x0], $0xffff;
	_ =	sdelay $0x4  }
0x89: {  	v4 =	vmul.f32 v4, v3;
	_ =	sdelay $0x1  }
0x8a: {  	[tilespmem:v2+s29+$0x0] =	vst.idx.add.f32.msk $0xffff, v4  }
0x8b: {  	v1 =	vld.idx.msk [tilespmem:v1+s21+$0x0], $0xffff;
	_ =	sdelay $0x4  }
0x8c: {  	v1 =	vmul.f32 v1, v3;
	_ =	sdelay $0x1  }
0x8d: {  	[tilespmem:v2+s30+$0x0] =	vst.idx.add.f32.msk $0xffff, v1  }
0x8e: {  	v1 =	vld [tilespmem:s10+$0xFFFFFFD0];
	_ =	sdelay $0x5  }
0x8f: {  	v2 =	vld [tilespmem:s9+$0xFFFFFFD0]  }
0x90: {  	v3 =	vld [tilespmem:s8+$0xFFFFFFD0]  }
0x91: {  	v4 =	vld.idx.msk [tilespmem:v1+s3+$0x0], $0xffff;
	_ =	sdelay $0x4  }
0x92: {  	v4 =	vmul.f32 v4, v3;
	_ =	sdelay $0x1  }
0x93: {  	[tilespmem:v2+s26+$0x0] =	vst.idx.add.f32.msk $0xffff, v4  }
0x94: {  	v4 =	vld.idx.msk [tilespmem:v1+s19+$0x0], $0xffff;
	_ =	sdelay $0x4  }
0x95: {  	v4 =	vmul.f32 v4, v3;
	_ =	sdelay $0x1  }
0x96: {  	[tilespmem:v2+s28+$0x0] =	vst.idx.add.f32.msk $0xffff, v4  }
0x97: {  	v4 =	vld.idx.msk [tilespmem:v1+s20+$0x0], $0xffff;
	_ =	sdelay $0x4  }
0x98: {  	v4 =	vmul.f32 v4, v3;
	_ =	sdelay $0x1  }
0x99: {  	[tilespmem:v2+s29+$0x0] =	vst.idx.add.f32.msk $0xffff, v4  }
0x9a: {  	v1 =	vld.idx.msk [tilespmem:v1+s21+$0x0], $0xffff;
	_ =	sdelay $0x4  }
0x9b: {  	v1 =	vmul.f32 v1, v3;
	_ =	sdelay $0x1  }
0x9c: {  	[tilespmem:v2+s30+$0x0] =	vst.idx.add.f32.msk $0xffff, v1  }
0x9d: {  	v1 =	vld [tilespmem:s10+$0xFFFFFFE0];
	_ =	sdelay $0x5  }
0x9e: {  	v2 =	vld [tilespmem:s9+$0xFFFFFFE0]  }
0x9f: {  	v3 =	vld [tilespmem:s8+$0xFFFFFFE0]  }
0xa0: {  	v4 =	vld.idx.msk [tilespmem:v1+s3+$0x0], $0xffff;
	_ =	sdelay $0x4  }
0xa1: {  	v4 =	vmul.f32 v4, v3;
	_ =	sdelay $0x1  }
0xa2: {  	[tilespmem:v2+s26+$0x0] =	vst.idx.add.f32.msk $0xffff, v4  }
0xa3: {  	v4 =	vld.idx.msk [tilespmem:v1+s19+$0x0], $0xffff;
	_ =	sdelay $0x4  }
0xa4: {  	v4 =	vmul.f32 v4, v3;
	_ =	sdelay $0x1  }
0xa5: {  	[tilespmem:v2+s28+$0x0] =	vst.idx.add.f32.msk $0xffff, v4  }
0xa6: {  	v4 =	vld.idx.msk [tilespmem:v1+s20+$0x0], $0xffff;
	_ =	sdelay $0x4  }
0xa7: {  	v4 =	vmul.f32 v4, v3;
	_ =	sdelay $0x1  }
0xa8: {  	[tilespmem:v2+s29+$0x0] =	vst.idx.add.f32.msk $0xffff, v4  }
0xa9: {  	v1 =	vld.idx.msk [tilespmem:v1+s21+$0x0], $0xffff;
	_ =	sdelay $0x4  }
0xaa: {  	v1 =	vmul.f32 v1, v3;
	_ =	sdelay $0x1  }
0xab: {  	[tilespmem:v2+s30+$0x0] =	vst.idx.add.f32.msk $0xffff, v1  }
0xac: {  	v1 =	vld [tilespmem:s10+$0xFFFFFFF0];
	_ =	sdelay $0x5  }
0xad: {  	v2 =	vld [tilespmem:s9+$0xFFFFFFF0]  }
0xae: {  	v3 =	vld [tilespmem:s8+$0xFFFFFFF0]  }
0xaf: {  	v4 =	vld.idx.msk [tilespmem:v1+s3+$0x0], $0xffff;
	_ =	sdelay $0x4  }
0xb0: {  	v4 =	vmul.f32 v4, v3;
	_ =	sdelay $0x1  }
0xb1: {  	[tilespmem:v2+s26+$0x0] =	vst.idx.add.f32.msk $0xffff, v4  }
0xb2: {  	v4 =	vld.idx.msk [tilespmem:v1+s19+$0x0], $0xffff;
	_ =	sdelay $0x4  }
0xb3: {  	v4 =	vmul.f32 v4, v3;
	_ =	sdelay $0x1  }
0xb4: {  	[tilespmem:v2+s28+$0x0] =	vst.idx.add.f32.msk $0xffff, v4  }
0xb5: {  	v4 =	vld.idx.msk [tilespmem:v1+s20+$0x0], $0xffff;
	_ =	sdelay $0x4  }
0xb6: {  	v4 =	vmul.f32 v4, v3;
	_ =	sdelay $0x1  }
0xb7: {  	[tilespmem:v2+s29+$0x0] =	vst.idx.add.f32.msk $0xffff, v4  }
0xb8: {  	v1 =	vld.idx.msk [tilespmem:v1+s21+$0x0], $0xffff;
	_ =	sdelay $0x4  }
0xb9: {  	v1 =	vmul.f32 v1, v3;
	_ =	sdelay $0x1  }
0xba: {  	[tilespmem:v2+s30+$0x0] =	vst.idx.add.f32.msk $0xffff, v1  }
0xbb: {  	v1 =	vld [tilespmem:s10+$0x0];
	_ =	sdelay $0x5  }
0xbc: {  	v2 =	vld [tilespmem:s9+$0x0]  }
0xbd: {  	v3 =	vld [tilespmem:s8+$0x0]  }
0xbe: {  	v4 =	vld.idx.msk [tilespmem:v1+s3+$0x0], $0xffff;
	_ =	sdelay $0x4  }
0xbf: {  	v4 =	vmul.f32 v4, v3;
	_ =	sdelay $0x1  }
0xc0: {  	[tilespmem:v2+s26+$0x0] =	vst.idx.add.f32.msk $0xffff, v4  }
0xc1: {  	v4 =	vld.idx.msk [tilespmem:v1+s19+$0x0], $0xffff;
	_ =	sdelay $0x4  }
0xc2: {  	v4 =	vmul.f32 v4, v3;
	_ =	sdelay $0x1  }
0xc3: {  	[tilespmem:v2+s28+$0x0] =	vst.idx.add.f32.msk $0xffff, v4  }
0xc4: {  	v4 =	vld.idx.msk [tilespmem:v1+s20+$0x0], $0xffff;
	_ =	sdelay $0x4  }
0xc5: {  	v4 =	vmul.f32 v4, v3;
	_ =	sdelay $0x1  }
0xc6: {  	[tilespmem:v2+s29+$0x0] =	vst.idx.add.f32.msk $0xffff, v4  }
0xc7: {  	v1 =	vld.idx.msk [tilespmem:v1+s21+$0x0], $0xffff;
	_ =	sdelay $0x4  }
0xc8: {  	v1 =	vmul.f32 v1, v3;
	_ =	sdelay $0x1  }
0xc9: {  	[tilespmem:v2+s30+$0x0] =	vst.idx.add.f32.msk $0xffff, v1  }
0xca: {  	v1 =	vld [tilespmem:s10+$0x10];
	_ =	sdelay $0x5  }
0xcb: {  	v2 =	vld [tilespmem:s9+$0x10]  }
0xcc: {  	v3 =	vld [tilespmem:s8+$0x10]  }
0xcd: {  	v4 =	vld.idx.msk [tilespmem:v1+s3+$0x0], $0xffff;
	_ =	sdelay $0x4  }
0xce: {  	v4 =	vmul.f32 v4, v3;
	_ =	sdelay $0x1  }
0xcf: {  	[tilespmem:v2+s26+$0x0] =	vst.idx.add.f32.msk $0xffff, v4  }
0xd0: {  	v4 =	vld.idx.msk [tilespmem:v1+s19+$0x0], $0xffff;
	_ =	sdelay $0x4  }
0xd1: {  	v4 =	vmul.f32 v4, v3;
	_ =	sdelay $0x1  }
0xd2: {  	[tilespmem:v2+s28+$0x0] =	vst.idx.add.f32.msk $0xffff, v4  }
0xd3: {  	v4 =	vld.idx.msk [tilespmem:v1+s20+$0x0], $0xffff;
	_ =	sdelay $0x4  }
0xd4: {  	v4 =	vmul.f32 v4, v3;
	_ =	sdelay $0x1  }
0xd5: {  	[tilespmem:v2+s29+$0x0] =	vst.idx.add.f32.msk $0xffff, v4  }
0xd6: {  	v1 =	vld.idx.msk [tilespmem:v1+s21+$0x0], $0xffff;
	_ =	sdelay $0x4  }
0xd7: {  	v1 =	vmul.f32 v1, v3;
	_ =	sdelay $0x1  }
0xd8: {  	[tilespmem:v2+s30+$0x0] =	vst.idx.add.f32.msk $0xffff, v1  }
0xd9: {  	v1 =	vld [tilespmem:s10+$0x20];
	_ =	sdelay $0x5  }
0xda: {  	v2 =	vld [tilespmem:s9+$0x20]  }
0xdb: {  	v3 =	vld [tilespmem:s8+$0x20]  }
0xdc: {  	v4 =	vld.idx.msk [tilespmem:v1+s3+$0x0], $0xffff;
	_ =	sdelay $0x4  }
0xdd: {  	v4 =	vmul.f32 v4, v3;
	_ =	sdelay $0x1  }
0xde: {  	[tilespmem:v2+s26+$0x0] =	vst.idx.add.f32.msk $0xffff, v4  }
0xdf: {  	v4 =	vld.idx.msk [tilespmem:v1+s19+$0x0], $0xffff;
	_ =	sdelay $0x4  }
0xe0: {  	v4 =	vmul.f32 v4, v3;
	_ =	sdelay $0x1  }
0xe1: {  	[tilespmem:v2+s28+$0x0] =	vst.idx.add.f32.msk $0xffff, v4  }
0xe2: {  	v4 =	vld.idx.msk [tilespmem:v1+s20+$0x0], $0xffff;
	_ =	sdelay $0x4  }
0xe3: {  	v4 =	vmul.f32 v4, v3;
	_ =	sdelay $0x1  }
0xe4: {  	[tilespmem:v2+s29+$0x0] =	vst.idx.add.f32.msk $0xffff, v4  }
0xe5: {  	v1 =	vld.idx.msk [tilespmem:v1+s21+$0x0], $0xffff;
	_ =	sdelay $0x4  }
0xe6: {  	v1 =	vmul.f32 v1, v3;
	_ =	sdelay $0x1  }
0xe7: {  	[tilespmem:v2+s30+$0x0] =	vst.idx.add.f32.msk $0xffff, v1  }
0xe8: {  	v1 =	vld [tilespmem:s10+$0x30];
	_ =	sdelay $0x5  }
0xe9: {  	v2 =	vld [tilespmem:s9+$0x30]  }
0xea: {  	v3 =	vld [tilespmem:s8+$0x30]  }
0xeb: {  	v4 =	vld.idx.msk [tilespmem:v1+s3+$0x0], $0xffff;
	_ =	sdelay $0x4  }
0xec: {  	v4 =	vmul.f32 v4, v3;
	_ =	sdelay $0x1  }
0xed: {  	[tilespmem:v2+s26+$0x0] =	vst.idx.add.f32.msk $0xffff, v4  }
0xee: {  	v4 =	vld.idx.msk [tilespmem:v1+s19+$0x0], $0xffff;
	_ =	sdelay $0x4  }
0xef: {  	v4 =	vmul.f32 v4, v3;
	_ =	sdelay $0x1  }
0xf0: {  	[tilespmem:v2+s28+$0x0] =	vst.idx.add.f32.msk $0xffff, v4  }
0xf1: {  	v4 =	vld.idx.msk [tilespmem:v1+s20+$0x0], $0xffff;
	_ =	sdelay $0x4  }
0xf2: {  	v4 =	vmul.f32 v4, v3;
	_ =	sdelay $0x1  }
0xf3: {  	[tilespmem:v2+s29+$0x0] =	vst.idx.add.f32.msk $0xffff, v4  }
0xf4: {  	v1 =	vld.idx.msk [tilespmem:v1+s21+$0x0], $0xffff;
	_ =	sdelay $0x4  }
0xf5: {  	v1 =	vmul.f32 v1, v3;
	_ =	sdelay $0x1  }
0xf6: {  	[tilespmem:v2+s30+$0x0] =	vst.idx.add.f32.msk $0xffff, v1  }
0xf7: {  	v1 =	vld [tilespmem:s10+$0x40];
	_ =	sdelay $0x5  }
0xf8: {  	v2 =	vld [tilespmem:s9+$0x40]  }
0xf9: {  	v3 =	vld [tilespmem:s8+$0x40]  }
0xfa: {  	v4 =	vld.idx.msk [tilespmem:v1+s3+$0x0], $0xffff;
	_ =	sdelay $0x4  }
0xfb: {  	v4 =	vmul.f32 v4, v3;
	_ =	sdelay $0x1  }
0xfc: {  	[tilespmem:v2+s26+$0x0] =	vst.idx.add.f32.msk $0xffff, v4  }
0xfd: {  	v4 =	vld.idx.msk [tilespmem:v1+s19+$0x0], $0xffff;
	_ =	sdelay $0x4  }
0xfe: {  	v4 =	vmul.f32 v4, v3;
	_ =	sdelay $0x1  }
0xff: {  	[tilespmem:v2+s28+$0x0] =	vst.idx.add.f32.msk $0xffff, v4  }
0x100: {  	v4 =	vld.idx.msk [tilespmem:v1+s20+$0x0], $0xffff;
	_ =	sdelay $0x4  }
0x101: {  	v4 =	vmul.f32 v4, v3;
	_ =	sdelay $0x1  }
0x102: {  	[tilespmem:v2+s29+$0x0] =	vst.idx.add.f32.msk $0xffff, v4  }
0x103: {  	v1 =	vld.idx.msk [tilespmem:v1+s21+$0x0], $0xffff;
	_ =	sdelay $0x4  }
0x104: {  	v1 =	vmul.f32 v1, v3;
	_ =	sdelay $0x1  }
0x105: {  	[tilespmem:v2+s30+$0x0] =	vst.idx.add.f32.msk $0xffff, v1  }
0x106: {  	v1 =	vld [tilespmem:s10+$0x50];
	_ =	sdelay $0x5  }
0x107: {  	v2 =	vld [tilespmem:s9+$0x50]  }
0x108: {  	v3 =	vld [tilespmem:s8+$0x50]  }
0x109: {  	v4 =	vld.idx.msk [tilespmem:v1+s3+$0x0], $0xffff;
	_ =	sdelay $0x4  }
0x10a: {  	v4 =	vmul.f32 v4, v3;
	_ =	sdelay $0x1  }
0x10b: {  	[tilespmem:v2+s26+$0x0] =	vst.idx.add.f32.msk $0xffff, v4  }
0x10c: {  	v4 =	vld.idx.msk [tilespmem:v1+s19+$0x0], $0xffff;
	_ =	sdelay $0x4  }
0x10d: {  	v4 =	vmul.f32 v4, v3;
	_ =	sdelay $0x1  }
0x10e: {  	[tilespmem:v2+s28+$0x0] =	vst.idx.add.f32.msk $0xffff, v4  }
0x10f: {  	v4 =	vld.idx.msk [tilespmem:v1+s20+$0x0], $0xffff;
	_ =	sdelay $0x4  }
0x110: {  	v4 =	vmul.f32 v4, v3;
	_ =	sdelay $0x1  }
0x111: {  	[tilespmem:v2+s29+$0x0] =	vst.idx.add.f32.msk $0xffff, v4  }
0x112: {  	v1 =	vld.idx.msk [tilespmem:v1+s21+$0x0], $0xffff;
	_ =	sdelay $0x4  }
0x113: {  	v1 =	vmul.f32 v1, v3;
	_ =	sdelay $0x1  }
0x114: {  	[tilespmem:v2+s30+$0x0] =	vst.idx.add.f32.msk $0xffff, v1  }
0x115: {  	v1 =	vld [tilespmem:s10+$0x60];
	_ =	sdelay $0x5  }
0x116: {  	v2 =	vld [tilespmem:s9+$0x60]  }
0x117: {  	v3 =	vld [tilespmem:s8+$0x60]  }
0x118: {  	v4 =	vld.idx.msk [tilespmem:v1+s3+$0x0], $0xffff;
	_ =	sdelay $0x4  }
0x119: {  	v4 =	vmul.f32 v4, v3;
	_ =	sdelay $0x1  }
0x11a: {  	[tilespmem:v2+s26+$0x0] =	vst.idx.add.f32.msk $0xffff, v4  }
0x11b: {  	v4 =	vld.idx.msk [tilespmem:v1+s19+$0x0], $0xffff;
	_ =	sdelay $0x4  }
0x11c: {  	v4 =	vmul.f32 v4, v3;
	_ =	sdelay $0x1  }
0x11d: {  	[tilespmem:v2+s28+$0x0] =	vst.idx.add.f32.msk $0xffff, v4  }
0x11e: {  	v4 =	vld.idx.msk [tilespmem:v1+s20+$0x0], $0xffff;
	_ =	sdelay $0x4  }
0x11f: {  	v4 =	vmul.f32 v4, v3;
	_ =	sdelay $0x1  }
0x120: {  	[tilespmem:v2+s29+$0x0] =	vst.idx.add.f32.msk $0xffff, v4  }
0x121: {  	v1 =	vld.idx.msk [tilespmem:v1+s21+$0x0], $0xffff;
	_ =	sdelay $0x4  }
0x122: {  	v1 =	vmul.f32 v1, v3;
	_ =	sdelay $0x1  }
0x123: {  	[tilespmem:v2+s30+$0x0] =	vst.idx.add.f32.msk $0xffff, v1  }
0x124: {  	v1 =	vld [tilespmem:s10+$0x70];
	_ =	sdelay $0x5  }
0x125: {  	v2 =	vld [tilespmem:s9+$0x70]  }
0x126: {  	v3 =	vld [tilespmem:s8+$0x70]  }
0x127: {  	v4 =	vld.idx.msk [tilespmem:v1+s3+$0x0], $0xffff;
	_ =	sdelay $0x4  }
0x128: {  	v4 =	vmul.f32 v4, v3;
	_ =	sdelay $0x1  }
0x129: {  	[tilespmem:v2+s26+$0x0] =	vst.idx.add.f32.msk $0xffff, v4  }
0x12a: {  	v4 =	vld.idx.msk [tilespmem:v1+s19+$0x0], $0xffff;
	_ =	sdelay $0x4  }
0x12b: {  	v4 =	vmul.f32 v4, v3;
	_ =	sdelay $0x1  }
0x12c: {  	[tilespmem:v2+s28+$0x0] =	vst.idx.add.f32.msk $0xffff, v4  }
0x12d: {  	v4 =	vld.idx.msk [tilespmem:v1+s20+$0x0], $0xffff;
	_ =	sdelay $0x4  }
0x12e: {  	v4 =	vmul.f32 v4, v3;
	_ =	sdelay $0x1  }
0x12f: {  	[tilespmem:v2+s29+$0x0] =	vst.idx.add.f32.msk $0xffff, v4  }
0x130: {  	v1 =	vld.idx.msk [tilespmem:v1+s21+$0x0], $0xffff  }
0x131: {  	s7 =	sadd.s32 $0x10, s7  }
0x132: {  	p0 =	slt.u32 s7, $0xF0  }
.Ltmp1:
0x133: {  	_ = 	snop;
	(pc) =	sbr.rel @p0 .LBB2_5-.Ltmp1, $3  }
0x134: {  	_ = 	snop  }
0x135: {  	v1 =	vmul.f32 v1, v3;
	_ =	sdelay $0x1  }
0x136: {  	s8 =	sadd.s32 $0x100, s8;
	s9 =	sadd.s32 $0x100, s9;
	s10 =	sadd.s32 $0x100, s10;
	[tilespmem:v2+s30+$0x0] =	vst.idx.add.f32.msk $0xffff, v1  }
0x137: {  	_ =	swait.ge [sflag:s31], $0x1000  }
0x138: {  	[sflag:s31] =	ssyncset.done $0x0  }
0x139: {  	[sflag:s31] =	ssyncadd.s32 $0xFFFFF000  }
0x13a: {  	_ =	swait.ge [sflag:s31], $0x1000  }
0x13b: {  	[sflag:s31] =	ssyncset.done $0x0  }
0x13c: {  	[sflag:s31] =	ssyncadd.s32 $0xFFFFF000  }
0x13d: {  	_ =	swait.ge [sflag:s31], $0x1000  }
0x13e: {  	s6 =	sadd.s32 $0x400, s6;
	[sflag:s31] =	ssyncset.done $0x0  }
0x13f: {  	s7 =	sadd.s32 s4, s6;
	[sflag:s31] =	ssyncadd.s32 $0xFFFFF000  }
0x140: {  	[tilespmem:s15], [sflag:$0x1] =	stream.linear.gather [hbm4b:s7+s3], $0x1000, $0x38;
	[tilespmem:$0x19C00] =	vst v63  }
0x141: {  	s10 =	sadd.s32 s2, s6  }
0x142: {  	[tilespmem:s16], [sflag:$0x1] =	stream.linear.gather [hbm4b:s10+s3], $0x1000, $0x38;
	[tilespmem:$0x19C00] =	vst v63  }
0x143: {  	s8 =	simm.s32 $0x17C80;
	s6 =	sadd.s32 s5, s6  }
0x144: {  	[tilespmem:s17], [sflag:$0x1] =	stream.linear.gather [hbm4b:s6+s3], $0x1000, $0x38;
	[tilespmem:$0x19C00] =	vst v63  }
0x145: {  	s9 =	simm.s32 $0x16C80;
	s7 =	simm.s32 $0x18C80;
	s6 =	simm.s32 $0xFFFFFFF0  }
.LBB2_7:
0x146: {  	v1 =	vld [tilespmem:s9+$0xFFFFFF80];
	_ =	sdelay $0x5  }
0x147: {  	v2 =	vld [tilespmem:s8+$0xFFFFFF80]  }
0x148: {  	v3 =	vld [tilespmem:s7+$0xFFFFFF80]  }
0x149: {  	v4 =	vld.idx.msk [tilespmem:v1+s3+$0x0], $0xffff;
	_ =	sdelay $0x4  }
0x14a: {  	v4 =	vmul.f32 v4, v3;
	_ =	sdelay $0x1  }
0x14b: {  	[tilespmem:v2+s26+$0x0] =	vst.idx.add.f32.msk $0xffff, v4  }
0x14c: {  	v4 =	vld.idx.msk [tilespmem:v1+s19+$0x0], $0xffff;
	_ =	sdelay $0x4  }
0x14d: {  	v4 =	vmul.f32 v4, v3;
	_ =	sdelay $0x1  }
0x14e: {  	[tilespmem:v2+s28+$0x0] =	vst.idx.add.f32.msk $0xffff, v4  }
0x14f: {  	v4 =	vld.idx.msk [tilespmem:v1+s20+$0x0], $0xffff;
	_ =	sdelay $0x4  }
0x150: {  	v4 =	vmul.f32 v4, v3;
	_ =	sdelay $0x1  }
0x151: {  	[tilespmem:v2+s29+$0x0] =	vst.idx.add.f32.msk $0xffff, v4  }
0x152: {  	v1 =	vld.idx.msk [tilespmem:v1+s21+$0x0], $0xffff;
	_ =	sdelay $0x4  }
0x153: {  	v1 =	vmul.f32 v1, v3;
	_ =	sdelay $0x1  }
0x154: {  	[tilespmem:v2+s30+$0x0] =	vst.idx.add.f32.msk $0xffff, v1  }
0x155: {  	v1 =	vld [tilespmem:s9+$0xFFFFFF90];
	_ =	sdelay $0x5  }
0x156: {  	v2 =	vld [tilespmem:s8+$0xFFFFFF90]  }
0x157: {  	v3 =	vld [tilespmem:s7+$0xFFFFFF90]  }
0x158: {  	v4 =	vld.idx.msk [tilespmem:v1+s3+$0x0], $0xffff;
	_ =	sdelay $0x4  }
0x159: {  	v4 =	vmul.f32 v4, v3;
	_ =	sdelay $0x1  }
0x15a: {  	[tilespmem:v2+s26+$0x0] =	vst.idx.add.f32.msk $0xffff, v4  }
0x15b: {  	v4 =	vld.idx.msk [tilespmem:v1+s19+$0x0], $0xffff;
	_ =	sdelay $0x4  }
0x15c: {  	v4 =	vmul.f32 v4, v3;
	_ =	sdelay $0x1  }
0x15d: {  	[tilespmem:v2+s28+$0x0] =	vst.idx.add.f32.msk $0xffff, v4  }
0x15e: {  	v4 =	vld.idx.msk [tilespmem:v1+s20+$0x0], $0xffff;
	_ =	sdelay $0x4  }
0x15f: {  	v4 =	vmul.f32 v4, v3;
	_ =	sdelay $0x1  }
0x160: {  	[tilespmem:v2+s29+$0x0] =	vst.idx.add.f32.msk $0xffff, v4  }
0x161: {  	v1 =	vld.idx.msk [tilespmem:v1+s21+$0x0], $0xffff;
	_ =	sdelay $0x4  }
0x162: {  	v1 =	vmul.f32 v1, v3;
	_ =	sdelay $0x1  }
0x163: {  	[tilespmem:v2+s30+$0x0] =	vst.idx.add.f32.msk $0xffff, v1  }
0x164: {  	v1 =	vld [tilespmem:s9+$0xFFFFFFA0];
	_ =	sdelay $0x5  }
0x165: {  	v2 =	vld [tilespmem:s8+$0xFFFFFFA0]  }
0x166: {  	v3 =	vld [tilespmem:s7+$0xFFFFFFA0]  }
0x167: {  	v4 =	vld.idx.msk [tilespmem:v1+s3+$0x0], $0xffff;
	_ =	sdelay $0x4  }
0x168: {  	v4 =	vmul.f32 v4, v3;
	_ =	sdelay $0x1  }
0x169: {  	[tilespmem:v2+s26+$0x0] =	vst.idx.add.f32.msk $0xffff, v4  }
0x16a: {  	v4 =	vld.idx.msk [tilespmem:v1+s19+$0x0], $0xffff;
	_ =	sdelay $0x4  }
0x16b: {  	v4 =	vmul.f32 v4, v3;
	_ =	sdelay $0x1  }
0x16c: {  	[tilespmem:v2+s28+$0x0] =	vst.idx.add.f32.msk $0xffff, v4  }
0x16d: {  	v4 =	vld.idx.msk [tilespmem:v1+s20+$0x0], $0xffff;
	_ =	sdelay $0x4  }
0x16e: {  	v4 =	vmul.f32 v4, v3;
	_ =	sdelay $0x1  }
0x16f: {  	[tilespmem:v2+s29+$0x0] =	vst.idx.add.f32.msk $0xffff, v4  }
0x170: {  	v1 =	vld.idx.msk [tilespmem:v1+s21+$0x0], $0xffff;
	_ =	sdelay $0x4  }
0x171: {  	v1 =	vmul.f32 v1, v3;
	_ =	sdelay $0x1  }
0x172: {  	[tilespmem:v2+s30+$0x0] =	vst.idx.add.f32.msk $0xffff, v1  }
0x173: {  	v1 =	vld [tilespmem:s9+$0xFFFFFFB0];
	_ =	sdelay $0x5  }
0x174: {  	v2 =	vld [tilespmem:s8+$0xFFFFFFB0]  }
0x175: {  	v3 =	vld [tilespmem:s7+$0xFFFFFFB0]  }
0x176: {  	v4 =	vld.idx.msk [tilespmem:v1+s3+$0x0], $0xffff;
	_ =	sdelay $0x4  }
0x177: {  	v4 =	vmul.f32 v4, v3;
	_ =	sdelay $0x1  }
0x178: {  	[tilespmem:v2+s26+$0x0] =	vst.idx.add.f32.msk $0xffff, v4  }
0x179: {  	v4 =	vld.idx.msk [tilespmem:v1+s19+$0x0], $0xffff;
	_ =	sdelay $0x4  }
0x17a: {  	v4 =	vmul.f32 v4, v3;
	_ =	sdelay $0x1  }
0x17b: {  	[tilespmem:v2+s28+$0x0] =	vst.idx.add.f32.msk $0xffff, v4  }
0x17c: {  	v4 =	vld.idx.msk [tilespmem:v1+s20+$0x0], $0xffff;
	_ =	sdelay $0x4  }
0x17d: {  	v4 =	vmul.f32 v4, v3;
	_ =	sdelay $0x1  }
0x17e: {  	[tilespmem:v2+s29+$0x0] =	vst.idx.add.f32.msk $0xffff, v4  }
0x17f: {  	v1 =	vld.idx.msk [tilespmem:v1+s21+$0x0], $0xffff;
	_ =	sdelay $0x4  }
0x180: {  	v1 =	vmul.f32 v1, v3;
	_ =	sdelay $0x1  }
0x181: {  	[tilespmem:v2+s30+$0x0] =	vst.idx.add.f32.msk $0xffff, v1  }
0x182: {  	v1 =	vld [tilespmem:s9+$0xFFFFFFC0];
	_ =	sdelay $0x5  }
0x183: {  	v2 =	vld [tilespmem:s8+$0xFFFFFFC0]  }
0x184: {  	v3 =	vld [tilespmem:s7+$0xFFFFFFC0]  }
0x185: {  	v4 =	vld.idx.msk [tilespmem:v1+s3+$0x0], $0xffff;
	_ =	sdelay $0x4  }
0x186: {  	v4 =	vmul.f32 v4, v3;
	_ =	sdelay $0x1  }
0x187: {  	[tilespmem:v2+s26+$0x0] =	vst.idx.add.f32.msk $0xffff, v4  }
0x188: {  	v4 =	vld.idx.msk [tilespmem:v1+s19+$0x0], $0xffff;
	_ =	sdelay $0x4  }
0x189: {  	v4 =	vmul.f32 v4, v3;
	_ =	sdelay $0x1  }
0x18a: {  	[tilespmem:v2+s28+$0x0] =	vst.idx.add.f32.msk $0xffff, v4  }
0x18b: {  	v4 =	vld.idx.msk [tilespmem:v1+s20+$0x0], $0xffff;
	_ =	sdelay $0x4  }
0x18c: {  	v4 =	vmul.f32 v4, v3;
	_ =	sdelay $0x1  }
0x18d: {  	[tilespmem:v2+s29+$0x0] =	vst.idx.add.f32.msk $0xffff, v4  }
0x18e: {  	v1 =	vld.idx.msk [tilespmem:v1+s21+$0x0], $0xffff;
	_ =	sdelay $0x4  }
0x18f: {  	v1 =	vmul.f32 v1, v3;
	_ =	sdelay $0x1  }
0x190: {  	[tilespmem:v2+s30+$0x0] =	vst.idx.add.f32.msk $0xffff, v1  }
0x191: {  	v1 =	vld [tilespmem:s9+$0xFFFFFFD0];
	_ =	sdelay $0x5  }
0x192: {  	v2 =	vld [tilespmem:s8+$0xFFFFFFD0]  }
0x193: {  	v3 =	vld [tilespmem:s7+$0xFFFFFFD0]  }
0x194: {  	v4 =	vld.idx.msk [tilespmem:v1+s3+$0x0], $0xffff;
	_ =	sdelay $0x4  }
0x195: {  	v4 =	vmul.f32 v4, v3;
	_ =	sdelay $0x1  }
0x196: {  	[tilespmem:v2+s26+$0x0] =	vst.idx.add.f32.msk $0xffff, v4  }
0x197: {  	v4 =	vld.idx.msk [tilespmem:v1+s19+$0x0], $0xffff;
	_ =	sdelay $0x4  }
0x198: {  	v4 =	vmul.f32 v4, v3;
	_ =	sdelay $0x1  }
0x199: {  	[tilespmem:v2+s28+$0x0] =	vst.idx.add.f32.msk $0xffff, v4  }
0x19a: {  	v4 =	vld.idx.msk [tilespmem:v1+s20+$0x0], $0xffff;
	_ =	sdelay $0x4  }
0x19b: {  	v4 =	vmul.f32 v4, v3;
	_ =	sdelay $0x1  }
0x19c: {  	[tilespmem:v2+s29+$0x0] =	vst.idx.add.f32.msk $0xffff, v4  }
0x19d: {  	v1 =	vld.idx.msk [tilespmem:v1+s21+$0x0], $0xffff;
	_ =	sdelay $0x4  }
0x19e: {  	v1 =	vmul.f32 v1, v3;
	_ =	sdelay $0x1  }
0x19f: {  	[tilespmem:v2+s30+$0x0] =	vst.idx.add.f32.msk $0xffff, v1  }
0x1a0: {  	v1 =	vld [tilespmem:s9+$0xFFFFFFE0];
	_ =	sdelay $0x5  }
0x1a1: {  	v2 =	vld [tilespmem:s8+$0xFFFFFFE0]  }
0x1a2: {  	v3 =	vld [tilespmem:s7+$0xFFFFFFE0]  }
0x1a3: {  	v4 =	vld.idx.msk [tilespmem:v1+s3+$0x0], $0xffff;
	_ =	sdelay $0x4  }
0x1a4: {  	v4 =	vmul.f32 v4, v3;
	_ =	sdelay $0x1  }
0x1a5: {  	[tilespmem:v2+s26+$0x0] =	vst.idx.add.f32.msk $0xffff, v4  }
0x1a6: {  	v4 =	vld.idx.msk [tilespmem:v1+s19+$0x0], $0xffff;
	_ =	sdelay $0x4  }
0x1a7: {  	v4 =	vmul.f32 v4, v3;
	_ =	sdelay $0x1  }
0x1a8: {  	[tilespmem:v2+s28+$0x0] =	vst.idx.add.f32.msk $0xffff, v4  }
0x1a9: {  	v4 =	vld.idx.msk [tilespmem:v1+s20+$0x0], $0xffff;
	_ =	sdelay $0x4  }
0x1aa: {  	v4 =	vmul.f32 v4, v3;
	_ =	sdelay $0x1  }
0x1ab: {  	[tilespmem:v2+s29+$0x0] =	vst.idx.add.f32.msk $0xffff, v4  }
0x1ac: {  	v1 =	vld.idx.msk [tilespmem:v1+s21+$0x0], $0xffff;
	_ =	sdelay $0x4  }
0x1ad: {  	v1 =	vmul.f32 v1, v3;
	_ =	sdelay $0x1  }
0x1ae: {  	[tilespmem:v2+s30+$0x0] =	vst.idx.add.f32.msk $0xffff, v1  }
0x1af: {  	v1 =	vld [tilespmem:s9+$0xFFFFFFF0];
	_ =	sdelay $0x5  }
0x1b0: {  	v2 =	vld [tilespmem:s8+$0xFFFFFFF0]  }
0x1b1: {  	v3 =	vld [tilespmem:s7+$0xFFFFFFF0]  }
0x1b2: {  	v4 =	vld.idx.msk [tilespmem:v1+s3+$0x0], $0xffff;
	_ =	sdelay $0x4  }
0x1b3: {  	v4 =	vmul.f32 v4, v3;
	_ =	sdelay $0x1  }
0x1b4: {  	[tilespmem:v2+s26+$0x0] =	vst.idx.add.f32.msk $0xffff, v4  }
0x1b5: {  	v4 =	vld.idx.msk [tilespmem:v1+s19+$0x0], $0xffff;
	_ =	sdelay $0x4  }
0x1b6: {  	v4 =	vmul.f32 v4, v3;
	_ =	sdelay $0x1  }
0x1b7: {  	[tilespmem:v2+s28+$0x0] =	vst.idx.add.f32.msk $0xffff, v4  }
0x1b8: {  	v4 =	vld.idx.msk [tilespmem:v1+s20+$0x0], $0xffff;
	_ =	sdelay $0x4  }
0x1b9: {  	v4 =	vmul.f32 v4, v3;
	_ =	sdelay $0x1  }
0x1ba: {  	[tilespmem:v2+s29+$0x0] =	vst.idx.add.f32.msk $0xffff, v4  }
0x1bb: {  	v1 =	vld.idx.msk [tilespmem:v1+s21+$0x0], $0xffff;
	_ =	sdelay $0x4  }
0x1bc: {  	v1 =	vmul.f32 v1, v3;
	_ =	sdelay $0x1  }
0x1bd: {  	[tilespmem:v2+s30+$0x0] =	vst.idx.add.f32.msk $0xffff, v1  }
0x1be: {  	v1 =	vld [tilespmem:s9+$0x0];
	_ =	sdelay $0x5  }
0x1bf: {  	v2 =	vld [tilespmem:s8+$0x0]  }
0x1c0: {  	v3 =	vld [tilespmem:s7+$0x0]  }
0x1c1: {  	v4 =	vld.idx.msk [tilespmem:v1+s3+$0x0], $0xffff;
	_ =	sdelay $0x4  }
0x1c2: {  	v4 =	vmul.f32 v4, v3;
	_ =	sdelay $0x1  }
0x1c3: {  	[tilespmem:v2+s26+$0x0] =	vst.idx.add.f32.msk $0xffff, v4  }
0x1c4: {  	v4 =	vld.idx.msk [tilespmem:v1+s19+$0x0], $0xffff;
	_ =	sdelay $0x4  }
0x1c5: {  	v4 =	vmul.f32 v4, v3;
	_ =	sdelay $0x1  }
0x1c6: {  	[tilespmem:v2+s28+$0x0] =	vst.idx.add.f32.msk $0xffff, v4  }
0x1c7: {  	v4 =	vld.idx.msk [tilespmem:v1+s20+$0x0], $0xffff;
	_ =	sdelay $0x4  }
0x1c8: {  	v4 =	vmul.f32 v4, v3;
	_ =	sdelay $0x1  }
0x1c9: {  	[tilespmem:v2+s29+$0x0] =	vst.idx.add.f32.msk $0xffff, v4  }
0x1ca: {  	v1 =	vld.idx.msk [tilespmem:v1+s21+$0x0], $0xffff;
	_ =	sdelay $0x4  }
0x1cb: {  	v1 =	vmul.f32 v1, v3;
	_ =	sdelay $0x1  }
0x1cc: {  	[tilespmem:v2+s30+$0x0] =	vst.idx.add.f32.msk $0xffff, v1  }
0x1cd: {  	v1 =	vld [tilespmem:s9+$0x10];
	_ =	sdelay $0x5  }
0x1ce: {  	v2 =	vld [tilespmem:s8+$0x10]  }
0x1cf: {  	v3 =	vld [tilespmem:s7+$0x10]  }
0x1d0: {  	v4 =	vld.idx.msk [tilespmem:v1+s3+$0x0], $0xffff;
	_ =	sdelay $0x4  }
0x1d1: {  	v4 =	vmul.f32 v4, v3;
	_ =	sdelay $0x1  }
0x1d2: {  	[tilespmem:v2+s26+$0x0] =	vst.idx.add.f32.msk $0xffff, v4  }
0x1d3: {  	v4 =	vld.idx.msk [tilespmem:v1+s19+$0x0], $0xffff;
	_ =	sdelay $0x4  }
0x1d4: {  	v4 =	vmul.f32 v4, v3;
	_ =	sdelay $0x1  }
0x1d5: {  	[tilespmem:v2+s28+$0x0] =	vst.idx.add.f32.msk $0xffff, v4  }
0x1d6: {  	v4 =	vld.idx.msk [tilespmem:v1+s20+$0x0], $0xffff;
	_ =	sdelay $0x4  }
0x1d7: {  	v4 =	vmul.f32 v4, v3;
	_ =	sdelay $0x1  }
0x1d8: {  	[tilespmem:v2+s29+$0x0] =	vst.idx.add.f32.msk $0xffff, v4  }
0x1d9: {  	v1 =	vld.idx.msk [tilespmem:v1+s21+$0x0], $0xffff;
	_ =	sdelay $0x4  }
0x1da: {  	v1 =	vmul.f32 v1, v3;
	_ =	sdelay $0x1  }
0x1db: {  	[tilespmem:v2+s30+$0x0] =	vst.idx.add.f32.msk $0xffff, v1  }
0x1dc: {  	v1 =	vld [tilespmem:s9+$0x20];
	_ =	sdelay $0x5  }
0x1dd: {  	v2 =	vld [tilespmem:s8+$0x20]  }
0x1de: {  	v3 =	vld [tilespmem:s7+$0x20]  }
0x1df: {  	v4 =	vld.idx.msk [tilespmem:v1+s3+$0x0], $0xffff;
	_ =	sdelay $0x4  }
0x1e0: {  	v4 =	vmul.f32 v4, v3;
	_ =	sdelay $0x1  }
0x1e1: {  	[tilespmem:v2+s26+$0x0] =	vst.idx.add.f32.msk $0xffff, v4  }
0x1e2: {  	v4 =	vld.idx.msk [tilespmem:v1+s19+$0x0], $0xffff;
	_ =	sdelay $0x4  }
0x1e3: {  	v4 =	vmul.f32 v4, v3;
	_ =	sdelay $0x1  }
0x1e4: {  	[tilespmem:v2+s28+$0x0] =	vst.idx.add.f32.msk $0xffff, v4  }
0x1e5: {  	v4 =	vld.idx.msk [tilespmem:v1+s20+$0x0], $0xffff;
	_ =	sdelay $0x4  }
0x1e6: {  	v4 =	vmul.f32 v4, v3;
	_ =	sdelay $0x1  }
0x1e7: {  	[tilespmem:v2+s29+$0x0] =	vst.idx.add.f32.msk $0xffff, v4  }
0x1e8: {  	v1 =	vld.idx.msk [tilespmem:v1+s21+$0x0], $0xffff;
	_ =	sdelay $0x4  }
0x1e9: {  	v1 =	vmul.f32 v1, v3;
	_ =	sdelay $0x1  }
0x1ea: {  	[tilespmem:v2+s30+$0x0] =	vst.idx.add.f32.msk $0xffff, v1  }
0x1eb: {  	v1 =	vld [tilespmem:s9+$0x30];
	_ =	sdelay $0x5  }
0x1ec: {  	v2 =	vld [tilespmem:s8+$0x30]  }
0x1ed: {  	v3 =	vld [tilespmem:s7+$0x30]  }
0x1ee: {  	v4 =	vld.idx.msk [tilespmem:v1+s3+$0x0], $0xffff;
	_ =	sdelay $0x4  }
0x1ef: {  	v4 =	vmul.f32 v4, v3;
	_ =	sdelay $0x1  }
0x1f0: {  	[tilespmem:v2+s26+$0x0] =	vst.idx.add.f32.msk $0xffff, v4  }
0x1f1: {  	v4 =	vld.idx.msk [tilespmem:v1+s19+$0x0], $0xffff;
	_ =	sdelay $0x4  }
0x1f2: {  	v4 =	vmul.f32 v4, v3;
	_ =	sdelay $0x1  }
0x1f3: {  	[tilespmem:v2+s28+$0x0] =	vst.idx.add.f32.msk $0xffff, v4  }
0x1f4: {  	v4 =	vld.idx.msk [tilespmem:v1+s20+$0x0], $0xffff;
	_ =	sdelay $0x4  }
0x1f5: {  	v4 =	vmul.f32 v4, v3;
	_ =	sdelay $0x1  }
0x1f6: {  	[tilespmem:v2+s29+$0x0] =	vst.idx.add.f32.msk $0xffff, v4  }
0x1f7: {  	v1 =	vld.idx.msk [tilespmem:v1+s21+$0x0], $0xffff;
	_ =	sdelay $0x4  }
0x1f8: {  	v1 =	vmul.f32 v1, v3;
	_ =	sdelay $0x1  }
0x1f9: {  	[tilespmem:v2+s30+$0x0] =	vst.idx.add.f32.msk $0xffff, v1  }
0x1fa: {  	v1 =	vld [tilespmem:s9+$0x40];
	_ =	sdelay $0x5  }
0x1fb: {  	v2 =	vld [tilespmem:s8+$0x40]  }
0x1fc: {  	v3 =	vld [tilespmem:s7+$0x40]  }
0x1fd: {  	v4 =	vld.idx.msk [tilespmem:v1+s3+$0x0], $0xffff;
	_ =	sdelay $0x4  }
0x1fe: {  	v4 =	vmul.f32 v4, v3;
	_ =	sdelay $0x1  }
0x1ff: {  	[tilespmem:v2+s26+$0x0] =	vst.idx.add.f32.msk $0xffff, v4  }
0x200: {  	v4 =	vld.idx.msk [tilespmem:v1+s19+$0x0], $0xffff;
	_ =	sdelay $0x4  }
0x201: {  	v4 =	vmul.f32 v4, v3;
	_ =	sdelay $0x1  }
0x202: {  	[tilespmem:v2+s28+$0x0] =	vst.idx.add.f32.msk $0xffff, v4  }
0x203: {  	v4 =	vld.idx.msk [tilespmem:v1+s20+$0x0], $0xffff;
	_ =	sdelay $0x4  }
0x204: {  	v4 =	vmul.f32 v4, v3;
	_ =	sdelay $0x1  }
0x205: {  	[tilespmem:v2+s29+$0x0] =	vst.idx.add.f32.msk $0xffff, v4  }
0x206: {  	v1 =	vld.idx.msk [tilespmem:v1+s21+$0x0], $0xffff;
	_ =	sdelay $0x4  }
0x207: {  	v1 =	vmul.f32 v1, v3;
	_ =	sdelay $0x1  }
0x208: {  	[tilespmem:v2+s30+$0x0] =	vst.idx.add.f32.msk $0xffff, v1  }
0x209: {  	v1 =	vld [tilespmem:s9+$0x50];
	_ =	sdelay $0x5  }
0x20a: {  	v2 =	vld [tilespmem:s8+$0x50]  }
0x20b: {  	v3 =	vld [tilespmem:s7+$0x50]  }
0x20c: {  	v4 =	vld.idx.msk [tilespmem:v1+s3+$0x0], $0xffff;
	_ =	sdelay $0x4  }
0x20d: {  	v4 =	vmul.f32 v4, v3;
	_ =	sdelay $0x1  }
0x20e: {  	[tilespmem:v2+s26+$0x0] =	vst.idx.add.f32.msk $0xffff, v4  }
0x20f: {  	v4 =	vld.idx.msk [tilespmem:v1+s19+$0x0], $0xffff;
	_ =	sdelay $0x4  }
0x210: {  	v4 =	vmul.f32 v4, v3;
	_ =	sdelay $0x1  }
0x211: {  	[tilespmem:v2+s28+$0x0] =	vst.idx.add.f32.msk $0xffff, v4  }
0x212: {  	v4 =	vld.idx.msk [tilespmem:v1+s20+$0x0], $0xffff;
	_ =	sdelay $0x4  }
0x213: {  	v4 =	vmul.f32 v4, v3;
	_ =	sdelay $0x1  }
0x214: {  	[tilespmem:v2+s29+$0x0] =	vst.idx.add.f32.msk $0xffff, v4  }
0x215: {  	v1 =	vld.idx.msk [tilespmem:v1+s21+$0x0], $0xffff;
	_ =	sdelay $0x4  }
0x216: {  	v1 =	vmul.f32 v1, v3;
	_ =	sdelay $0x1  }
0x217: {  	[tilespmem:v2+s30+$0x0] =	vst.idx.add.f32.msk $0xffff, v1  }
0x218: {  	v1 =	vld [tilespmem:s9+$0x60];
	_ =	sdelay $0x5  }
0x219: {  	v2 =	vld [tilespmem:s8+$0x60]  }
0x21a: {  	v3 =	vld [tilespmem:s7+$0x60]  }
0x21b: {  	v4 =	vld.idx.msk [tilespmem:v1+s3+$0x0], $0xffff;
	_ =	sdelay $0x4  }
0x21c: {  	v4 =	vmul.f32 v4, v3;
	_ =	sdelay $0x1  }
0x21d: {  	[tilespmem:v2+s26+$0x0] =	vst.idx.add.f32.msk $0xffff, v4  }
0x21e: {  	v4 =	vld.idx.msk [tilespmem:v1+s19+$0x0], $0xffff;
	_ =	sdelay $0x4  }
0x21f: {  	v4 =	vmul.f32 v4, v3;
	_ =	sdelay $0x1  }
0x220: {  	[tilespmem:v2+s28+$0x0] =	vst.idx.add.f32.msk $0xffff, v4  }
0x221: {  	v4 =	vld.idx.msk [tilespmem:v1+s20+$0x0], $0xffff;
	_ =	sdelay $0x4  }
0x222: {  	v4 =	vmul.f32 v4, v3;
	_ =	sdelay $0x1  }
0x223: {  	[tilespmem:v2+s29+$0x0] =	vst.idx.add.f32.msk $0xffff, v4  }
0x224: {  	v1 =	vld.idx.msk [tilespmem:v1+s21+$0x0], $0xffff;
	_ =	sdelay $0x4  }
0x225: {  	v1 =	vmul.f32 v1, v3;
	_ =	sdelay $0x1  }
0x226: {  	[tilespmem:v2+s30+$0x0] =	vst.idx.add.f32.msk $0xffff, v1  }
0x227: {  	v1 =	vld [tilespmem:s9+$0x70];
	_ =	sdelay $0x5  }
0x228: {  	v2 =	vld [tilespmem:s8+$0x70]  }
0x229: {  	v3 =	vld [tilespmem:s7+$0x70]  }
0x22a: {  	v4 =	vld.idx.msk [tilespmem:v1+s3+$0x0], $0xffff;
	_ =	sdelay $0x4  }
0x22b: {  	v4 =	vmul.f32 v4, v3;
	_ =	sdelay $0x1  }
0x22c: {  	[tilespmem:v2+s26+$0x0] =	vst.idx.add.f32.msk $0xffff, v4  }
0x22d: {  	v4 =	vld.idx.msk [tilespmem:v1+s19+$0x0], $0xffff;
	_ =	sdelay $0x4  }
0x22e: {  	v4 =	vmul.f32 v4, v3;
	_ =	sdelay $0x1  }
0x22f: {  	[tilespmem:v2+s28+$0x0] =	vst.idx.add.f32.msk $0xffff, v4  }
0x230: {  	v4 =	vld.idx.msk [tilespmem:v1+s20+$0x0], $0xffff;
	_ =	sdelay $0x4  }
0x231: {  	v4 =	vmul.f32 v4, v3;
	_ =	sdelay $0x1  }
0x232: {  	[tilespmem:v2+s29+$0x0] =	vst.idx.add.f32.msk $0xffff, v4  }
0x233: {  	v1 =	vld.idx.msk [tilespmem:v1+s21+$0x0], $0xffff  }
0x234: {  	s6 =	sadd.s32 $0x10, s6  }
0x235: {  	p0 =	slt.u32 s6, $0xF0  }
.Ltmp2:
0x236: {  	_ = 	snop;
	(pc) =	sbr.rel @p0 .LBB2_7-.Ltmp2, $3  }
0x237: {  	_ = 	snop  }
0x238: {  	v1 =	vmul.f32 v1, v3;
	_ =	sdelay $0x1  }
0x239: {  	s7 =	sadd.s32 $0x100, s7;
	s8 =	sadd.s32 $0x100, s8;
	s9 =	sadd.s32 $0x100, s9;
	[tilespmem:v2+s30+$0x0] =	vst.idx.add.f32.msk $0xffff, v1  }
0x23a: {  	s1 =	sadd.s32 $0x1, s1  }
0x23b: {  	p0 =	sne.s32 s1, $0x27  }
.Ltmp3:
0x23c: {  	_ = 	snop;
	(pc) =	sbr.rel @p0 .LBB2_4-.Ltmp3, $1  }
0x23d: {  	_ =	sdelay $0x3  }
0x23e: {  	_ =	swait.ge [sflag:s22], $0x1000  }
0x23f: {  	[sflag:s22] =	ssyncset.done $0x0  }
0x240: {  	[sflag:s22] =	ssyncadd.s32 $0xFFFFF000  }
0x241: {  	_ =	swait.ge [sflag:s22], $0x1000  }
0x242: {  	[sflag:s22] =	ssyncset.done $0x0  }
0x243: {  	[sflag:s22] =	ssyncadd.s32 $0xFFFFF000  }
0x244: {  	_ =	swait.ge [sflag:s22], $0x1000  }
0x245: {  	s1 =	simm.s32 $0xFFFFFFF0;
	s6 =	simm.s32 $0x15C80;
	[sflag:s22] =	ssyncset.done $0x0  }
0x246: {  	s7 =	simm.s32 $0x14C80;
	s8 =	simm.s32 $0x13C80;
	[sflag:s22] =	ssyncadd.s32 $0xFFFFF000  }
.LBB2_10:
0x247: {  	v1 =	vld [tilespmem:s8+$0xFFFFFF80];
	_ =	sdelay $0x5  }
0x248: {  	v2 =	vld [tilespmem:s7+$0xFFFFFF80]  }
0x249: {  	v3 =	vld [tilespmem:s6+$0xFFFFFF80]  }
0x24a: {  	v4 =	vld.idx.msk [tilespmem:v1+s3+$0x0], $0xffff;
	_ =	sdelay $0x4  }
0x24b: {  	v4 =	vmul.f32 v4, v3;
	_ =	sdelay $0x1  }
0x24c: {  	[tilespmem:v2+s26+$0x0] =	vst.idx.add.f32.msk $0xffff, v4  }
0x24d: {  	v4 =	vld.idx.msk [tilespmem:v1+s19+$0x0], $0xffff;
	_ =	sdelay $0x4  }
0x24e: {  	v4 =	vmul.f32 v4, v3;
	_ =	sdelay $0x1  }
0x24f: {  	[tilespmem:v2+s28+$0x0] =	vst.idx.add.f32.msk $0xffff, v4  }
0x250: {  	v4 =	vld.idx.msk [tilespmem:v1+s20+$0x0], $0xffff;
	_ =	sdelay $0x4  }
0x251: {  	v4 =	vmul.f32 v4, v3;
	_ =	sdelay $0x1  }
0x252: {  	[tilespmem:v2+s29+$0x0] =	vst.idx.add.f32.msk $0xffff, v4  }
0x253: {  	v1 =	vld.idx.msk [tilespmem:v1+s21+$0x0], $0xffff;
	_ =	sdelay $0x4  }
0x254: {  	v1 =	vmul.f32 v1, v3;
	_ =	sdelay $0x1  }
0x255: {  	[tilespmem:v2+s30+$0x0] =	vst.idx.add.f32.msk $0xffff, v1  }
0x256: {  	v1 =	vld [tilespmem:s8+$0xFFFFFF90];
	_ =	sdelay $0x5  }
0x257: {  	v2 =	vld [tilespmem:s7+$0xFFFFFF90]  }
0x258: {  	v3 =	vld [tilespmem:s6+$0xFFFFFF90]  }
0x259: {  	v4 =	vld.idx.msk [tilespmem:v1+s3+$0x0], $0xffff;
	_ =	sdelay $0x4  }
0x25a: {  	v4 =	vmul.f32 v4, v3;
	_ =	sdelay $0x1  }
0x25b: {  	[tilespmem:v2+s26+$0x0] =	vst.idx.add.f32.msk $0xffff, v4  }
0x25c: {  	v4 =	vld.idx.msk [tilespmem:v1+s19+$0x0], $0xffff;
	_ =	sdelay $0x4  }
0x25d: {  	v4 =	vmul.f32 v4, v3;
	_ =	sdelay $0x1  }
0x25e: {  	[tilespmem:v2+s28+$0x0] =	vst.idx.add.f32.msk $0xffff, v4  }
0x25f: {  	v4 =	vld.idx.msk [tilespmem:v1+s20+$0x0], $0xffff;
	_ =	sdelay $0x4  }
0x260: {  	v4 =	vmul.f32 v4, v3;
	_ =	sdelay $0x1  }
0x261: {  	[tilespmem:v2+s29+$0x0] =	vst.idx.add.f32.msk $0xffff, v4  }
0x262: {  	v1 =	vld.idx.msk [tilespmem:v1+s21+$0x0], $0xffff;
	_ =	sdelay $0x4  }
0x263: {  	v1 =	vmul.f32 v1, v3;
	_ =	sdelay $0x1  }
0x264: {  	[tilespmem:v2+s30+$0x0] =	vst.idx.add.f32.msk $0xffff, v1  }
0x265: {  	v1 =	vld [tilespmem:s8+$0xFFFFFFA0];
	_ =	sdelay $0x5  }
0x266: {  	v2 =	vld [tilespmem:s7+$0xFFFFFFA0]  }
0x267: {  	v3 =	vld [tilespmem:s6+$0xFFFFFFA0]  }
0x268: {  	v4 =	vld.idx.msk [tilespmem:v1+s3+$0x0], $0xffff;
	_ =	sdelay $0x4  }
0x269: {  	v4 =	vmul.f32 v4, v3;
	_ =	sdelay $0x1  }
0x26a: {  	[tilespmem:v2+s26+$0x0] =	vst.idx.add.f32.msk $0xffff, v4  }
0x26b: {  	v4 =	vld.idx.msk [tilespmem:v1+s19+$0x0], $0xffff;
	_ =	sdelay $0x4  }
0x26c: {  	v4 =	vmul.f32 v4, v3;
	_ =	sdelay $0x1  }
0x26d: {  	[tilespmem:v2+s28+$0x0] =	vst.idx.add.f32.msk $0xffff, v4  }
0x26e: {  	v4 =	vld.idx.msk [tilespmem:v1+s20+$0x0], $0xffff;
	_ =	sdelay $0x4  }
0x26f: {  	v4 =	vmul.f32 v4, v3;
	_ =	sdelay $0x1  }
0x270: {  	[tilespmem:v2+s29+$0x0] =	vst.idx.add.f32.msk $0xffff, v4  }
0x271: {  	v1 =	vld.idx.msk [tilespmem:v1+s21+$0x0], $0xffff;
	_ =	sdelay $0x4  }
0x272: {  	v1 =	vmul.f32 v1, v3;
	_ =	sdelay $0x1  }
0x273: {  	[tilespmem:v2+s30+$0x0] =	vst.idx.add.f32.msk $0xffff, v1  }
0x274: {  	v1 =	vld [tilespmem:s8+$0xFFFFFFB0];
	_ =	sdelay $0x5  }
0x275: {  	v2 =	vld [tilespmem:s7+$0xFFFFFFB0]  }
0x276: {  	v3 =	vld [tilespmem:s6+$0xFFFFFFB0]  }
0x277: {  	v4 =	vld.idx.msk [tilespmem:v1+s3+$0x0], $0xffff;
	_ =	sdelay $0x4  }
0x278: {  	v4 =	vmul.f32 v4, v3;
	_ =	sdelay $0x1  }
0x279: {  	[tilespmem:v2+s26+$0x0] =	vst.idx.add.f32.msk $0xffff, v4  }
0x27a: {  	v4 =	vld.idx.msk [tilespmem:v1+s19+$0x0], $0xffff;
	_ =	sdelay $0x4  }
0x27b: {  	v4 =	vmul.f32 v4, v3;
	_ =	sdelay $0x1  }
0x27c: {  	[tilespmem:v2+s28+$0x0] =	vst.idx.add.f32.msk $0xffff, v4  }
0x27d: {  	v4 =	vld.idx.msk [tilespmem:v1+s20+$0x0], $0xffff;
	_ =	sdelay $0x4  }
0x27e: {  	v4 =	vmul.f32 v4, v3;
	_ =	sdelay $0x1  }
0x27f: {  	[tilespmem:v2+s29+$0x0] =	vst.idx.add.f32.msk $0xffff, v4  }
0x280: {  	v1 =	vld.idx.msk [tilespmem:v1+s21+$0x0], $0xffff;
	_ =	sdelay $0x4  }
0x281: {  	v1 =	vmul.f32 v1, v3;
	_ =	sdelay $0x1  }
0x282: {  	[tilespmem:v2+s30+$0x0] =	vst.idx.add.f32.msk $0xffff, v1  }
0x283: {  	v1 =	vld [tilespmem:s8+$0xFFFFFFC0];
	_ =	sdelay $0x5  }
0x284: {  	v2 =	vld [tilespmem:s7+$0xFFFFFFC0]  }
0x285: {  	v3 =	vld [tilespmem:s6+$0xFFFFFFC0]  }
0x286: {  	v4 =	vld.idx.msk [tilespmem:v1+s3+$0x0], $0xffff;
	_ =	sdelay $0x4  }
0x287: {  	v4 =	vmul.f32 v4, v3;
	_ =	sdelay $0x1  }
0x288: {  	[tilespmem:v2+s26+$0x0] =	vst.idx.add.f32.msk $0xffff, v4  }
0x289: {  	v4 =	vld.idx.msk [tilespmem:v1+s19+$0x0], $0xffff;
	_ =	sdelay $0x4  }
0x28a: {  	v4 =	vmul.f32 v4, v3;
	_ =	sdelay $0x1  }
0x28b: {  	[tilespmem:v2+s28+$0x0] =	vst.idx.add.f32.msk $0xffff, v4  }
0x28c: {  	v4 =	vld.idx.msk [tilespmem:v1+s20+$0x0], $0xffff;
	_ =	sdelay $0x4  }
0x28d: {  	v4 =	vmul.f32 v4, v3;
	_ =	sdelay $0x1  }
0x28e: {  	[tilespmem:v2+s29+$0x0] =	vst.idx.add.f32.msk $0xffff, v4  }
0x28f: {  	v1 =	vld.idx.msk [tilespmem:v1+s21+$0x0], $0xffff;
	_ =	sdelay $0x4  }
0x290: {  	v1 =	vmul.f32 v1, v3;
	_ =	sdelay $0x1  }
0x291: {  	[tilespmem:v2+s30+$0x0] =	vst.idx.add.f32.msk $0xffff, v1  }
0x292: {  	v1 =	vld [tilespmem:s8+$0xFFFFFFD0];
	_ =	sdelay $0x5  }
0x293: {  	v2 =	vld [tilespmem:s7+$0xFFFFFFD0]  }
0x294: {  	v3 =	vld [tilespmem:s6+$0xFFFFFFD0]  }
0x295: {  	v4 =	vld.idx.msk [tilespmem:v1+s3+$0x0], $0xffff;
	_ =	sdelay $0x4  }
0x296: {  	v4 =	vmul.f32 v4, v3;
	_ =	sdelay $0x1  }
0x297: {  	[tilespmem:v2+s26+$0x0] =	vst.idx.add.f32.msk $0xffff, v4  }
0x298: {  	v4 =	vld.idx.msk [tilespmem:v1+s19+$0x0], $0xffff;
	_ =	sdelay $0x4  }
0x299: {  	v4 =	vmul.f32 v4, v3;
	_ =	sdelay $0x1  }
0x29a: {  	[tilespmem:v2+s28+$0x0] =	vst.idx.add.f32.msk $0xffff, v4  }
0x29b: {  	v4 =	vld.idx.msk [tilespmem:v1+s20+$0x0], $0xffff;
	_ =	sdelay $0x4  }
0x29c: {  	v4 =	vmul.f32 v4, v3;
	_ =	sdelay $0x1  }
0x29d: {  	[tilespmem:v2+s29+$0x0] =	vst.idx.add.f32.msk $0xffff, v4  }
0x29e: {  	v1 =	vld.idx.msk [tilespmem:v1+s21+$0x0], $0xffff;
	_ =	sdelay $0x4  }
0x29f: {  	v1 =	vmul.f32 v1, v3;
	_ =	sdelay $0x1  }
0x2a0: {  	[tilespmem:v2+s30+$0x0] =	vst.idx.add.f32.msk $0xffff, v1  }
0x2a1: {  	v1 =	vld [tilespmem:s8+$0xFFFFFFE0];
	_ =	sdelay $0x5  }
0x2a2: {  	v2 =	vld [tilespmem:s7+$0xFFFFFFE0]  }
0x2a3: {  	v3 =	vld [tilespmem:s6+$0xFFFFFFE0]  }
0x2a4: {  	v4 =	vld.idx.msk [tilespmem:v1+s3+$0x0], $0xffff;
	_ =	sdelay $0x4  }
0x2a5: {  	v4 =	vmul.f32 v4, v3;
	_ =	sdelay $0x1  }
0x2a6: {  	[tilespmem:v2+s26+$0x0] =	vst.idx.add.f32.msk $0xffff, v4  }
0x2a7: {  	v4 =	vld.idx.msk [tilespmem:v1+s19+$0x0], $0xffff;
	_ =	sdelay $0x4  }
0x2a8: {  	v4 =	vmul.f32 v4, v3;
	_ =	sdelay $0x1  }
0x2a9: {  	[tilespmem:v2+s28+$0x0] =	vst.idx.add.f32.msk $0xffff, v4  }
0x2aa: {  	v4 =	vld.idx.msk [tilespmem:v1+s20+$0x0], $0xffff;
	_ =	sdelay $0x4  }
0x2ab: {  	v4 =	vmul.f32 v4, v3;
	_ =	sdelay $0x1  }
0x2ac: {  	[tilespmem:v2+s29+$0x0] =	vst.idx.add.f32.msk $0xffff, v4  }
0x2ad: {  	v1 =	vld.idx.msk [tilespmem:v1+s21+$0x0], $0xffff;
	_ =	sdelay $0x4  }
0x2ae: {  	v1 =	vmul.f32 v1, v3;
	_ =	sdelay $0x1  }
0x2af: {  	[tilespmem:v2+s30+$0x0] =	vst.idx.add.f32.msk $0xffff, v1  }
0x2b0: {  	v1 =	vld [tilespmem:s8+$0xFFFFFFF0];
	_ =	sdelay $0x5  }
0x2b1: {  	v2 =	vld [tilespmem:s7+$0xFFFFFFF0]  }
0x2b2: {  	v3 =	vld [tilespmem:s6+$0xFFFFFFF0]  }
0x2b3: {  	v4 =	vld.idx.msk [tilespmem:v1+s3+$0x0], $0xffff;
	_ =	sdelay $0x4  }
0x2b4: {  	v4 =	vmul.f32 v4, v3;
	_ =	sdelay $0x1  }
0x2b5: {  	[tilespmem:v2+s26+$0x0] =	vst.idx.add.f32.msk $0xffff, v4  }
0x2b6: {  	v4 =	vld.idx.msk [tilespmem:v1+s19+$0x0], $0xffff;
	_ =	sdelay $0x4  }
0x2b7: {  	v4 =	vmul.f32 v4, v3;
	_ =	sdelay $0x1  }
0x2b8: {  	[tilespmem:v2+s28+$0x0] =	vst.idx.add.f32.msk $0xffff, v4  }
0x2b9: {  	v4 =	vld.idx.msk [tilespmem:v1+s20+$0x0], $0xffff;
	_ =	sdelay $0x4  }
0x2ba: {  	v4 =	vmul.f32 v4, v3;
	_ =	sdelay $0x1  }
0x2bb: {  	[tilespmem:v2+s29+$0x0] =	vst.idx.add.f32.msk $0xffff, v4  }
0x2bc: {  	v1 =	vld.idx.msk [tilespmem:v1+s21+$0x0], $0xffff;
	_ =	sdelay $0x4  }
0x2bd: {  	v1 =	vmul.f32 v1, v3;
	_ =	sdelay $0x1  }
0x2be: {  	[tilespmem:v2+s30+$0x0] =	vst.idx.add.f32.msk $0xffff, v1  }
0x2bf: {  	v1 =	vld [tilespmem:s8+$0x0];
	_ =	sdelay $0x5  }
0x2c0: {  	v2 =	vld [tilespmem:s7+$0x0]  }
0x2c1: {  	v3 =	vld [tilespmem:s6+$0x0]  }
0x2c2: {  	v4 =	vld.idx.msk [tilespmem:v1+s3+$0x0], $0xffff;
	_ =	sdelay $0x4  }
0x2c3: {  	v4 =	vmul.f32 v4, v3;
	_ =	sdelay $0x1  }
0x2c4: {  	[tilespmem:v2+s26+$0x0] =	vst.idx.add.f32.msk $0xffff, v4  }
0x2c5: {  	v4 =	vld.idx.msk [tilespmem:v1+s19+$0x0], $0xffff;
	_ =	sdelay $0x4  }
0x2c6: {  	v4 =	vmul.f32 v4, v3;
	_ =	sdelay $0x1  }
0x2c7: {  	[tilespmem:v2+s28+$0x0] =	vst.idx.add.f32.msk $0xffff, v4  }
0x2c8: {  	v4 =	vld.idx.msk [tilespmem:v1+s20+$0x0], $0xffff;
	_ =	sdelay $0x4  }
0x2c9: {  	v4 =	vmul.f32 v4, v3;
	_ =	sdelay $0x1  }
0x2ca: {  	[tilespmem:v2+s29+$0x0] =	vst.idx.add.f32.msk $0xffff, v4  }
0x2cb: {  	v1 =	vld.idx.msk [tilespmem:v1+s21+$0x0], $0xffff;
	_ =	sdelay $0x4  }
0x2cc: {  	v1 =	vmul.f32 v1, v3;
	_ =	sdelay $0x1  }
0x2cd: {  	[tilespmem:v2+s30+$0x0] =	vst.idx.add.f32.msk $0xffff, v1  }
0x2ce: {  	v1 =	vld [tilespmem:s8+$0x10];
	_ =	sdelay $0x5  }
0x2cf: {  	v2 =	vld [tilespmem:s7+$0x10]  }
0x2d0: {  	v3 =	vld [tilespmem:s6+$0x10]  }
0x2d1: {  	v4 =	vld.idx.msk [tilespmem:v1+s3+$0x0], $0xffff;
	_ =	sdelay $0x4  }
0x2d2: {  	v4 =	vmul.f32 v4, v3;
	_ =	sdelay $0x1  }
0x2d3: {  	[tilespmem:v2+s26+$0x0] =	vst.idx.add.f32.msk $0xffff, v4  }
0x2d4: {  	v4 =	vld.idx.msk [tilespmem:v1+s19+$0x0], $0xffff;
	_ =	sdelay $0x4  }
0x2d5: {  	v4 =	vmul.f32 v4, v3;
	_ =	sdelay $0x1  }
0x2d6: {  	[tilespmem:v2+s28+$0x0] =	vst.idx.add.f32.msk $0xffff, v4  }
0x2d7: {  	v4 =	vld.idx.msk [tilespmem:v1+s20+$0x0], $0xffff;
	_ =	sdelay $0x4  }
0x2d8: {  	v4 =	vmul.f32 v4, v3;
	_ =	sdelay $0x1  }
0x2d9: {  	[tilespmem:v2+s29+$0x0] =	vst.idx.add.f32.msk $0xffff, v4  }
0x2da: {  	v1 =	vld.idx.msk [tilespmem:v1+s21+$0x0], $0xffff;
	_ =	sdelay $0x4  }
0x2db: {  	v1 =	vmul.f32 v1, v3;
	_ =	sdelay $0x1  }
0x2dc: {  	[tilespmem:v2+s30+$0x0] =	vst.idx.add.f32.msk $0xffff, v1  }
0x2dd: {  	v1 =	vld [tilespmem:s8+$0x20];
	_ =	sdelay $0x5  }
0x2de: {  	v2 =	vld [tilespmem:s7+$0x20]  }
0x2df: {  	v3 =	vld [tilespmem:s6+$0x20]  }
0x2e0: {  	v4 =	vld.idx.msk [tilespmem:v1+s3+$0x0], $0xffff;
	_ =	sdelay $0x4  }
0x2e1: {  	v4 =	vmul.f32 v4, v3;
	_ =	sdelay $0x1  }
0x2e2: {  	[tilespmem:v2+s26+$0x0] =	vst.idx.add.f32.msk $0xffff, v4  }
0x2e3: {  	v4 =	vld.idx.msk [tilespmem:v1+s19+$0x0], $0xffff;
	_ =	sdelay $0x4  }
0x2e4: {  	v4 =	vmul.f32 v4, v3;
	_ =	sdelay $0x1  }
0x2e5: {  	[tilespmem:v2+s28+$0x0] =	vst.idx.add.f32.msk $0xffff, v4  }
0x2e6: {  	v4 =	vld.idx.msk [tilespmem:v1+s20+$0x0], $0xffff;
	_ =	sdelay $0x4  }
0x2e7: {  	v4 =	vmul.f32 v4, v3;
	_ =	sdelay $0x1  }
0x2e8: {  	[tilespmem:v2+s29+$0x0] =	vst.idx.add.f32.msk $0xffff, v4  }
0x2e9: {  	v1 =	vld.idx.msk [tilespmem:v1+s21+$0x0], $0xffff;
	_ =	sdelay $0x4  }
0x2ea: {  	v1 =	vmul.f32 v1, v3;
	_ =	sdelay $0x1  }
0x2eb: {  	[tilespmem:v2+s30+$0x0] =	vst.idx.add.f32.msk $0xffff, v1  }
0x2ec: {  	v1 =	vld [tilespmem:s8+$0x30];
	_ =	sdelay $0x5  }
0x2ed: {  	v2 =	vld [tilespmem:s7+$0x30]  }
0x2ee: {  	v3 =	vld [tilespmem:s6+$0x30]  }
0x2ef: {  	v4 =	vld.idx.msk [tilespmem:v1+s3+$0x0], $0xffff;
	_ =	sdelay $0x4  }
0x2f0: {  	v4 =	vmul.f32 v4, v3;
	_ =	sdelay $0x1  }
0x2f1: {  	[tilespmem:v2+s26+$0x0] =	vst.idx.add.f32.msk $0xffff, v4  }
0x2f2: {  	v4 =	vld.idx.msk [tilespmem:v1+s19+$0x0], $0xffff;
	_ =	sdelay $0x4  }
0x2f3: {  	v4 =	vmul.f32 v4, v3;
	_ =	sdelay $0x1  }
0x2f4: {  	[tilespmem:v2+s28+$0x0] =	vst.idx.add.f32.msk $0xffff, v4  }
0x2f5: {  	v4 =	vld.idx.msk [tilespmem:v1+s20+$0x0], $0xffff;
	_ =	sdelay $0x4  }
0x2f6: {  	v4 =	vmul.f32 v4, v3;
	_ =	sdelay $0x1  }
0x2f7: {  	[tilespmem:v2+s29+$0x0] =	vst.idx.add.f32.msk $0xffff, v4  }
0x2f8: {  	v1 =	vld.idx.msk [tilespmem:v1+s21+$0x0], $0xffff;
	_ =	sdelay $0x4  }
0x2f9: {  	v1 =	vmul.f32 v1, v3;
	_ =	sdelay $0x1  }
0x2fa: {  	[tilespmem:v2+s30+$0x0] =	vst.idx.add.f32.msk $0xffff, v1  }
0x2fb: {  	v1 =	vld [tilespmem:s8+$0x40];
	_ =	sdelay $0x5  }
0x2fc: {  	v2 =	vld [tilespmem:s7+$0x40]  }
0x2fd: {  	v3 =	vld [tilespmem:s6+$0x40]  }
0x2fe: {  	v4 =	vld.idx.msk [tilespmem:v1+s3+$0x0], $0xffff;
	_ =	sdelay $0x4  }
0x2ff: {  	v4 =	vmul.f32 v4, v3;
	_ =	sdelay $0x1  }
0x300: {  	[tilespmem:v2+s26+$0x0] =	vst.idx.add.f32.msk $0xffff, v4  }
0x301: {  	v4 =	vld.idx.msk [tilespmem:v1+s19+$0x0], $0xffff;
	_ =	sdelay $0x4  }
0x302: {  	v4 =	vmul.f32 v4, v3;
	_ =	sdelay $0x1  }
0x303: {  	[tilespmem:v2+s28+$0x0] =	vst.idx.add.f32.msk $0xffff, v4  }
0x304: {  	v4 =	vld.idx.msk [tilespmem:v1+s20+$0x0], $0xffff;
	_ =	sdelay $0x4  }
0x305: {  	v4 =	vmul.f32 v4, v3;
	_ =	sdelay $0x1  }
0x306: {  	[tilespmem:v2+s29+$0x0] =	vst.idx.add.f32.msk $0xffff, v4  }
0x307: {  	v1 =	vld.idx.msk [tilespmem:v1+s21+$0x0], $0xffff;
	_ =	sdelay $0x4  }
0x308: {  	v1 =	vmul.f32 v1, v3;
	_ =	sdelay $0x1  }
0x309: {  	[tilespmem:v2+s30+$0x0] =	vst.idx.add.f32.msk $0xffff, v1  }
0x30a: {  	v1 =	vld [tilespmem:s8+$0x50];
	_ =	sdelay $0x5  }
0x30b: {  	v2 =	vld [tilespmem:s7+$0x50]  }
0x30c: {  	v3 =	vld [tilespmem:s6+$0x50]  }
0x30d: {  	v4 =	vld.idx.msk [tilespmem:v1+s3+$0x0], $0xffff;
	_ =	sdelay $0x4  }
0x30e: {  	v4 =	vmul.f32 v4, v3;
	_ =	sdelay $0x1  }
0x30f: {  	[tilespmem:v2+s26+$0x0] =	vst.idx.add.f32.msk $0xffff, v4  }
0x310: {  	v4 =	vld.idx.msk [tilespmem:v1+s19+$0x0], $0xffff;
	_ =	sdelay $0x4  }
0x311: {  	v4 =	vmul.f32 v4, v3;
	_ =	sdelay $0x1  }
0x312: {  	[tilespmem:v2+s28+$0x0] =	vst.idx.add.f32.msk $0xffff, v4  }
0x313: {  	v4 =	vld.idx.msk [tilespmem:v1+s20+$0x0], $0xffff;
	_ =	sdelay $0x4  }
0x314: {  	v4 =	vmul.f32 v4, v3;
	_ =	sdelay $0x1  }
0x315: {  	[tilespmem:v2+s29+$0x0] =	vst.idx.add.f32.msk $0xffff, v4  }
0x316: {  	v1 =	vld.idx.msk [tilespmem:v1+s21+$0x0], $0xffff;
	_ =	sdelay $0x4  }
0x317: {  	v1 =	vmul.f32 v1, v3;
	_ =	sdelay $0x1  }
0x318: {  	[tilespmem:v2+s30+$0x0] =	vst.idx.add.f32.msk $0xffff, v1  }
0x319: {  	v1 =	vld [tilespmem:s8+$0x60];
	_ =	sdelay $0x5  }
0x31a: {  	v2 =	vld [tilespmem:s7+$0x60]  }
0x31b: {  	v3 =	vld [tilespmem:s6+$0x60]  }
0x31c: {  	v4 =	vld.idx.msk [tilespmem:v1+s3+$0x0], $0xffff;
	_ =	sdelay $0x4  }
0x31d: {  	v4 =	vmul.f32 v4, v3;
	_ =	sdelay $0x1  }
0x31e: {  	[tilespmem:v2+s26+$0x0] =	vst.idx.add.f32.msk $0xffff, v4  }
0x31f: {  	v4 =	vld.idx.msk [tilespmem:v1+s19+$0x0], $0xffff;
	_ =	sdelay $0x4  }
0x320: {  	v4 =	vmul.f32 v4, v3;
	_ =	sdelay $0x1  }
0x321: {  	[tilespmem:v2+s28+$0x0] =	vst.idx.add.f32.msk $0xffff, v4  }
0x322: {  	v4 =	vld.idx.msk [tilespmem:v1+s20+$0x0], $0xffff;
	_ =	sdelay $0x4  }
0x323: {  	v4 =	vmul.f32 v4, v3;
	_ =	sdelay $0x1  }
0x324: {  	[tilespmem:v2+s29+$0x0] =	vst.idx.add.f32.msk $0xffff, v4  }
0x325: {  	v1 =	vld.idx.msk [tilespmem:v1+s21+$0x0], $0xffff;
	_ =	sdelay $0x4  }
0x326: {  	v1 =	vmul.f32 v1, v3;
	_ =	sdelay $0x1  }
0x327: {  	[tilespmem:v2+s30+$0x0] =	vst.idx.add.f32.msk $0xffff, v1  }
0x328: {  	v1 =	vld [tilespmem:s8+$0x70];
	_ =	sdelay $0x5  }
0x329: {  	v2 =	vld [tilespmem:s7+$0x70]  }
0x32a: {  	v3 =	vld [tilespmem:s6+$0x70]  }
0x32b: {  	v4 =	vld.idx.msk [tilespmem:v1+s3+$0x0], $0xffff;
	_ =	sdelay $0x4  }
0x32c: {  	v4 =	vmul.f32 v4, v3;
	_ =	sdelay $0x1  }
0x32d: {  	[tilespmem:v2+s26+$0x0] =	vst.idx.add.f32.msk $0xffff, v4  }
0x32e: {  	v4 =	vld.idx.msk [tilespmem:v1+s19+$0x0], $0xffff;
	_ =	sdelay $0x4  }
0x32f: {  	v4 =	vmul.f32 v4, v3;
	_ =	sdelay $0x1  }
0x330: {  	[tilespmem:v2+s28+$0x0] =	vst.idx.add.f32.msk $0xffff, v4  }
0x331: {  	v4 =	vld.idx.msk [tilespmem:v1+s20+$0x0], $0xffff;
	_ =	sdelay $0x4  }
0x332: {  	v4 =	vmul.f32 v4, v3;
	_ =	sdelay $0x1  }
0x333: {  	[tilespmem:v2+s29+$0x0] =	vst.idx.add.f32.msk $0xffff, v4  }
0x334: {  	v1 =	vld.idx.msk [tilespmem:v1+s21+$0x0], $0xffff  }
0x335: {  	s1 =	sadd.s32 $0x10, s1  }
0x336: {  	p0 =	slt.u32 s1, $0xF0  }
.Ltmp4:
0x337: {  	_ = 	snop;
	(pc) =	sbr.rel @p0 .LBB2_10-.Ltmp4, $3  }
0x338: {  	_ = 	snop  }
0x339: {  	v1 =	vmul.f32 v1, v3;
	_ =	sdelay $0x1  }
0x33a: {  	s6 =	sadd.s32 $0x100, s6;
	s7 =	sadd.s32 $0x100, s7;
	s8 =	sadd.s32 $0x100, s8;
	[tilespmem:v2+s30+$0x0] =	vst.idx.add.f32.msk $0xffff, v1  }
0x33b: {  	s1 =	rddreg [dreg:$0x7]  }
0x33c: {  	[hbm4b:s1+s3] =	stream.linear.scatter [tilespmem:s26], [sflag:$0x3], $0x2710, $0x38;
	[tilespmem:$0x19C00] =	vst v63  }
0x33d: {  	_ =	swait.ge [sflag:s18], $0x2710  }
0x33e: {  	[sflag:s18] =	ssyncset.done $0x0  }
0x33f: {  	[sflag:s18] =	ssyncadd.s32 $0xFFFFD8F0  }
0x340: {  	[hbm4b:s11+s3] =	stream.linear.scatter [tilespmem:s28], [sflag:$0x3], $0x2710, $0x38;
	[tilespmem:$0x19C00] =	vst v63  }
0x341: {  	_ =	swait.ge [sflag:s18], $0x2710  }
0x342: {  	[sflag:s18] =	ssyncset.done $0x0  }
0x343: {  	[sflag:s18] =	ssyncadd.s32 $0xFFFFD8F0  }
0x344: {  	[hbm4b:s12+s3] =	stream.linear.scatter [tilespmem:s29], [sflag:$0x3], $0x2710, $0x38;
	[tilespmem:$0x19C00] =	vst v63  }
0x345: {  	s0 =	sadd.s32 $0x1, s0;
	_ =	swait.ge [sflag:s18], $0x2710  }
0x346: {  	p0 =	sne.s32 s0, s14;
	[sflag:s18] =	ssyncset.done $0x0  }
.Ltmp5:
0x347: {  	[sflag:s18] =	ssyncadd.s32 $0xFFFFD8F0;
	(pc) =	sbr.rel @p0 .LBB2_1-.Ltmp5, $4  }
0x348: {  	[hbm4b:s13+s3] =	stream.linear.scatter [tilespmem:s30], [sflag:$0x3], $0x2710, $0x38;
	[tilespmem:$0x19C00] =	vst v63  }
0x349: {  	_ =	swait.ge [sflag:s18], $0x2710  }
0x34a: {  	[sflag:s18] =	ssyncset.done $0x0  }
0x34b: {  	[sflag:s18] =	ssyncadd.s32 $0xFFFFD8F0  }
0x34c: {  	_ =	sfence.sel $0x180000  }
0x34d: {  	[bflag:$0x0] =	sbarrier.arrive $0xFFFF  }
0x34e: {  	_ =	strace $0x9000004D  }
0x34f: {  	s0 =	stileid.u32;
	[bflag:$0x2] =	sbarrier.arrive $0xFFFF  }
0x350: {  	p0 =	sne.s32 s0, $0x0;
	s0 =	rddreg [dreg:$0x2]  }
0x351: {  	s0 =	sadd.s32 @!p0 $0x100000, s0  }
0x352: {  	[sflag:s0] =	ssyncadd.tile.s32 @!p0 $0x1;
	_ =	shalt  }
.Lfunc_end2:
_tile_overlayer_lowered:
.L_overlay_start_2:
0x353: {  	(tag) =	ssettag $0x2  }
0x354: {  	s0 =	rddreg [dreg:$0x0];
	s2 =	stileid.u32  }
0x355: {  	s1 =	rddreg [dreg:$0x1];
	p0 =	sne.s32 s2, $0x0  }
0x356: {  	s3 =	rddreg [dreg:$0x2];
	[bflag:$0x3] =	sbarrier.arrive $0xFFFF;
	s2 =	simm.s32 @!p0 $0x1C03  }
0x357: {  	[timem:s3], [sflag:s2] =	dma.local @!p0 [hbm:s0], s1  }
0x358: {  	s0 =	simm.s32 @!p0 $0x3  }
0x359: {  	_ =	swait.ge @!p0 [sflag:s0], s1  }
0x35a: {  	s1 =	ssub.s32 @!p0 $0x0, s1;
	[sflag:s0] =	ssyncset.done @!p0 $0x0  }
0x35b: {  	[sflag:s0] =	ssyncadd.s32 @!p0 s1  }
0x35c: {  	[bflag:$0x3] =	sbarrier.arrive $0xFFFF  }
0x35d: {  	_ =	shalt  }

// kernel: kernel.8.cloned.1.call-start
scs
__scs_entry_jumppad:
0x0: {  	(pc) =	sbr.rel $0x88, $3  }
0x1: {  	(tag) =	ssettag $0x0;
	lr =	simm.s32 $0x1  }
0x2: {  	[smem:$0x3F96] =	sst lr;
	_ =	strace $0xD0000000  }
0x3: {  	_ = 	snop  }
0x4: {  	_ = 	snop  }
0x5: {  	_ = 	snop  }
0x6: {  	_ = 	snop  }
0x7: {  	_ = 	snop  }
__scs_overlays_trampoline_lowered:
0x8: {  	[smem:$0x3FA5] =	sst s0  }
0x9: {  	[smem:$0x3FA6] =	sst s1  }
0xa: {  	[smem:$0x3FA7] =	sst s2  }
0xb: {  	[smem:$0x3FA8] =	sst s3  }
0xc: {  	[smem:$0x3FA9] =	sst s4  }
0xd: {  	[smem:$0x3FAA] =	sst s5  }
0xe: {  	[smem:$0x3FAB] =	sst s6  }
0xf: {  	[smem:$0x3FAC] =	sst s7  }
0x10: {  	[smem:$0x3FAD] =	sst s8  }
0x11: {  	[smem:$0x3FAE] =	sst s9;
	s0 =	simm.s32 @!p0 $0x0  }
0x12: {  	s1 =	sld [smem:$0x3F94];
	s0 =	simm.s32 @p0 $0x1  }
0x13: {  	[smem:$0x3FAF] =	sst s0;
	s0 =	simm.s32 @!p1 $0x0  }
0x14: {  	s2 =	sld [smem:$0x3F93];
	s0 =	simm.s32 @p1 $0x1  }
0x15: {  	[smem:$0x3FB0] =	sst s0;
	s0 =	simm.s32 @!p2 $0x0  }
0x16: {  	s3 =	sld [smem:$0x3FDB];
	s0 =	simm.s32 @p2 $0x1  }
0x17: {  	s4 =	simm.s32 $0x1BF5;
	[smem:$0x3FB2] =	sst s0  }
0x18: {  	s0 =	sld [smem:$0x3F95];
	_ =	swait.ge [sflag:s4], $0x0  }
0x19: {  	s7 =	sld [smem:$0x3F96]  }
0x1a: {  	s8 =	sadd.s32 $0xFFFFE003, lr  }
0x1b: {  	s9 =	sadd.s32 $0xFFFFFEF7, lr;
	s5 =	simm.s32 $0xFFFFFFFF;
	p2 =	slt.u32 s8, $0xFFFFF086  }
0x1c: {  	p1 =	slt.u32 s9, $0xF7A;
	s5 =	simm.s32 @!p2 $0x0  }
0x1d: {  	s5 =	simm.s32 @p1 $0x1;
	p0 =	seq.s32 s7, s2  }
0x1e: {  	s7 =	smul.u32 @!p0 $0xF7A, s2;
	p2 =	seq.s32 @!p0 s5, $0x0  }
0x1f: {  	s9 =	smul.u32 $0xF7A, s1;
	s8 =	simm.s32 @!p0 $0x1BF5;
	p2 =	por !p2, p0  }
0x20: {  	[sflag:s8] =	ssyncset.s32 @!p0 $0xFFFFF086;
	s6 =	sadd.s32 @!p0 s3, s7;
	s7 =	simm.s32 @!p0 $0x108  }
0x21: {  	s3 =	sadd.s32 s3, s9;
	s6 =	sadd.s32 @!p0 $0x88, s6;
	s7 =	simm.s32 @p2 $0x1082  }
0x22: {  	[simem:s7], [sflag:s8] =	dma.local @!p0 [hbm:s6], $0xF7A  }
0x23: {  	s9 =	sor.u32 $0xD0000000, s2;
	s6 =	simm.s32 $0x108;
	_ =	swait.ge @!p0 [sflag:s8], $0x0  }
0x24: {  	s3 =	sadd.s32 $0x88, s3;
	s6 =	simm.s32 @!p1 $0x1082;
	[sflag:s4] =	ssyncset.s32 $0xFFFFF086  }
0x25: {  	[simem:s6], [sflag:s4] =	dma.local [hbm:s3], $0xF7A  }
0x26: {  	[smem:$0x3F96] =	sst s1;
	(tag) =	ssettag s2;
	_ =	strace s9  }
0x27: {  	s1 =	sld [smem:$0x3FA6]  }
0x28: {  	s2 =	sld [smem:$0x3FA7]  }
0x29: {  	s4 =	sld [smem:$0x3FA9]  }
0x2a: {  	p0 =	seq.s32 s5, $0x0;
	s5 =	sld [smem:$0x3FAA]  }
0x2b: {  	s6 =	sld [smem:$0x3FAB]  }
0x2c: {  	s7 =	sld [smem:$0x3FAC]  }
0x2d: {  	s3 =	simm.s32 $0x108;
	s8 =	sld [smem:$0x3FAD]  }
0x2e: {  	s3 =	simm.s32 @!p0 $0x1082;
	s9 =	sld [smem:$0x3FAE]  }
0x2f: {  	lr =	sadd.s32 s0, s3;
	s0 =	sld [smem:$0x3FA5]  }
0x30: {  	s3 =	sld [smem:$0x3FA8]  }
0x31: {  	[smem:$0x3FB1] =	sst s10  }
0x32: {  	s10 =	sld [smem:$0x3FAF];
	_ =	sdelay $0x3  }
0x33: {  	p0 =	seq.s32 s10, $0x1;
	s10 =	sld [smem:$0x3FB1];
	_ =	sdelay $0x3  }
0x34: {  	[smem:$0x3FB1] =	sst s10  }
0x35: {  	s10 =	sld [smem:$0x3FB0];
	_ =	sdelay $0x3  }
0x36: {  	p1 =	seq.s32 s10, $0x1;
	s10 =	sld [smem:$0x3FB1];
	_ =	sdelay $0x3  }
0x37: {  	[smem:$0x3FB1] =	sst s10  }
0x38: {  	s10 =	sld [smem:$0x3FB2]  }
0x39: {  	_ = 	snop;
	(pc) =	sbr.ind lr, $3  }
0x3a: {  	_ = 	snop  }
0x3b: {  	_ = 	snop  }
0x3c: {  	p2 =	seq.s32 s10, $0x1;
	s10 =	sld [smem:$0x3FB1]  }
0x3d: {  	_ =	shalt  }
0x3e: {  	_ =	shalt  }
0x3f: {  	_ =	shalt  }
0x40: {  	_ =	shalt  }
0x41: {  	_ =	shalt  }
0x42: {  	_ =	shalt  }
0x43: {  	_ =	shalt  }
0x44: {  	_ =	shalt  }
0x45: {  	_ =	shalt  }
0x46: {  	_ =	shalt  }
0x47: {  	_ =	shalt  }
0x48: {  	_ =	shalt  }
0x49: {  	_ =	shalt  }
0x4a: {  	_ =	shalt  }
0x4b: {  	_ =	shalt  }
0x4c: {  	_ =	shalt  }
0x4d: {  	_ =	shalt  }
0x4e: {  	_ =	shalt  }
0x4f: {  	_ =	shalt  }
0x50: {  	_ =	shalt  }
0x51: {  	_ =	shalt  }
0x52: {  	_ =	shalt  }
0x53: {  	_ =	shalt  }
0x54: {  	_ =	shalt  }
0x55: {  	_ =	shalt  }
0x56: {  	_ =	shalt  }
0x57: {  	_ =	shalt  }
0x58: {  	_ =	shalt  }
0x59: {  	_ =	shalt  }
0x5a: {  	_ =	shalt  }
0x5b: {  	_ =	shalt  }
0x5c: {  	_ =	shalt  }
0x5d: {  	_ =	shalt  }
0x5e: {  	_ =	shalt  }
0x5f: {  	_ =	shalt  }
0x60: {  	_ =	shalt  }
0x61: {  	_ =	shalt  }
0x62: {  	_ =	shalt  }
0x63: {  	_ =	shalt  }
0x64: {  	_ =	shalt  }
0x65: {  	_ =	shalt  }
0x66: {  	_ =	shalt  }
0x67: {  	_ =	shalt  }
0x68: {  	_ =	shalt  }
0x69: {  	_ =	shalt  }
0x6a: {  	_ =	shalt  }
0x6b: {  	_ =	shalt  }
0x6c: {  	_ =	shalt  }
0x6d: {  	_ =	shalt  }
0x6e: {  	_ =	shalt  }
0x6f: {  	_ =	shalt  }
0x70: {  	_ =	shalt  }
0x71: {  	_ =	shalt  }
0x72: {  	_ =	shalt  }
0x73: {  	_ =	shalt  }
0x74: {  	_ =	shalt  }
0x75: {  	_ =	shalt  }
0x76: {  	_ =	shalt  }
0x77: {  	_ =	shalt  }
0x78: {  	_ =	shalt  }
0x79: {  	_ =	shalt  }
0x7a: {  	_ =	shalt  }
0x7b: {  	_ =	shalt  }
0x7c: {  	_ =	shalt  }
0x7d: {  	_ =	shalt  }
0x7e: {  	_ =	shalt  }
0x7f: {  	_ =	shalt  }
0x80: {  	_ =	shalt  }
0x81: {  	_ =	shalt  }
0x82: {  	_ =	shalt  }
0x83: {  	_ =	shalt  }
0x84: {  	_ =	shalt  }
0x85: {  	_ =	shalt  }
0x86: {  	_ =	shalt  }
0x87: {  	_ =	shalt  }
.Lfunc_end0:
.L_simem_size_0:
called_computation_lowered:
.L_overlay_start_0:
0x88: {  	s2 =	sld [smem:$0x3FD9]  }
0x89: {  	s3 =	sld [smem:$0x3FFE];
	_ =	sdelay $0x1  }
0x8a: {  	s1 =	srdreg.scid  }
0x8b: {  	s0 =	sand.u32 $0x1, s1  }
0x8c: {  	s17 =	sshll.u32 s0, $0xA;
	s2 =	sadd.s32 s3, s2  }
0x8d: {  	s2 =	sadd.s32 s2, s17  }
0x8e: {  	[smem:$0x3FBD] =	sst s2  }
0x8f: {  	_ = 	snop  }
0x90: {  	s2 =	sld [smem:$0x3FD0];
	(tm) =	ssettm $0x1  }
0x91: {  	s18 =	sld [smem:$0x3FFB];
	_ =	sdelay $0x3  }
0x92: {  	_ =	strace s18  }
0x93: {  	s3 =	sld [smem:$0x3FFC];
	_ =	sdelay $0x3  }
0x94: {  	_ =	strace s3  }
0x95: {  	s3 =	sld [smem:$0x3FFD];
	_ =	sdelay $0x3  }
0x96: {  	_ =	strace s3  }
0x97: {  	_ =	strace $0x8FFFFFFF  }
0x98: {  	s19 =	sld [smem:$0x3FDB];
	_ =	sdelay $0x1  }
0x99: {  	s4 =	simm.s32 $_scs_section_size  }
0x9a: {  	s5 =	simm.s32 $_size__tile_overlayer_lowered;
	s6 =	simm.s32 $_tile_overlayer_lowered  }
0x9b: {  	s22 =	simm.s32 $0x1BFF;
	s21 =	sshll.u32 s6, $0x1;
	s3 =	sadd.s32 s4, s19  }
0x9c: {  	s7 =	simm.s32 $0x0;
	s20 =	sshll.u32 s5, $0x1;
	s5 =	sadd.s32 s21, s3  }
0x9d: {  	[timem:s7], [sflag:s22] =	dma.local [hbm:s5], s20  }
0x9e: {  	_ =	swait.ge [sflag:s22], s20  }
0x9f: {  	s4 =	ssub.s32 $0x0, s20;
	[sflag:s22] =	ssyncset.done $0x0  }
0xa0: {  	[sflag:s22] =	ssyncadd.s32 s4;
	_ =	sdelay $0x1  }
0xa1: {  	s23 =	simm.s32 $0x1B8B  }
0xa2: {  	_ =	swait.ge [sflag:s23], $0x1  }
0xa3: {  	[sflag:s23] =	ssyncset.done $0x0  }
0xa4: {  	s25 =	simm.s32 $0x1B8E;
	s24 =	sld [smem:$0x3FFE];
	[sflag:s23] =	ssyncadd.s32 $0xFFFFFFFF  }
0xa5: {  	s26 =	simm.s32 $execute0_lowered;
	[smem:$0x3FD2] =	sst s25  }
0xa6: {  	s5 =	sshll.u32 s26, $0x1;
	_ =	strace $0x80000046;
	[dreg:$0x1] =	wrdreg $0xFFFFFFFF  }
0xa7: {  	s28 =	simm.s32 $_size_execute0_lowered;
	s3 =	sadd.s32 s3, s5;
	[dreg:$0x0] =	wrdreg $0x0  }
0xa8: {  	s5 =	sshll.u32 s28, $0x1;
	[dreg:$0x2] =	wrdreg s3  }
0xa9: {  	[dreg:$0x3] =	wrdreg s5  }
0xaa: {  	[dreg:$0x4] =	wrdreg $0xC0  }
0xab: {  	_ =	task [dreg:s7], $0x5FFFF  }
0xac: {  	[dreg:$0x1] =	wrdreg $0xFFFFFFFF  }
0xad: {  	[dreg:$0x0] =	wrdreg $0x60  }
0xae: {  	[dreg:$0x2] =	wrdreg s2  }
0xaf: {  	[dreg:$0x3] =	wrdreg s24  }
0xb0: {  	[dreg:$0x4] =	wrdreg $0x9  }
0xb1: {  	_ =	task.clear_ibuf [dreg:s7], $0x5FFFF;
	_ =	strace $0x90000046  }
0xb2: {  	s29 =	simm.s32 $0x9;
	_ =	strace $0x80000048  }
0xb3: {  	_ =	swait.ge [sflag:s29], $0x1  }
0xb4: {  	[sflag:s29] =	ssyncadd.s32 $0xFFFFFFFF  }
0xb5: {  	_ =	strace $0x90000048  }
0xb6: {  	_ =	sfence  }
0xb7: {  	s30 =	sld [smem:$0x0];
	_ =	sdelay $0x2  }
0xb8: {  	s31 =	sshll.u32 s1, $0xD;
	s1 =	sshrl.u32 s1, $0x2  }
0xb9: {  	s3 =	sand.u32 $0x4000, s31;
	s1 =	sadd.s32 s1, s30  }
0xba: {  	s0 =	sor.u32 s3, s0;
	s1 =	sshll.u32 s1, $0x11  }
0xbb: {  	s0 =	sor.u32 s1, s0  }
0xbc: {  	s0 =	sadd.s32 $0x8F2B, s0  }
0xbd: {  	[sflag:s0] =	ssyncadd.remote.s32 $0x1  }
0xbe: {  	_ =	sfence.sel $0xFFFF  }
0xbf: {  	[dreg:$0x0] =	wrdreg $0xFFFFFFFF;
	(pc) =	sbr.abs _section_cstart, $3  }
0xc0: {  	[dreg:$0x1] =	wrdreg $0xFFFFFFFF  }
0xc1: {  	_ =	task.clear_ibuf [dreg:s7], $0x2FFFF;
	_ =	strace $0x9FFFFFFF  }
0xc2: {  	(tm) =	ssettm $0x7FFFFFFF  }
0xc3: {  	_ =	shalt  }
tec
execute0_lowered:
.L_overlay_start_1:
0x0: {  	(tag) =	ssettag $0x1  }
0x1: {  	s1 =	srdreg.scid;
	s0 =	stileid.u32  }
0x2: {  	s3 =	rddreg [dreg:$0x0];
	s4 =	sand.u32 $0x1, s1;
	s30 =	sshll.u32 s0, $0x1  }
0x3: {  	s5 =	rddreg [dreg:$0x1];
	s2 =	simm.s32 $0x0;
	s6 =	sor.u32 s4, s30  }
0x4: {  	s9 =	simm.s32 $0x4F00;
	s10 =	simm.s32 $0x0;
	s7 =	smul.u32 $0x4F0, s6  }
0x5: {  	[smem:$0x7FF] =	sst s2;
	s4 =	ssub.s32 $0x2, s4;
	s6 =	smul.u32 $0x4E2, s6  }
0x6: {  	s1 =	rddreg [dreg:$0x2];
	_ =	strace $0x80000047;
	s31 =	sshrl.u32 s4, $0x1  }
0x7: {  	s8 =	sadd.s32 s7, s5;
	s5 =	sadd.s32 s6, s5;
	s6 =	ssub.s32 s4, s31  }
0x8: {  	s3 =	sadd.s32 s3, s7;
	s7 =	simm.s32 $0x1;
	s4 =	sadd.s32 $0x1E00, s8  }
0x9: {  	v0 =	vimm.f32 $0.0e+00;
	s5 =	sadd.s32 $0xBC00, s5;
	s6 =	smax.u32 s6, $0x1;
	s8 =	simm.s32 $0x2780  }
.LBB2_1:
0xa: {  	s11 =	simm.s32 $0x40;
	s12 =	simm.s32 $0x0  }
.LBB2_2:
0xb: {  	p0 =	sne.s32 s11, $0x9C00;
	[tilespmem:s12+$0x4F00] =	vst v0;
	s12 =	smov.u32 s11;
	s11 =	sadd.s32 $0x40, s11  }
.Ltmp0:
0xc: {  	(pc) =	sbr.rel @p0 .LBB2_2-.Ltmp0, $2  }
0xd: {  	_ =	sdelay $0x2  }
0xe: {  	s12 =	sshra.s32 s12, $0x2  }
0xf: {  	[tilespmem:s12+$0x4F00] =	vst v0;
	s11 =	simm.s32 $0x0  }
0x10: {  	[tilespmem:s11], [sflag:$0x1] =	stream.linear.gather [hbm4b:s3+s11], $0x2780, $0x38;
	[tilespmem:$0x7680] =	vst v63  }
0x11: {  	_ =	swait.ge [sflag:s7], $0x2780  }
0x12: {  	[sflag:s7] =	ssyncset.done $0x0  }
0x13: {  	[sflag:s7] =	ssyncadd.s32 $0xFFFFD880  }
0x14: {  	[tilespmem:s8], [sflag:$0x1] =	stream.linear.gather [hbm4b:s4+s11], $0x2780, $0x38;
	[tilespmem:$0x7680] =	vst v63  }
0x15: {  	_ =	swait.ge [sflag:s7], $0x2780  }
0x16: {  	[sflag:s7] =	ssyncset.done $0x0  }
0x17: {  	s12 =	simm.s32 $0x0;
	s11 =	simm.s32 $0x40;
	[sflag:s7] =	ssyncadd.s32 $0xFFFFD880  }
.LBB2_4:
0x18: {  	p0 =	sne.s32 s11, $0x9DC0;
	v1 =	vld [tilespmem:s12+$0x0];
	_ =	sdelay $0x2  }
0x19: {  	v2 =	vld [tilespmem:s12+$0x2780]  }
.Ltmp1:
0x1a: {  	(pc) =	sbr.rel @p0 .LBB2_4-.Ltmp1, $2  }
0x1b: {  	_ =	sdelay $0x2  }
0x1c: {  	s12 =	sshra.s32 s11, $0x2;
	s11 =	sadd.s32 $0x40, s11;
	[tilespmem:v1+s9+$0x0] =	vst.idx.add.f32.msk $0xffff, v2  }
0x1d: {  	v1 =	vld [tilespmem:s12+$0x0];
	_ =	sdelay $0x2  }
0x1e: {  	v2 =	vld [tilespmem:s12+$0x2780];
	_ =	sdelay $0x2  }
0x1f: {  	s10 =	sadd.s32 $0x1, s10  }
0x20: {  	p0 =	sne.s32 s10, s6  }
.Ltmp2:
0x21: {  	[tilespmem:v1+s9+$0x0] =	vst.idx.add.f32.msk $0xffff, v2;
	(pc) =	sbr.rel @p0 .LBB2_1-.Ltmp2, $4  }
0x22: {  	[hbm4b:s5+s2] =	stream.linear.scatter [tilespmem:s9], [sflag:$0x1], $0x2710, $0x38;
	[tilespmem:$0x7680] =	vst v63  }
0x23: {  	_ =	swait.ge [sflag:s7], $0x2710  }
0x24: {  	[sflag:s7] =	ssyncset.done $0x0  }
0x25: {  	[sflag:s7] =	ssyncadd.s32 $0xFFFFD8F0  }
0x26: {  	_ =	sfence.sel $0x180000  }
0x27: {  	[bflag:$0x0] =	sbarrier.arrive $0xFFFF  }
0x28: {  	p0 =	sne.s32 s0, $0x0;
	_ =	strace $0x90000047  }
0x29: {  	s0 =	sadd.s32 @!p0 $0x100000, s1;
	[bflag:$0x2] =	sbarrier.arrive $0xFFFF  }
0x2a: {  	[sflag:s0] =	ssyncadd.tile.s32 @!p0 $0x1;
	_ =	shalt  }
.Lfunc_end2:
_tile_overlayer_lowered:
.L_overlay_start_2:
0x2b: {  	(tag) =	ssettag $0x2  }
0x2c: {  	s0 =	rddreg [dreg:$0x0];
	s2 =	stileid.u32  }
0x2d: {  	s1 =	rddreg [dreg:$0x1];
	p0 =	sne.s32 s2, $0x0  }
0x2e: {  	s3 =	rddreg [dreg:$0x2];
	[bflag:$0x3] =	sbarrier.arrive $0xFFFF;
	s2 =	simm.s32 @!p0 $0x1C01  }
0x2f: {  	[timem:s3], [sflag:s2] =	dma.local @!p0 [hbm:s0], s1  }
0x30: {  	s0 =	simm.s32 @!p0 $0x1  }
0x31: {  	_ =	swait.ge @!p0 [sflag:s0], s1  }
0x32: {  	s1 =	ssub.s32 @!p0 $0x0, s1;
	[sflag:s0] =	ssyncset.done @!p0 $0x0  }
0x33: {  	[sflag:s0] =	ssyncadd.s32 @!p0 s1  }
0x34: {  	[bflag:$0x3] =	sbarrier.arrive $0xFFFF  }
0x35: {  	_ =	shalt  }

</sc_bundles>
